<compile_context>
chip_gen: v7x
topology: tpu7x:2x2x1
jax: 0.10.2.dev20260603
libtpu: 0.0.44.dev20260713+nightly
codegen_flags: <defaults>
</compile_context>

<pallas_src>
import functools

import jax
import jax.numpy as jnp
from jax import lax
from jax.experimental import pallas as pl
from jax.experimental.pallas import tpu as pltpu
from jax.experimental.pallas import tpu_sc as plsc

N = 10000
E = 320000
NP = 10240
F_IN = 128
HID = 64
CLS = 16
FH = HID // 2
HALFN = NP // 2
ACCR = HALFN + 8
DUMMY = HALFN
C = 128
EPAD = 327680
NSUB = 16
ROWS1 = NP // NSUB
ROWS2 = HALFN // NSUB
NCHK_E = EPAD // 32 // C
NCHK_C = EPAD // 16 // C
NB_D = 16
NRING = 8
NCHK_H = NCHK_C // 2
NGRP = NCHK_H // NRING
NCHK_Q = NCHK_C // 4
NGRP_Q = NCHK_Q // NRING
EROWS = ROWS1 // 2
QROWS = ROWS1 // 4

_mesh = lambda: plsc.VectorSubcoreMesh(core_axis_name="c", subcore_axis_name="s")
_SC_PARAMS = pltpu.CompilerParams(use_tc_tiling_on_sc=False)
_f32 = jnp.float32
_HIGH = jax.lax.Precision.HIGHEST


def _dot(a, b):
    return jax.lax.dot(a, b, precision=_HIGH, preferred_element_type=_f32)


def _deg_kernel():
    @functools.partial(
        pl.kernel,
        out_type=jax.ShapeDtypeStruct((2, NP, 16), _f32),
        mesh=_mesh(),
        compiler_params=_SC_PARAMS,
        scratch_types=[
            pltpu.VMEM_SHARED((NP, 16), _f32),
            pltpu.VMEM((NB_D, C), jnp.int32),
            pltpu.VMEM((C, 16), _f32),
            pltpu.VMEM((ROWS1, 16), _f32),
            pltpu.SemaphoreType.DMA,
        ],
    )
    def k(src2_hbm, out_hbm, acc, sbuf2, ones_v, rbuf, ssem):
        cid = lax.axis_index("c")
        sid = lax.axis_index("s")
        zero16 = jnp.zeros((16,), _f32)
        pat = jnp.where(lax.iota(jnp.int32, 16) == 0, 1.0, 0.0).astype(_f32)

        def fill(i, _):
            rbuf[i, :] = zero16
            return 0
        lax.fori_loop(0, ROWS1, fill, 0)

        def fill1(i, _):
            ones_v[i, :] = pat
            return 0
        lax.fori_loop(0, C, fill1, 0)

        pltpu.sync_copy(rbuf, acc.at[pl.ds(sid * ROWS1, ROWS1)])
        plsc.subcore_barrier()

        wid = sid * 2 + cid
        rbase = wid * NCHK_E

        def blk(b, _):
            pltpu.sync_copy(src2_hbm.at[pl.ds(rbase + b * NB_D, NB_D)], sbuf2)

            def fire(j, _):
                pltpu.async_copy(ones_v, acc.at[sbuf2.at[j]], ssem, add=True)
                return 0
            lax.fori_loop(0, NB_D, fire, 0)

            def drain(j, _):
                pltpu.make_async_copy(out_hbm.at[0, pl.ds(0, C)], ones_v, ssem).wait()
                return 0
            lax.fori_loop(0, NB_D, drain, 0)
            return 0
        lax.fori_loop(0, NCHK_E // NB_D, blk, 0)

        plsc.subcore_barrier()
        r0 = sid * ROWS1
        pltpu.sync_copy(acc.at[pl.ds(r0, ROWS1)], rbuf)
        pltpu.sync_copy(rbuf, out_hbm.at[cid, pl.ds(r0, ROWS1)])

    return k


def _layer1_kernel():
    @functools.partial(
        pl.kernel,
        out_type=jax.ShapeDtypeStruct((2, NP, FH), _f32),
        mesh=_mesh(),
        compiler_params=_SC_PARAMS,
        scratch_types=[
            pltpu.VMEM_SHARED((NP, FH), _f32),
            pltpu.VMEM_SHARED((NP, FH), _f32),
            pltpu.VMEM_SHARED((NP, FH), _f32),
            pltpu.VMEM((NCHK_Q, C), jnp.int32),
            pltpu.VMEM((NCHK_Q, C), jnp.int32),
            [pltpu.VMEM((C, FH), _f32)] * NRING,
            pltpu.VMEM((QROWS, FH), _f32),
            pltpu.VMEM((QROWS, FH), _f32),
            pltpu.VMEM((QROWS, FH), _f32),
            [pltpu.SemaphoreType.DMA] * NRING,
            [pltpu.SemaphoreType.DMA] * NRING,
        ],
    )
    def k(src2_hbm, dst2_hbm, tab_hbm, g1_hbm, ys_hbm, sa1_hbm, sb1_hbm, out_hbm,
          tbl_s, acc_a, acc_b, sbuf2, dbuf2, ring, abuf, obuf, sbuf, gsem, ssem):
        cid = lax.axis_index("c")
        sid = lax.axis_index("s")
        zero16 = jnp.zeros((16,), _f32)
        rbase = sid * NCHK_C
        tab_off = cid * NP

        def fill(i, _):
            obuf[i, pl.ds(0, 16)] = zero16
            obuf[i, pl.ds(16, 16)] = zero16
            return 0
        lax.fori_loop(0, QROWS, fill, 0)

        def zinit(e, _):
            r0 = sid * ROWS1 + e * QROWS
            pltpu.sync_copy(obuf, acc_a.at[pl.ds(r0, QROWS)])
            pltpu.sync_copy(obuf, acc_b.at[pl.ds(r0, QROWS)])
            pltpu.sync_copy(tab_hbm.at[pl.ds(tab_off + r0, QROWS)],
                            tbl_s.at[pl.ds(r0, QROWS)])
            return 0
        lax.fori_loop(0, 4, zinit, 0)
        plsc.subcore_barrier()

        def run_prop(tbl, acc):
            def quarter(hh, _):
                pltpu.sync_copy(src2_hbm.at[pl.ds(rbase + hh * NCHK_Q, NCHK_Q)], sbuf2)
                pltpu.sync_copy(dst2_hbm.at[pl.ds(rbase + hh * NCHK_Q, NCHK_Q)], dbuf2)

                for t in range(NRING):
                    pltpu.async_copy(tbl.at[sbuf2.at[t]], ring[t], gsem[t])

                def grp(q, _):
                    j0 = q * NRING
                    for t in range(NRING):
                        pltpu.make_async_copy(tab_hbm.at[sbuf2.at[0]], ring[t], gsem[t]).wait()
                        pltpu.async_copy(ring[t], acc.at[dbuf2.at[j0 + t]], ssem[t], add=True)
                    for t in range(NRING):
                        @pl.when(q < NGRP_Q - 1)
                        def _():
                            pltpu.make_async_copy(tab_hbm.at[sbuf2.at[0]], ring[t], ssem[t]).wait()
                            pltpu.async_copy(tbl.at[sbuf2.at[j0 + NRING + t]], ring[t], gsem[t])
                    return 0
                lax.fori_loop(0, NGRP_Q, grp, 0)
                for t in range(NRING):
                    pltpu.make_async_copy(tab_hbm.at[sbuf2.at[0]], ring[t], ssem[t]).wait()
                return 0
            lax.fori_loop(0, 4, quarter, 0)

        def combine(acc, add_h, scal_h, dst_is_spmem):
            def epi(e, _):
                r0 = sid * ROWS1 + e * QROWS
                pltpu.sync_copy(acc.at[pl.ds(r0, QROWS)], abuf)
                pltpu.sync_copy(add_h.at[cid, pl.ds(r0, QROWS)], obuf)
                pltpu.sync_copy(scal_h.at[pl.ds(r0, QROWS)], sbuf)

                def row(i, _):
                    for j in range(FH // 16):
                        s = pl.ds(j * 16, 16)
                        obuf[i, s] = obuf[i, s] + sbuf[i, s] * abuf[i, s]
                    return 0
                lax.fori_loop(0, QROWS, row, 0)
                if dst_is_spmem:
                    pltpu.sync_copy(obuf, acc_a.at[pl.ds(r0, QROWS)])
                else:
                    pltpu.sync_copy(obuf, out_hbm.at[cid, pl.ds(r0, QROWS)])
                return 0
            lax.fori_loop(0, 4, epi, 0)

        run_prop(tbl_s, acc_a)
        plsc.subcore_barrier()
        combine(acc_a, g1_hbm, sa1_hbm, True)
        plsc.subcore_barrier()
        run_prop(acc_a, acc_b)
        plsc.subcore_barrier()
        combine(acc_b, ys_hbm, sb1_hbm, False)

    return k


def _prop_edge_kernel():
    @functools.partial(
        pl.kernel,
        out_type=jax.ShapeDtypeStruct((2, NP, CLS), _f32),
        mesh=_mesh(),
        compiler_params=_SC_PARAMS,
        scratch_types=[
            pltpu.VMEM_SHARED((NP, CLS), _f32),
            pltpu.VMEM_SHARED((NP, CLS), _f32),
            pltpu.VMEM((NCHK_E, C), jnp.int32),
            pltpu.VMEM((NCHK_E, C), jnp.int32),
            [pltpu.VMEM((C, CLS), _f32)] * NRING,
            pltpu.VMEM((ROWS1, CLS), _f32),
            [pltpu.SemaphoreType.DMA] * NRING,
            [pltpu.SemaphoreType.DMA] * NRING,
        ],
    )
    def k(src2_hbm, dst2_hbm, tab_hbm, out_hbm,
          acc, tbl_s, sbuf2, dbuf2, ring, rbuf, gsem, ssem):
        cid = lax.axis_index("c")
        sid = lax.axis_index("s")
        zero16 = jnp.zeros((16,), _f32)

        def fill(i, _):
            rbuf[i, :] = zero16
            return 0
        lax.fori_loop(0, ROWS1, fill, 0)
        pltpu.sync_copy(rbuf, acc.at[pl.ds(sid * ROWS1, ROWS1)])
        pltpu.sync_copy(tab_hbm.at[pl.ds(sid * ROWS1, ROWS1)],
                        tbl_s.at[pl.ds(sid * ROWS1, ROWS1)])
        plsc.subcore_barrier()

        wid = sid * 2 + cid
        rbase = wid * NCHK_E
        pltpu.sync_copy(src2_hbm.at[pl.ds(rbase, NCHK_E)], sbuf2)
        pltpu.sync_copy(dst2_hbm.at[pl.ds(rbase, NCHK_E)], dbuf2)

        for t in range(NRING):
            pltpu.async_copy(tbl_s.at[sbuf2.at[t]], ring[t], gsem[t])

        NGRP_E = NCHK_E // NRING

        def grp(q, _):
            j0 = q * NRING
            for t in range(NRING):
                pltpu.make_async_copy(tab_hbm.at[sbuf2.at[0]], ring[t], gsem[t]).wait()
                pltpu.async_copy(ring[t], acc.at[dbuf2.at[j0 + t]], ssem[t], add=True)
            for t in range(NRING):
                @pl.when(q < NGRP_E - 1)
                def _():
                    pltpu.make_async_copy(tab_hbm.at[sbuf2.at[0]], ring[t], ssem[t]).wait()
                    pltpu.async_copy(tbl_s.at[sbuf2.at[j0 + NRING + t]], ring[t], gsem[t])
            return 0
        lax.fori_loop(0, NGRP_E, grp, 0)
        for t in range(NRING):
            pltpu.make_async_copy(tab_hbm.at[sbuf2.at[0]], ring[t], ssem[t]).wait()

        plsc.subcore_barrier()
        r0 = sid * ROWS1
        pltpu.sync_copy(acc.at[pl.ds(r0, ROWS1)], rbuf)
        pltpu.sync_copy(rbuf, out_hbm.at[cid, pl.ds(r0, ROWS1)])

    return k


def _cmb_body(add_ref, scal_ref, p_ref, o_ref):
    o_ref[...] = add_ref[...] + scal_ref[...] * (p_ref[0] + p_ref[1])


def _cmb_call(add, scal, p):
    return pl.pallas_call(
        _cmb_body, out_shape=jax.ShapeDtypeStruct((NP, CLS), _f32))(add, scal, p)


def _fin_body(v_ref, scal_ref, q_ref, b_ref, o_ref):
    res = v_ref[...] + scal_ref[...] * (q_ref[0] + q_ref[1]) + b_ref[...]
    o_ref[...] = res[:N]


def _fin_call(v0m2, sb2, q, b2):
    return pl.pallas_call(
        _fin_body, out_shape=jax.ShapeDtypeStruct((N, CLS), _f32))(
            v0m2, sb2, q, b2.reshape(1, CLS))


def _mm1_body(x_ref, degp_ref, w_ref,
              y_ref, g1_ref, g2_ref, dis_ref, sa1_ref, sb1_ref,
              sa2_ref, sb2_ref):
    deg = degp_ref[0, :, 0:1] + degp_ref[1, :, 0:1]
    dis = jnp.where(deg > 0, jax.lax.rsqrt(deg), 0.0)
    dis_ref[...] = dis
    dis2 = dis * dis
    bm = dis.shape[0]
    sa1_ref[...] = jnp.broadcast_to(-2.0 * dis2, (bm, FH))
    sb1_ref[...] = jnp.broadcast_to(-dis, (bm, FH))
    sa2_ref[...] = jnp.broadcast_to(-2.0 * dis2, (bm, CLS))
    sb2_ref[...] = jnp.broadcast_to(-dis, (bm, CLS))
    x = x_ref[...]
    y = _dot(x, w_ref[0] - w_ref[2])
    g1 = dis * _dot(x, w_ref[1])
    g2 = dis * _dot(x, w_ref[2])
    y_ref[0] = y[:, :FH]
    y_ref[1] = y[:, FH:]
    g1_ref[0] = g1[:, :FH]
    g1_ref[1] = g1[:, FH:]
    g2_ref[0] = g2[:, :FH]
    g2_ref[1] = g2[:, FH:]


def _mm1_call(xp, degp, W1):
    BM = 1024
    grid = (NP // BM,)
    outs = [
        jax.ShapeDtypeStruct((2, NP, FH), _f32),
        jax.ShapeDtypeStruct((2, NP, FH), _f32),
        jax.ShapeDtypeStruct((2, NP, FH), _f32),
        jax.ShapeDtypeStruct((NP, 1), _f32),
        jax.ShapeDtypeStruct((NP, FH), _f32),
        jax.ShapeDtypeStruct((NP, FH), _f32),
        jax.ShapeDtypeStruct((NP, CLS), _f32),
        jax.ShapeDtypeStruct((NP, CLS), _f32),
    ]
    in_specs = [
        pl.BlockSpec((BM, F_IN), lambda i: (i, 0)),
        pl.BlockSpec((2, BM, 16), lambda i: (0, i, 0)),
        pl.BlockSpec((3, F_IN, HID), lambda i: (0, 0, 0)),
    ]
    out_specs = [
        pl.BlockSpec((2, BM, FH), lambda i: (0, i, 0)),
        pl.BlockSpec((2, BM, FH), lambda i: (0, i, 0)),
        pl.BlockSpec((2, BM, FH), lambda i: (0, i, 0)),
        pl.BlockSpec((BM, 1), lambda i: (i, 0)),
        pl.BlockSpec((BM, FH), lambda i: (i, 0)),
        pl.BlockSpec((BM, FH), lambda i: (i, 0)),
        pl.BlockSpec((BM, CLS), lambda i: (i, 0)),
        pl.BlockSpec((BM, CLS), lambda i: (i, 0)),
    ]
    return pl.pallas_call(_mm1_body, grid=grid, in_specs=in_specs,
                          out_specs=out_specs, out_shape=outs)(xp, degp, W1)


def _mm2_body(z_ref, w_ref, b1_ref, dis_ref, v_ref, gg1_ref, gg2_ref):
    z = jnp.concatenate([z_ref[0], z_ref[1]], axis=1)
    h = jnp.maximum(z + b1_ref[...], 0.0)
    dis = dis_ref[...]
    v_ref[...] = _dot(h, w_ref[0] - w_ref[2])
    gg1_ref[...] = dis * _dot(h, w_ref[1])
    gg2_ref[...] = dis * _dot(h, w_ref[2])


def _mm2_call(zs, W2, b1, dis):
    BM = 1024
    grid = (NP // BM,)
    outs = [
        jax.ShapeDtypeStruct((NP, CLS), _f32),
        jax.ShapeDtypeStruct((NP, CLS), _f32),
        jax.ShapeDtypeStruct((NP, CLS), _f32),
    ]
    in_specs = [
        pl.BlockSpec((2, BM, FH), lambda i: (0, i, 0)),
        pl.BlockSpec((3, HID, CLS), lambda i: (0, 0, 0)),
        pl.BlockSpec((1, HID), lambda i: (0, 0)),
        pl.BlockSpec((BM, 1), lambda i: (i, 0)),
    ]
    out_specs = [
        pl.BlockSpec((BM, CLS), lambda i: (i, 0)),
        pl.BlockSpec((BM, CLS), lambda i: (i, 0)),
        pl.BlockSpec((BM, CLS), lambda i: (i, 0)),
    ]
    return pl.pallas_call(_mm2_body, grid=grid, in_specs=in_specs,
                          out_specs=out_specs,
                          out_shape=outs)(zs, W2, b1.reshape(1, HID), dis)


_K_DEG = _deg_kernel()
_K_L1 = _layer1_kernel()
_K_E = _prop_edge_kernel()


def kernel(x, edge_index, W1, b1, W2, b2):
    xp = jnp.pad(x, ((0, NP - N), (0, 0)))
    pad = EPAD - E
    padv = jnp.full((pad,), NP - 1, jnp.int32)
    src2 = jnp.concatenate([edge_index[0], padv]).reshape(EPAD // C, C)
    dst2 = jnp.concatenate([edge_index[1], padv]).reshape(EPAD // C, C)

    degp = _K_DEG(src2)
    ys, g1s, g2s, dis, sa1, sb1, sa2, sb2 = _mm1_call(xp, degp, W1)

    g2f = g2s.reshape(2 * NP, FH)
    zs = _K_L1(src2, dst2, g2f, g1s, ys, sa1, sb1)

    v0m2, gg1, gg2 = _mm2_call(zs, W2, b1, dis)
    p = _K_E(src2, dst2, gg2)
    gp2 = _cmb_call(gg1, sa2, p)
    q = _K_E(src2, dst2, gp2)
    return _fin_call(v0m2, sb2, q, b2)

# --- scband reference (transcript-rebuilt; emitter-appended) ---
"""Pipeline reference for scband-chebyshev-net-2972117368899 (READ-ONLY COPY).

The authoritative reference and input builder live on the scoring server;
editing this copy changes nothing except your own understanding.
"""

import jax, jax.numpy as jnp
import numpy as np

N = 10000
E = 320000
F_IN = 128
HID = 64
CLS = 16
K = 3


def setup_inputs(seed: int = 0) -> dict:
    key = jax.random.key(seed)
    ks = jax.random.split(key, 6)
    x = jax.random.normal(ks[0], (N, F_IN), dtype=jnp.float32)
    edge_index = jax.random.randint(ks[1], (2, E), 0, N, dtype=jnp.int32)
    W1 = jax.random.normal(ks[2], (K, F_IN, HID), dtype=jnp.float32) * (1.0 / np.sqrt(F_IN))
    b1 = jnp.zeros((HID,), dtype=jnp.float32)
    W2 = jax.random.normal(ks[3], (K, HID, CLS), dtype=jnp.float32) * (1.0 / np.sqrt(HID))
    b2 = jnp.zeros((CLS,), dtype=jnp.float32)
    return {"x": x, "edge_index": edge_index, "W1": W1, "b1": b1, "W2": W2, "b2": b2}


def _cheb_conv(x, src, dst, W, b):
    # Faithful ChebConv (PyG): with lambda_max=2 and sym normalization,
    # L_hat = -D^{-1/2} A D^{-1/2} (diagonal terms cancel to 0).
    ones = jnp.ones((src.shape[0],), dtype=x.dtype)
    deg = jax.ops.segment_sum(ones, src, num_segments=N)
    deg_inv_sqrt = jnp.where(deg > 0, deg ** -0.5, 0.0)
    w = -deg_inv_sqrt[src] * deg_inv_sqrt[dst]

    def prop(h):
        return jax.ops.segment_sum(w[:, None] * h[src], dst, num_segments=N)

    Tx0 = x
    out = Tx0 @ W[0]
    Tx1 = prop(Tx0)
    out = out + Tx1 @ W[1]
    for k in range(2, W.shape[0]):
        Tx2 = 2.0 * prop(Tx1) - Tx0
        out = out + Tx2 @ W[k]
        Tx0, Tx1 = Tx1, Tx2
    return out + b


def reference(x, edge_index, W1, b1, W2, b2):
    src = edge_index[0]
    dst = edge_index[1]
    h = _cheb_conv(x, src, dst, W1, b1)
    h = jax.nn.relu(h)
    # dropout is identity in eval mode
    out = _cheb_conv(h, src, dst, W2, b2)
    return out

if __name__ == "__main__":
    import jax
    _d = setup_inputs()
    print(jax.jit(kernel)(*tuple(_d.values())))

</pallas_src>

<mosaic_0001>
#map = affine_map<(d0, d1) -> (0, 0)>
#map1 = affine_map<(d0, d1) -> (0, 0, 0)>
module attributes {stable_mosaic.version = 14 : i64} {
  func.func @k(%arg0: i32, %arg1: i32, %arg2: memref<2560x128xi32, #tpu.memory_space<hbm>>, %arg3: memref<2560x128xi32, #tpu.memory_space<hbm>>, %arg4: memref<20480x32xf32, #tpu.memory_space<hbm>>, %arg5: memref<2x10240x32xf32, #tpu.memory_space<hbm>>, %arg6: memref<2x10240x32xf32, #tpu.memory_space<hbm>>, %arg7: memref<10240x32xf32, #tpu.memory_space<hbm>>, %arg8: memref<10240x32xf32, #tpu.memory_space<hbm>>, %arg9: memref<2x10240x32xf32, #tpu.memory_space<hbm>>, %arg10: memref<10240x32xf32, #tpu.memory_space<vmem_shared>>, %arg11: memref<10240x32xf32, #tpu.memory_space<vmem_shared>>, %arg12: memref<10240x32xf32, #tpu.memory_space<vmem_shared>>, %arg13: memref<40x128xi32, #tpu.memory_space<vmem>>, %arg14: memref<40x128xi32, #tpu.memory_space<vmem>>, %arg15: memref<128x32xf32, #tpu.memory_space<vmem>>, %arg16: memref<128x32xf32, #tpu.memory_space<vmem>>, %arg17: memref<128x32xf32, #tpu.memory_space<vmem>>, %arg18: memref<128x32xf32, #tpu.memory_space<vmem>>, %arg19: memref<128x32xf32, #tpu.memory_space<vmem>>, %arg20: memref<128x32xf32, #tpu.memory_space<vmem>>, %arg21: memref<128x32xf32, #tpu.memory_space<vmem>>, %arg22: memref<128x32xf32, #tpu.memory_space<vmem>>, %arg23: memref<160x32xf32, #tpu.memory_space<vmem>>, %arg24: memref<160x32xf32, #tpu.memory_space<vmem>>, %arg25: memref<160x32xf32, #tpu.memory_space<vmem>>, %arg26: memref<!tpu.dma_semaphore, #tpu.memory_space<semaphore_mem>>, %arg27: memref<!tpu.dma_semaphore, #tpu.memory_space<semaphore_mem>>, %arg28: memref<!tpu.dma_semaphore, #tpu.memory_space<semaphore_mem>>, %arg29: memref<!tpu.dma_semaphore, #tpu.memory_space<semaphore_mem>>, %arg30: memref<!tpu.dma_semaphore, #tpu.memory_space<semaphore_mem>>, %arg31: memref<!tpu.dma_semaphore, #tpu.memory_space<semaphore_mem>>, %arg32: memref<!tpu.dma_semaphore, #tpu.memory_space<semaphore_mem>>, %arg33: memref<!tpu.dma_semaphore, #tpu.memory_space<semaphore_mem>>, %arg34: memref<!tpu.dma_semaphore, #tpu.memory_space<semaphore_mem>>, %arg35: memref<!tpu.dma_semaphore, #tpu.memory_space<semaphore_mem>>, %arg36: memref<!tpu.dma_semaphore, #tpu.memory_space<semaphore_mem>>, %arg37: memref<!tpu.dma_semaphore, #tpu.memory_space<semaphore_mem>>, %arg38: memref<!tpu.dma_semaphore, #tpu.memory_space<semaphore_mem>>, %arg39: memref<!tpu.dma_semaphore, #tpu.memory_space<semaphore_mem>>, %arg40: memref<!tpu.dma_semaphore, #tpu.memory_space<semaphore_mem>>, %arg41: memref<!tpu.dma_semaphore, #tpu.memory_space<semaphore_mem>>) attributes {dimension_semantics = [#tpu.dimension_semantics<core_parallel>, #tpu.dimension_semantics<subcore_parallel>], iteration_bounds = array<i64: 2, 16>, scalar_prefetch = 0 : i64, scratch_operands = 32 : i64, tpu.core_type = #tpu.core_type<sc_vector_subcore>, window_params = [{transform_indices = #map}, {transform_indices = #map}, {transform_indices = #map}, {transform_indices = #map1}, {transform_indices = #map1}, {transform_indices = #map}, {transform_indices = #map}, {transform_indices = #map1}]} {
    %broadcast_in_dim3A = arith.constant 0.000000e+00 : f32
    %broadcast_in_dim3A_0 = vector.broadcast %broadcast_in_dim3A : f32 to vector<16xf32>
    %mul3A = arith.constant 160 : i32
    %mul3A_1 = arith.muli %arg1, %mul3A : i32
    %mul3A_2 = arith.constant 10240 : i32
    %mul3A_3 = arith.muli %arg0, %mul3A_2 : i32
    %scan3A = arith.constant 0 : i32
    %scan3A_4 = arith.constant 0 : i32
    %scan3A_5 = arith.constant 160 : i32
    %scan3A_6 = arith.addi %scan3A_4, %scan3A_5 : i32
    %scan3A_7 = arith.constant 1 : i32
    %scan3A_8 = scf.for %scan3A_48 = %scan3A_4 to %scan3A_6 step %scan3A_7 iter_args(%scan3A_49 = %scan3A) -> (i32)  : i32 {
      %swap3A = arith.index_cast %scan3A_48 : i32 to index
      %swap3A_50 = arith.constant 0 : index
      %swap3A_51 = tpu.vector_load %arg24[%swap3A, %swap3A_50] {strides = array<i32>} : memref<160x32xf32, #tpu.memory_space<vmem>>, vector<1x16xf32>,
      %swap3A_52 = vector.shape_cast %swap3A_51 : vector<1x16xf32> to vector<16xf32>
      %swap3A_53 = vector.shape_cast %broadcast_in_dim3A_0 : vector<16xf32> to vector<1x16xf32>
      tpu.vector_store %arg24[%swap3A, %swap3A_50], %swap3A_53 {strides = array<i32>} : memref<160x32xf32, #tpu.memory_space<vmem>>, vector<1x16xf32>,
      %swap3A_54 = arith.index_cast %scan3A_48 : i32 to index
      %swap3A_55 = arith.constant 16 : index
      %swap3A_56 = tpu.vector_load %arg24[%swap3A_54, %swap3A_55] {strides = array<i32>} : memref<160x32xf32, #tpu.memory_space<vmem>>, vector<1x16xf32>,
      %swap3A_57 = vector.shape_cast %swap3A_56 : vector<1x16xf32> to vector<16xf32>
      %swap3A_58 = vector.shape_cast %broadcast_in_dim3A_0 : vector<16xf32> to vector<1x16xf32>
      tpu.vector_store %arg24[%swap3A_54, %swap3A_55], %swap3A_58 {strides = array<i32>} : memref<160x32xf32, #tpu.memory_space<vmem>>, vector<1x16xf32>,
      %scan3A_59 = arith.constant 0 : i32
      scf.yield %scan3A_59 : i32
    }
    %scan3A_9 = arith.constant 160 : i32
    %scan3A_10 = arith.constant 0 : i32
    %scan3A_11 = arith.constant 0 : i32
    %scan3A_12 = arith.constant 4 : i32
    %scan3A_13 = arith.addi %scan3A_11, %scan3A_12 : i32
    %scan3A_14 = arith.constant 1 : i32
    %scan3A_15 = scf.for %scan3A_48 = %scan3A_11 to %scan3A_13 step %scan3A_14 iter_args(%scan3A_49 = %scan3A_10) -> (i32)  : i32 {
      %mul3A_50 = arith.constant 640 : i32
      %mul3A_51 = arith.muli %arg1, %mul3A_50 : i32
      %mul3A_52 = arith.constant 160 : i32
      %mul3A_53 = arith.muli %scan3A_48, %mul3A_52 : i32
      %add3A = arith.addi %mul3A_51, %mul3A_53 : i32
      "tpu.region"() ({
        %run_scoped3A = tpu.sem_alloc : memref<!tpu.dma_semaphore, #tpu.memory_space<semaphore_mem>>
        %dma_start3A = arith.constant 0 : i32
        %dma_start3A_56 = tpu.memref_slice %arg11[%add3A, %dma_start3A] : memref<10240x32xf32, #tpu.memory_space<vmem_shared>> -> memref<160x32xf32, #tpu.memory_space<vmem_shared>>
        %dma_start3A_57 = arith.constant 0 : i32
        %dma_start3A_58 = tpu.memref_slice %arg11[%add3A, %dma_start3A_57] : memref<10240x32xf32, #tpu.memory_space<vmem_shared>> -> memref<160x32xf32, #tpu.memory_space<vmem_shared>>
        tpu.enqueue_dma source(%arg24 : memref<160x32xf32, #tpu.memory_space<vmem>>) target(%dma_start3A_58 : memref<160x32xf32, #tpu.memory_space<vmem_shared>>) target_semaphore(%run_scoped3A : memref<!tpu.dma_semaphore, #tpu.memory_space<semaphore_mem>>)
        %dma_wait3A = arith.constant 0 : i32
        %dma_wait3A_59 = tpu.memref_slice %arg11[%add3A, %dma_wait3A] : memref<10240x32xf32, #tpu.memory_space<vmem_shared>> -> memref<160x32xf32, #tpu.memory_space<vmem_shared>>
        %dma_wait3A_60 = arith.constant 0 : i32
        %dma_wait3A_61 = tpu.memref_slice %arg11[%add3A, %dma_wait3A_60] : memref<10240x32xf32, #tpu.memory_space<vmem_shared>> -> memref<160x32xf32, #tpu.memory_space<vmem_shared>>
        tpu.wait_dma2 semaphore(%run_scoped3A : memref<!tpu.dma_semaphore, #tpu.memory_space<semaphore_mem>>) src(%arg24 : memref<160x32xf32, #tpu.memory_space<vmem>>) dst(%dma_wait3A_61 : memref<160x32xf32, #tpu.memory_space<vmem_shared>>)
        tpu.yield
      }) : () -> ()
      "tpu.region"() ({
        %run_scoped3A = tpu.sem_alloc : memref<!tpu.dma_semaphore, #tpu.memory_space<semaphore_mem>>
        %dma_start3A = arith.constant 0 : i32
        %dma_start3A_56 = tpu.memref_slice %arg12[%add3A, %dma_start3A] : memref<10240x32xf32, #tpu.memory_space<vmem_shared>> -> memref<160x32xf32, #tpu.memory_space<vmem_shared>>
        %dma_start3A_57 = arith.constant 0 : i32
        %dma_start3A_58 = tpu.memref_slice %arg12[%add3A, %dma_start3A_57] : memref<10240x32xf32, #tpu.memory_space<vmem_shared>> -> memref<160x32xf32, #tpu.memory_space<vmem_shared>>
        tpu.enqueue_dma source(%arg24 : memref<160x32xf32, #tpu.memory_space<vmem>>) target(%dma_start3A_58 : memref<160x32xf32, #tpu.memory_space<vmem_shared>>) target_semaphore(%run_scoped3A : memref<!tpu.dma_semaphore, #tpu.memory_space<semaphore_mem>>)
        %dma_wait3A = arith.constant 0 : i32
        %dma_wait3A_59 = tpu.memref_slice %arg12[%add3A, %dma_wait3A] : memref<10240x32xf32, #tpu.memory_space<vmem_shared>> -> memref<160x32xf32, #tpu.memory_space<vmem_shared>>
        %dma_wait3A_60 = arith.constant 0 : i32
        %dma_wait3A_61 = tpu.memref_slice %arg12[%add3A, %dma_wait3A_60] : memref<10240x32xf32, #tpu.memory_space<vmem_shared>> -> memref<160x32xf32, #tpu.memory_space<vmem_shared>>
        tpu.wait_dma2 semaphore(%run_scoped3A : memref<!tpu.dma_semaphore, #tpu.memory_space<semaphore_mem>>) src(%arg24 : memref<160x32xf32, #tpu.memory_space<vmem>>) dst(%dma_wait3A_61 : memref<160x32xf32, #tpu.memory_space<vmem_shared>>)
        tpu.yield
      }) : () -> ()
      %add3A_54 = arith.addi %mul3A_3, %add3A : i32
      "tpu.region"() ({
        %run_scoped3A = tpu.sem_alloc : memref<!tpu.dma_semaphore, #tpu.memory_space<semaphore_mem>>
        %dma_start3A = arith.constant 0 : i32
        %dma_start3A_56 = tpu.memref_slice %arg10[%add3A, %dma_start3A] : memref<10240x32xf32, #tpu.memory_space<vmem_shared>> -> memref<160x32xf32, #tpu.memory_space<vmem_shared>>
        %dma_start3A_57 = arith.constant 0 : i32
        %dma_start3A_58 = tpu.memref_slice %arg4[%add3A_54, %dma_start3A_57] : memref<20480x32xf32, #tpu.memory_space<hbm>> -> memref<160x32xf32, #tpu.memory_space<hbm>>
        tpu.enqueue_dma source(%dma_start3A_58 : memref<160x32xf32, #tpu.memory_space<hbm>>) target(%dma_start3A_56 : memref<160x32xf32, #tpu.memory_space<vmem_shared>>) target_semaphore(%run_scoped3A : memref<!tpu.dma_semaphore, #tpu.memory_space<semaphore_mem>>)
        %dma_wait3A = arith.constant 0 : i32
        %dma_wait3A_59 = tpu.memref_slice %arg10[%add3A, %dma_wait3A] : memref<10240x32xf32, #tpu.memory_space<vmem_shared>> -> memref<160x32xf32, #tpu.memory_space<vmem_shared>>
        %dma_wait3A_60 = arith.constant 0 : i32
        %dma_wait3A_61 = tpu.memref_slice %arg4[%add3A_54, %dma_wait3A_60] : memref<20480x32xf32, #tpu.memory_space<hbm>> -> memref<160x32xf32, #tpu.memory_space<hbm>>
        tpu.wait_dma2 semaphore(%run_scoped3A : memref<!tpu.dma_semaphore, #tpu.memory_space<semaphore_mem>>) src(%dma_wait3A_61 : memref<160x32xf32, #tpu.memory_space<hbm>>) dst(%dma_wait3A_59 : memref<160x32xf32, #tpu.memory_space<vmem_shared>>)
        tpu.yield
      }) : () -> ()
      %scan3A_55 = arith.constant 0 : i32
      scf.yield %scan3A_55 : i32
    }
    %scan3A_16 = arith.constant 4 : i32
    %barrier3A = arith.constant 0 : index
    tpu.barrier barrier_id(%barrier3A)
    %scan3A_17 = arith.constant 0 : i32
    %scan3A_18 = arith.constant 0 : i32
    %scan3A_19 = arith.constant 4 : i32
    %scan3A_20 = arith.addi %scan3A_18, %scan3A_19 : i32
    %scan3A_21 = arith.constant 1 : i32
    %scan3A_22 = scf.for %scan3A_48 = %scan3A_18 to %scan3A_20 step %scan3A_21 iter_args(%scan3A_49 = %scan3A_17) -> (i32)  : i32 {
      %mul3A_50 = arith.constant 40 : i32
      %mul3A_51 = arith.muli %scan3A_48, %mul3A_50 : i32
      %add3A = arith.addi %mul3A_1, %mul3A_51 : i32
      "tpu.region"() ({
        %run_scoped3A = tpu.sem_alloc : memref<!tpu.dma_semaphore, #tpu.memory_space<semaphore_mem>>
        %dma_start3A_173 = arith.constant 0 : i32
        %dma_start3A_174 = tpu.memref_slice %arg2[%add3A, %dma_start3A_173] : memref<2560x128xi32, #tpu.memory_space<hbm>> -> memref<40x128xi32, #tpu.memory_space<hbm>>
        %dma_start3A_175 = arith.constant 0 : i32
        %dma_start3A_176 = tpu.memref_slice %arg2[%add3A, %dma_start3A_175] : memref<2560x128xi32, #tpu.memory_space<hbm>> -> memref<40x128xi32, #tpu.memory_space<hbm>>
        tpu.enqueue_dma source(%dma_start3A_176 : memref<40x128xi32, #tpu.memory_space<hbm>>) target(%arg13 : memref<40x128xi32, #tpu.memory_space<vmem>>) target_semaphore(%run_scoped3A : memref<!tpu.dma_semaphore, #tpu.memory_space<semaphore_mem>>)
        %dma_wait3A_177 = arith.constant 0 : i32
        %dma_wait3A_178 = tpu.memref_slice %arg2[%add3A, %dma_wait3A_177] : memref<2560x128xi32, #tpu.memory_space<hbm>> -> memref<40x128xi32, #tpu.memory_space<hbm>>
        %dma_wait3A_179 = arith.constant 0 : i32
        %dma_wait3A_180 = tpu.memref_slice %arg2[%add3A, %dma_wait3A_179] : memref<2560x128xi32, #tpu.memory_space<hbm>> -> memref<40x128xi32, #tpu.memory_space<hbm>>
        tpu.wait_dma2 semaphore(%run_scoped3A : memref<!tpu.dma_semaphore, #tpu.memory_space<semaphore_mem>>) src(%dma_wait3A_180 : memref<40x128xi32, #tpu.memory_space<hbm>>) dst(%arg13 : memref<40x128xi32, #tpu.memory_space<vmem>>)
        tpu.yield
      }) : () -> ()
      %mul3A_52 = arith.constant 40 : i32
      %mul3A_53 = arith.muli %scan3A_48, %mul3A_52 : i32
      %add3A_54 = arith.addi %mul3A_1, %mul3A_53 : i32
      "tpu.region"() ({
        %run_scoped3A = tpu.sem_alloc : memref<!tpu.dma_semaphore, #tpu.memory_space<semaphore_mem>>
        %dma_start3A_173 = arith.constant 0 : i32
        %dma_start3A_174 = tpu.memref_slice %arg3[%add3A_54, %dma_start3A_173] : memref<2560x128xi32, #tpu.memory_space<hbm>> -> memref<40x128xi32, #tpu.memory_space<hbm>>
        %dma_start3A_175 = arith.constant 0 : i32
        %dma_start3A_176 = tpu.memref_slice %arg3[%add3A_54, %dma_start3A_175] : memref<2560x128xi32, #tpu.memory_space<hbm>> -> memref<40x128xi32, #tpu.memory_space<hbm>>
        tpu.enqueue_dma source(%dma_start3A_176 : memref<40x128xi32, #tpu.memory_space<hbm>>) target(%arg14 : memref<40x128xi32, #tpu.memory_space<vmem>>) target_semaphore(%run_scoped3A : memref<!tpu.dma_semaphore, #tpu.memory_space<semaphore_mem>>)
        %dma_wait3A_177 = arith.constant 0 : i32
        %dma_wait3A_178 = tpu.memref_slice %arg3[%add3A_54, %dma_wait3A_177] : memref<2560x128xi32, #tpu.memory_space<hbm>> -> memref<40x128xi32, #tpu.memory_space<hbm>>
        %dma_wait3A_179 = arith.constant 0 : i32
        %dma_wait3A_180 = tpu.memref_slice %arg3[%add3A_54, %dma_wait3A_179] : memref<2560x128xi32, #tpu.memory_space<hbm>> -> memref<40x128xi32, #tpu.memory_space<hbm>>
        tpu.wait_dma2 semaphore(%run_scoped3A : memref<!tpu.dma_semaphore, #tpu.memory_space<semaphore_mem>>) src(%dma_wait3A_180 : memref<40x128xi32, #tpu.memory_space<hbm>>) dst(%arg14 : memref<40x128xi32, #tpu.memory_space<vmem>>)
        tpu.yield
      }) : () -> ()
      %dma_start3A = arith.constant 0 : i32
      %dma_start3A_55 = arith.constant 0 : i32
      %dma_start3A_56 = tpu.memref_slice %arg13[%dma_start3A, %dma_start3A_55] : memref<40x128xi32, #tpu.memory_space<vmem>> -> memref<1x128xi32, #tpu.memory_space<vmem>>
      %dma_start3A_57 = tpu.memref_squeeze %dma_start3A_56 : memref<1x128xi32, #tpu.memory_space<vmem>> -> memref<128xi32, #tpu.memory_space<vmem>>
      %dma_start3A_58 = arith.constant 0 : i32
      %dma_start3A_59 = arith.constant 0 : i32
      %dma_start3A_60 = tpu.memref_slice %arg10[%dma_start3A_58, %dma_start3A_59] : memref<10240x32xf32, #tpu.memory_space<vmem_shared>> -> memref<10240x32xf32, #tpu.memory_space<vmem_shared>>
      tpu.enqueue_indirect_dma source(%dma_start3A_60 : memref<10240x32xf32, #tpu.memory_space<vmem_shared>>) target(%arg15 : memref<128x32xf32, #tpu.memory_space<vmem>>) offsets(%dma_start3A_57 : memref<128xi32, #tpu.memory_space<vmem>>) semaphore(%arg26 : memref<!tpu.dma_semaphore, #tpu.memory_space<semaphore_mem>>)
      %dma_start3A_61 = arith.constant 1 : i32
      %dma_start3A_62 = arith.constant 0 : i32
      %dma_start3A_63 = tpu.memref_slice %arg13[%dma_start3A_61, %dma_start3A_62] : memref<40x128xi32, #tpu.memory_space<vmem>> -> memref<1x128xi32, #tpu.memory_space<vmem>>
      %dma_start3A_64 = tpu.memref_squeeze %dma_start3A_63 : memref<1x128xi32, #tpu.memory_space<vmem>> -> memref<128xi32, #tpu.memory_space<vmem>>
      %dma_start3A_65 = arith.constant 0 : i32
      %dma_start3A_66 = arith.constant 0 : i32
      %dma_start3A_67 = tpu.memref_slice %arg10[%dma_start3A_65, %dma_start3A_66] : memref<10240x32xf32, #tpu.memory_space<vmem_shared>> -> memref<10240x32xf32, #tpu.memory_space<vmem_shared>>
      tpu.enqueue_indirect_dma source(%dma_start3A_67 : memref<10240x32xf32, #tpu.memory_space<vmem_shared>>) target(%arg16 : memref<128x32xf32, #tpu.memory_space<vmem>>) offsets(%dma_start3A_64 : memref<128xi32, #tpu.memory_space<vmem>>) semaphore(%arg27 : memref<!tpu.dma_semaphore, #tpu.memory_space<semaphore_mem>>)
      %dma_start3A_68 = arith.constant 2 : i32
      %dma_start3A_69 = arith.constant 0 : i32
      %dma_start3A_70 = tpu.memref_slice %arg13[%dma_start3A_68, %dma_start3A_69] : memref<40x128xi32, #tpu.memory_space<vmem>> -> memref<1x128xi32, #tpu.memory_space<vmem>>
      %dma_start3A_71 = tpu.memref_squeeze %dma_start3A_70 : memref<1x128xi32, #tpu.memory_space<vmem>> -> memref<128xi32, #tpu.memory_space<vmem>>
      %dma_start3A_72 = arith.constant 0 : i32
      %dma_start3A_73 = arith.constant 0 : i32
      %dma_start3A_74 = tpu.memref_slice %arg10[%dma_start3A_72, %dma_start3A_73] : memref<10240x32xf32, #tpu.memory_space<vmem_shared>> -> memref<10240x32xf32, #tpu.memory_space<vmem_shared>>
      tpu.enqueue_indirect_dma source(%dma_start3A_74 : memref<10240x32xf32, #tpu.memory_space<vmem_shared>>) target(%arg17 : memref<128x32xf32, #tpu.memory_space<vmem>>) offsets(%dma_start3A_71 : memref<128xi32, #tpu.memory_space<vmem>>) semaphore(%arg28 : memref<!tpu.dma_semaphore, #tpu.memory_space<semaphore_mem>>)
      %dma_start3A_75 = arith.constant 3 : i32
      %dma_start3A_76 = arith.constant 0 : i32
      %dma_start3A_77 = tpu.memref_slice %arg13[%dma_start3A_75, %dma_start3A_76] : memref<40x128xi32, #tpu.memory_space<vmem>> -> memref<1x128xi32, #tpu.memory_space<vmem>>
      %dma_start3A_78 = tpu.memref_squeeze %dma_start3A_77 : memref<1x128xi32, #tpu.memory_space<vmem>> -> memref<128xi32, #tpu.memory_space<vmem>>
      %dma_start3A_79 = arith.constant 0 : i32
      %dma_start3A_80 = arith.constant 0 : i32
      %dma_start3A_81 = tpu.memref_slice %arg10[%dma_start3A_79, %dma_start3A_80] : memref<10240x32xf32, #tpu.memory_space<vmem_shared>> -> memref<10240x32xf32, #tpu.memory_space<vmem_shared>>
      tpu.enqueue_indirect_dma source(%dma_start3A_81 : memref<10240x32xf32, #tpu.memory_space<vmem_shared>>) target(%arg18 : memref<128x32xf32, #tpu.memory_space<vmem>>) offsets(%dma_start3A_78 : memref<128xi32, #tpu.memory_space<vmem>>) semaphore(%arg29 : memref<!tpu.dma_semaphore, #tpu.memory_space<semaphore_mem>>)
      %dma_start3A_82 = arith.constant 4 : i32
      %dma_start3A_83 = arith.constant 0 : i32
      %dma_start3A_84 = tpu.memref_slice %arg13[%dma_start3A_82, %dma_start3A_83] : memref<40x128xi32, #tpu.memory_space<vmem>> -> memref<1x128xi32, #tpu.memory_space<vmem>>
      %dma_start3A_85 = tpu.memref_squeeze %dma_start3A_84 : memref<1x128xi32, #tpu.memory_space<vmem>> -> memref<128xi32, #tpu.memory_space<vmem>>
      %dma_start3A_86 = arith.constant 0 : i32
      %dma_start3A_87 = arith.constant 0 : i32
      %dma_start3A_88 = tpu.memref_slice %arg10[%dma_start3A_86, %dma_start3A_87] : memref<10240x32xf32, #tpu.memory_space<vmem_shared>> -> memref<10240x32xf32, #tpu.memory_space<vmem_shared>>
      tpu.enqueue_indirect_dma source(%dma_start3A_88 : memref<10240x32xf32, #tpu.memory_space<vmem_shared>>) target(%arg19 : memref<128x32xf32, #tpu.memory_space<vmem>>) offsets(%dma_start3A_85 : memref<128xi32, #tpu.memory_space<vmem>>) semaphore(%arg30 : memref<!tpu.dma_semaphore, #tpu.memory_space<semaphore_mem>>)
      %dma_start3A_89 = arith.constant 5 : i32
      %dma_start3A_90 = arith.constant 0 : i32
      %dma_start3A_91 = tpu.memref_slice %arg13[%dma_start3A_89, %dma_start3A_90] : memref<40x128xi32, #tpu.memory_space<vmem>> -> memref<1x128xi32, #tpu.memory_space<vmem>>
      %dma_start3A_92 = tpu.memref_squeeze %dma_start3A_91 : memref<1x128xi32, #tpu.memory_space<vmem>> -> memref<128xi32, #tpu.memory_space<vmem>>
      %dma_start3A_93 = arith.constant 0 : i32
      %dma_start3A_94 = arith.constant 0 : i32
      %dma_start3A_95 = tpu.memref_slice %arg10[%dma_start3A_93, %dma_start3A_94] : memref<10240x32xf32, #tpu.memory_space<vmem_shared>> -> memref<10240x32xf32, #tpu.memory_space<vmem_shared>>
      tpu.enqueue_indirect_dma source(%dma_start3A_95 : memref<10240x32xf32, #tpu.memory_space<vmem_shared>>) target(%arg20 : memref<128x32xf32, #tpu.memory_space<vmem>>) offsets(%dma_start3A_92 : memref<128xi32, #tpu.memory_space<vmem>>) semaphore(%arg31 : memref<!tpu.dma_semaphore, #tpu.memory_space<semaphore_mem>>)
      %dma_start3A_96 = arith.constant 6 : i32
      %dma_start3A_97 = arith.constant 0 : i32
      %dma_start3A_98 = tpu.memref_slice %arg13[%dma_start3A_96, %dma_start3A_97] : memref<40x128xi32, #tpu.memory_space<vmem>> -> memref<1x128xi32, #tpu.memory_space<vmem>>
      %dma_start3A_99 = tpu.memref_squeeze %dma_start3A_98 : memref<1x128xi32, #tpu.memory_space<vmem>> -> memref<128xi32, #tpu.memory_space<vmem>>
      %dma_start3A_100 = arith.constant 0 : i32
      %dma_start3A_101 = arith.constant 0 : i32
      %dma_start3A_102 = tpu.memref_slice %arg10[%dma_start3A_100, %dma_start3A_101] : memref<10240x32xf32, #tpu.memory_space<vmem_shared>> -> memref<10240x32xf32, #tpu.memory_space<vmem_shared>>
      tpu.enqueue_indirect_dma source(%dma_start3A_102 : memref<10240x32xf32, #tpu.memory_space<vmem_shared>>) target(%arg21 : memref<128x32xf32, #tpu.memory_space<vmem>>) offsets(%dma_start3A_99 : memref<128xi32, #tpu.memory_space<vmem>>) semaphore(%arg32 : memref<!tpu.dma_semaphore, #tpu.memory_space<semaphore_mem>>)
      %dma_start3A_103 = arith.constant 7 : i32
      %dma_start3A_104 = arith.constant 0 : i32
      %dma_start3A_105 = tpu.memref_slice %arg13[%dma_start3A_103, %dma_start3A_104] : memref<40x128xi32, #tpu.memory_space<vmem>> -> memref<1x128xi32, #tpu.memory_space<vmem>>
      %dma_start3A_106 = tpu.memref_squeeze %dma_start3A_105 : memref<1x128xi32, #tpu.memory_space<vmem>> -> memref<128xi32, #tpu.memory_space<vmem>>
      %dma_start3A_107 = arith.constant 0 : i32
      %dma_start3A_108 = arith.constant 0 : i32
      %dma_start3A_109 = tpu.memref_slice %arg10[%dma_start3A_107, %dma_start3A_108] : memref<10240x32xf32, #tpu.memory_space<vmem_shared>> -> memref<10240x32xf32, #tpu.memory_space<vmem_shared>>
      tpu.enqueue_indirect_dma source(%dma_start3A_109 : memref<10240x32xf32, #tpu.memory_space<vmem_shared>>) target(%arg22 : memref<128x32xf32, #tpu.memory_space<vmem>>) offsets(%dma_start3A_106 : memref<128xi32, #tpu.memory_space<vmem>>) semaphore(%arg33 : memref<!tpu.dma_semaphore, #tpu.memory_space<semaphore_mem>>)
      %scan3A_110 = arith.constant 0 : i32
      %scan3A_111 = arith.constant 0 : i32
      %scan3A_112 = arith.constant 5 : i32
      %scan3A_113 = arith.addi %scan3A_111, %scan3A_112 : i32
      %scan3A_114 = arith.constant 1 : i32
      %scan3A_115 = scf.for %scan3A_173 = %scan3A_111 to %scan3A_113 step %scan3A_114 iter_args(%scan3A_174 = %scan3A_110) -> (i32)  : i32 {
        %mul3A_175 = arith.constant 8 : i32
        %mul3A_176 = arith.muli %scan3A_173, %mul3A_175 : i32
        %dma_wait3A_177 = arith.constant 0 : i32
        %dma_wait3A_178 = arith.constant 0 : i32
        %dma_wait3A_179 = tpu.memref_slice %arg13[%dma_wait3A_177, %dma_wait3A_178] : memref<40x128xi32, #tpu.memory_space<vmem>> -> memref<1x128xi32, #tpu.memory_space<vmem>>
        %dma_wait3A_180 = tpu.memref_squeeze %dma_wait3A_179 : memref<1x128xi32, #tpu.memory_space<vmem>> -> memref<128xi32, #tpu.memory_space<vmem>>
        %dma_wait3A_181 = arith.constant 0 : i32
        %dma_wait3A_182 = arith.constant 0 : i32
        %dma_wait3A_183 = tpu.memref_slice %arg4[%dma_wait3A_181, %dma_wait3A_182] : memref<20480x32xf32, #tpu.memory_space<hbm>> -> memref<20480x32xf32, #tpu.memory_space<hbm>>
        tpu.wait_indirect_dma semaphore(%arg26 : memref<!tpu.dma_semaphore, #tpu.memory_space<semaphore_mem>>) src(%dma_wait3A_183 : memref<20480x32xf32, #tpu.memory_space<hbm>>) dst(%arg15 : memref<128x32xf32, #tpu.memory_space<vmem>>)
        %add3A_184 = arith.constant 0 : i32
        %add3A_185 = arith.addi %mul3A_176, %add3A_184 : i32
        %dma_start3A_186 = arith.constant 0 : i32
        %dma_start3A_187 = tpu.memref_slice %arg14[%add3A_185, %dma_start3A_186] : memref<40x128xi32, #tpu.memory_space<vmem>> -> memref<1x128xi32, #tpu.memory_space<vmem>>
        %dma_start3A_188 = tpu.memref_squeeze %dma_start3A_187 : memref<1x128xi32, #tpu.memory_space<vmem>> -> memref<128xi32, #tpu.memory_space<vmem>>
        %dma_start3A_189 = arith.constant 0 : i32
        %dma_start3A_190 = arith.constant 0 : i32
        %dma_start3A_191 = tpu.memref_slice %arg11[%dma_start3A_189, %dma_start3A_190] : memref<10240x32xf32, #tpu.memory_space<vmem_shared>> -> memref<10240x32xf32, #tpu.memory_space<vmem_shared>>
        tpu.enqueue_indirect_dma source(%arg15 : memref<128x32xf32, #tpu.memory_space<vmem>>) target(%dma_start3A_191 : memref<10240x32xf32, #tpu.memory_space<vmem_shared>>) offsets(%dma_start3A_188 : memref<128xi32, #tpu.memory_space<vmem>>) semaphore(%arg34 : memref<!tpu.dma_semaphore, #tpu.memory_space<semaphore_mem>>) {add = true}
        %dma_wait3A_192 = arith.constant 0 : i32
        %dma_wait3A_193 = arith.constant 0 : i32
        %dma_wait3A_194 = tpu.memref_slice %arg13[%dma_wait3A_192, %dma_wait3A_193] : memref<40x128xi32, #tpu.memory_space<vmem>> -> memref<1x128xi32, #tpu.memory_space<vmem>>
        %dma_wait3A_195 = tpu.memref_squeeze %dma_wait3A_194 : memref<1x128xi32, #tpu.memory_space<vmem>> -> memref<128xi32, #tpu.memory_space<vmem>>
        %dma_wait3A_196 = arith.constant 0 : i32
        %dma_wait3A_197 = arith.constant 0 : i32
        %dma_wait3A_198 = tpu.memref_slice %arg4[%dma_wait3A_196, %dma_wait3A_197] : memref<20480x32xf32, #tpu.memory_space<hbm>> -> memref<20480x32xf32, #tpu.memory_space<hbm>>
        tpu.wait_indirect_dma semaphore(%arg27 : memref<!tpu.dma_semaphore, #tpu.memory_space<semaphore_mem>>) src(%dma_wait3A_198 : memref<20480x32xf32, #tpu.memory_space<hbm>>) dst(%arg16 : memref<128x32xf32, #tpu.memory_space<vmem>>)
        %add3A_199 = arith.constant 1 : i32
        %add3A_200 = arith.addi %mul3A_176, %add3A_199 : i32
        %dma_start3A_201 = arith.constant 0 : i32
        %dma_start3A_202 = tpu.memref_slice %arg14[%add3A_200, %dma_start3A_201] : memref<40x128xi32, #tpu.memory_space<vmem>> -> memref<1x128xi32, #tpu.memory_space<vmem>>
        %dma_start3A_203 = tpu.memref_squeeze %dma_start3A_202 : memref<1x128xi32, #tpu.memory_space<vmem>> -> memref<128xi32, #tpu.memory_space<vmem>>
        %dma_start3A_204 = arith.constant 0 : i32
        %dma_start3A_205 = arith.constant 0 : i32
        %dma_start3A_206 = tpu.memref_slice %arg11[%dma_start3A_204, %dma_start3A_205] : memref<10240x32xf32, #tpu.memory_space<vmem_shared>> -> memref<10240x32xf32, #tpu.memory_space<vmem_shared>>
        tpu.enqueue_indirect_dma source(%arg16 : memref<128x32xf32, #tpu.memory_space<vmem>>) target(%dma_start3A_206 : memref<10240x32xf32, #tpu.memory_space<vmem_shared>>) offsets(%dma_start3A_203 : memref<128xi32, #tpu.memory_space<vmem>>) semaphore(%arg35 : memref<!tpu.dma_semaphore, #tpu.memory_space<semaphore_mem>>) {add = true}
        %dma_wait3A_207 = arith.constant 0 : i32
        %dma_wait3A_208 = arith.constant 0 : i32
        %dma_wait3A_209 = tpu.memref_slice %arg13[%dma_wait3A_207, %dma_wait3A_208] : memref<40x128xi32, #tpu.memory_space<vmem>> -> memref<1x128xi32, #tpu.memory_space<vmem>>
        %dma_wait3A_210 = tpu.memref_squeeze %dma_wait3A_209 : memref<1x128xi32, #tpu.memory_space<vmem>> -> memref<128xi32, #tpu.memory_space<vmem>>
        %dma_wait3A_211 = arith.constant 0 : i32
        %dma_wait3A_212 = arith.constant 0 : i32
        %dma_wait3A_213 = tpu.memref_slice %arg4[%dma_wait3A_211, %dma_wait3A_212] : memref<20480x32xf32, #tpu.memory_space<hbm>> -> memref<20480x32xf32, #tpu.memory_space<hbm>>
        tpu.wait_indirect_dma semaphore(%arg28 : memref<!tpu.dma_semaphore, #tpu.memory_space<semaphore_mem>>) src(%dma_wait3A_213 : memref<20480x32xf32, #tpu.memory_space<hbm>>) dst(%arg17 : memref<128x32xf32, #tpu.memory_space<vmem>>)
        %add3A_214 = arith.constant 2 : i32
        %add3A_215 = arith.addi %mul3A_176, %add3A_214 : i32
        %dma_start3A_216 = arith.constant 0 : i32
        %dma_start3A_217 = tpu.memref_slice %arg14[%add3A_215, %dma_start3A_216] : memref<40x128xi32, #tpu.memory_space<vmem>> -> memref<1x128xi32, #tpu.memory_space<vmem>>
        %dma_start3A_218 = tpu.memref_squeeze %dma_start3A_217 : memref<1x128xi32, #tpu.memory_space<vmem>> -> memref<128xi32, #tpu.memory_space<vmem>>
        %dma_start3A_219 = arith.constant 0 : i32
        %dma_start3A_220 = arith.constant 0 : i32
        %dma_start3A_221 = tpu.memref_slice %arg11[%dma_start3A_219, %dma_start3A_220] : memref<10240x32xf32, #tpu.memory_space<vmem_shared>> -> memref<10240x32xf32, #tpu.memory_space<vmem_shared>>
        tpu.enqueue_indirect_dma source(%arg17 : memref<128x32xf32, #tpu.memory_space<vmem>>) target(%dma_start3A_221 : memref<10240x32xf32, #tpu.memory_space<vmem_shared>>) offsets(%dma_start3A_218 : memref<128xi32, #tpu.memory_space<vmem>>) semaphore(%arg36 : memref<!tpu.dma_semaphore, #tpu.memory_space<semaphore_mem>>) {add = true}
        %dma_wait3A_222 = arith.constant 0 : i32
        %dma_wait3A_223 = arith.constant 0 : i32
        %dma_wait3A_224 = tpu.memref_slice %arg13[%dma_wait3A_222, %dma_wait3A_223] : memref<40x128xi32, #tpu.memory_space<vmem>> -> memref<1x128xi32, #tpu.memory_space<vmem>>
        %dma_wait3A_225 = tpu.memref_squeeze %dma_wait3A_224 : memref<1x128xi32, #tpu.memory_space<vmem>> -> memref<128xi32, #tpu.memory_space<vmem>>
        %dma_wait3A_226 = arith.constant 0 : i32
        %dma_wait3A_227 = arith.constant 0 : i32
        %dma_wait3A_228 = tpu.memref_slice %arg4[%dma_wait3A_226, %dma_wait3A_227] : memref<20480x32xf32, #tpu.memory_space<hbm>> -> memref<20480x32xf32, #tpu.memory_space<hbm>>
        tpu.wait_indirect_dma semaphore(%arg29 : memref<!tpu.dma_semaphore, #tpu.memory_space<semaphore_mem>>) src(%dma_wait3A_228 : memref<20480x32xf32, #tpu.memory_space<hbm>>) dst(%arg18 : memref<128x32xf32, #tpu.memory_space<vmem>>)
        %add3A_229 = arith.constant 3 : i32
        %add3A_230 = arith.addi %mul3A_176, %add3A_229 : i32
        %dma_start3A_231 = arith.constant 0 : i32
        %dma_start3A_232 = tpu.memref_slice %arg14[%add3A_230, %dma_start3A_231] : memref<40x128xi32, #tpu.memory_space<vmem>> -> memref<1x128xi32, #tpu.memory_space<vmem>>
        %dma_start3A_233 = tpu.memref_squeeze %dma_start3A_232 : memref<1x128xi32, #tpu.memory_space<vmem>> -> memref<128xi32, #tpu.memory_space<vmem>>
        %dma_start3A_234 = arith.constant 0 : i32
        %dma_start3A_235 = arith.constant 0 : i32
        %dma_start3A_236 = tpu.memref_slice %arg11[%dma_start3A_234, %dma_start3A_235] : memref<10240x32xf32, #tpu.memory_space<vmem_shared>> -> memref<10240x32xf32, #tpu.memory_space<vmem_shared>>
        tpu.enqueue_indirect_dma source(%arg18 : memref<128x32xf32, #tpu.memory_space<vmem>>) target(%dma_start3A_236 : memref<10240x32xf32, #tpu.memory_space<vmem_shared>>) offsets(%dma_start3A_233 : memref<128xi32, #tpu.memory_space<vmem>>) semaphore(%arg37 : memref<!tpu.dma_semaphore, #tpu.memory_space<semaphore_mem>>) {add = true}
        %dma_wait3A_237 = arith.constant 0 : i32
        %dma_wait3A_238 = arith.constant 0 : i32
        %dma_wait3A_239 = tpu.memref_slice %arg13[%dma_wait3A_237, %dma_wait3A_238] : memref<40x128xi32, #tpu.memory_space<vmem>> -> memref<1x128xi32, #tpu.memory_space<vmem>>
        %dma_wait3A_240 = tpu.memref_squeeze %dma_wait3A_239 : memref<1x128xi32, #tpu.memory_space<vmem>> -> memref<128xi32, #tpu.memory_space<vmem>>
        %dma_wait3A_241 = arith.constant 0 : i32
        %dma_wait3A_242 = arith.constant 0 : i32
        %dma_wait3A_243 = tpu.memref_slice %arg4[%dma_wait3A_241, %dma_wait3A_242] : memref<20480x32xf32, #tpu.memory_space<hbm>> -> memref<20480x32xf32, #tpu.memory_space<hbm>>
        tpu.wait_indirect_dma semaphore(%arg30 : memref<!tpu.dma_semaphore, #tpu.memory_space<semaphore_mem>>) src(%dma_wait3A_243 : memref<20480x32xf32, #tpu.memory_space<hbm>>) dst(%arg19 : memref<128x32xf32, #tpu.memory_space<vmem>>)
        %add3A_244 = arith.constant 4 : i32
        %add3A_245 = arith.addi %mul3A_176, %add3A_244 : i32
        %dma_start3A_246 = arith.constant 0 : i32
        %dma_start3A_247 = tpu.memref_slice %arg14[%add3A_245, %dma_start3A_246] : memref<40x128xi32, #tpu.memory_space<vmem>> -> memref<1x128xi32, #tpu.memory_space<vmem>>
        %dma_start3A_248 = tpu.memref_squeeze %dma_start3A_247 : memref<1x128xi32, #tpu.memory_space<vmem>> -> memref<128xi32, #tpu.memory_space<vmem>>
        %dma_start3A_249 = arith.constant 0 : i32
        %dma_start3A_250 = arith.constant 0 : i32
        %dma_start3A_251 = tpu.memref_slice %arg11[%dma_start3A_249, %dma_start3A_250] : memref<10240x32xf32, #tpu.memory_space<vmem_shared>> -> memref<10240x32xf32, #tpu.memory_space<vmem_shared>>
        tpu.enqueue_indirect_dma source(%arg19 : memref<128x32xf32, #tpu.memory_space<vmem>>) target(%dma_start3A_251 : memref<10240x32xf32, #tpu.memory_space<vmem_shared>>) offsets(%dma_start3A_248 : memref<128xi32, #tpu.memory_space<vmem>>) semaphore(%arg38 : memref<!tpu.dma_semaphore, #tpu.memory_space<semaphore_mem>>) {add = true}
        %dma_wait3A_252 = arith.constant 0 : i32
        %dma_wait3A_253 = arith.constant 0 : i32
        %dma_wait3A_254 = tpu.memref_slice %arg13[%dma_wait3A_252, %dma_wait3A_253] : memref<40x128xi32, #tpu.memory_space<vmem>> -> memref<1x128xi32, #tpu.memory_space<vmem>>
        %dma_wait3A_255 = tpu.memref_squeeze %dma_wait3A_254 : memref<1x128xi32, #tpu.memory_space<vmem>> -> memref<128xi32, #tpu.memory_space<vmem>>
        %dma_wait3A_256 = arith.constant 0 : i32
        %dma_wait3A_257 = arith.constant 0 : i32
        %dma_wait3A_258 = tpu.memref_slice %arg4[%dma_wait3A_256, %dma_wait3A_257] : memref<20480x32xf32, #tpu.memory_space<hbm>> -> memref<20480x32xf32, #tpu.memory_space<hbm>>
        tpu.wait_indirect_dma semaphore(%arg31 : memref<!tpu.dma_semaphore, #tpu.memory_space<semaphore_mem>>) src(%dma_wait3A_258 : memref<20480x32xf32, #tpu.memory_space<hbm>>) dst(%arg20 : memref<128x32xf32, #tpu.memory_space<vmem>>)
        %add3A_259 = arith.constant 5 : i32
        %add3A_260 = arith.addi %mul3A_176, %add3A_259 : i32
        %dma_start3A_261 = arith.constant 0 : i32
        %dma_start3A_262 = tpu.memref_slice %arg14[%add3A_260, %dma_start3A_261] : memref<40x128xi32, #tpu.memory_space<vmem>> -> memref<1x128xi32, #tpu.memory_space<vmem>>
        %dma_start3A_263 = tpu.memref_squeeze %dma_start3A_262 : memref<1x128xi32, #tpu.memory_space<vmem>> -> memref<128xi32, #tpu.memory_space<vmem>>
        %dma_start3A_264 = arith.constant 0 : i32
        %dma_start3A_265 = arith.constant 0 : i32
        %dma_start3A_266 = tpu.memref_slice %arg11[%dma_start3A_264, %dma_start3A_265] : memref<10240x32xf32, #tpu.memory_space<vmem_shared>> -> memref<10240x32xf32, #tpu.memory_space<vmem_shared>>
        tpu.enqueue_indirect_dma source(%arg20 : memref<128x32xf32, #tpu.memory_space<vmem>>) target(%dma_start3A_266 : memref<10240x32xf32, #tpu.memory_space<vmem_shared>>) offsets(%dma_start3A_263 : memref<128xi32, #tpu.memory_space<vmem>>) semaphore(%arg39 : memref<!tpu.dma_semaphore, #tpu.memory_space<semaphore_mem>>) {add = true}
        %dma_wait3A_267 = arith.constant 0 : i32
        %dma_wait3A_268 = arith.constant 0 : i32
        %dma_wait3A_269 = tpu.memref_slice %arg13[%dma_wait3A_267, %dma_wait3A_268] : memref<40x128xi32, #tpu.memory_space<vmem>> -> memref<1x128xi32, #tpu.memory_space<vmem>>
        %dma_wait3A_270 = tpu.memref_squeeze %dma_wait3A_269 : memref<1x128xi32, #tpu.memory_space<vmem>> -> memref<128xi32, #tpu.memory_space<vmem>>
        %dma_wait3A_271 = arith.constant 0 : i32
        %dma_wait3A_272 = arith.constant 0 : i32
        %dma_wait3A_273 = tpu.memref_slice %arg4[%dma_wait3A_271, %dma_wait3A_272] : memref<20480x32xf32, #tpu.memory_space<hbm>> -> memref<20480x32xf32, #tpu.memory_space<hbm>>
        tpu.wait_indirect_dma semaphore(%arg32 : memref<!tpu.dma_semaphore, #tpu.memory_space<semaphore_mem>>) src(%dma_wait3A_273 : memref<20480x32xf32, #tpu.memory_space<hbm>>) dst(%arg21 : memref<128x32xf32, #tpu.memory_space<vmem>>)
        %add3A_274 = arith.constant 6 : i32
        %add3A_275 = arith.addi %mul3A_176, %add3A_274 : i32
        %dma_start3A_276 = arith.constant 0 : i32
        %dma_start3A_277 = tpu.memref_slice %arg14[%add3A_275, %dma_start3A_276] : memref<40x128xi32, #tpu.memory_space<vmem>> -> memref<1x128xi32, #tpu.memory_space<vmem>>
        %dma_start3A_278 = tpu.memref_squeeze %dma_start3A_277 : memref<1x128xi32, #tpu.memory_space<vmem>> -> memref<128xi32, #tpu.memory_space<vmem>>
        %dma_start3A_279 = arith.constant 0 : i32
        %dma_start3A_280 = arith.constant 0 : i32
        %dma_start3A_281 = tpu.memref_slice %arg11[%dma_start3A_279, %dma_start3A_280] : memref<10240x32xf32, #tpu.memory_space<vmem_shared>> -> memref<10240x32xf32, #tpu.memory_space<vmem_shared>>
        tpu.enqueue_indirect_dma source(%arg21 : memref<128x32xf32, #tpu.memory_space<vmem>>) target(%dma_start3A_281 : memref<10240x32xf32, #tpu.memory_space<vmem_shared>>) offsets(%dma_start3A_278 : memref<128xi32, #tpu.memory_space<vmem>>) semaphore(%arg40 : memref<!tpu.dma_semaphore, #tpu.memory_space<semaphore_mem>>) {add = true}
        %dma_wait3A_282 = arith.constant 0 : i32
        %dma_wait3A_283 = arith.constant 0 : i32
        %dma_wait3A_284 = tpu.memref_slice %arg13[%dma_wait3A_282, %dma_wait3A_283] : memref<40x128xi32, #tpu.memory_space<vmem>> -> memref<1x128xi32, #tpu.memory_space<vmem>>
        %dma_wait3A_285 = tpu.memref_squeeze %dma_wait3A_284 : memref<1x128xi32, #tpu.memory_space<vmem>> -> memref<128xi32, #tpu.memory_space<vmem>>
        %dma_wait3A_286 = arith.constant 0 : i32
        %dma_wait3A_287 = arith.constant 0 : i32
        %dma_wait3A_288 = tpu.memref_slice %arg4[%dma_wait3A_286, %dma_wait3A_287] : memref<20480x32xf32, #tpu.memory_space<hbm>> -> memref<20480x32xf32, #tpu.memory_space<hbm>>
        tpu.wait_indirect_dma semaphore(%arg33 : memref<!tpu.dma_semaphore, #tpu.memory_space<semaphore_mem>>) src(%dma_wait3A_288 : memref<20480x32xf32, #tpu.memory_space<hbm>>) dst(%arg22 : memref<128x32xf32, #tpu.memory_space<vmem>>)
        %add3A_289 = arith.constant 7 : i32
        %add3A_290 = arith.addi %mul3A_176, %add3A_289 : i32
        %dma_start3A_291 = arith.constant 0 : i32
        %dma_start3A_292 = tpu.memref_slice %arg14[%add3A_290, %dma_start3A_291] : memref<40x128xi32, #tpu.memory_space<vmem>> -> memref<1x128xi32, #tpu.memory_space<vmem>>
        %dma_start3A_293 = tpu.memref_squeeze %dma_start3A_292 : memref<1x128xi32, #tpu.memory_space<vmem>> -> memref<128xi32, #tpu.memory_space<vmem>>
        %dma_start3A_294 = arith.constant 0 : i32
        %dma_start3A_295 = arith.constant 0 : i32
        %dma_start3A_296 = tpu.memref_slice %arg11[%dma_start3A_294, %dma_start3A_295] : memref<10240x32xf32, #tpu.memory_space<vmem_shared>> -> memref<10240x32xf32, #tpu.memory_space<vmem_shared>>
        tpu.enqueue_indirect_dma source(%arg22 : memref<128x32xf32, #tpu.memory_space<vmem>>) target(%dma_start3A_296 : memref<10240x32xf32, #tpu.memory_space<vmem_shared>>) offsets(%dma_start3A_293 : memref<128xi32, #tpu.memory_space<vmem>>) semaphore(%arg41 : memref<!tpu.dma_semaphore, #tpu.memory_space<semaphore_mem>>) {add = true}
        %lt3A = arith.constant 4 : i32
        %lt3A_297 = arith.cmpi slt, %scan3A_173, %lt3A : i32
        %convert_element_type3A = arith.extui %lt3A_297 : i1 to i32
        %cond3A = arith.constant 0 : i32
        %cond3A_298 = arith.cmpi ne, %convert_element_type3A, %cond3A : i32
        scf.if %cond3A_298 {
          %dma_wait3A_335 = arith.constant 0 : i32
          %dma_wait3A_336 = arith.constant 0 : i32
          %dma_wait3A_337 = tpu.memref_slice %arg13[%dma_wait3A_335, %dma_wait3A_336] : memref<40x128xi32, #tpu.memory_space<vmem>> -> memref<1x128xi32, #tpu.memory_space<vmem>>
          %dma_wait3A_338 = tpu.memref_squeeze %dma_wait3A_337 : memref<1x128xi32, #tpu.memory_space<vmem>> -> memref<128xi32, #tpu.memory_space<vmem>>
          %dma_wait3A_339 = arith.constant 0 : i32
          %dma_wait3A_340 = arith.constant 0 : i32
          %dma_wait3A_341 = tpu.memref_slice %arg4[%dma_wait3A_339, %dma_wait3A_340] : memref<20480x32xf32, #tpu.memory_space<hbm>> -> memref<20480x32xf32, #tpu.memory_space<hbm>>
          tpu.wait_indirect_dma semaphore(%arg34 : memref<!tpu.dma_semaphore, #tpu.memory_space<semaphore_mem>>) src(%dma_wait3A_341 : memref<20480x32xf32, #tpu.memory_space<hbm>>) dst(%arg15 : memref<128x32xf32, #tpu.memory_space<vmem>>)
          %add3A_342 = arith.constant 8 : i32
          %add3A_343 = arith.addi %mul3A_176, %add3A_342 : i32
          %add3A_344 = arith.constant 0 : i32
          %add3A_345 = arith.addi %add3A_343, %add3A_344 : i32
          %dma_start3A_346 = arith.constant 0 : i32
          %dma_start3A_347 = tpu.memref_slice %arg13[%add3A_345, %dma_start3A_346] : memref<40x128xi32, #tpu.memory_space<vmem>> -> memref<1x128xi32, #tpu.memory_space<vmem>>
          %dma_start3A_348 = tpu.memref_squeeze %dma_start3A_347 : memref<1x128xi32, #tpu.memory_space<vmem>> -> memref<128xi32, #tpu.memory_space<vmem>>
          %dma_start3A_349 = arith.constant 0 : i32
          %dma_start3A_350 = arith.constant 0 : i32
          %dma_start3A_351 = tpu.memref_slice %arg10[%dma_start3A_349, %dma_start3A_350] : memref<10240x32xf32, #tpu.memory_space<vmem_shared>> -> memref<10240x32xf32, #tpu.memory_space<vmem_shared>>
          tpu.enqueue_indirect_dma source(%dma_start3A_351 : memref<10240x32xf32, #tpu.memory_space<vmem_shared>>) target(%arg15 : memref<128x32xf32, #tpu.memory_space<vmem>>) offsets(%dma_start3A_348 : memref<128xi32, #tpu.memory_space<vmem>>) semaphore(%arg26 : memref<!tpu.dma_semaphore, #tpu.memory_space<semaphore_mem>>)
        } else {
        }
        %lt3A_299 = arith.constant 4 : i32
        %lt3A_300 = arith.cmpi slt, %scan3A_173, %lt3A_299 : i32
        %convert_element_type3A_301 = arith.extui %lt3A_300 : i1 to i32
        %cond3A_302 = arith.constant 0 : i32
        %cond3A_303 = arith.cmpi ne, %convert_element_type3A_301, %cond3A_302 : i32
        scf.if %cond3A_303 {
          %dma_wait3A_335 = arith.constant 0 : i32
          %dma_wait3A_336 = arith.constant 0 : i32
          %dma_wait3A_337 = tpu.memref_slice %arg13[%dma_wait3A_335, %dma_wait3A_336] : memref<40x128xi32, #tpu.memory_space<vmem>> -> memref<1x128xi32, #tpu.memory_space<vmem>>
          %dma_wait3A_338 = tpu.memref_squeeze %dma_wait3A_337 : memref<1x128xi32, #tpu.memory_space<vmem>> -> memref<128xi32, #tpu.memory_space<vmem>>
          %dma_wait3A_339 = arith.constant 0 : i32
          %dma_wait3A_340 = arith.constant 0 : i32
          %dma_wait3A_341 = tpu.memref_slice %arg4[%dma_wait3A_339, %dma_wait3A_340] : memref<20480x32xf32, #tpu.memory_space<hbm>> -> memref<20480x32xf32, #tpu.memory_space<hbm>>
          tpu.wait_indirect_dma semaphore(%arg35 : memref<!tpu.dma_semaphore, #tpu.memory_space<semaphore_mem>>) src(%dma_wait3A_341 : memref<20480x32xf32, #tpu.memory_space<hbm>>) dst(%arg16 : memref<128x32xf32, #tpu.memory_space<vmem>>)
          %add3A_342 = arith.constant 8 : i32
          %add3A_343 = arith.addi %mul3A_176, %add3A_342 : i32
          %add3A_344 = arith.constant 1 : i32
          %add3A_345 = arith.addi %add3A_343, %add3A_344 : i32
          %dma_start3A_346 = arith.constant 0 : i32
          %dma_start3A_347 = tpu.memref_slice %arg13[%add3A_345, %dma_start3A_346] : memref<40x128xi32, #tpu.memory_space<vmem>> -> memref<1x128xi32, #tpu.memory_space<vmem>>
          %dma_start3A_348 = tpu.memref_squeeze %dma_start3A_347 : memref<1x128xi32, #tpu.memory_space<vmem>> -> memref<128xi32, #tpu.memory_space<vmem>>
          %dma_start3A_349 = arith.constant 0 : i32
          %dma_start3A_350 = arith.constant 0 : i32
          %dma_start3A_351 = tpu.memref_slice %arg10[%dma_start3A_349, %dma_start3A_350] : memref<10240x32xf32, #tpu.memory_space<vmem_shared>> -> memref<10240x32xf32, #tpu.memory_space<vmem_shared>>
          tpu.enqueue_indirect_dma source(%dma_start3A_351 : memref<10240x32xf32, #tpu.memory_space<vmem_shared>>) target(%arg16 : memref<128x32xf32, #tpu.memory_space<vmem>>) offsets(%dma_start3A_348 : memref<128xi32, #tpu.memory_space<vmem>>) semaphore(%arg27 : memref<!tpu.dma_semaphore, #tpu.memory_space<semaphore_mem>>)
        } else {
        }
        %lt3A_304 = arith.constant 4 : i32
        %lt3A_305 = arith.cmpi slt, %scan3A_173, %lt3A_304 : i32
        %convert_element_type3A_306 = arith.extui %lt3A_305 : i1 to i32
        %cond3A_307 = arith.constant 0 : i32
        %cond3A_308 = arith.cmpi ne, %convert_element_type3A_306, %cond3A_307 : i32
        scf.if %cond3A_308 {
          %dma_wait3A_335 = arith.constant 0 : i32
          %dma_wait3A_336 = arith.constant 0 : i32
          %dma_wait3A_337 = tpu.memref_slice %arg13[%dma_wait3A_335, %dma_wait3A_336] : memref<40x128xi32, #tpu.memory_space<vmem>> -> memref<1x128xi32, #tpu.memory_space<vmem>>
          %dma_wait3A_338 = tpu.memref_squeeze %dma_wait3A_337 : memref<1x128xi32, #tpu.memory_space<vmem>> -> memref<128xi32, #tpu.memory_space<vmem>>
          %dma_wait3A_339 = arith.constant 0 : i32
          %dma_wait3A_340 = arith.constant 0 : i32
          %dma_wait3A_341 = tpu.memref_slice %arg4[%dma_wait3A_339, %dma_wait3A_340] : memref<20480x32xf32, #tpu.memory_space<hbm>> -> memref<20480x32xf32, #tpu.memory_space<hbm>>
          tpu.wait_indirect_dma semaphore(%arg36 : memref<!tpu.dma_semaphore, #tpu.memory_space<semaphore_mem>>) src(%dma_wait3A_341 : memref<20480x32xf32, #tpu.memory_space<hbm>>) dst(%arg17 : memref<128x32xf32, #tpu.memory_space<vmem>>)
          %add3A_342 = arith.constant 8 : i32
          %add3A_343 = arith.addi %mul3A_176, %add3A_342 : i32
          %add3A_344 = arith.constant 2 : i32
          %add3A_345 = arith.addi %add3A_343, %add3A_344 : i32
          %dma_start3A_346 = arith.constant 0 : i32
          %dma_start3A_347 = tpu.memref_slice %arg13[%add3A_345, %dma_start3A_346] : memref<40x128xi32, #tpu.memory_space<vmem>> -> memref<1x128xi32, #tpu.memory_space<vmem>>
          %dma_start3A_348 = tpu.memref_squeeze %dma_start3A_347 : memref<1x128xi32, #tpu.memory_space<vmem>> -> memref<128xi32, #tpu.memory_space<vmem>>
          %dma_start3A_349 = arith.constant 0 : i32
          %dma_start3A_350 = arith.constant 0 : i32
          %dma_start3A_351 = tpu.memref_slice %arg10[%dma_start3A_349, %dma_start3A_350] : memref<10240x32xf32, #tpu.memory_space<vmem_shared>> -> memref<10240x32xf32, #tpu.memory_space<vmem_shared>>
          tpu.enqueue_indirect_dma source(%dma_start3A_351 : memref<10240x32xf32, #tpu.memory_space<vmem_shared>>) target(%arg17 : memref<128x32xf32, #tpu.memory_space<vmem>>) offsets(%dma_start3A_348 : memref<128xi32, #tpu.memory_space<vmem>>) semaphore(%arg28 : memref<!tpu.dma_semaphore, #tpu.memory_space<semaphore_mem>>)
        } else {
        }
        %lt3A_309 = arith.constant 4 : i32
        %lt3A_310 = arith.cmpi slt, %scan3A_173, %lt3A_309 : i32
        %convert_element_type3A_311 = arith.extui %lt3A_310 : i1 to i32
        %cond3A_312 = arith.constant 0 : i32
        %cond3A_313 = arith.cmpi ne, %convert_element_type3A_311, %cond3A_312 : i32
        scf.if %cond3A_313 {
          %dma_wait3A_335 = arith.constant 0 : i32
          %dma_wait3A_336 = arith.constant 0 : i32
          %dma_wait3A_337 = tpu.memref_slice %arg13[%dma_wait3A_335, %dma_wait3A_336] : memref<40x128xi32, #tpu.memory_space<vmem>> -> memref<1x128xi32, #tpu.memory_space<vmem>>
          %dma_wait3A_338 = tpu.memref_squeeze %dma_wait3A_337 : memref<1x128xi32, #tpu.memory_space<vmem>> -> memref<128xi32, #tpu.memory_space<vmem>>
          %dma_wait3A_339 = arith.constant 0 : i32
          %dma_wait3A_340 = arith.constant 0 : i32
          %dma_wait3A_341 = tpu.memref_slice %arg4[%dma_wait3A_339, %dma_wait3A_340] : memref<20480x32xf32, #tpu.memory_space<hbm>> -> memref<20480x32xf32, #tpu.memory_space<hbm>>
          tpu.wait_indirect_dma semaphore(%arg37 : memref<!tpu.dma_semaphore, #tpu.memory_space<semaphore_mem>>) src(%dma_wait3A_341 : memref<20480x32xf32, #tpu.memory_space<hbm>>) dst(%arg18 : memref<128x32xf32, #tpu.memory_space<vmem>>)
          %add3A_342 = arith.constant 8 : i32
          %add3A_343 = arith.addi %mul3A_176, %add3A_342 : i32
          %add3A_344 = arith.constant 3 : i32
          %add3A_345 = arith.addi %add3A_343, %add3A_344 : i32
          %dma_start3A_346 = arith.constant 0 : i32
          %dma_start3A_347 = tpu.memref_slice %arg13[%add3A_345, %dma_start3A_346] : memref<40x128xi32, #tpu.memory_space<vmem>> -> memref<1x128xi32, #tpu.memory_space<vmem>>
          %dma_start3A_348 = tpu.memref_squeeze %dma_start3A_347 : memref<1x128xi32, #tpu.memory_space<vmem>> -> memref<128xi32, #tpu.memory_space<vmem>>
          %dma_start3A_349 = arith.constant 0 : i32
          %dma_start3A_350 = arith.constant 0 : i32
          %dma_start3A_351 = tpu.memref_slice %arg10[%dma_start3A_349, %dma_start3A_350] : memref<10240x32xf32, #tpu.memory_space<vmem_shared>> -> memref<10240x32xf32, #tpu.memory_space<vmem_shared>>
          tpu.enqueue_indirect_dma source(%dma_start3A_351 : memref<10240x32xf32, #tpu.memory_space<vmem_shared>>) target(%arg18 : memref<128x32xf32, #tpu.memory_space<vmem>>) offsets(%dma_start3A_348 : memref<128xi32, #tpu.memory_space<vmem>>) semaphore(%arg29 : memref<!tpu.dma_semaphore, #tpu.memory_space<semaphore_mem>>)
        } else {
        }
        %lt3A_314 = arith.constant 4 : i32
        %lt3A_315 = arith.cmpi slt, %scan3A_173, %lt3A_314 : i32
        %convert_element_type3A_316 = arith.extui %lt3A_315 : i1 to i32
        %cond3A_317 = arith.constant 0 : i32
        %cond3A_318 = arith.cmpi ne, %convert_element_type3A_316, %cond3A_317 : i32
        scf.if %cond3A_318 {
          %dma_wait3A_335 = arith.constant 0 : i32
          %dma_wait3A_336 = arith.constant 0 : i32
          %dma_wait3A_337 = tpu.memref_slice %arg13[%dma_wait3A_335, %dma_wait3A_336] : memref<40x128xi32, #tpu.memory_space<vmem>> -> memref<1x128xi32, #tpu.memory_space<vmem>>
          %dma_wait3A_338 = tpu.memref_squeeze %dma_wait3A_337 : memref<1x128xi32, #tpu.memory_space<vmem>> -> memref<128xi32, #tpu.memory_space<vmem>>
          %dma_wait3A_339 = arith.constant 0 : i32
          %dma_wait3A_340 = arith.constant 0 : i32
          %dma_wait3A_341 = tpu.memref_slice %arg4[%dma_wait3A_339, %dma_wait3A_340] : memref<20480x32xf32, #tpu.memory_space<hbm>> -> memref<20480x32xf32, #tpu.memory_space<hbm>>
          tpu.wait_indirect_dma semaphore(%arg38 : memref<!tpu.dma_semaphore, #tpu.memory_space<semaphore_mem>>) src(%dma_wait3A_341 : memref<20480x32xf32, #tpu.memory_space<hbm>>) dst(%arg19 : memref<128x32xf32, #tpu.memory_space<vmem>>)
          %add3A_342 = arith.constant 8 : i32
          %add3A_343 = arith.addi %mul3A_176, %add3A_342 : i32
          %add3A_344 = arith.constant 4 : i32
          %add3A_345 = arith.addi %add3A_343, %add3A_344 : i32
          %dma_start3A_346 = arith.constant 0 : i32
          %dma_start3A_347 = tpu.memref_slice %arg13[%add3A_345, %dma_start3A_346] : memref<40x128xi32, #tpu.memory_space<vmem>> -> memref<1x128xi32, #tpu.memory_space<vmem>>
          %dma_start3A_348 = tpu.memref_squeeze %dma_start3A_347 : memref<1x128xi32, #tpu.memory_space<vmem>> -> memref<128xi32, #tpu.memory_space<vmem>>
          %dma_start3A_349 = arith.constant 0 : i32
          %dma_start3A_350 = arith.constant 0 : i32
          %dma_start3A_351 = tpu.memref_slice %arg10[%dma_start3A_349, %dma_start3A_350] : memref<10240x32xf32, #tpu.memory_space<vmem_shared>> -> memref<10240x32xf32, #tpu.memory_space<vmem_shared>>
          tpu.enqueue_indirect_dma source(%dma_start3A_351 : memref<10240x32xf32, #tpu.memory_space<vmem_shared>>) target(%arg19 : memref<128x32xf32, #tpu.memory_space<vmem>>) offsets(%dma_start3A_348 : memref<128xi32, #tpu.memory_space<vmem>>) semaphore(%arg30 : memref<!tpu.dma_semaphore, #tpu.memory_space<semaphore_mem>>)
        } else {
        }
        %lt3A_319 = arith.constant 4 : i32
        %lt3A_320 = arith.cmpi slt, %scan3A_173, %lt3A_319 : i32
        %convert_element_type3A_321 = arith.extui %lt3A_320 : i1 to i32
        %cond3A_322 = arith.constant 0 : i32
        %cond3A_323 = arith.cmpi ne, %convert_element_type3A_321, %cond3A_322 : i32
        scf.if %cond3A_323 {
          %dma_wait3A_335 = arith.constant 0 : i32
          %dma_wait3A_336 = arith.constant 0 : i32
          %dma_wait3A_337 = tpu.memref_slice %arg13[%dma_wait3A_335, %dma_wait3A_336] : memref<40x128xi32, #tpu.memory_space<vmem>> -> memref<1x128xi32, #tpu.memory_space<vmem>>
          %dma_wait3A_338 = tpu.memref_squeeze %dma_wait3A_337 : memref<1x128xi32, #tpu.memory_space<vmem>> -> memref<128xi32, #tpu.memory_space<vmem>>
          %dma_wait3A_339 = arith.constant 0 : i32
          %dma_wait3A_340 = arith.constant 0 : i32
          %dma_wait3A_341 = tpu.memref_slice %arg4[%dma_wait3A_339, %dma_wait3A_340] : memref<20480x32xf32, #tpu.memory_space<hbm>> -> memref<20480x32xf32, #tpu.memory_space<hbm>>
          tpu.wait_indirect_dma semaphore(%arg39 : memref<!tpu.dma_semaphore, #tpu.memory_space<semaphore_mem>>) src(%dma_wait3A_341 : memref<20480x32xf32, #tpu.memory_space<hbm>>) dst(%arg20 : memref<128x32xf32, #tpu.memory_space<vmem>>)
          %add3A_342 = arith.constant 8 : i32
          %add3A_343 = arith.addi %mul3A_176, %add3A_342 : i32
          %add3A_344 = arith.constant 5 : i32
          %add3A_345 = arith.addi %add3A_343, %add3A_344 : i32
          %dma_start3A_346 = arith.constant 0 : i32
          %dma_start3A_347 = tpu.memref_slice %arg13[%add3A_345, %dma_start3A_346] : memref<40x128xi32, #tpu.memory_space<vmem>> -> memref<1x128xi32, #tpu.memory_space<vmem>>
          %dma_start3A_348 = tpu.memref_squeeze %dma_start3A_347 : memref<1x128xi32, #tpu.memory_space<vmem>> -> memref<128xi32, #tpu.memory_space<vmem>>
          %dma_start3A_349 = arith.constant 0 : i32
          %dma_start3A_350 = arith.constant 0 : i32
          %dma_start3A_351 = tpu.memref_slice %arg10[%dma_start3A_349, %dma_start3A_350] : memref<10240x32xf32, #tpu.memory_space<vmem_shared>> -> memref<10240x32xf32, #tpu.memory_space<vmem_shared>>
          tpu.enqueue_indirect_dma source(%dma_start3A_351 : memref<10240x32xf32, #tpu.memory_space<vmem_shared>>) target(%arg20 : memref<128x32xf32, #tpu.memory_space<vmem>>) offsets(%dma_start3A_348 : memref<128xi32, #tpu.memory_space<vmem>>) semaphore(%arg31 : memref<!tpu.dma_semaphore, #tpu.memory_space<semaphore_mem>>)
        } else {
        }
        %lt3A_324 = arith.constant 4 : i32
        %lt3A_325 = arith.cmpi slt, %scan3A_173, %lt3A_324 : i32
        %convert_element_type3A_326 = arith.extui %lt3A_325 : i1 to i32
        %cond3A_327 = arith.constant 0 : i32
        %cond3A_328 = arith.cmpi ne, %convert_element_type3A_326, %cond3A_327 : i32
        scf.if %cond3A_328 {
          %dma_wait3A_335 = arith.constant 0 : i32
          %dma_wait3A_336 = arith.constant 0 : i32
          %dma_wait3A_337 = tpu.memref_slice %arg13[%dma_wait3A_335, %dma_wait3A_336] : memref<40x128xi32, #tpu.memory_space<vmem>> -> memref<1x128xi32, #tpu.memory_space<vmem>>
          %dma_wait3A_338 = tpu.memref_squeeze %dma_wait3A_337 : memref<1x128xi32, #tpu.memory_space<vmem>> -> memref<128xi32, #tpu.memory_space<vmem>>
          %dma_wait3A_339 = arith.constant 0 : i32
          %dma_wait3A_340 = arith.constant 0 : i32
          %dma_wait3A_341 = tpu.memref_slice %arg4[%dma_wait3A_339, %dma_wait3A_340] : memref<20480x32xf32, #tpu.memory_space<hbm>> -> memref<20480x32xf32, #tpu.memory_space<hbm>>
          tpu.wait_indirect_dma semaphore(%arg40 : memref<!tpu.dma_semaphore, #tpu.memory_space<semaphore_mem>>) src(%dma_wait3A_341 : memref<20480x32xf32, #tpu.memory_space<hbm>>) dst(%arg21 : memref<128x32xf32, #tpu.memory_space<vmem>>)
          %add3A_342 = arith.constant 8 : i32
          %add3A_343 = arith.addi %mul3A_176, %add3A_342 : i32
          %add3A_344 = arith.constant 6 : i32
          %add3A_345 = arith.addi %add3A_343, %add3A_344 : i32
          %dma_start3A_346 = arith.constant 0 : i32
          %dma_start3A_347 = tpu.memref_slice %arg13[%add3A_345, %dma_start3A_346] : memref<40x128xi32, #tpu.memory_space<vmem>> -> memref<1x128xi32, #tpu.memory_space<vmem>>
          %dma_start3A_348 = tpu.memref_squeeze %dma_start3A_347 : memref<1x128xi32, #tpu.memory_space<vmem>> -> memref<128xi32, #tpu.memory_space<vmem>>
          %dma_start3A_349 = arith.constant 0 : i32
          %dma_start3A_350 = arith.constant 0 : i32
          %dma_start3A_351 = tpu.memref_slice %arg10[%dma_start3A_349, %dma_start3A_350] : memref<10240x32xf32, #tpu.memory_space<vmem_shared>> -> memref<10240x32xf32, #tpu.memory_space<vmem_shared>>
          tpu.enqueue_indirect_dma source(%dma_start3A_351 : memref<10240x32xf32, #tpu.memory_space<vmem_shared>>) target(%arg21 : memref<128x32xf32, #tpu.memory_space<vmem>>) offsets(%dma_start3A_348 : memref<128xi32, #tpu.memory_space<vmem>>) semaphore(%arg32 : memref<!tpu.dma_semaphore, #tpu.memory_space<semaphore_mem>>)
        } else {
        }
        %lt3A_329 = arith.constant 4 : i32
        %lt3A_330 = arith.cmpi slt, %scan3A_173, %lt3A_329 : i32
        %convert_element_type3A_331 = arith.extui %lt3A_330 : i1 to i32
        %cond3A_332 = arith.constant 0 : i32
        %cond3A_333 = arith.cmpi ne, %convert_element_type3A_331, %cond3A_332 : i32
        scf.if %cond3A_333 {
          %dma_wait3A_335 = arith.constant 0 : i32
          %dma_wait3A_336 = arith.constant 0 : i32
          %dma_wait3A_337 = tpu.memref_slice %arg13[%dma_wait3A_335, %dma_wait3A_336] : memref<40x128xi32, #tpu.memory_space<vmem>> -> memref<1x128xi32, #tpu.memory_space<vmem>>
          %dma_wait3A_338 = tpu.memref_squeeze %dma_wait3A_337 : memref<1x128xi32, #tpu.memory_space<vmem>> -> memref<128xi32, #tpu.memory_space<vmem>>
          %dma_wait3A_339 = arith.constant 0 : i32
          %dma_wait3A_340 = arith.constant 0 : i32
          %dma_wait3A_341 = tpu.memref_slice %arg4[%dma_wait3A_339, %dma_wait3A_340] : memref<20480x32xf32, #tpu.memory_space<hbm>> -> memref<20480x32xf32, #tpu.memory_space<hbm>>
          tpu.wait_indirect_dma semaphore(%arg41 : memref<!tpu.dma_semaphore, #tpu.memory_space<semaphore_mem>>) src(%dma_wait3A_341 : memref<20480x32xf32, #tpu.memory_space<hbm>>) dst(%arg22 : memref<128x32xf32, #tpu.memory_space<vmem>>)
          %add3A_342 = arith.constant 8 : i32
          %add3A_343 = arith.addi %mul3A_176, %add3A_342 : i32
          %add3A_344 = arith.constant 7 : i32
          %add3A_345 = arith.addi %add3A_343, %add3A_344 : i32
          %dma_start3A_346 = arith.constant 0 : i32
          %dma_start3A_347 = tpu.memref_slice %arg13[%add3A_345, %dma_start3A_346] : memref<40x128xi32, #tpu.memory_space<vmem>> -> memref<1x128xi32, #tpu.memory_space<vmem>>
          %dma_start3A_348 = tpu.memref_squeeze %dma_start3A_347 : memref<1x128xi32, #tpu.memory_space<vmem>> -> memref<128xi32, #tpu.memory_space<vmem>>
          %dma_start3A_349 = arith.constant 0 : i32
          %dma_start3A_350 = arith.constant 0 : i32
          %dma_start3A_351 = tpu.memref_slice %arg10[%dma_start3A_349, %dma_start3A_350] : memref<10240x32xf32, #tpu.memory_space<vmem_shared>> -> memref<10240x32xf32, #tpu.memory_space<vmem_shared>>
          tpu.enqueue_indirect_dma source(%dma_start3A_351 : memref<10240x32xf32, #tpu.memory_space<vmem_shared>>) target(%arg22 : memref<128x32xf32, #tpu.memory_space<vmem>>) offsets(%dma_start3A_348 : memref<128xi32, #tpu.memory_space<vmem>>) semaphore(%arg33 : memref<!tpu.dma_semaphore, #tpu.memory_space<semaphore_mem>>)
        } else {
        }
        %scan3A_334 = arith.constant 0 : i32
        scf.yield %scan3A_334 : i32
      }
      %scan3A_116 = arith.constant 5 : i32
      %dma_wait3A = arith.constant 0 : i32
      %dma_wait3A_117 = arith.constant 0 : i32
      %dma_wait3A_118 = tpu.memref_slice %arg13[%dma_wait3A, %dma_wait3A_117] : memref<40x128xi32, #tpu.memory_space<vmem>> -> memref<1x128xi32, #tpu.memory_space<vmem>>
      %dma_wait3A_119 = tpu.memref_squeeze %dma_wait3A_118 : memref<1x128xi32, #tpu.memory_space<vmem>> -> memref<128xi32, #tpu.memory_space<vmem>>
      %dma_wait3A_120 = arith.constant 0 : i32
      %dma_wait3A_121 = arith.constant 0 : i32
      %dma_wait3A_122 = tpu.memref_slice %arg4[%dma_wait3A_120, %dma_wait3A_121] : memref<20480x32xf32, #tpu.memory_space<hbm>> -> memref<20480x32xf32, #tpu.memory_space<hbm>>
      tpu.wait_indirect_dma semaphore(%arg34 : memref<!tpu.dma_semaphore, #tpu.memory_space<semaphore_mem>>) src(%dma_wait3A_122 : memref<20480x32xf32, #tpu.memory_space<hbm>>) dst(%arg15 : memref<128x32xf32, #tpu.memory_space<vmem>>)
      %dma_wait3A_123 = arith.constant 0 : i32
      %dma_wait3A_124 = arith.constant 0 : i32
      %dma_wait3A_125 = tpu.memref_slice %arg13[%dma_wait3A_123, %dma_wait3A_124] : memref<40x128xi32, #tpu.memory_space<vmem>> -> memref<1x128xi32, #tpu.memory_space<vmem>>
      %dma_wait3A_126 = tpu.memref_squeeze %dma_wait3A_125 : memref<1x128xi32, #tpu.memory_space<vmem>> -> memref<128xi32, #tpu.memory_space<vmem>>
      %dma_wait3A_127 = arith.constant 0 : i32
      %dma_wait3A_128 = arith.constant 0 : i32
      %dma_wait3A_129 = tpu.memref_slice %arg4[%dma_wait3A_127, %dma_wait3A_128] : memref<20480x32xf32, #tpu.memory_space<hbm>> -> memref<20480x32xf32, #tpu.memory_space<hbm>>
      tpu.wait_indirect_dma semaphore(%arg35 : memref<!tpu.dma_semaphore, #tpu.memory_space<semaphore_mem>>) src(%dma_wait3A_129 : memref<20480x32xf32, #tpu.memory_space<hbm>>) dst(%arg16 : memref<128x32xf32, #tpu.memory_space<vmem>>)
      %dma_wait3A_130 = arith.constant 0 : i32
      %dma_wait3A_131 = arith.constant 0 : i32
      %dma_wait3A_132 = tpu.memref_slice %arg13[%dma_wait3A_130, %dma_wait3A_131] : memref<40x128xi32, #tpu.memory_space<vmem>> -> memref<1x128xi32, #tpu.memory_space<vmem>>
      %dma_wait3A_133 = tpu.memref_squeeze %dma_wait3A_132 : memref<1x128xi32, #tpu.memory_space<vmem>> -> memref<128xi32, #tpu.memory_space<vmem>>
      %dma_wait3A_134 = arith.constant 0 : i32
      %dma_wait3A_135 = arith.constant 0 : i32
      %dma_wait3A_136 = tpu.memref_slice %arg4[%dma_wait3A_134, %dma_wait3A_135] : memref<20480x32xf32, #tpu.memory_space<hbm>> -> memref<20480x32xf32, #tpu.memory_space<hbm>>
      tpu.wait_indirect_dma semaphore(%arg36 : memref<!tpu.dma_semaphore, #tpu.memory_space<semaphore_mem>>) src(%dma_wait3A_136 : memref<20480x32xf32, #tpu.memory_space<hbm>>) dst(%arg17 : memref<128x32xf32, #tpu.memory_space<vmem>>)
      %dma_wait3A_137 = arith.constant 0 : i32
      %dma_wait3A_138 = arith.constant 0 : i32
      %dma_wait3A_139 = tpu.memref_slice %arg13[%dma_wait3A_137, %dma_wait3A_138] : memref<40x128xi32, #tpu.memory_space<vmem>> -> memref<1x128xi32, #tpu.memory_space<vmem>>
      %dma_wait3A_140 = tpu.memref_squeeze %dma_wait3A_139 : memref<1x128xi32, #tpu.memory_space<vmem>> -> memref<128xi32, #tpu.memory_space<vmem>>
      %dma_wait3A_141 = arith.constant 0 : i32
      %dma_wait3A_142 = arith.constant 0 : i32
      %dma_wait3A_143 = tpu.memref_slice %arg4[%dma_wait3A_141, %dma_wait3A_142] : memref<20480x32xf32, #tpu.memory_space<hbm>> -> memref<20480x32xf32, #tpu.memory_space<hbm>>
      tpu.wait_indirect_dma semaphore(%arg37 : memref<!tpu.dma_semaphore, #tpu.memory_space<semaphore_mem>>) src(%dma_wait3A_143 : memref<20480x32xf32, #tpu.memory_space<hbm>>) dst(%arg18 : memref<128x32xf32, #tpu.memory_space<vmem>>)
      %dma_wait3A_144 = arith.constant 0 : i32
      %dma_wait3A_145 = arith.constant 0 : i32
      %dma_wait3A_146 = tpu.memref_slice %arg13[%dma_wait3A_144, %dma_wait3A_145] : memref<40x128xi32, #tpu.memory_space<vmem>> -> memref<1x128xi32, #tpu.memory_space<vmem>>
      %dma_wait3A_147 = tpu.memref_squeeze %dma_wait3A_146 : memref<1x128xi32, #tpu.memory_space<vmem>> -> memref<128xi32, #tpu.memory_space<vmem>>
      %dma_wait3A_148 = arith.constant 0 : i32
      %dma_wait3A_149 = arith.constant 0 : i32
      %dma_wait3A_150 = tpu.memref_slice %arg4[%dma_wait3A_148, %dma_wait3A_149] : memref<20480x32xf32, #tpu.memory_space<hbm>> -> memref<20480x32xf32, #tpu.memory_space<hbm>>
      tpu.wait_indirect_dma semaphore(%arg38 : memref<!tpu.dma_semaphore, #tpu.memory_space<semaphore_mem>>) src(%dma_wait3A_150 : memref<20480x32xf32, #tpu.memory_space<hbm>>) dst(%arg19 : memref<128x32xf32, #tpu.memory_space<vmem>>)
      %dma_wait3A_151 = arith.constant 0 : i32
      %dma_wait3A_152 = arith.constant 0 : i32
      %dma_wait3A_153 = tpu.memref_slice %arg13[%dma_wait3A_151, %dma_wait3A_152] : memref<40x128xi32, #tpu.memory_space<vmem>> -> memref<1x128xi32, #tpu.memory_space<vmem>>
      %dma_wait3A_154 = tpu.memref_squeeze %dma_wait3A_153 : memref<1x128xi32, #tpu.memory_space<vmem>> -> memref<128xi32, #tpu.memory_space<vmem>>
      %dma_wait3A_155 = arith.constant 0 : i32
      %dma_wait3A_156 = arith.constant 0 : i32
      %dma_wait3A_157 = tpu.memref_slice %arg4[%dma_wait3A_155, %dma_wait3A_156] : memref<20480x32xf32, #tpu.memory_space<hbm>> -> memref<20480x32xf32, #tpu.memory_space<hbm>>
      tpu.wait_indirect_dma semaphore(%arg39 : memref<!tpu.dma_semaphore, #tpu.memory_space<semaphore_mem>>) src(%dma_wait3A_157 : memref<20480x32xf32, #tpu.memory_space<hbm>>) dst(%arg20 : memref<128x32xf32, #tpu.memory_space<vmem>>)
      %dma_wait3A_158 = arith.constant 0 : i32
      %dma_wait3A_159 = arith.constant 0 : i32
      %dma_wait3A_160 = tpu.memref_slice %arg13[%dma_wait3A_158, %dma_wait3A_159] : memref<40x128xi32, #tpu.memory_space<vmem>> -> memref<1x128xi32, #tpu.memory_space<vmem>>
      %dma_wait3A_161 = tpu.memref_squeeze %dma_wait3A_160 : memref<1x128xi32, #tpu.memory_space<vmem>> -> memref<128xi32, #tpu.memory_space<vmem>>
      %dma_wait3A_162 = arith.constant 0 : i32
      %dma_wait3A_163 = arith.constant 0 : i32
      %dma_wait3A_164 = tpu.memref_slice %arg4[%dma_wait3A_162, %dma_wait3A_163] : memref<20480x32xf32, #tpu.memory_space<hbm>> -> memref<20480x32xf32, #tpu.memory_space<hbm>>
      tpu.wait_indirect_dma semaphore(%arg40 : memref<!tpu.dma_semaphore, #tpu.memory_space<semaphore_mem>>) src(%dma_wait3A_164 : memref<20480x32xf32, #tpu.memory_space<hbm>>) dst(%arg21 : memref<128x32xf32, #tpu.memory_space<vmem>>)
      %dma_wait3A_165 = arith.constant 0 : i32
      %dma_wait3A_166 = arith.constant 0 : i32
      %dma_wait3A_167 = tpu.memref_slice %arg13[%dma_wait3A_165, %dma_wait3A_166] : memref<40x128xi32, #tpu.memory_space<vmem>> -> memref<1x128xi32, #tpu.memory_space<vmem>>
      %dma_wait3A_168 = tpu.memref_squeeze %dma_wait3A_167 : memref<1x128xi32, #tpu.memory_space<vmem>> -> memref<128xi32, #tpu.memory_space<vmem>>
      %dma_wait3A_169 = arith.constant 0 : i32
      %dma_wait3A_170 = arith.constant 0 : i32
      %dma_wait3A_171 = tpu.memref_slice %arg4[%dma_wait3A_169, %dma_wait3A_170] : memref<20480x32xf32, #tpu.memory_space<hbm>> -> memref<20480x32xf32, #tpu.memory_space<hbm>>
      tpu.wait_indirect_dma semaphore(%arg41 : memref<!tpu.dma_semaphore, #tpu.memory_space<semaphore_mem>>) src(%dma_wait3A_171 : memref<20480x32xf32, #tpu.memory_space<hbm>>) dst(%arg22 : memref<128x32xf32, #tpu.memory_space<vmem>>)
      %scan3A_172 = arith.constant 0 : i32
      scf.yield %scan3A_172 : i32
    }
    %scan3A_23 = arith.constant 4 : i32
    %barrier3A_24 = arith.constant 0 : index
    tpu.barrier barrier_id(%barrier3A_24)
    %scan3A_25 = arith.constant 0 : i32
    %scan3A_26 = arith.constant 0 : i32
    %scan3A_27 = arith.constant 4 : i32
    %scan3A_28 = arith.addi %scan3A_26, %scan3A_27 : i32
    %scan3A_29 = arith.constant 1 : i32
    %scan3A_30 = scf.for %scan3A_48 = %scan3A_26 to %scan3A_28 step %scan3A_29 iter_args(%scan3A_49 = %scan3A_25) -> (i32)  : i32 {
      %mul3A_50 = arith.constant 640 : i32
      %mul3A_51 = arith.muli %arg1, %mul3A_50 : i32
      %mul3A_52 = arith.constant 160 : i32
      %mul3A_53 = arith.muli %scan3A_48, %mul3A_52 : i32
      %add3A = arith.addi %mul3A_51, %mul3A_53 : i32
      "tpu.region"() ({
        %run_scoped3A = tpu.sem_alloc : memref<!tpu.dma_semaphore, #tpu.memory_space<semaphore_mem>>
        %dma_start3A = arith.constant 0 : i32
        %dma_start3A_62 = tpu.memref_slice %arg11[%add3A, %dma_start3A] : memref<10240x32xf32, #tpu.memory_space<vmem_shared>> -> memref<160x32xf32, #tpu.memory_space<vmem_shared>>
        %dma_start3A_63 = arith.constant 0 : i32
        %dma_start3A_64 = tpu.memref_slice %arg11[%add3A, %dma_start3A_63] : memref<10240x32xf32, #tpu.memory_space<vmem_shared>> -> memref<160x32xf32, #tpu.memory_space<vmem_shared>>
        tpu.enqueue_dma source(%dma_start3A_64 : memref<160x32xf32, #tpu.memory_space<vmem_shared>>) target(%arg23 : memref<160x32xf32, #tpu.memory_space<vmem>>) target_semaphore(%run_scoped3A : memref<!tpu.dma_semaphore, #tpu.memory_space<semaphore_mem>>)
        %dma_wait3A = arith.constant 0 : i32
        %dma_wait3A_65 = tpu.memref_slice %arg11[%add3A, %dma_wait3A] : memref<10240x32xf32, #tpu.memory_space<vmem_shared>> -> memref<160x32xf32, #tpu.memory_space<vmem_shared>>
        %dma_wait3A_66 = arith.constant 0 : i32
        %dma_wait3A_67 = tpu.memref_slice %arg11[%add3A, %dma_wait3A_66] : memref<10240x32xf32, #tpu.memory_space<vmem_shared>> -> memref<160x32xf32, #tpu.memory_space<vmem_shared>>
        tpu.wait_dma2 semaphore(%run_scoped3A : memref<!tpu.dma_semaphore, #tpu.memory_space<semaphore_mem>>) src(%dma_wait3A_67 : memref<160x32xf32, #tpu.memory_space<vmem_shared>>) dst(%arg23 : memref<160x32xf32, #tpu.memory_space<vmem>>)
        tpu.yield
      }) : () -> ()
      "tpu.region"() ({
        %run_scoped3A = tpu.sem_alloc : memref<!tpu.dma_semaphore, #tpu.memory_space<semaphore_mem>>
        %dma_start3A = arith.constant 0 : i32
        %dma_start3A_62 = tpu.memref_slice %arg5[%arg0, %add3A, %dma_start3A] : memref<2x10240x32xf32, #tpu.memory_space<hbm>> -> memref<1x160x32xf32, #tpu.memory_space<hbm>>
        %dma_start3A_63 = tpu.memref_squeeze %dma_start3A_62 : memref<1x160x32xf32, #tpu.memory_space<hbm>> -> memref<160x32xf32, #tpu.memory_space<hbm>>
        %dma_start3A_64 = arith.constant 0 : i32
        %dma_start3A_65 = tpu.memref_slice %arg5[%arg0, %add3A, %dma_start3A_64] : memref<2x10240x32xf32, #tpu.memory_space<hbm>> -> memref<1x160x32xf32, #tpu.memory_space<hbm>>
        %dma_start3A_66 = tpu.memref_squeeze %dma_start3A_65 : memref<1x160x32xf32, #tpu.memory_space<hbm>> -> memref<160x32xf32, #tpu.memory_space<hbm>>
        tpu.enqueue_dma source(%dma_start3A_66 : memref<160x32xf32, #tpu.memory_space<hbm>>) target(%arg24 : memref<160x32xf32, #tpu.memory_space<vmem>>) target_semaphore(%run_scoped3A : memref<!tpu.dma_semaphore, #tpu.memory_space<semaphore_mem>>)
        %dma_wait3A = arith.constant 0 : i32
        %dma_wait3A_67 = tpu.memref_slice %arg5[%arg0, %add3A, %dma_wait3A] : memref<2x10240x32xf32, #tpu.memory_space<hbm>> -> memref<1x160x32xf32, #tpu.memory_space<hbm>>
        %dma_wait3A_68 = tpu.memref_squeeze %dma_wait3A_67 : memref<1x160x32xf32, #tpu.memory_space<hbm>> -> memref<160x32xf32, #tpu.memory_space<hbm>>
        %dma_wait3A_69 = arith.constant 0 : i32
        %dma_wait3A_70 = tpu.memref_slice %arg5[%arg0, %add3A, %dma_wait3A_69] : memref<2x10240x32xf32, #tpu.memory_space<hbm>> -> memref<1x160x32xf32, #tpu.memory_space<hbm>>
        %dma_wait3A_71 = tpu.memref_squeeze %dma_wait3A_70 : memref<1x160x32xf32, #tpu.memory_space<hbm>> -> memref<160x32xf32, #tpu.memory_space<hbm>>
        tpu.wait_dma2 semaphore(%run_scoped3A : memref<!tpu.dma_semaphore, #tpu.memory_space<semaphore_mem>>) src(%dma_wait3A_71 : memref<160x32xf32, #tpu.memory_space<hbm>>) dst(%arg24 : memref<160x32xf32, #tpu.memory_space<vmem>>)
        tpu.yield
      }) : () -> ()
      "tpu.region"() ({
        %run_scoped3A = tpu.sem_alloc : memref<!tpu.dma_semaphore, #tpu.memory_space<semaphore_mem>>
        %dma_start3A = arith.constant 0 : i32
        %dma_start3A_62 = tpu.memref_slice %arg7[%add3A, %dma_start3A] : memref<10240x32xf32, #tpu.memory_space<hbm>> -> memref<160x32xf32, #tpu.memory_space<hbm>>
        %dma_start3A_63 = arith.constant 0 : i32
        %dma_start3A_64 = tpu.memref_slice %arg7[%add3A, %dma_start3A_63] : memref<10240x32xf32, #tpu.memory_space<hbm>> -> memref<160x32xf32, #tpu.memory_space<hbm>>
        tpu.enqueue_dma source(%dma_start3A_64 : memref<160x32xf32, #tpu.memory_space<hbm>>) target(%arg25 : memref<160x32xf32, #tpu.memory_space<vmem>>) target_semaphore(%run_scoped3A : memref<!tpu.dma_semaphore, #tpu.memory_space<semaphore_mem>>)
        %dma_wait3A = arith.constant 0 : i32
        %dma_wait3A_65 = tpu.memref_slice %arg7[%add3A, %dma_wait3A] : memref<10240x32xf32, #tpu.memory_space<hbm>> -> memref<160x32xf32, #tpu.memory_space<hbm>>
        %dma_wait3A_66 = arith.constant 0 : i32
        %dma_wait3A_67 = tpu.memref_slice %arg7[%add3A, %dma_wait3A_66] : memref<10240x32xf32, #tpu.memory_space<hbm>> -> memref<160x32xf32, #tpu.memory_space<hbm>>
        tpu.wait_dma2 semaphore(%run_scoped3A : memref<!tpu.dma_semaphore, #tpu.memory_space<semaphore_mem>>) src(%dma_wait3A_67 : memref<160x32xf32, #tpu.memory_space<hbm>>) dst(%arg25 : memref<160x32xf32, #tpu.memory_space<vmem>>)
        tpu.yield
      }) : () -> ()
      %scan3A_54 = arith.constant 0 : i32
      %scan3A_55 = arith.constant 0 : i32
      %scan3A_56 = arith.constant 160 : i32
      %scan3A_57 = arith.addi %scan3A_55, %scan3A_56 : i32
      %scan3A_58 = arith.constant 1 : i32
      %scan3A_59 = scf.for %scan3A_62 = %scan3A_55 to %scan3A_57 step %scan3A_58 iter_args(%scan3A_63 = %scan3A_54) -> (i32)  : i32 {
        %get3A = arith.index_cast %scan3A_62 : i32 to index
        %get3A_64 = arith.constant 0 : index
        %get3A_65 = tpu.vector_load %arg24[%get3A, %get3A_64] {strides = array<i32>} : memref<160x32xf32, #tpu.memory_space<vmem>>, vector<1x16xf32>,
        %get3A_66 = vector.shape_cast %get3A_65 : vector<1x16xf32> to vector<16xf32>
        %get3A_67 = arith.index_cast %scan3A_62 : i32 to index
        %get3A_68 = arith.constant 0 : index
        %get3A_69 = tpu.vector_load %arg25[%get3A_67, %get3A_68] {strides = array<i32>} : memref<160x32xf32, #tpu.memory_space<vmem>>, vector<1x16xf32>,
        %get3A_70 = vector.shape_cast %get3A_69 : vector<1x16xf32> to vector<16xf32>
        %get3A_71 = arith.index_cast %scan3A_62 : i32 to index
        %get3A_72 = arith.constant 0 : index
        %get3A_73 = tpu.vector_load %arg23[%get3A_71, %get3A_72] {strides = array<i32>} : memref<160x32xf32, #tpu.memory_space<vmem>>, vector<1x16xf32>,
        %get3A_74 = vector.shape_cast %get3A_73 : vector<1x16xf32> to vector<16xf32>
        %mul3A_75 = arith.mulf %get3A_70, %get3A_74 : vector<16xf32>
        %add3A_76 = arith.addf %get3A_66, %mul3A_75 : vector<16xf32>
        %swap3A = arith.index_cast %scan3A_62 : i32 to index
        %swap3A_77 = arith.constant 0 : index
        %swap3A_78 = tpu.vector_load %arg24[%swap3A, %swap3A_77] {strides = array<i32>} : memref<160x32xf32, #tpu.memory_space<vmem>>, vector<1x16xf32>,
        %swap3A_79 = vector.shape_cast %swap3A_78 : vector<1x16xf32> to vector<16xf32>
        %swap3A_80 = vector.shape_cast %add3A_76 : vector<16xf32> to vector<1x16xf32>
        tpu.vector_store %arg24[%swap3A, %swap3A_77], %swap3A_80 {strides = array<i32>} : memref<160x32xf32, #tpu.memory_space<vmem>>, vector<1x16xf32>,
        %get3A_81 = arith.index_cast %scan3A_62 : i32 to index
        %get3A_82 = arith.constant 16 : index
        %get3A_83 = tpu.vector_load %arg24[%get3A_81, %get3A_82] {strides = array<i32>} : memref<160x32xf32, #tpu.memory_space<vmem>>, vector<1x16xf32>,
        %get3A_84 = vector.shape_cast %get3A_83 : vector<1x16xf32> to vector<16xf32>
        %get3A_85 = arith.index_cast %scan3A_62 : i32 to index
        %get3A_86 = arith.constant 16 : index
        %get3A_87 = tpu.vector_load %arg25[%get3A_85, %get3A_86] {strides = array<i32>} : memref<160x32xf32, #tpu.memory_space<vmem>>, vector<1x16xf32>,
        %get3A_88 = vector.shape_cast %get3A_87 : vector<1x16xf32> to vector<16xf32>
        %get3A_89 = arith.index_cast %scan3A_62 : i32 to index
        %get3A_90 = arith.constant 16 : index
        %get3A_91 = tpu.vector_load %arg23[%get3A_89, %get3A_90] {strides = array<i32>} : memref<160x32xf32, #tpu.memory_space<vmem>>, vector<1x16xf32>,
        %get3A_92 = vector.shape_cast %get3A_91 : vector<1x16xf32> to vector<16xf32>
        %mul3A_93 = arith.mulf %get3A_88, %get3A_92 : vector<16xf32>
        %add3A_94 = arith.addf %get3A_84, %mul3A_93 : vector<16xf32>
        %swap3A_95 = arith.index_cast %scan3A_62 : i32 to index
        %swap3A_96 = arith.constant 16 : index
        %swap3A_97 = tpu.vector_load %arg24[%swap3A_95, %swap3A_96] {strides = array<i32>} : memref<160x32xf32, #tpu.memory_space<vmem>>, vector<1x16xf32>,
        %swap3A_98 = vector.shape_cast %swap3A_97 : vector<1x16xf32> to vector<16xf32>
        %swap3A_99 = vector.shape_cast %add3A_94 : vector<16xf32> to vector<1x16xf32>
        tpu.vector_store %arg24[%swap3A_95, %swap3A_96], %swap3A_99 {strides = array<i32>} : memref<160x32xf32, #tpu.memory_space<vmem>>, vector<1x16xf32>,
        %scan3A_100 = arith.constant 0 : i32
        scf.yield %scan3A_100 : i32
      }
      %scan3A_60 = arith.constant 160 : i32
      "tpu.region"() ({
        %run_scoped3A = tpu.sem_alloc : memref<!tpu.dma_semaphore, #tpu.memory_space<semaphore_mem>>
        %dma_start3A = arith.constant 0 : i32
        %dma_start3A_62 = tpu.memref_slice %arg11[%add3A, %dma_start3A] : memref<10240x32xf32, #tpu.memory_space<vmem_shared>> -> memref<160x32xf32, #tpu.memory_space<vmem_shared>>
        %dma_start3A_63 = arith.constant 0 : i32
        %dma_start3A_64 = tpu.memref_slice %arg11[%add3A, %dma_start3A_63] : memref<10240x32xf32, #tpu.memory_space<vmem_shared>> -> memref<160x32xf32, #tpu.memory_space<vmem_shared>>
        tpu.enqueue_dma source(%arg24 : memref<160x32xf32, #tpu.memory_space<vmem>>) target(%dma_start3A_64 : memref<160x32xf32, #tpu.memory_space<vmem_shared>>) target_semaphore(%run_scoped3A : memref<!tpu.dma_semaphore, #tpu.memory_space<semaphore_mem>>)
        %dma_wait3A = arith.constant 0 : i32
        %dma_wait3A_65 = tpu.memref_slice %arg11[%add3A, %dma_wait3A] : memref<10240x32xf32, #tpu.memory_space<vmem_shared>> -> memref<160x32xf32, #tpu.memory_space<vmem_shared>>
        %dma_wait3A_66 = arith.constant 0 : i32
        %dma_wait3A_67 = tpu.memref_slice %arg11[%add3A, %dma_wait3A_66] : memref<10240x32xf32, #tpu.memory_space<vmem_shared>> -> memref<160x32xf32, #tpu.memory_space<vmem_shared>>
        tpu.wait_dma2 semaphore(%run_scoped3A : memref<!tpu.dma_semaphore, #tpu.memory_space<semaphore_mem>>) src(%arg24 : memref<160x32xf32, #tpu.memory_space<vmem>>) dst(%dma_wait3A_67 : memref<160x32xf32, #tpu.memory_space<vmem_shared>>)
        tpu.yield
      }) : () -> ()
      %scan3A_61 = arith.constant 0 : i32
      scf.yield %scan3A_61 : i32
    }
    %scan3A_31 = arith.constant 4 : i32
    %barrier3A_32 = arith.constant 0 : index
    tpu.barrier barrier_id(%barrier3A_32)
    %scan3A_33 = arith.constant 0 : i32
    %scan3A_34 = arith.constant 0 : i32
    %scan3A_35 = arith.constant 4 : i32
    %scan3A_36 = arith.addi %scan3A_34, %scan3A_35 : i32
    %scan3A_37 = arith.constant 1 : i32
    %scan3A_38 = scf.for %scan3A_48 = %scan3A_34 to %scan3A_36 step %scan3A_37 iter_args(%scan3A_49 = %scan3A_33) -> (i32)  : i32 {
      %mul3A_50 = arith.constant 40 : i32
      %mul3A_51 = arith.muli %scan3A_48, %mul3A_50 : i32
      %add3A = arith.addi %mul3A_1, %mul3A_51 : i32
      "tpu.region"() ({
        %run_scoped3A = tpu.sem_alloc : memref<!tpu.dma_semaphore, #tpu.memory_space<semaphore_mem>>
        %dma_start3A_173 = arith.constant 0 : i32
        %dma_start3A_174 = tpu.memref_slice %arg2[%add3A, %dma_start3A_173] : memref<2560x128xi32, #tpu.memory_space<hbm>> -> memref<40x128xi32, #tpu.memory_space<hbm>>
        %dma_start3A_175 = arith.constant 0 : i32
        %dma_start3A_176 = tpu.memref_slice %arg2[%add3A, %dma_start3A_175] : memref<2560x128xi32, #tpu.memory_space<hbm>> -> memref<40x128xi32, #tpu.memory_space<hbm>>
        tpu.enqueue_dma source(%dma_start3A_176 : memref<40x128xi32, #tpu.memory_space<hbm>>) target(%arg13 : memref<40x128xi32, #tpu.memory_space<vmem>>) target_semaphore(%run_scoped3A : memref<!tpu.dma_semaphore, #tpu.memory_space<semaphore_mem>>)
        %dma_wait3A_177 = arith.constant 0 : i32
        %dma_wait3A_178 = tpu.memref_slice %arg2[%add3A, %dma_wait3A_177] : memref<2560x128xi32, #tpu.memory_space<hbm>> -> memref<40x128xi32, #tpu.memory_space<hbm>>
        %dma_wait3A_179 = arith.constant 0 : i32
        %dma_wait3A_180 = tpu.memref_slice %arg2[%add3A, %dma_wait3A_179] : memref<2560x128xi32, #tpu.memory_space<hbm>> -> memref<40x128xi32, #tpu.memory_space<hbm>>
        tpu.wait_dma2 semaphore(%run_scoped3A : memref<!tpu.dma_semaphore, #tpu.memory_space<semaphore_mem>>) src(%dma_wait3A_180 : memref<40x128xi32, #tpu.memory_space<hbm>>) dst(%arg13 : memref<40x128xi32, #tpu.memory_space<vmem>>)
        tpu.yield
      }) : () -> ()
      %mul3A_52 = arith.constant 40 : i32
      %mul3A_53 = arith.muli %scan3A_48, %mul3A_52 : i32
      %add3A_54 = arith.addi %mul3A_1, %mul3A_53 : i32
      "tpu.region"() ({
        %run_scoped3A = tpu.sem_alloc : memref<!tpu.dma_semaphore, #tpu.memory_space<semaphore_mem>>
        %dma_start3A_173 = arith.constant 0 : i32
        %dma_start3A_174 = tpu.memref_slice %arg3[%add3A_54, %dma_start3A_173] : memref<2560x128xi32, #tpu.memory_space<hbm>> -> memref<40x128xi32, #tpu.memory_space<hbm>>
        %dma_start3A_175 = arith.constant 0 : i32
        %dma_start3A_176 = tpu.memref_slice %arg3[%add3A_54, %dma_start3A_175] : memref<2560x128xi32, #tpu.memory_space<hbm>> -> memref<40x128xi32, #tpu.memory_space<hbm>>
        tpu.enqueue_dma source(%dma_start3A_176 : memref<40x128xi32, #tpu.memory_space<hbm>>) target(%arg14 : memref<40x128xi32, #tpu.memory_space<vmem>>) target_semaphore(%run_scoped3A : memref<!tpu.dma_semaphore, #tpu.memory_space<semaphore_mem>>)
        %dma_wait3A_177 = arith.constant 0 : i32
        %dma_wait3A_178 = tpu.memref_slice %arg3[%add3A_54, %dma_wait3A_177] : memref<2560x128xi32, #tpu.memory_space<hbm>> -> memref<40x128xi32, #tpu.memory_space<hbm>>
        %dma_wait3A_179 = arith.constant 0 : i32
        %dma_wait3A_180 = tpu.memref_slice %arg3[%add3A_54, %dma_wait3A_179] : memref<2560x128xi32, #tpu.memory_space<hbm>> -> memref<40x128xi32, #tpu.memory_space<hbm>>
        tpu.wait_dma2 semaphore(%run_scoped3A : memref<!tpu.dma_semaphore, #tpu.memory_space<semaphore_mem>>) src(%dma_wait3A_180 : memref<40x128xi32, #tpu.memory_space<hbm>>) dst(%arg14 : memref<40x128xi32, #tpu.memory_space<vmem>>)
        tpu.yield
      }) : () -> ()
      %dma_start3A = arith.constant 0 : i32
      %dma_start3A_55 = arith.constant 0 : i32
      %dma_start3A_56 = tpu.memref_slice %arg13[%dma_start3A, %dma_start3A_55] : memref<40x128xi32, #tpu.memory_space<vmem>> -> memref<1x128xi32, #tpu.memory_space<vmem>>
      %dma_start3A_57 = tpu.memref_squeeze %dma_start3A_56 : memref<1x128xi32, #tpu.memory_space<vmem>> -> memref<128xi32, #tpu.memory_space<vmem>>
      %dma_start3A_58 = arith.constant 0 : i32
      %dma_start3A_59 = arith.constant 0 : i32
      %dma_start3A_60 = tpu.memref_slice %arg11[%dma_start3A_58, %dma_start3A_59] : memref<10240x32xf32, #tpu.memory_space<vmem_shared>> -> memref<10240x32xf32, #tpu.memory_space<vmem_shared>>
      tpu.enqueue_indirect_dma source(%dma_start3A_60 : memref<10240x32xf32, #tpu.memory_space<vmem_shared>>) target(%arg15 : memref<128x32xf32, #tpu.memory_space<vmem>>) offsets(%dma_start3A_57 : memref<128xi32, #tpu.memory_space<vmem>>) semaphore(%arg26 : memref<!tpu.dma_semaphore, #tpu.memory_space<semaphore_mem>>)
      %dma_start3A_61 = arith.constant 1 : i32
      %dma_start3A_62 = arith.constant 0 : i32
      %dma_start3A_63 = tpu.memref_slice %arg13[%dma_start3A_61, %dma_start3A_62] : memref<40x128xi32, #tpu.memory_space<vmem>> -> memref<1x128xi32, #tpu.memory_space<vmem>>
      %dma_start3A_64 = tpu.memref_squeeze %dma_start3A_63 : memref<1x128xi32, #tpu.memory_space<vmem>> -> memref<128xi32, #tpu.memory_space<vmem>>
      %dma_start3A_65 = arith.constant 0 : i32
      %dma_start3A_66 = arith.constant 0 : i32
      %dma_start3A_67 = tpu.memref_slice %arg11[%dma_start3A_65, %dma_start3A_66] : memref<10240x32xf32, #tpu.memory_space<vmem_shared>> -> memref<10240x32xf32, #tpu.memory_space<vmem_shared>>
      tpu.enqueue_indirect_dma source(%dma_start3A_67 : memref<10240x32xf32, #tpu.memory_space<vmem_shared>>) target(%arg16 : memref<128x32xf32, #tpu.memory_space<vmem>>) offsets(%dma_start3A_64 : memref<128xi32, #tpu.memory_space<vmem>>) semaphore(%arg27 : memref<!tpu.dma_semaphore, #tpu.memory_space<semaphore_mem>>)
      %dma_start3A_68 = arith.constant 2 : i32
      %dma_start3A_69 = arith.constant 0 : i32
      %dma_start3A_70 = tpu.memref_slice %arg13[%dma_start3A_68, %dma_start3A_69] : memref<40x128xi32, #tpu.memory_space<vmem>> -> memref<1x128xi32, #tpu.memory_space<vmem>>
      %dma_start3A_71 = tpu.memref_squeeze %dma_start3A_70 : memref<1x128xi32, #tpu.memory_space<vmem>> -> memref<128xi32, #tpu.memory_space<vmem>>
      %dma_start3A_72 = arith.constant 0 : i32
      %dma_start3A_73 = arith.constant 0 : i32
      %dma_start3A_74 = tpu.memref_slice %arg11[%dma_start3A_72, %dma_start3A_73] : memref<10240x32xf32, #tpu.memory_space<vmem_shared>> -> memref<10240x32xf32, #tpu.memory_space<vmem_shared>>
      tpu.enqueue_indirect_dma source(%dma_start3A_74 : memref<10240x32xf32, #tpu.memory_space<vmem_shared>>) target(%arg17 : memref<128x32xf32, #tpu.memory_space<vmem>>) offsets(%dma_start3A_71 : memref<128xi32, #tpu.memory_space<vmem>>) semaphore(%arg28 : memref<!tpu.dma_semaphore, #tpu.memory_space<semaphore_mem>>)
      %dma_start3A_75 = arith.constant 3 : i32
      %dma_start3A_76 = arith.constant 0 : i32
      %dma_start3A_77 = tpu.memref_slice %arg13[%dma_start3A_75, %dma_start3A_76] : memref<40x128xi32, #tpu.memory_space<vmem>> -> memref<1x128xi32, #tpu.memory_space<vmem>>
      %dma_start3A_78 = tpu.memref_squeeze %dma_start3A_77 : memref<1x128xi32, #tpu.memory_space<vmem>> -> memref<128xi32, #tpu.memory_space<vmem>>
      %dma_start3A_79 = arith.constant 0 : i32
      %dma_start3A_80 = arith.constant 0 : i32
      %dma_start3A_81 = tpu.memref_slice %arg11[%dma_start3A_79, %dma_start3A_80] : memref<10240x32xf32, #tpu.memory_space<vmem_shared>> -> memref<10240x32xf32, #tpu.memory_space<vmem_shared>>
      tpu.enqueue_indirect_dma source(%dma_start3A_81 : memref<10240x32xf32, #tpu.memory_space<vmem_shared>>) target(%arg18 : memref<128x32xf32, #tpu.memory_space<vmem>>) offsets(%dma_start3A_78 : memref<128xi32, #tpu.memory_space<vmem>>) semaphore(%arg29 : memref<!tpu.dma_semaphore, #tpu.memory_space<semaphore_mem>>)
      %dma_start3A_82 = arith.constant 4 : i32
      %dma_start3A_83 = arith.constant 0 : i32
      %dma_start3A_84 = tpu.memref_slice %arg13[%dma_start3A_82, %dma_start3A_83] : memref<40x128xi32, #tpu.memory_space<vmem>> -> memref<1x128xi32, #tpu.memory_space<vmem>>
      %dma_start3A_85 = tpu.memref_squeeze %dma_start3A_84 : memref<1x128xi32, #tpu.memory_space<vmem>> -> memref<128xi32, #tpu.memory_space<vmem>>
      %dma_start3A_86 = arith.constant 0 : i32
      %dma_start3A_87 = arith.constant 0 : i32
      %dma_start3A_88 = tpu.memref_slice %arg11[%dma_start3A_86, %dma_start3A_87] : memref<10240x32xf32, #tpu.memory_space<vmem_shared>> -> memref<10240x32xf32, #tpu.memory_space<vmem_shared>>
      tpu.enqueue_indirect_dma source(%dma_start3A_88 : memref<10240x32xf32, #tpu.memory_space<vmem_shared>>) target(%arg19 : memref<128x32xf32, #tpu.memory_space<vmem>>) offsets(%dma_start3A_85 : memref<128xi32, #tpu.memory_space<vmem>>) semaphore(%arg30 : memref<!tpu.dma_semaphore, #tpu.memory_space<semaphore_mem>>)
      %dma_start3A_89 = arith.constant 5 : i32
      %dma_start3A_90 = arith.constant 0 : i32
      %dma_start3A_91 = tpu.memref_slice %arg13[%dma_start3A_89, %dma_start3A_90] : memref<40x128xi32, #tpu.memory_space<vmem>> -> memref<1x128xi32, #tpu.memory_space<vmem>>
      %dma_start3A_92 = tpu.memref_squeeze %dma_start3A_91 : memref<1x128xi32, #tpu.memory_space<vmem>> -> memref<128xi32, #tpu.memory_space<vmem>>
      %dma_start3A_93 = arith.constant 0 : i32
      %dma_start3A_94 = arith.constant 0 : i32
      %dma_start3A_95 = tpu.memref_slice %arg11[%dma_start3A_93, %dma_start3A_94] : memref<10240x32xf32, #tpu.memory_space<vmem_shared>> -> memref<10240x32xf32, #tpu.memory_space<vmem_shared>>
      tpu.enqueue_indirect_dma source(%dma_start3A_95 : memref<10240x32xf32, #tpu.memory_space<vmem_shared>>) target(%arg20 : memref<128x32xf32, #tpu.memory_space<vmem>>) offsets(%dma_start3A_92 : memref<128xi32, #tpu.memory_space<vmem>>) semaphore(%arg31 : memref<!tpu.dma_semaphore, #tpu.memory_space<semaphore_mem>>)
      %dma_start3A_96 = arith.constant 6 : i32
      %dma_start3A_97 = arith.constant 0 : i32
      %dma_start3A_98 = tpu.memref_slice %arg13[%dma_start3A_96, %dma_start3A_97] : memref<40x128xi32, #tpu.memory_space<vmem>> -> memref<1x128xi32, #tpu.memory_space<vmem>>
      %dma_start3A_99 = tpu.memref_squeeze %dma_start3A_98 : memref<1x128xi32, #tpu.memory_space<vmem>> -> memref<128xi32, #tpu.memory_space<vmem>>
      %dma_start3A_100 = arith.constant 0 : i32
      %dma_start3A_101 = arith.constant 0 : i32
      %dma_start3A_102 = tpu.memref_slice %arg11[%dma_start3A_100, %dma_start3A_101] : memref<10240x32xf32, #tpu.memory_space<vmem_shared>> -> memref<10240x32xf32, #tpu.memory_space<vmem_shared>>
      tpu.enqueue_indirect_dma source(%dma_start3A_102 : memref<10240x32xf32, #tpu.memory_space<vmem_shared>>) target(%arg21 : memref<128x32xf32, #tpu.memory_space<vmem>>) offsets(%dma_start3A_99 : memref<128xi32, #tpu.memory_space<vmem>>) semaphore(%arg32 : memref<!tpu.dma_semaphore, #tpu.memory_space<semaphore_mem>>)
      %dma_start3A_103 = arith.constant 7 : i32
      %dma_start3A_104 = arith.constant 0 : i32
      %dma_start3A_105 = tpu.memref_slice %arg13[%dma_start3A_103, %dma_start3A_104] : memref<40x128xi32, #tpu.memory_space<vmem>> -> memref<1x128xi32, #tpu.memory_space<vmem>>
      %dma_start3A_106 = tpu.memref_squeeze %dma_start3A_105 : memref<1x128xi32, #tpu.memory_space<vmem>> -> memref<128xi32, #tpu.memory_space<vmem>>
      %dma_start3A_107 = arith.constant 0 : i32
      %dma_start3A_108 = arith.constant 0 : i32
      %dma_start3A_109 = tpu.memref_slice %arg11[%dma_start3A_107, %dma_start3A_108] : memref<10240x32xf32, #tpu.memory_space<vmem_shared>> -> memref<10240x32xf32, #tpu.memory_space<vmem_shared>>
      tpu.enqueue_indirect_dma source(%dma_start3A_109 : memref<10240x32xf32, #tpu.memory_space<vmem_shared>>) target(%arg22 : memref<128x32xf32, #tpu.memory_space<vmem>>) offsets(%dma_start3A_106 : memref<128xi32, #tpu.memory_space<vmem>>) semaphore(%arg33 : memref<!tpu.dma_semaphore, #tpu.memory_space<semaphore_mem>>)
      %scan3A_110 = arith.constant 0 : i32
      %scan3A_111 = arith.constant 0 : i32
      %scan3A_112 = arith.constant 5 : i32
      %scan3A_113 = arith.addi %scan3A_111, %scan3A_112 : i32
      %scan3A_114 = arith.constant 1 : i32
      %scan3A_115 = scf.for %scan3A_173 = %scan3A_111 to %scan3A_113 step %scan3A_114 iter_args(%scan3A_174 = %scan3A_110) -> (i32)  : i32 {
        %mul3A_175 = arith.constant 8 : i32
        %mul3A_176 = arith.muli %scan3A_173, %mul3A_175 : i32
        %dma_wait3A_177 = arith.constant 0 : i32
        %dma_wait3A_178 = arith.constant 0 : i32
        %dma_wait3A_179 = tpu.memref_slice %arg13[%dma_wait3A_177, %dma_wait3A_178] : memref<40x128xi32, #tpu.memory_space<vmem>> -> memref<1x128xi32, #tpu.memory_space<vmem>>
        %dma_wait3A_180 = tpu.memref_squeeze %dma_wait3A_179 : memref<1x128xi32, #tpu.memory_space<vmem>> -> memref<128xi32, #tpu.memory_space<vmem>>
        %dma_wait3A_181 = arith.constant 0 : i32
        %dma_wait3A_182 = arith.constant 0 : i32
        %dma_wait3A_183 = tpu.memref_slice %arg4[%dma_wait3A_181, %dma_wait3A_182] : memref<20480x32xf32, #tpu.memory_space<hbm>> -> memref<20480x32xf32, #tpu.memory_space<hbm>>
        tpu.wait_indirect_dma semaphore(%arg26 : memref<!tpu.dma_semaphore, #tpu.memory_space<semaphore_mem>>) src(%dma_wait3A_183 : memref<20480x32xf32, #tpu.memory_space<hbm>>) dst(%arg15 : memref<128x32xf32, #tpu.memory_space<vmem>>)
        %add3A_184 = arith.constant 0 : i32
        %add3A_185 = arith.addi %mul3A_176, %add3A_184 : i32
        %dma_start3A_186 = arith.constant 0 : i32
        %dma_start3A_187 = tpu.memref_slice %arg14[%add3A_185, %dma_start3A_186] : memref<40x128xi32, #tpu.memory_space<vmem>> -> memref<1x128xi32, #tpu.memory_space<vmem>>
        %dma_start3A_188 = tpu.memref_squeeze %dma_start3A_187 : memref<1x128xi32, #tpu.memory_space<vmem>> -> memref<128xi32, #tpu.memory_space<vmem>>
        %dma_start3A_189 = arith.constant 0 : i32
        %dma_start3A_190 = arith.constant 0 : i32
        %dma_start3A_191 = tpu.memref_slice %arg12[%dma_start3A_189, %dma_start3A_190] : memref<10240x32xf32, #tpu.memory_space<vmem_shared>> -> memref<10240x32xf32, #tpu.memory_space<vmem_shared>>
        tpu.enqueue_indirect_dma source(%arg15 : memref<128x32xf32, #tpu.memory_space<vmem>>) target(%dma_start3A_191 : memref<10240x32xf32, #tpu.memory_space<vmem_shared>>) offsets(%dma_start3A_188 : memref<128xi32, #tpu.memory_space<vmem>>) semaphore(%arg34 : memref<!tpu.dma_semaphore, #tpu.memory_space<semaphore_mem>>) {add = true}
        %dma_wait3A_192 = arith.constant 0 : i32
        %dma_wait3A_193 = arith.constant 0 : i32
        %dma_wait3A_194 = tpu.memref_slice %arg13[%dma_wait3A_192, %dma_wait3A_193] : memref<40x128xi32, #tpu.memory_space<vmem>> -> memref<1x128xi32, #tpu.memory_space<vmem>>
        %dma_wait3A_195 = tpu.memref_squeeze %dma_wait3A_194 : memref<1x128xi32, #tpu.memory_space<vmem>> -> memref<128xi32, #tpu.memory_space<vmem>>
        %dma_wait3A_196 = arith.constant 0 : i32
        %dma_wait3A_197 = arith.constant 0 : i32
        %dma_wait3A_198 = tpu.memref_slice %arg4[%dma_wait3A_196, %dma_wait3A_197] : memref<20480x32xf32, #tpu.memory_space<hbm>> -> memref<20480x32xf32, #tpu.memory_space<hbm>>
        tpu.wait_indirect_dma semaphore(%arg27 : memref<!tpu.dma_semaphore, #tpu.memory_space<semaphore_mem>>) src(%dma_wait3A_198 : memref<20480x32xf32, #tpu.memory_space<hbm>>) dst(%arg16 : memref<128x32xf32, #tpu.memory_space<vmem>>)
        %add3A_199 = arith.constant 1 : i32
        %add3A_200 = arith.addi %mul3A_176, %add3A_199 : i32
        %dma_start3A_201 = arith.constant 0 : i32
        %dma_start3A_202 = tpu.memref_slice %arg14[%add3A_200, %dma_start3A_201] : memref<40x128xi32, #tpu.memory_space<vmem>> -> memref<1x128xi32, #tpu.memory_space<vmem>>
        %dma_start3A_203 = tpu.memref_squeeze %dma_start3A_202 : memref<1x128xi32, #tpu.memory_space<vmem>> -> memref<128xi32, #tpu.memory_space<vmem>>
        %dma_start3A_204 = arith.constant 0 : i32
        %dma_start3A_205 = arith.constant 0 : i32
        %dma_start3A_206 = tpu.memref_slice %arg12[%dma_start3A_204, %dma_start3A_205] : memref<10240x32xf32, #tpu.memory_space<vmem_shared>> -> memref<10240x32xf32, #tpu.memory_space<vmem_shared>>
        tpu.enqueue_indirect_dma source(%arg16 : memref<128x32xf32, #tpu.memory_space<vmem>>) target(%dma_start3A_206 : memref<10240x32xf32, #tpu.memory_space<vmem_shared>>) offsets(%dma_start3A_203 : memref<128xi32, #tpu.memory_space<vmem>>) semaphore(%arg35 : memref<!tpu.dma_semaphore, #tpu.memory_space<semaphore_mem>>) {add = true}
        %dma_wait3A_207 = arith.constant 0 : i32
        %dma_wait3A_208 = arith.constant 0 : i32
        %dma_wait3A_209 = tpu.memref_slice %arg13[%dma_wait3A_207, %dma_wait3A_208] : memref<40x128xi32, #tpu.memory_space<vmem>> -> memref<1x128xi32, #tpu.memory_space<vmem>>
        %dma_wait3A_210 = tpu.memref_squeeze %dma_wait3A_209 : memref<1x128xi32, #tpu.memory_space<vmem>> -> memref<128xi32, #tpu.memory_space<vmem>>
        %dma_wait3A_211 = arith.constant 0 : i32
        %dma_wait3A_212 = arith.constant 0 : i32
        %dma_wait3A_213 = tpu.memref_slice %arg4[%dma_wait3A_211, %dma_wait3A_212] : memref<20480x32xf32, #tpu.memory_space<hbm>> -> memref<20480x32xf32, #tpu.memory_space<hbm>>
        tpu.wait_indirect_dma semaphore(%arg28 : memref<!tpu.dma_semaphore, #tpu.memory_space<semaphore_mem>>) src(%dma_wait3A_213 : memref<20480x32xf32, #tpu.memory_space<hbm>>) dst(%arg17 : memref<128x32xf32, #tpu.memory_space<vmem>>)
        %add3A_214 = arith.constant 2 : i32
        %add3A_215 = arith.addi %mul3A_176, %add3A_214 : i32
        %dma_start3A_216 = arith.constant 0 : i32
        %dma_start3A_217 = tpu.memref_slice %arg14[%add3A_215, %dma_start3A_216] : memref<40x128xi32, #tpu.memory_space<vmem>> -> memref<1x128xi32, #tpu.memory_space<vmem>>
        %dma_start3A_218 = tpu.memref_squeeze %dma_start3A_217 : memref<1x128xi32, #tpu.memory_space<vmem>> -> memref<128xi32, #tpu.memory_space<vmem>>
        %dma_start3A_219 = arith.constant 0 : i32
        %dma_start3A_220 = arith.constant 0 : i32
        %dma_start3A_221 = tpu.memref_slice %arg12[%dma_start3A_219, %dma_start3A_220] : memref<10240x32xf32, #tpu.memory_space<vmem_shared>> -> memref<10240x32xf32, #tpu.memory_space<vmem_shared>>
        tpu.enqueue_indirect_dma source(%arg17 : memref<128x32xf32, #tpu.memory_space<vmem>>) target(%dma_start3A_221 : memref<10240x32xf32, #tpu.memory_space<vmem_shared>>) offsets(%dma_start3A_218 : memref<128xi32, #tpu.memory_space<vmem>>) semaphore(%arg36 : memref<!tpu.dma_semaphore, #tpu.memory_space<semaphore_mem>>) {add = true}
        %dma_wait3A_222 = arith.constant 0 : i32
        %dma_wait3A_223 = arith.constant 0 : i32
        %dma_wait3A_224 = tpu.memref_slice %arg13[%dma_wait3A_222, %dma_wait3A_223] : memref<40x128xi32, #tpu.memory_space<vmem>> -> memref<1x128xi32, #tpu.memory_space<vmem>>
        %dma_wait3A_225 = tpu.memref_squeeze %dma_wait3A_224 : memref<1x128xi32, #tpu.memory_space<vmem>> -> memref<128xi32, #tpu.memory_space<vmem>>
        %dma_wait3A_226 = arith.constant 0 : i32
        %dma_wait3A_227 = arith.constant 0 : i32
        %dma_wait3A_228 = tpu.memref_slice %arg4[%dma_wait3A_226, %dma_wait3A_227] : memref<20480x32xf32, #tpu.memory_space<hbm>> -> memref<20480x32xf32, #tpu.memory_space<hbm>>
        tpu.wait_indirect_dma semaphore(%arg29 : memref<!tpu.dma_semaphore, #tpu.memory_space<semaphore_mem>>) src(%dma_wait3A_228 : memref<20480x32xf32, #tpu.memory_space<hbm>>) dst(%arg18 : memref<128x32xf32, #tpu.memory_space<vmem>>)
        %add3A_229 = arith.constant 3 : i32
        %add3A_230 = arith.addi %mul3A_176, %add3A_229 : i32
        %dma_start3A_231 = arith.constant 0 : i32
        %dma_start3A_232 = tpu.memref_slice %arg14[%add3A_230, %dma_start3A_231] : memref<40x128xi32, #tpu.memory_space<vmem>> -> memref<1x128xi32, #tpu.memory_space<vmem>>
        %dma_start3A_233 = tpu.memref_squeeze %dma_start3A_232 : memref<1x128xi32, #tpu.memory_space<vmem>> -> memref<128xi32, #tpu.memory_space<vmem>>
        %dma_start3A_234 = arith.constant 0 : i32
        %dma_start3A_235 = arith.constant 0 : i32
        %dma_start3A_236 = tpu.memref_slice %arg12[%dma_start3A_234, %dma_start3A_235] : memref<10240x32xf32, #tpu.memory_space<vmem_shared>> -> memref<10240x32xf32, #tpu.memory_space<vmem_shared>>
        tpu.enqueue_indirect_dma source(%arg18 : memref<128x32xf32, #tpu.memory_space<vmem>>) target(%dma_start3A_236 : memref<10240x32xf32, #tpu.memory_space<vmem_shared>>) offsets(%dma_start3A_233 : memref<128xi32, #tpu.memory_space<vmem>>) semaphore(%arg37 : memref<!tpu.dma_semaphore, #tpu.memory_space<semaphore_mem>>) {add = true}
        %dma_wait3A_237 = arith.constant 0 : i32
        %dma_wait3A_238 = arith.constant 0 : i32
        %dma_wait3A_239 = tpu.memref_slice %arg13[%dma_wait3A_237, %dma_wait3A_238] : memref<40x128xi32, #tpu.memory_space<vmem>> -> memref<1x128xi32, #tpu.memory_space<vmem>>
        %dma_wait3A_240 = tpu.memref_squeeze %dma_wait3A_239 : memref<1x128xi32, #tpu.memory_space<vmem>> -> memref<128xi32, #tpu.memory_space<vmem>>
        %dma_wait3A_241 = arith.constant 0 : i32
        %dma_wait3A_242 = arith.constant 0 : i32
        %dma_wait3A_243 = tpu.memref_slice %arg4[%dma_wait3A_241, %dma_wait3A_242] : memref<20480x32xf32, #tpu.memory_space<hbm>> -> memref<20480x32xf32, #tpu.memory_space<hbm>>
        tpu.wait_indirect_dma semaphore(%arg30 : memref<!tpu.dma_semaphore, #tpu.memory_space<semaphore_mem>>) src(%dma_wait3A_243 : memref<20480x32xf32, #tpu.memory_space<hbm>>) dst(%arg19 : memref<128x32xf32, #tpu.memory_space<vmem>>)
        %add3A_244 = arith.constant 4 : i32
        %add3A_245 = arith.addi %mul3A_176, %add3A_244 : i32
        %dma_start3A_246 = arith.constant 0 : i32
        %dma_start3A_247 = tpu.memref_slice %arg14[%add3A_245, %dma_start3A_246] : memref<40x128xi32, #tpu.memory_space<vmem>> -> memref<1x128xi32, #tpu.memory_space<vmem>>
        %dma_start3A_248 = tpu.memref_squeeze %dma_start3A_247 : memref<1x128xi32, #tpu.memory_space<vmem>> -> memref<128xi32, #tpu.memory_space<vmem>>
        %dma_start3A_249 = arith.constant 0 : i32
        %dma_start3A_250 = arith.constant 0 : i32
        %dma_start3A_251 = tpu.memref_slice %arg12[%dma_start3A_249, %dma_start3A_250] : memref<10240x32xf32, #tpu.memory_space<vmem_shared>> -> memref<10240x32xf32, #tpu.memory_space<vmem_shared>>
        tpu.enqueue_indirect_dma source(%arg19 : memref<128x32xf32, #tpu.memory_space<vmem>>) target(%dma_start3A_251 : memref<10240x32xf32, #tpu.memory_space<vmem_shared>>) offsets(%dma_start3A_248 : memref<128xi32, #tpu.memory_space<vmem>>) semaphore(%arg38 : memref<!tpu.dma_semaphore, #tpu.memory_space<semaphore_mem>>) {add = true}
        %dma_wait3A_252 = arith.constant 0 : i32
        %dma_wait3A_253 = arith.constant 0 : i32
        %dma_wait3A_254 = tpu.memref_slice %arg13[%dma_wait3A_252, %dma_wait3A_253] : memref<40x128xi32, #tpu.memory_space<vmem>> -> memref<1x128xi32, #tpu.memory_space<vmem>>
        %dma_wait3A_255 = tpu.memref_squeeze %dma_wait3A_254 : memref<1x128xi32, #tpu.memory_space<vmem>> -> memref<128xi32, #tpu.memory_space<vmem>>
        %dma_wait3A_256 = arith.constant 0 : i32
        %dma_wait3A_257 = arith.constant 0 : i32
        %dma_wait3A_258 = tpu.memref_slice %arg4[%dma_wait3A_256, %dma_wait3A_257] : memref<20480x32xf32, #tpu.memory_space<hbm>> -> memref<20480x32xf32, #tpu.memory_space<hbm>>
        tpu.wait_indirect_dma semaphore(%arg31 : memref<!tpu.dma_semaphore, #tpu.memory_space<semaphore_mem>>) src(%dma_wait3A_258 : memref<20480x32xf32, #tpu.memory_space<hbm>>) dst(%arg20 : memref<128x32xf32, #tpu.memory_space<vmem>>)
        %add3A_259 = arith.constant 5 : i32
        %add3A_260 = arith.addi %mul3A_176, %add3A_259 : i32
        %dma_start3A_261 = arith.constant 0 : i32
        %dma_start3A_262 = tpu.memref_slice %arg14[%add3A_260, %dma_start3A_261] : memref<40x128xi32, #tpu.memory_space<vmem>> -> memref<1x128xi32, #tpu.memory_space<vmem>>
        %dma_start3A_263 = tpu.memref_squeeze %dma_start3A_262 : memref<1x128xi32, #tpu.memory_space<vmem>> -> memref<128xi32, #tpu.memory_space<vmem>>
        %dma_start3A_264 = arith.constant 0 : i32
        %dma_start3A_265 = arith.constant 0 : i32
        %dma_start3A_266 = tpu.memref_slice %arg12[%dma_start3A_264, %dma_start3A_265] : memref<10240x32xf32, #tpu.memory_space<vmem_shared>> -> memref<10240x32xf32, #tpu.memory_space<vmem_shared>>
        tpu.enqueue_indirect_dma source(%arg20 : memref<128x32xf32, #tpu.memory_space<vmem>>) target(%dma_start3A_266 : memref<10240x32xf32, #tpu.memory_space<vmem_shared>>) offsets(%dma_start3A_263 : memref<128xi32, #tpu.memory_space<vmem>>) semaphore(%arg39 : memref<!tpu.dma_semaphore, #tpu.memory_space<semaphore_mem>>) {add = true}
        %dma_wait3A_267 = arith.constant 0 : i32
        %dma_wait3A_268 = arith.constant 0 : i32
        %dma_wait3A_269 = tpu.memref_slice %arg13[%dma_wait3A_267, %dma_wait3A_268] : memref<40x128xi32, #tpu.memory_space<vmem>> -> memref<1x128xi32, #tpu.memory_space<vmem>>
        %dma_wait3A_270 = tpu.memref_squeeze %dma_wait3A_269 : memref<1x128xi32, #tpu.memory_space<vmem>> -> memref<128xi32, #tpu.memory_space<vmem>>
        %dma_wait3A_271 = arith.constant 0 : i32
        %dma_wait3A_272 = arith.constant 0 : i32
        %dma_wait3A_273 = tpu.memref_slice %arg4[%dma_wait3A_271, %dma_wait3A_272] : memref<20480x32xf32, #tpu.memory_space<hbm>> -> memref<20480x32xf32, #tpu.memory_space<hbm>>
        tpu.wait_indirect_dma semaphore(%arg32 : memref<!tpu.dma_semaphore, #tpu.memory_space<semaphore_mem>>) src(%dma_wait3A_273 : memref<20480x32xf32, #tpu.memory_space<hbm>>) dst(%arg21 : memref<128x32xf32, #tpu.memory_space<vmem>>)
        %add3A_274 = arith.constant 6 : i32
        %add3A_275 = arith.addi %mul3A_176, %add3A_274 : i32
        %dma_start3A_276 = arith.constant 0 : i32
        %dma_start3A_277 = tpu.memref_slice %arg14[%add3A_275, %dma_start3A_276] : memref<40x128xi32, #tpu.memory_space<vmem>> -> memref<1x128xi32, #tpu.memory_space<vmem>>
        %dma_start3A_278 = tpu.memref_squeeze %dma_start3A_277 : memref<1x128xi32, #tpu.memory_space<vmem>> -> memref<128xi32, #tpu.memory_space<vmem>>
        %dma_start3A_279 = arith.constant 0 : i32
        %dma_start3A_280 = arith.constant 0 : i32
        %dma_start3A_281 = tpu.memref_slice %arg12[%dma_start3A_279, %dma_start3A_280] : memref<10240x32xf32, #tpu.memory_space<vmem_shared>> -> memref<10240x32xf32, #tpu.memory_space<vmem_shared>>
        tpu.enqueue_indirect_dma source(%arg21 : memref<128x32xf32, #tpu.memory_space<vmem>>) target(%dma_start3A_281 : memref<10240x32xf32, #tpu.memory_space<vmem_shared>>) offsets(%dma_start3A_278 : memref<128xi32, #tpu.memory_space<vmem>>) semaphore(%arg40 : memref<!tpu.dma_semaphore, #tpu.memory_space<semaphore_mem>>) {add = true}
        %dma_wait3A_282 = arith.constant 0 : i32
        %dma_wait3A_283 = arith.constant 0 : i32
        %dma_wait3A_284 = tpu.memref_slice %arg13[%dma_wait3A_282, %dma_wait3A_283] : memref<40x128xi32, #tpu.memory_space<vmem>> -> memref<1x128xi32, #tpu.memory_space<vmem>>
        %dma_wait3A_285 = tpu.memref_squeeze %dma_wait3A_284 : memref<1x128xi32, #tpu.memory_space<vmem>> -> memref<128xi32, #tpu.memory_space<vmem>>
        %dma_wait3A_286 = arith.constant 0 : i32
        %dma_wait3A_287 = arith.constant 0 : i32
        %dma_wait3A_288 = tpu.memref_slice %arg4[%dma_wait3A_286, %dma_wait3A_287] : memref<20480x32xf32, #tpu.memory_space<hbm>> -> memref<20480x32xf32, #tpu.memory_space<hbm>>
        tpu.wait_indirect_dma semaphore(%arg33 : memref<!tpu.dma_semaphore, #tpu.memory_space<semaphore_mem>>) src(%dma_wait3A_288 : memref<20480x32xf32, #tpu.memory_space<hbm>>) dst(%arg22 : memref<128x32xf32, #tpu.memory_space<vmem>>)
        %add3A_289 = arith.constant 7 : i32
        %add3A_290 = arith.addi %mul3A_176, %add3A_289 : i32
        %dma_start3A_291 = arith.constant 0 : i32
        %dma_start3A_292 = tpu.memref_slice %arg14[%add3A_290, %dma_start3A_291] : memref<40x128xi32, #tpu.memory_space<vmem>> -> memref<1x128xi32, #tpu.memory_space<vmem>>
        %dma_start3A_293 = tpu.memref_squeeze %dma_start3A_292 : memref<1x128xi32, #tpu.memory_space<vmem>> -> memref<128xi32, #tpu.memory_space<vmem>>
        %dma_start3A_294 = arith.constant 0 : i32
        %dma_start3A_295 = arith.constant 0 : i32
        %dma_start3A_296 = tpu.memref_slice %arg12[%dma_start3A_294, %dma_start3A_295] : memref<10240x32xf32, #tpu.memory_space<vmem_shared>> -> memref<10240x32xf32, #tpu.memory_space<vmem_shared>>
        tpu.enqueue_indirect_dma source(%arg22 : memref<128x32xf32, #tpu.memory_space<vmem>>) target(%dma_start3A_296 : memref<10240x32xf32, #tpu.memory_space<vmem_shared>>) offsets(%dma_start3A_293 : memref<128xi32, #tpu.memory_space<vmem>>) semaphore(%arg41 : memref<!tpu.dma_semaphore, #tpu.memory_space<semaphore_mem>>) {add = true}
        %lt3A = arith.constant 4 : i32
        %lt3A_297 = arith.cmpi slt, %scan3A_173, %lt3A : i32
        %convert_element_type3A = arith.extui %lt3A_297 : i1 to i32
        %cond3A = arith.constant 0 : i32
        %cond3A_298 = arith.cmpi ne, %convert_element_type3A, %cond3A : i32
        scf.if %cond3A_298 {
          %dma_wait3A_335 = arith.constant 0 : i32
          %dma_wait3A_336 = arith.constant 0 : i32
          %dma_wait3A_337 = tpu.memref_slice %arg13[%dma_wait3A_335, %dma_wait3A_336] : memref<40x128xi32, #tpu.memory_space<vmem>> -> memref<1x128xi32, #tpu.memory_space<vmem>>
          %dma_wait3A_338 = tpu.memref_squeeze %dma_wait3A_337 : memref<1x128xi32, #tpu.memory_space<vmem>> -> memref<128xi32, #tpu.memory_space<vmem>>
          %dma_wait3A_339 = arith.constant 0 : i32
          %dma_wait3A_340 = arith.constant 0 : i32
          %dma_wait3A_341 = tpu.memref_slice %arg4[%dma_wait3A_339, %dma_wait3A_340] : memref<20480x32xf32, #tpu.memory_space<hbm>> -> memref<20480x32xf32, #tpu.memory_space<hbm>>
          tpu.wait_indirect_dma semaphore(%arg34 : memref<!tpu.dma_semaphore, #tpu.memory_space<semaphore_mem>>) src(%dma_wait3A_341 : memref<20480x32xf32, #tpu.memory_space<hbm>>) dst(%arg15 : memref<128x32xf32, #tpu.memory_space<vmem>>)
          %add3A_342 = arith.constant 8 : i32
          %add3A_343 = arith.addi %mul3A_176, %add3A_342 : i32
          %add3A_344 = arith.constant 0 : i32
          %add3A_345 = arith.addi %add3A_343, %add3A_344 : i32
          %dma_start3A_346 = arith.constant 0 : i32
          %dma_start3A_347 = tpu.memref_slice %arg13[%add3A_345, %dma_start3A_346] : memref<40x128xi32, #tpu.memory_space<vmem>> -> memref<1x128xi32, #tpu.memory_space<vmem>>
          %dma_start3A_348 = tpu.memref_squeeze %dma_start3A_347 : memref<1x128xi32, #tpu.memory_space<vmem>> -> memref<128xi32, #tpu.memory_space<vmem>>
          %dma_start3A_349 = arith.constant 0 : i32
          %dma_start3A_350 = arith.constant 0 : i32
          %dma_start3A_351 = tpu.memref_slice %arg11[%dma_start3A_349, %dma_start3A_350] : memref<10240x32xf32, #tpu.memory_space<vmem_shared>> -> memref<10240x32xf32, #tpu.memory_space<vmem_shared>>
          tpu.enqueue_indirect_dma source(%dma_start3A_351 : memref<10240x32xf32, #tpu.memory_space<vmem_shared>>) target(%arg15 : memref<128x32xf32, #tpu.memory_space<vmem>>) offsets(%dma_start3A_348 : memref<128xi32, #tpu.memory_space<vmem>>) semaphore(%arg26 : memref<!tpu.dma_semaphore, #tpu.memory_space<semaphore_mem>>)
        } else {
        }
        %lt3A_299 = arith.constant 4 : i32
        %lt3A_300 = arith.cmpi slt, %scan3A_173, %lt3A_299 : i32
        %convert_element_type3A_301 = arith.extui %lt3A_300 : i1 to i32
        %cond3A_302 = arith.constant 0 : i32
        %cond3A_303 = arith.cmpi ne, %convert_element_type3A_301, %cond3A_302 : i32
        scf.if %cond3A_303 {
          %dma_wait3A_335 = arith.constant 0 : i32
          %dma_wait3A_336 = arith.constant 0 : i32
          %dma_wait3A_337 = tpu.memref_slice %arg13[%dma_wait3A_335, %dma_wait3A_336] : memref<40x128xi32, #tpu.memory_space<vmem>> -> memref<1x128xi32, #tpu.memory_space<vmem>>
          %dma_wait3A_338 = tpu.memref_squeeze %dma_wait3A_337 : memref<1x128xi32, #tpu.memory_space<vmem>> -> memref<128xi32, #tpu.memory_space<vmem>>
          %dma_wait3A_339 = arith.constant 0 : i32
          %dma_wait3A_340 = arith.constant 0 : i32
          %dma_wait3A_341 = tpu.memref_slice %arg4[%dma_wait3A_339, %dma_wait3A_340] : memref<20480x32xf32, #tpu.memory_space<hbm>> -> memref<20480x32xf32, #tpu.memory_space<hbm>>
          tpu.wait_indirect_dma semaphore(%arg35 : memref<!tpu.dma_semaphore, #tpu.memory_space<semaphore_mem>>) src(%dma_wait3A_341 : memref<20480x32xf32, #tpu.memory_space<hbm>>) dst(%arg16 : memref<128x32xf32, #tpu.memory_space<vmem>>)
          %add3A_342 = arith.constant 8 : i32
          %add3A_343 = arith.addi %mul3A_176, %add3A_342 : i32
          %add3A_344 = arith.constant 1 : i32
          %add3A_345 = arith.addi %add3A_343, %add3A_344 : i32
          %dma_start3A_346 = arith.constant 0 : i32
          %dma_start3A_347 = tpu.memref_slice %arg13[%add3A_345, %dma_start3A_346] : memref<40x128xi32, #tpu.memory_space<vmem>> -> memref<1x128xi32, #tpu.memory_space<vmem>>
          %dma_start3A_348 = tpu.memref_squeeze %dma_start3A_347 : memref<1x128xi32, #tpu.memory_space<vmem>> -> memref<128xi32, #tpu.memory_space<vmem>>
          %dma_start3A_349 = arith.constant 0 : i32
          %dma_start3A_350 = arith.constant 0 : i32
          %dma_start3A_351 = tpu.memref_slice %arg11[%dma_start3A_349, %dma_start3A_350] : memref<10240x32xf32, #tpu.memory_space<vmem_shared>> -> memref<10240x32xf32, #tpu.memory_space<vmem_shared>>
          tpu.enqueue_indirect_dma source(%dma_start3A_351 : memref<10240x32xf32, #tpu.memory_space<vmem_shared>>) target(%arg16 : memref<128x32xf32, #tpu.memory_space<vmem>>) offsets(%dma_start3A_348 : memref<128xi32, #tpu.memory_space<vmem>>) semaphore(%arg27 : memref<!tpu.dma_semaphore, #tpu.memory_space<semaphore_mem>>)
        } else {
        }
        %lt3A_304 = arith.constant 4 : i32
        %lt3A_305 = arith.cmpi slt, %scan3A_173, %lt3A_304 : i32
        %convert_element_type3A_306 = arith.extui %lt3A_305 : i1 to i32
        %cond3A_307 = arith.constant 0 : i32
        %cond3A_308 = arith.cmpi ne, %convert_element_type3A_306, %cond3A_307 : i32
        scf.if %cond3A_308 {
          %dma_wait3A_335 = arith.constant 0 : i32
          %dma_wait3A_336 = arith.constant 0 : i32
          %dma_wait3A_337 = tpu.memref_slice %arg13[%dma_wait3A_335, %dma_wait3A_336] : memref<40x128xi32, #tpu.memory_space<vmem>> -> memref<1x128xi32, #tpu.memory_space<vmem>>
          %dma_wait3A_338 = tpu.memref_squeeze %dma_wait3A_337 : memref<1x128xi32, #tpu.memory_space<vmem>> -> memref<128xi32, #tpu.memory_space<vmem>>
          %dma_wait3A_339 = arith.constant 0 : i32
          %dma_wait3A_340 = arith.constant 0 : i32
          %dma_wait3A_341 = tpu.memref_slice %arg4[%dma_wait3A_339, %dma_wait3A_340] : memref<20480x32xf32, #tpu.memory_space<hbm>> -> memref<20480x32xf32, #tpu.memory_space<hbm>>
          tpu.wait_indirect_dma semaphore(%arg36 : memref<!tpu.dma_semaphore, #tpu.memory_space<semaphore_mem>>) src(%dma_wait3A_341 : memref<20480x32xf32, #tpu.memory_space<hbm>>) dst(%arg17 : memref<128x32xf32, #tpu.memory_space<vmem>>)
          %add3A_342 = arith.constant 8 : i32
          %add3A_343 = arith.addi %mul3A_176, %add3A_342 : i32
          %add3A_344 = arith.constant 2 : i32
          %add3A_345 = arith.addi %add3A_343, %add3A_344 : i32
          %dma_start3A_346 = arith.constant 0 : i32
          %dma_start3A_347 = tpu.memref_slice %arg13[%add3A_345, %dma_start3A_346] : memref<40x128xi32, #tpu.memory_space<vmem>> -> memref<1x128xi32, #tpu.memory_space<vmem>>
          %dma_start3A_348 = tpu.memref_squeeze %dma_start3A_347 : memref<1x128xi32, #tpu.memory_space<vmem>> -> memref<128xi32, #tpu.memory_space<vmem>>
          %dma_start3A_349 = arith.constant 0 : i32
          %dma_start3A_350 = arith.constant 0 : i32
          %dma_start3A_351 = tpu.memref_slice %arg11[%dma_start3A_349, %dma_start3A_350] : memref<10240x32xf32, #tpu.memory_space<vmem_shared>> -> memref<10240x32xf32, #tpu.memory_space<vmem_shared>>
          tpu.enqueue_indirect_dma source(%dma_start3A_351 : memref<10240x32xf32, #tpu.memory_space<vmem_shared>>) target(%arg17 : memref<128x32xf32, #tpu.memory_space<vmem>>) offsets(%dma_start3A_348 : memref<128xi32, #tpu.memory_space<vmem>>) semaphore(%arg28 : memref<!tpu.dma_semaphore, #tpu.memory_space<semaphore_mem>>)
        } else {
        }
        %lt3A_309 = arith.constant 4 : i32
        %lt3A_310 = arith.cmpi slt, %scan3A_173, %lt3A_309 : i32
        %convert_element_type3A_311 = arith.extui %lt3A_310 : i1 to i32
        %cond3A_312 = arith.constant 0 : i32
        %cond3A_313 = arith.cmpi ne, %convert_element_type3A_311, %cond3A_312 : i32
        scf.if %cond3A_313 {
          %dma_wait3A_335 = arith.constant 0 : i32
          %dma_wait3A_336 = arith.constant 0 : i32
          %dma_wait3A_337 = tpu.memref_slice %arg13[%dma_wait3A_335, %dma_wait3A_336] : memref<40x128xi32, #tpu.memory_space<vmem>> -> memref<1x128xi32, #tpu.memory_space<vmem>>
          %dma_wait3A_338 = tpu.memref_squeeze %dma_wait3A_337 : memref<1x128xi32, #tpu.memory_space<vmem>> -> memref<128xi32, #tpu.memory_space<vmem>>
          %dma_wait3A_339 = arith.constant 0 : i32
          %dma_wait3A_340 = arith.constant 0 : i32
          %dma_wait3A_341 = tpu.memref_slice %arg4[%dma_wait3A_339, %dma_wait3A_340] : memref<20480x32xf32, #tpu.memory_space<hbm>> -> memref<20480x32xf32, #tpu.memory_space<hbm>>
          tpu.wait_indirect_dma semaphore(%arg37 : memref<!tpu.dma_semaphore, #tpu.memory_space<semaphore_mem>>) src(%dma_wait3A_341 : memref<20480x32xf32, #tpu.memory_space<hbm>>) dst(%arg18 : memref<128x32xf32, #tpu.memory_space<vmem>>)
          %add3A_342 = arith.constant 8 : i32
          %add3A_343 = arith.addi %mul3A_176, %add3A_342 : i32
          %add3A_344 = arith.constant 3 : i32
          %add3A_345 = arith.addi %add3A_343, %add3A_344 : i32
          %dma_start3A_346 = arith.constant 0 : i32
          %dma_start3A_347 = tpu.memref_slice %arg13[%add3A_345, %dma_start3A_346] : memref<40x128xi32, #tpu.memory_space<vmem>> -> memref<1x128xi32, #tpu.memory_space<vmem>>
          %dma_start3A_348 = tpu.memref_squeeze %dma_start3A_347 : memref<1x128xi32, #tpu.memory_space<vmem>> -> memref<128xi32, #tpu.memory_space<vmem>>
          %dma_start3A_349 = arith.constant 0 : i32
          %dma_start3A_350 = arith.constant 0 : i32
          %dma_start3A_351 = tpu.memref_slice %arg11[%dma_start3A_349, %dma_start3A_350] : memref<10240x32xf32, #tpu.memory_space<vmem_shared>> -> memref<10240x32xf32, #tpu.memory_space<vmem_shared>>
          tpu.enqueue_indirect_dma source(%dma_start3A_351 : memref<10240x32xf32, #tpu.memory_space<vmem_shared>>) target(%arg18 : memref<128x32xf32, #tpu.memory_space<vmem>>) offsets(%dma_start3A_348 : memref<128xi32, #tpu.memory_space<vmem>>) semaphore(%arg29 : memref<!tpu.dma_semaphore, #tpu.memory_space<semaphore_mem>>)
        } else {
        }
        %lt3A_314 = arith.constant 4 : i32
        %lt3A_315 = arith.cmpi slt, %scan3A_173, %lt3A_314 : i32
        %convert_element_type3A_316 = arith.extui %lt3A_315 : i1 to i32
        %cond3A_317 = arith.constant 0 : i32
        %cond3A_318 = arith.cmpi ne, %convert_element_type3A_316, %cond3A_317 : i32
        scf.if %cond3A_318 {
          %dma_wait3A_335 = arith.constant 0 : i32
          %dma_wait3A_336 = arith.constant 0 : i32
          %dma_wait3A_337 = tpu.memref_slice %arg13[%dma_wait3A_335, %dma_wait3A_336] : memref<40x128xi32, #tpu.memory_space<vmem>> -> memref<1x128xi32, #tpu.memory_space<vmem>>
          %dma_wait3A_338 = tpu.memref_squeeze %dma_wait3A_337 : memref<1x128xi32, #tpu.memory_space<vmem>> -> memref<128xi32, #tpu.memory_space<vmem>>
          %dma_wait3A_339 = arith.constant 0 : i32
          %dma_wait3A_340 = arith.constant 0 : i32
          %dma_wait3A_341 = tpu.memref_slice %arg4[%dma_wait3A_339, %dma_wait3A_340] : memref<20480x32xf32, #tpu.memory_space<hbm>> -> memref<20480x32xf32, #tpu.memory_space<hbm>>
          tpu.wait_indirect_dma semaphore(%arg38 : memref<!tpu.dma_semaphore, #tpu.memory_space<semaphore_mem>>) src(%dma_wait3A_341 : memref<20480x32xf32, #tpu.memory_space<hbm>>) dst(%arg19 : memref<128x32xf32, #tpu.memory_space<vmem>>)
          %add3A_342 = arith.constant 8 : i32
          %add3A_343 = arith.addi %mul3A_176, %add3A_342 : i32
          %add3A_344 = arith.constant 4 : i32
          %add3A_345 = arith.addi %add3A_343, %add3A_344 : i32
          %dma_start3A_346 = arith.constant 0 : i32
          %dma_start3A_347 = tpu.memref_slice %arg13[%add3A_345, %dma_start3A_346] : memref<40x128xi32, #tpu.memory_space<vmem>> -> memref<1x128xi32, #tpu.memory_space<vmem>>
          %dma_start3A_348 = tpu.memref_squeeze %dma_start3A_347 : memref<1x128xi32, #tpu.memory_space<vmem>> -> memref<128xi32, #tpu.memory_space<vmem>>
          %dma_start3A_349 = arith.constant 0 : i32
          %dma_start3A_350 = arith.constant 0 : i32
          %dma_start3A_351 = tpu.memref_slice %arg11[%dma_start3A_349, %dma_start3A_350] : memref<10240x32xf32, #tpu.memory_space<vmem_shared>> -> memref<10240x32xf32, #tpu.memory_space<vmem_shared>>
          tpu.enqueue_indirect_dma source(%dma_start3A_351 : memref<10240x32xf32, #tpu.memory_space<vmem_shared>>) target(%arg19 : memref<128x32xf32, #tpu.memory_space<vmem>>) offsets(%dma_start3A_348 : memref<128xi32, #tpu.memory_space<vmem>>) semaphore(%arg30 : memref<!tpu.dma_semaphore, #tpu.memory_space<semaphore_mem>>)
        } else {
        }
        %lt3A_319 = arith.constant 4 : i32
        %lt3A_320 = arith.cmpi slt, %scan3A_173, %lt3A_319 : i32
        %convert_element_type3A_321 = arith.extui %lt3A_320 : i1 to i32
        %cond3A_322 = arith.constant 0 : i32
        %cond3A_323 = arith.cmpi ne, %convert_element_type3A_321, %cond3A_322 : i32
        scf.if %cond3A_323 {
          %dma_wait3A_335 = arith.constant 0 : i32
          %dma_wait3A_336 = arith.constant 0 : i32
          %dma_wait3A_337 = tpu.memref_slice %arg13[%dma_wait3A_335, %dma_wait3A_336] : memref<40x128xi32, #tpu.memory_space<vmem>> -> memref<1x128xi32, #tpu.memory_space<vmem>>
          %dma_wait3A_338 = tpu.memref_squeeze %dma_wait3A_337 : memref<1x128xi32, #tpu.memory_space<vmem>> -> memref<128xi32, #tpu.memory_space<vmem>>
          %dma_wait3A_339 = arith.constant 0 : i32
          %dma_wait3A_340 = arith.constant 0 : i32
          %dma_wait3A_341 = tpu.memref_slice %arg4[%dma_wait3A_339, %dma_wait3A_340] : memref<20480x32xf32, #tpu.memory_space<hbm>> -> memref<20480x32xf32, #tpu.memory_space<hbm>>
          tpu.wait_indirect_dma semaphore(%arg39 : memref<!tpu.dma_semaphore, #tpu.memory_space<semaphore_mem>>) src(%dma_wait3A_341 : memref<20480x32xf32, #tpu.memory_space<hbm>>) dst(%arg20 : memref<128x32xf32, #tpu.memory_space<vmem>>)
          %add3A_342 = arith.constant 8 : i32
          %add3A_343 = arith.addi %mul3A_176, %add3A_342 : i32
          %add3A_344 = arith.constant 5 : i32
          %add3A_345 = arith.addi %add3A_343, %add3A_344 : i32
          %dma_start3A_346 = arith.constant 0 : i32
          %dma_start3A_347 = tpu.memref_slice %arg13[%add3A_345, %dma_start3A_346] : memref<40x128xi32, #tpu.memory_space<vmem>> -> memref<1x128xi32, #tpu.memory_space<vmem>>
          %dma_start3A_348 = tpu.memref_squeeze %dma_start3A_347 : memref<1x128xi32, #tpu.memory_space<vmem>> -> memref<128xi32, #tpu.memory_space<vmem>>
          %dma_start3A_349 = arith.constant 0 : i32
          %dma_start3A_350 = arith.constant 0 : i32
          %dma_start3A_351 = tpu.memref_slice %arg11[%dma_start3A_349, %dma_start3A_350] : memref<10240x32xf32, #tpu.memory_space<vmem_shared>> -> memref<10240x32xf32, #tpu.memory_space<vmem_shared>>
          tpu.enqueue_indirect_dma source(%dma_start3A_351 : memref<10240x32xf32, #tpu.memory_space<vmem_shared>>) target(%arg20 : memref<128x32xf32, #tpu.memory_space<vmem>>) offsets(%dma_start3A_348 : memref<128xi32, #tpu.memory_space<vmem>>) semaphore(%arg31 : memref<!tpu.dma_semaphore, #tpu.memory_space<semaphore_mem>>)
        } else {
        }
        %lt3A_324 = arith.constant 4 : i32
        %lt3A_325 = arith.cmpi slt, %scan3A_173, %lt3A_324 : i32
        %convert_element_type3A_326 = arith.extui %lt3A_325 : i1 to i32
        %cond3A_327 = arith.constant 0 : i32
        %cond3A_328 = arith.cmpi ne, %convert_element_type3A_326, %cond3A_327 : i32
        scf.if %cond3A_328 {
          %dma_wait3A_335 = arith.constant 0 : i32
          %dma_wait3A_336 = arith.constant 0 : i32
          %dma_wait3A_337 = tpu.memref_slice %arg13[%dma_wait3A_335, %dma_wait3A_336] : memref<40x128xi32, #tpu.memory_space<vmem>> -> memref<1x128xi32, #tpu.memory_space<vmem>>
          %dma_wait3A_338 = tpu.memref_squeeze %dma_wait3A_337 : memref<1x128xi32, #tpu.memory_space<vmem>> -> memref<128xi32, #tpu.memory_space<vmem>>
          %dma_wait3A_339 = arith.constant 0 : i32
          %dma_wait3A_340 = arith.constant 0 : i32
          %dma_wait3A_341 = tpu.memref_slice %arg4[%dma_wait3A_339, %dma_wait3A_340] : memref<20480x32xf32, #tpu.memory_space<hbm>> -> memref<20480x32xf32, #tpu.memory_space<hbm>>
          tpu.wait_indirect_dma semaphore(%arg40 : memref<!tpu.dma_semaphore, #tpu.memory_space<semaphore_mem>>) src(%dma_wait3A_341 : memref<20480x32xf32, #tpu.memory_space<hbm>>) dst(%arg21 : memref<128x32xf32, #tpu.memory_space<vmem>>)
          %add3A_342 = arith.constant 8 : i32
          %add3A_343 = arith.addi %mul3A_176, %add3A_342 : i32
          %add3A_344 = arith.constant 6 : i32
          %add3A_345 = arith.addi %add3A_343, %add3A_344 : i32
          %dma_start3A_346 = arith.constant 0 : i32
          %dma_start3A_347 = tpu.memref_slice %arg13[%add3A_345, %dma_start3A_346] : memref<40x128xi32, #tpu.memory_space<vmem>> -> memref<1x128xi32, #tpu.memory_space<vmem>>
          %dma_start3A_348 = tpu.memref_squeeze %dma_start3A_347 : memref<1x128xi32, #tpu.memory_space<vmem>> -> memref<128xi32, #tpu.memory_space<vmem>>
          %dma_start3A_349 = arith.constant 0 : i32
          %dma_start3A_350 = arith.constant 0 : i32
          %dma_start3A_351 = tpu.memref_slice %arg11[%dma_start3A_349, %dma_start3A_350] : memref<10240x32xf32, #tpu.memory_space<vmem_shared>> -> memref<10240x32xf32, #tpu.memory_space<vmem_shared>>
          tpu.enqueue_indirect_dma source(%dma_start3A_351 : memref<10240x32xf32, #tpu.memory_space<vmem_shared>>) target(%arg21 : memref<128x32xf32, #tpu.memory_space<vmem>>) offsets(%dma_start3A_348 : memref<128xi32, #tpu.memory_space<vmem>>) semaphore(%arg32 : memref<!tpu.dma_semaphore, #tpu.memory_space<semaphore_mem>>)
        } else {
        }
        %lt3A_329 = arith.constant 4 : i32
        %lt3A_330 = arith.cmpi slt, %scan3A_173, %lt3A_329 : i32
        %convert_element_type3A_331 = arith.extui %lt3A_330 : i1 to i32
        %cond3A_332 = arith.constant 0 : i32
        %cond3A_333 = arith.cmpi ne, %convert_element_type3A_331, %cond3A_332 : i32
        scf.if %cond3A_333 {
          %dma_wait3A_335 = arith.constant 0 : i32
          %dma_wait3A_336 = arith.constant 0 : i32
          %dma_wait3A_337 = tpu.memref_slice %arg13[%dma_wait3A_335, %dma_wait3A_336] : memref<40x128xi32, #tpu.memory_space<vmem>> -> memref<1x128xi32, #tpu.memory_space<vmem>>
          %dma_wait3A_338 = tpu.memref_squeeze %dma_wait3A_337 : memref<1x128xi32, #tpu.memory_space<vmem>> -> memref<128xi32, #tpu.memory_space<vmem>>
          %dma_wait3A_339 = arith.constant 0 : i32
          %dma_wait3A_340 = arith.constant 0 : i32
          %dma_wait3A_341 = tpu.memref_slice %arg4[%dma_wait3A_339, %dma_wait3A_340] : memref<20480x32xf32, #tpu.memory_space<hbm>> -> memref<20480x32xf32, #tpu.memory_space<hbm>>
          tpu.wait_indirect_dma semaphore(%arg41 : memref<!tpu.dma_semaphore, #tpu.memory_space<semaphore_mem>>) src(%dma_wait3A_341 : memref<20480x32xf32, #tpu.memory_space<hbm>>) dst(%arg22 : memref<128x32xf32, #tpu.memory_space<vmem>>)
          %add3A_342 = arith.constant 8 : i32
          %add3A_343 = arith.addi %mul3A_176, %add3A_342 : i32
          %add3A_344 = arith.constant 7 : i32
          %add3A_345 = arith.addi %add3A_343, %add3A_344 : i32
          %dma_start3A_346 = arith.constant 0 : i32
          %dma_start3A_347 = tpu.memref_slice %arg13[%add3A_345, %dma_start3A_346] : memref<40x128xi32, #tpu.memory_space<vmem>> -> memref<1x128xi32, #tpu.memory_space<vmem>>
          %dma_start3A_348 = tpu.memref_squeeze %dma_start3A_347 : memref<1x128xi32, #tpu.memory_space<vmem>> -> memref<128xi32, #tpu.memory_space<vmem>>
          %dma_start3A_349 = arith.constant 0 : i32
          %dma_start3A_350 = arith.constant 0 : i32
          %dma_start3A_351 = tpu.memref_slice %arg11[%dma_start3A_349, %dma_start3A_350] : memref<10240x32xf32, #tpu.memory_space<vmem_shared>> -> memref<10240x32xf32, #tpu.memory_space<vmem_shared>>
          tpu.enqueue_indirect_dma source(%dma_start3A_351 : memref<10240x32xf32, #tpu.memory_space<vmem_shared>>) target(%arg22 : memref<128x32xf32, #tpu.memory_space<vmem>>) offsets(%dma_start3A_348 : memref<128xi32, #tpu.memory_space<vmem>>) semaphore(%arg33 : memref<!tpu.dma_semaphore, #tpu.memory_space<semaphore_mem>>)
        } else {
        }
        %scan3A_334 = arith.constant 0 : i32
        scf.yield %scan3A_334 : i32
      }
      %scan3A_116 = arith.constant 5 : i32
      %dma_wait3A = arith.constant 0 : i32
      %dma_wait3A_117 = arith.constant 0 : i32
      %dma_wait3A_118 = tpu.memref_slice %arg13[%dma_wait3A, %dma_wait3A_117] : memref<40x128xi32, #tpu.memory_space<vmem>> -> memref<1x128xi32, #tpu.memory_space<vmem>>
      %dma_wait3A_119 = tpu.memref_squeeze %dma_wait3A_118 : memref<1x128xi32, #tpu.memory_space<vmem>> -> memref<128xi32, #tpu.memory_space<vmem>>
      %dma_wait3A_120 = arith.constant 0 : i32
      %dma_wait3A_121 = arith.constant 0 : i32
      %dma_wait3A_122 = tpu.memref_slice %arg4[%dma_wait3A_120, %dma_wait3A_121] : memref<20480x32xf32, #tpu.memory_space<hbm>> -> memref<20480x32xf32, #tpu.memory_space<hbm>>
      tpu.wait_indirect_dma semaphore(%arg34 : memref<!tpu.dma_semaphore, #tpu.memory_space<semaphore_mem>>) src(%dma_wait3A_122 : memref<20480x32xf32, #tpu.memory_space<hbm>>) dst(%arg15 : memref<128x32xf32, #tpu.memory_space<vmem>>)
      %dma_wait3A_123 = arith.constant 0 : i32
      %dma_wait3A_124 = arith.constant 0 : i32
      %dma_wait3A_125 = tpu.memref_slice %arg13[%dma_wait3A_123, %dma_wait3A_124] : memref<40x128xi32, #tpu.memory_space<vmem>> -> memref<1x128xi32, #tpu.memory_space<vmem>>
      %dma_wait3A_126 = tpu.memref_squeeze %dma_wait3A_125 : memref<1x128xi32, #tpu.memory_space<vmem>> -> memref<128xi32, #tpu.memory_space<vmem>>
      %dma_wait3A_127 = arith.constant 0 : i32
      %dma_wait3A_128 = arith.constant 0 : i32
      %dma_wait3A_129 = tpu.memref_slice %arg4[%dma_wait3A_127, %dma_wait3A_128] : memref<20480x32xf32, #tpu.memory_space<hbm>> -> memref<20480x32xf32, #tpu.memory_space<hbm>>
      tpu.wait_indirect_dma semaphore(%arg35 : memref<!tpu.dma_semaphore, #tpu.memory_space<semaphore_mem>>) src(%dma_wait3A_129 : memref<20480x32xf32, #tpu.memory_space<hbm>>) dst(%arg16 : memref<128x32xf32, #tpu.memory_space<vmem>>)
      %dma_wait3A_130 = arith.constant 0 : i32
      %dma_wait3A_131 = arith.constant 0 : i32
      %dma_wait3A_132 = tpu.memref_slice %arg13[%dma_wait3A_130, %dma_wait3A_131] : memref<40x128xi32, #tpu.memory_space<vmem>> -> memref<1x128xi32, #tpu.memory_space<vmem>>
      %dma_wait3A_133 = tpu.memref_squeeze %dma_wait3A_132 : memref<1x128xi32, #tpu.memory_space<vmem>> -> memref<128xi32, #tpu.memory_space<vmem>>
      %dma_wait3A_134 = arith.constant 0 : i32
      %dma_wait3A_135 = arith.constant 0 : i32
      %dma_wait3A_136 = tpu.memref_slice %arg4[%dma_wait3A_134, %dma_wait3A_135] : memref<20480x32xf32, #tpu.memory_space<hbm>> -> memref<20480x32xf32, #tpu.memory_space<hbm>>
      tpu.wait_indirect_dma semaphore(%arg36 : memref<!tpu.dma_semaphore, #tpu.memory_space<semaphore_mem>>) src(%dma_wait3A_136 : memref<20480x32xf32, #tpu.memory_space<hbm>>) dst(%arg17 : memref<128x32xf32, #tpu.memory_space<vmem>>)
      %dma_wait3A_137 = arith.constant 0 : i32
      %dma_wait3A_138 = arith.constant 0 : i32
      %dma_wait3A_139 = tpu.memref_slice %arg13[%dma_wait3A_137, %dma_wait3A_138] : memref<40x128xi32, #tpu.memory_space<vmem>> -> memref<1x128xi32, #tpu.memory_space<vmem>>
      %dma_wait3A_140 = tpu.memref_squeeze %dma_wait3A_139 : memref<1x128xi32, #tpu.memory_space<vmem>> -> memref<128xi32, #tpu.memory_space<vmem>>
      %dma_wait3A_141 = arith.constant 0 : i32
      %dma_wait3A_142 = arith.constant 0 : i32
      %dma_wait3A_143 = tpu.memref_slice %arg4[%dma_wait3A_141, %dma_wait3A_142] : memref<20480x32xf32, #tpu.memory_space<hbm>> -> memref<20480x32xf32, #tpu.memory_space<hbm>>
      tpu.wait_indirect_dma semaphore(%arg37 : memref<!tpu.dma_semaphore, #tpu.memory_space<semaphore_mem>>) src(%dma_wait3A_143 : memref<20480x32xf32, #tpu.memory_space<hbm>>) dst(%arg18 : memref<128x32xf32, #tpu.memory_space<vmem>>)
      %dma_wait3A_144 = arith.constant 0 : i32
      %dma_wait3A_145 = arith.constant 0 : i32
      %dma_wait3A_146 = tpu.memref_slice %arg13[%dma_wait3A_144, %dma_wait3A_145] : memref<40x128xi32, #tpu.memory_space<vmem>> -> memref<1x128xi32, #tpu.memory_space<vmem>>
      %dma_wait3A_147 = tpu.memref_squeeze %dma_wait3A_146 : memref<1x128xi32, #tpu.memory_space<vmem>> -> memref<128xi32, #tpu.memory_space<vmem>>
      %dma_wait3A_148 = arith.constant 0 : i32
      %dma_wait3A_149 = arith.constant 0 : i32
      %dma_wait3A_150 = tpu.memref_slice %arg4[%dma_wait3A_148, %dma_wait3A_149] : memref<20480x32xf32, #tpu.memory_space<hbm>> -> memref<20480x32xf32, #tpu.memory_space<hbm>>
      tpu.wait_indirect_dma semaphore(%arg38 : memref<!tpu.dma_semaphore, #tpu.memory_space<semaphore_mem>>) src(%dma_wait3A_150 : memref<20480x32xf32, #tpu.memory_space<hbm>>) dst(%arg19 : memref<128x32xf32, #tpu.memory_space<vmem>>)
      %dma_wait3A_151 = arith.constant 0 : i32
      %dma_wait3A_152 = arith.constant 0 : i32
      %dma_wait3A_153 = tpu.memref_slice %arg13[%dma_wait3A_151, %dma_wait3A_152] : memref<40x128xi32, #tpu.memory_space<vmem>> -> memref<1x128xi32, #tpu.memory_space<vmem>>
      %dma_wait3A_154 = tpu.memref_squeeze %dma_wait3A_153 : memref<1x128xi32, #tpu.memory_space<vmem>> -> memref<128xi32, #tpu.memory_space<vmem>>
      %dma_wait3A_155 = arith.constant 0 : i32
      %dma_wait3A_156 = arith.constant 0 : i32
      %dma_wait3A_157 = tpu.memref_slice %arg4[%dma_wait3A_155, %dma_wait3A_156] : memref<20480x32xf32, #tpu.memory_space<hbm>> -> memref<20480x32xf32, #tpu.memory_space<hbm>>
      tpu.wait_indirect_dma semaphore(%arg39 : memref<!tpu.dma_semaphore, #tpu.memory_space<semaphore_mem>>) src(%dma_wait3A_157 : memref<20480x32xf32, #tpu.memory_space<hbm>>) dst(%arg20 : memref<128x32xf32, #tpu.memory_space<vmem>>)
      %dma_wait3A_158 = arith.constant 0 : i32
      %dma_wait3A_159 = arith.constant 0 : i32
      %dma_wait3A_160 = tpu.memref_slice %arg13[%dma_wait3A_158, %dma_wait3A_159] : memref<40x128xi32, #tpu.memory_space<vmem>> -> memref<1x128xi32, #tpu.memory_space<vmem>>
      %dma_wait3A_161 = tpu.memref_squeeze %dma_wait3A_160 : memref<1x128xi32, #tpu.memory_space<vmem>> -> memref<128xi32, #tpu.memory_space<vmem>>
      %dma_wait3A_162 = arith.constant 0 : i32
      %dma_wait3A_163 = arith.constant 0 : i32
      %dma_wait3A_164 = tpu.memref_slice %arg4[%dma_wait3A_162, %dma_wait3A_163] : memref<20480x32xf32, #tpu.memory_space<hbm>> -> memref<20480x32xf32, #tpu.memory_space<hbm>>
      tpu.wait_indirect_dma semaphore(%arg40 : memref<!tpu.dma_semaphore, #tpu.memory_space<semaphore_mem>>) src(%dma_wait3A_164 : memref<20480x32xf32, #tpu.memory_space<hbm>>) dst(%arg21 : memref<128x32xf32, #tpu.memory_space<vmem>>)
      %dma_wait3A_165 = arith.constant 0 : i32
      %dma_wait3A_166 = arith.constant 0 : i32
      %dma_wait3A_167 = tpu.memref_slice %arg13[%dma_wait3A_165, %dma_wait3A_166] : memref<40x128xi32, #tpu.memory_space<vmem>> -> memref<1x128xi32, #tpu.memory_space<vmem>>
      %dma_wait3A_168 = tpu.memref_squeeze %dma_wait3A_167 : memref<1x128xi32, #tpu.memory_space<vmem>> -> memref<128xi32, #tpu.memory_space<vmem>>
      %dma_wait3A_169 = arith.constant 0 : i32
      %dma_wait3A_170 = arith.constant 0 : i32
      %dma_wait3A_171 = tpu.memref_slice %arg4[%dma_wait3A_169, %dma_wait3A_170] : memref<20480x32xf32, #tpu.memory_space<hbm>> -> memref<20480x32xf32, #tpu.memory_space<hbm>>
      tpu.wait_indirect_dma semaphore(%arg41 : memref<!tpu.dma_semaphore, #tpu.memory_space<semaphore_mem>>) src(%dma_wait3A_171 : memref<20480x32xf32, #tpu.memory_space<hbm>>) dst(%arg22 : memref<128x32xf32, #tpu.memory_space<vmem>>)
      %scan3A_172 = arith.constant 0 : i32
      scf.yield %scan3A_172 : i32
    }
    %scan3A_39 = arith.constant 4 : i32
    %barrier3A_40 = arith.constant 0 : index
    tpu.barrier barrier_id(%barrier3A_40)
    %scan3A_41 = arith.constant 0 : i32
    %scan3A_42 = arith.constant 0 : i32
    %scan3A_43 = arith.constant 4 : i32
    %scan3A_44 = arith.addi %scan3A_42, %scan3A_43 : i32
    %scan3A_45 = arith.constant 1 : i32
    %scan3A_46 = scf.for %scan3A_48 = %scan3A_42 to %scan3A_44 step %scan3A_45 iter_args(%scan3A_49 = %scan3A_41) -> (i32)  : i32 {
      %mul3A_50 = arith.constant 640 : i32
      %mul3A_51 = arith.muli %arg1, %mul3A_50 : i32
      %mul3A_52 = arith.constant 160 : i32
      %mul3A_53 = arith.muli %scan3A_48, %mul3A_52 : i32
      %add3A = arith.addi %mul3A_51, %mul3A_53 : i32
      "tpu.region"() ({
        %run_scoped3A = tpu.sem_alloc : memref<!tpu.dma_semaphore, #tpu.memory_space<semaphore_mem>>
        %dma_start3A = arith.constant 0 : i32
        %dma_start3A_62 = tpu.memref_slice %arg12[%add3A, %dma_start3A] : memref<10240x32xf32, #tpu.memory_space<vmem_shared>> -> memref<160x32xf32, #tpu.memory_space<vmem_shared>>
        %dma_start3A_63 = arith.constant 0 : i32
        %dma_start3A_64 = tpu.memref_slice %arg12[%add3A, %dma_start3A_63] : memref<10240x32xf32, #tpu.memory_space<vmem_shared>> -> memref<160x32xf32, #tpu.memory_space<vmem_shared>>
        tpu.enqueue_dma source(%dma_start3A_64 : memref<160x32xf32, #tpu.memory_space<vmem_shared>>) target(%arg23 : memref<160x32xf32, #tpu.memory_space<vmem>>) target_semaphore(%run_scoped3A : memref<!tpu.dma_semaphore, #tpu.memory_space<semaphore_mem>>)
        %dma_wait3A = arith.constant 0 : i32
        %dma_wait3A_65 = tpu.memref_slice %arg12[%add3A, %dma_wait3A] : memref<10240x32xf32, #tpu.memory_space<vmem_shared>> -> memref<160x32xf32, #tpu.memory_space<vmem_shared>>
        %dma_wait3A_66 = arith.constant 0 : i32
        %dma_wait3A_67 = tpu.memref_slice %arg12[%add3A, %dma_wait3A_66] : memref<10240x32xf32, #tpu.memory_space<vmem_shared>> -> memref<160x32xf32, #tpu.memory_space<vmem_shared>>
        tpu.wait_dma2 semaphore(%run_scoped3A : memref<!tpu.dma_semaphore, #tpu.memory_space<semaphore_mem>>) src(%dma_wait3A_67 : memref<160x32xf32, #tpu.memory_space<vmem_shared>>) dst(%arg23 : memref<160x32xf32, #tpu.memory_space<vmem>>)
        tpu.yield
      }) : () -> ()
      "tpu.region"() ({
        %run_scoped3A = tpu.sem_alloc : memref<!tpu.dma_semaphore, #tpu.memory_space<semaphore_mem>>
        %dma_start3A = arith.constant 0 : i32
        %dma_start3A_62 = tpu.memref_slice %arg6[%arg0, %add3A, %dma_start3A] : memref<2x10240x32xf32, #tpu.memory_space<hbm>> -> memref<1x160x32xf32, #tpu.memory_space<hbm>>
        %dma_start3A_63 = tpu.memref_squeeze %dma_start3A_62 : memref<1x160x32xf32, #tpu.memory_space<hbm>> -> memref<160x32xf32, #tpu.memory_space<hbm>>
        %dma_start3A_64 = arith.constant 0 : i32
        %dma_start3A_65 = tpu.memref_slice %arg6[%arg0, %add3A, %dma_start3A_64] : memref<2x10240x32xf32, #tpu.memory_space<hbm>> -> memref<1x160x32xf32, #tpu.memory_space<hbm>>
        %dma_start3A_66 = tpu.memref_squeeze %dma_start3A_65 : memref<1x160x32xf32, #tpu.memory_space<hbm>> -> memref<160x32xf32, #tpu.memory_space<hbm>>
        tpu.enqueue_dma source(%dma_start3A_66 : memref<160x32xf32, #tpu.memory_space<hbm>>) target(%arg24 : memref<160x32xf32, #tpu.memory_space<vmem>>) target_semaphore(%run_scoped3A : memref<!tpu.dma_semaphore, #tpu.memory_space<semaphore_mem>>)
        %dma_wait3A = arith.constant 0 : i32
        %dma_wait3A_67 = tpu.memref_slice %arg6[%arg0, %add3A, %dma_wait3A] : memref<2x10240x32xf32, #tpu.memory_space<hbm>> -> memref<1x160x32xf32, #tpu.memory_space<hbm>>
        %dma_wait3A_68 = tpu.memref_squeeze %dma_wait3A_67 : memref<1x160x32xf32, #tpu.memory_space<hbm>> -> memref<160x32xf32, #tpu.memory_space<hbm>>
        %dma_wait3A_69 = arith.constant 0 : i32
        %dma_wait3A_70 = tpu.memref_slice %arg6[%arg0, %add3A, %dma_wait3A_69] : memref<2x10240x32xf32, #tpu.memory_space<hbm>> -> memref<1x160x32xf32, #tpu.memory_space<hbm>>
        %dma_wait3A_71 = tpu.memref_squeeze %dma_wait3A_70 : memref<1x160x32xf32, #tpu.memory_space<hbm>> -> memref<160x32xf32, #tpu.memory_space<hbm>>
        tpu.wait_dma2 semaphore(%run_scoped3A : memref<!tpu.dma_semaphore, #tpu.memory_space<semaphore_mem>>) src(%dma_wait3A_71 : memref<160x32xf32, #tpu.memory_space<hbm>>) dst(%arg24 : memref<160x32xf32, #tpu.memory_space<vmem>>)
        tpu.yield
      }) : () -> ()
      "tpu.region"() ({
        %run_scoped3A = tpu.sem_alloc : memref<!tpu.dma_semaphore, #tpu.memory_space<semaphore_mem>>
        %dma_start3A = arith.constant 0 : i32
        %dma_start3A_62 = tpu.memref_slice %arg8[%add3A, %dma_start3A] : memref<10240x32xf32, #tpu.memory_space<hbm>> -> memref<160x32xf32, #tpu.memory_space<hbm>>
        %dma_start3A_63 = arith.constant 0 : i32
        %dma_start3A_64 = tpu.memref_slice %arg8[%add3A, %dma_start3A_63] : memref<10240x32xf32, #tpu.memory_space<hbm>> -> memref<160x32xf32, #tpu.memory_space<hbm>>
        tpu.enqueue_dma source(%dma_start3A_64 : memref<160x32xf32, #tpu.memory_space<hbm>>) target(%arg25 : memref<160x32xf32, #tpu.memory_space<vmem>>) target_semaphore(%run_scoped3A : memref<!tpu.dma_semaphore, #tpu.memory_space<semaphore_mem>>)
        %dma_wait3A = arith.constant 0 : i32
        %dma_wait3A_65 = tpu.memref_slice %arg8[%add3A, %dma_wait3A] : memref<10240x32xf32, #tpu.memory_space<hbm>> -> memref<160x32xf32, #tpu.memory_space<hbm>>
        %dma_wait3A_66 = arith.constant 0 : i32
        %dma_wait3A_67 = tpu.memref_slice %arg8[%add3A, %dma_wait3A_66] : memref<10240x32xf32, #tpu.memory_space<hbm>> -> memref<160x32xf32, #tpu.memory_space<hbm>>
        tpu.wait_dma2 semaphore(%run_scoped3A : memref<!tpu.dma_semaphore, #tpu.memory_space<semaphore_mem>>) src(%dma_wait3A_67 : memref<160x32xf32, #tpu.memory_space<hbm>>) dst(%arg25 : memref<160x32xf32, #tpu.memory_space<vmem>>)
        tpu.yield
      }) : () -> ()
      %scan3A_54 = arith.constant 0 : i32
      %scan3A_55 = arith.constant 0 : i32
      %scan3A_56 = arith.constant 160 : i32
      %scan3A_57 = arith.addi %scan3A_55, %scan3A_56 : i32
      %scan3A_58 = arith.constant 1 : i32
      %scan3A_59 = scf.for %scan3A_62 = %scan3A_55 to %scan3A_57 step %scan3A_58 iter_args(%scan3A_63 = %scan3A_54) -> (i32)  : i32 {
        %get3A = arith.index_cast %scan3A_62 : i32 to index
        %get3A_64 = arith.constant 0 : index
        %get3A_65 = tpu.vector_load %arg24[%get3A, %get3A_64] {strides = array<i32>} : memref<160x32xf32, #tpu.memory_space<vmem>>, vector<1x16xf32>,
        %get3A_66 = vector.shape_cast %get3A_65 : vector<1x16xf32> to vector<16xf32>
        %get3A_67 = arith.index_cast %scan3A_62 : i32 to index
        %get3A_68 = arith.constant 0 : index
        %get3A_69 = tpu.vector_load %arg25[%get3A_67, %get3A_68] {strides = array<i32>} : memref<160x32xf32, #tpu.memory_space<vmem>>, vector<1x16xf32>,
        %get3A_70 = vector.shape_cast %get3A_69 : vector<1x16xf32> to vector<16xf32>
        %get3A_71 = arith.index_cast %scan3A_62 : i32 to index
        %get3A_72 = arith.constant 0 : index
        %get3A_73 = tpu.vector_load %arg23[%get3A_71, %get3A_72] {strides = array<i32>} : memref<160x32xf32, #tpu.memory_space<vmem>>, vector<1x16xf32>,
        %get3A_74 = vector.shape_cast %get3A_73 : vector<1x16xf32> to vector<16xf32>
        %mul3A_75 = arith.mulf %get3A_70, %get3A_74 : vector<16xf32>
        %add3A_76 = arith.addf %get3A_66, %mul3A_75 : vector<16xf32>
        %swap3A = arith.index_cast %scan3A_62 : i32 to index
        %swap3A_77 = arith.constant 0 : index
        %swap3A_78 = tpu.vector_load %arg24[%swap3A, %swap3A_77] {strides = array<i32>} : memref<160x32xf32, #tpu.memory_space<vmem>>, vector<1x16xf32>,
        %swap3A_79 = vector.shape_cast %swap3A_78 : vector<1x16xf32> to vector<16xf32>
        %swap3A_80 = vector.shape_cast %add3A_76 : vector<16xf32> to vector<1x16xf32>
        tpu.vector_store %arg24[%swap3A, %swap3A_77], %swap3A_80 {strides = array<i32>} : memref<160x32xf32, #tpu.memory_space<vmem>>, vector<1x16xf32>,
        %get3A_81 = arith.index_cast %scan3A_62 : i32 to index
        %get3A_82 = arith.constant 16 : index
        %get3A_83 = tpu.vector_load %arg24[%get3A_81, %get3A_82] {strides = array<i32>} : memref<160x32xf32, #tpu.memory_space<vmem>>, vector<1x16xf32>,
        %get3A_84 = vector.shape_cast %get3A_83 : vector<1x16xf32> to vector<16xf32>
        %get3A_85 = arith.index_cast %scan3A_62 : i32 to index
        %get3A_86 = arith.constant 16 : index
        %get3A_87 = tpu.vector_load %arg25[%get3A_85, %get3A_86] {strides = array<i32>} : memref<160x32xf32, #tpu.memory_space<vmem>>, vector<1x16xf32>,
        %get3A_88 = vector.shape_cast %get3A_87 : vector<1x16xf32> to vector<16xf32>
        %get3A_89 = arith.index_cast %scan3A_62 : i32 to index
        %get3A_90 = arith.constant 16 : index
        %get3A_91 = tpu.vector_load %arg23[%get3A_89, %get3A_90] {strides = array<i32>} : memref<160x32xf32, #tpu.memory_space<vmem>>, vector<1x16xf32>,
        %get3A_92 = vector.shape_cast %get3A_91 : vector<1x16xf32> to vector<16xf32>
        %mul3A_93 = arith.mulf %get3A_88, %get3A_92 : vector<16xf32>
        %add3A_94 = arith.addf %get3A_84, %mul3A_93 : vector<16xf32>
        %swap3A_95 = arith.index_cast %scan3A_62 : i32 to index
        %swap3A_96 = arith.constant 16 : index
        %swap3A_97 = tpu.vector_load %arg24[%swap3A_95, %swap3A_96] {strides = array<i32>} : memref<160x32xf32, #tpu.memory_space<vmem>>, vector<1x16xf32>,
        %swap3A_98 = vector.shape_cast %swap3A_97 : vector<1x16xf32> to vector<16xf32>
        %swap3A_99 = vector.shape_cast %add3A_94 : vector<16xf32> to vector<1x16xf32>
        tpu.vector_store %arg24[%swap3A_95, %swap3A_96], %swap3A_99 {strides = array<i32>} : memref<160x32xf32, #tpu.memory_space<vmem>>, vector<1x16xf32>,
        %scan3A_100 = arith.constant 0 : i32
        scf.yield %scan3A_100 : i32
      }
      %scan3A_60 = arith.constant 160 : i32
      "tpu.region"() ({
        %run_scoped3A = tpu.sem_alloc : memref<!tpu.dma_semaphore, #tpu.memory_space<semaphore_mem>>
        %dma_start3A = arith.constant 0 : i32
        %dma_start3A_62 = tpu.memref_slice %arg9[%arg0, %add3A, %dma_start3A] : memref<2x10240x32xf32, #tpu.memory_space<hbm>> -> memref<1x160x32xf32, #tpu.memory_space<hbm>>
        %dma_start3A_63 = tpu.memref_squeeze %dma_start3A_62 : memref<1x160x32xf32, #tpu.memory_space<hbm>> -> memref<160x32xf32, #tpu.memory_space<hbm>>
        %dma_start3A_64 = arith.constant 0 : i32
        %dma_start3A_65 = tpu.memref_slice %arg9[%arg0, %add3A, %dma_start3A_64] : memref<2x10240x32xf32, #tpu.memory_space<hbm>> -> memref<1x160x32xf32, #tpu.memory_space<hbm>>
        %dma_start3A_66 = tpu.memref_squeeze %dma_start3A_65 : memref<1x160x32xf32, #tpu.memory_space<hbm>> -> memref<160x32xf32, #tpu.memory_space<hbm>>
        tpu.enqueue_dma source(%arg24 : memref<160x32xf32, #tpu.memory_space<vmem>>) target(%dma_start3A_66 : memref<160x32xf32, #tpu.memory_space<hbm>>) target_semaphore(%run_scoped3A : memref<!tpu.dma_semaphore, #tpu.memory_space<semaphore_mem>>)
        %dma_wait3A = arith.constant 0 : i32
        %dma_wait3A_67 = tpu.memref_slice %arg9[%arg0, %add3A, %dma_wait3A] : memref<2x10240x32xf32, #tpu.memory_space<hbm>> -> memref<1x160x32xf32, #tpu.memory_space<hbm>>
        %dma_wait3A_68 = tpu.memref_squeeze %dma_wait3A_67 : memref<1x160x32xf32, #tpu.memory_space<hbm>> -> memref<160x32xf32, #tpu.memory_space<hbm>>
        %dma_wait3A_69 = arith.constant 0 : i32
        %dma_wait3A_70 = tpu.memref_slice %arg9[%arg0, %add3A, %dma_wait3A_69] : memref<2x10240x32xf32, #tpu.memory_space<hbm>> -> memref<1x160x32xf32, #tpu.memory_space<hbm>>
        %dma_wait3A_71 = tpu.memref_squeeze %dma_wait3A_70 : memref<1x160x32xf32, #tpu.memory_space<hbm>> -> memref<160x32xf32, #tpu.memory_space<hbm>>
        tpu.wait_dma2 semaphore(%run_scoped3A : memref<!tpu.dma_semaphore, #tpu.memory_space<semaphore_mem>>) src(%arg24 : memref<160x32xf32, #tpu.memory_space<vmem>>) dst(%dma_wait3A_71 : memref<160x32xf32, #tpu.memory_space<hbm>>)
        tpu.yield
      }) : () -> ()
      %scan3A_61 = arith.constant 0 : i32
      scf.yield %scan3A_61 : i32
    }
    %scan3A_47 = arith.constant 4 : i32
    return
  }
}

#map = affine_map<(d0, d1) -> (0, 0)>
#map1 = affine_map<(d0, d1) -> (0, 0, 0)>
module attributes {stable_mosaic.version = 14 : i64} {
  func.func @k(%arg0: i32, %arg1: i32, %arg2: memref<2560x128xi32, #tpu.memory_space<hbm>>, %arg3: memref<2x10240x16xf32, #tpu.memory_space<hbm>>, %arg4: memref<10240x16xf32, #tpu.memory_space<vmem_shared>>, %arg5: memref<16x128xi32, #tpu.memory_space<vmem>>, %arg6: memref<128x16xf32, #tpu.memory_space<vmem>>, %arg7: memref<640x16xf32, #tpu.memory_space<vmem>>, %arg8: memref<!tpu.dma_semaphore, #tpu.memory_space<semaphore_mem>>) attributes {dimension_semantics = [#tpu.dimension_semantics<core_parallel>, #tpu.dimension_semantics<subcore_parallel>], iteration_bounds = array<i64: 2, 16>, scalar_prefetch = 0 : i64, scratch_operands = 5 : i64, tpu.core_type = #tpu.core_type<sc_vector_subcore>, window_params = [{transform_indices = #map}, {transform_indices = #map1}]} {
    %broadcast_in_dim3A = arith.constant 0.000000e+00 : f32
    %broadcast_in_dim3A_0 = vector.broadcast %broadcast_in_dim3A : f32 to vector<16xf32>
    %iota3A = tpu.iota {dimensions = array<i32: 0>} : vector<16xi32>
    %eq3A = arith.constant 0 : i32
    %eq3A_1 = vector.broadcast %eq3A : i32 to vector<16xi32>
    %eq3A_2 = arith.cmpi eq, %iota3A, %eq3A_1 : vector<16xi32>
    %jit3A = arith.constant 1.000000e+00 : f32
    %jit3A_3 = arith.constant 0.000000e+00 : f32
    %broadcast_in_dim3A_4 = vector.broadcast %jit3A : f32 to vector<16xf32>
    %broadcast_in_dim3A_5 = vector.broadcast %jit3A_3 : f32 to vector<16xf32>
    %select_n3A = arith.select %eq3A_2, %broadcast_in_dim3A_4, %broadcast_in_dim3A_5 : vector<16xi1>, vector<16xf32>
    %scan3A = arith.constant 0 : i32
    %scan3A_6 = arith.constant 0 : i32
    %scan3A_7 = arith.constant 640 : i32
    %scan3A_8 = arith.addi %scan3A_6, %scan3A_7 : i32
    %scan3A_9 = arith.constant 1 : i32
    %scan3A_10 = scf.for %scan3A_34 = %scan3A_6 to %scan3A_8 step %scan3A_9 iter_args(%scan3A_35 = %scan3A) -> (i32)  : i32 {
      %swap3A = arith.index_cast %scan3A_34 : i32 to index
      %swap3A_36 = arith.constant 0 : index
      %swap3A_37 = tpu.vector_load %arg7[%swap3A, %swap3A_36] {strides = array<i32>} : memref<640x16xf32, #tpu.memory_space<vmem>>, vector<1x16xf32>,
      %swap3A_38 = vector.shape_cast %swap3A_37 : vector<1x16xf32> to vector<16xf32>
      %swap3A_39 = vector.shape_cast %broadcast_in_dim3A_0 : vector<16xf32> to vector<1x16xf32>
      tpu.vector_store %arg7[%swap3A, %swap3A_36], %swap3A_39 {strides = array<i32>} : memref<640x16xf32, #tpu.memory_space<vmem>>, vector<1x16xf32>,
      %scan3A_40 = arith.constant 0 : i32
      scf.yield %scan3A_40 : i32
    }
    %scan3A_11 = arith.constant 640 : i32
    %scan3A_12 = arith.constant 0 : i32
    %scan3A_13 = arith.constant 0 : i32
    %scan3A_14 = arith.constant 128 : i32
    %scan3A_15 = arith.addi %scan3A_13, %scan3A_14 : i32
    %scan3A_16 = arith.constant 1 : i32
    %scan3A_17 = scf.for %scan3A_34 = %scan3A_13 to %scan3A_15 step %scan3A_16 iter_args(%scan3A_35 = %scan3A_12) -> (i32)  : i32 {
      %swap3A = arith.index_cast %scan3A_34 : i32 to index
      %swap3A_36 = arith.constant 0 : index
      %swap3A_37 = tpu.vector_load %arg6[%swap3A, %swap3A_36] {strides = array<i32>} : memref<128x16xf32, #tpu.memory_space<vmem>>, vector<1x16xf32>,
      %swap3A_38 = vector.shape_cast %swap3A_37 : vector<1x16xf32> to vector<16xf32>
      %swap3A_39 = vector.shape_cast %select_n3A : vector<16xf32> to vector<1x16xf32>
      tpu.vector_store %arg6[%swap3A, %swap3A_36], %swap3A_39 {strides = array<i32>} : memref<128x16xf32, #tpu.memory_space<vmem>>, vector<1x16xf32>,
      %scan3A_40 = arith.constant 0 : i32
      scf.yield %scan3A_40 : i32
    }
    %scan3A_18 = arith.constant 128 : i32
    %mul3A = arith.constant 640 : i32
    %mul3A_19 = arith.muli %arg1, %mul3A : i32
    "tpu.region"() ({
      %run_scoped3A = tpu.sem_alloc : memref<!tpu.dma_semaphore, #tpu.memory_space<semaphore_mem>>
      %dma_start3A = arith.constant 0 : i32
      %dma_start3A_34 = tpu.memref_slice %arg4[%mul3A_19, %dma_start3A] : memref<10240x16xf32, #tpu.memory_space<vmem_shared>> -> memref<640x16xf32, #tpu.memory_space<vmem_shared>>
      %dma_start3A_35 = arith.constant 0 : i32
      %dma_start3A_36 = tpu.memref_slice %arg4[%mul3A_19, %dma_start3A_35] : memref<10240x16xf32, #tpu.memory_space<vmem_shared>> -> memref<640x16xf32, #tpu.memory_space<vmem_shared>>
      tpu.enqueue_dma source(%arg7 : memref<640x16xf32, #tpu.memory_space<vmem>>) target(%dma_start3A_36 : memref<640x16xf32, #tpu.memory_space<vmem_shared>>) target_semaphore(%run_scoped3A : memref<!tpu.dma_semaphore, #tpu.memory_space<semaphore_mem>>)
      %dma_wait3A = arith.constant 0 : i32
      %dma_wait3A_37 = tpu.memref_slice %arg4[%mul3A_19, %dma_wait3A] : memref<10240x16xf32, #tpu.memory_space<vmem_shared>> -> memref<640x16xf32, #tpu.memory_space<vmem_shared>>
      %dma_wait3A_38 = arith.constant 0 : i32
      %dma_wait3A_39 = tpu.memref_slice %arg4[%mul3A_19, %dma_wait3A_38] : memref<10240x16xf32, #tpu.memory_space<vmem_shared>> -> memref<640x16xf32, #tpu.memory_space<vmem_shared>>
      tpu.wait_dma2 semaphore(%run_scoped3A : memref<!tpu.dma_semaphore, #tpu.memory_space<semaphore_mem>>) src(%arg7 : memref<640x16xf32, #tpu.memory_space<vmem>>) dst(%dma_wait3A_39 : memref<640x16xf32, #tpu.memory_space<vmem_shared>>)
      tpu.yield
    }) : () -> ()
    %barrier3A = arith.constant 0 : index
    tpu.barrier barrier_id(%barrier3A)
    %mul3A_20 = arith.constant 2 : i32
    %mul3A_21 = arith.muli %arg1, %mul3A_20 : i32
    %add3A = arith.addi %mul3A_21, %arg0 : i32
    %mul3A_22 = arith.constant 80 : i32
    %mul3A_23 = arith.muli %add3A, %mul3A_22 : i32
    %scan3A_24 = arith.constant 0 : i32
    %scan3A_25 = arith.constant 0 : i32
    %scan3A_26 = arith.constant 5 : i32
    %scan3A_27 = arith.addi %scan3A_25, %scan3A_26 : i32
    %scan3A_28 = arith.constant 1 : i32
    %scan3A_29 = scf.for %scan3A_34 = %scan3A_25 to %scan3A_27 step %scan3A_28 iter_args(%scan3A_35 = %scan3A_24) -> (i32)  : i32 {
      %mul3A_36 = arith.constant 16 : i32
      %mul3A_37 = arith.muli %scan3A_34, %mul3A_36 : i32
      %add3A_38 = arith.addi %mul3A_23, %mul3A_37 : i32
      "tpu.region"() ({
        %run_scoped3A = tpu.sem_alloc : memref<!tpu.dma_semaphore, #tpu.memory_space<semaphore_mem>>
        %dma_start3A = arith.constant 0 : i32
        %dma_start3A_54 = tpu.memref_slice %arg2[%add3A_38, %dma_start3A] : memref<2560x128xi32, #tpu.memory_space<hbm>> -> memref<16x128xi32, #tpu.memory_space<hbm>>
        %dma_start3A_55 = arith.constant 0 : i32
        %dma_start3A_56 = tpu.memref_slice %arg2[%add3A_38, %dma_start3A_55] : memref<2560x128xi32, #tpu.memory_space<hbm>> -> memref<16x128xi32, #tpu.memory_space<hbm>>
        tpu.enqueue_dma source(%dma_start3A_56 : memref<16x128xi32, #tpu.memory_space<hbm>>) target(%arg5 : memref<16x128xi32, #tpu.memory_space<vmem>>) target_semaphore(%run_scoped3A : memref<!tpu.dma_semaphore, #tpu.memory_space<semaphore_mem>>)
        %dma_wait3A = arith.constant 0 : i32
        %dma_wait3A_57 = tpu.memref_slice %arg2[%add3A_38, %dma_wait3A] : memref<2560x128xi32, #tpu.memory_space<hbm>> -> memref<16x128xi32, #tpu.memory_space<hbm>>
        %dma_wait3A_58 = arith.constant 0 : i32
        %dma_wait3A_59 = tpu.memref_slice %arg2[%add3A_38, %dma_wait3A_58] : memref<2560x128xi32, #tpu.memory_space<hbm>> -> memref<16x128xi32, #tpu.memory_space<hbm>>
        tpu.wait_dma2 semaphore(%run_scoped3A : memref<!tpu.dma_semaphore, #tpu.memory_space<semaphore_mem>>) src(%dma_wait3A_59 : memref<16x128xi32, #tpu.memory_space<hbm>>) dst(%arg5 : memref<16x128xi32, #tpu.memory_space<vmem>>)
        tpu.yield
      }) : () -> ()
      %scan3A_39 = arith.constant 0 : i32
      %scan3A_40 = arith.constant 0 : i32
      %scan3A_41 = arith.constant 16 : i32
      %scan3A_42 = arith.addi %scan3A_40, %scan3A_41 : i32
      %scan3A_43 = arith.constant 1 : i32
      %scan3A_44 = scf.for %scan3A_54 = %scan3A_40 to %scan3A_42 step %scan3A_43 iter_args(%scan3A_55 = %scan3A_39) -> (i32)  : i32 {
        %dma_start3A = arith.constant 0 : i32
        %dma_start3A_56 = tpu.memref_slice %arg5[%scan3A_54, %dma_start3A] : memref<16x128xi32, #tpu.memory_space<vmem>> -> memref<1x128xi32, #tpu.memory_space<vmem>>
        %dma_start3A_57 = tpu.memref_squeeze %dma_start3A_56 : memref<1x128xi32, #tpu.memory_space<vmem>> -> memref<128xi32, #tpu.memory_space<vmem>>
        %dma_start3A_58 = arith.constant 0 : i32
        %dma_start3A_59 = arith.constant 0 : i32
        %dma_start3A_60 = tpu.memref_slice %arg4[%dma_start3A_58, %dma_start3A_59] : memref<10240x16xf32, #tpu.memory_space<vmem_shared>> -> memref<10240x16xf32, #tpu.memory_space<vmem_shared>>
        tpu.enqueue_indirect_dma source(%arg6 : memref<128x16xf32, #tpu.memory_space<vmem>>) target(%dma_start3A_60 : memref<10240x16xf32, #tpu.memory_space<vmem_shared>>) offsets(%dma_start3A_57 : memref<128xi32, #tpu.memory_space<vmem>>) semaphore(%arg8 : memref<!tpu.dma_semaphore, #tpu.memory_space<semaphore_mem>>) {add = true}
        %scan3A_61 = arith.constant 0 : i32
        scf.yield %scan3A_61 : i32
      }
      %scan3A_45 = arith.constant 16 : i32
      %scan3A_46 = arith.constant 0 : i32
      %scan3A_47 = arith.constant 0 : i32
      %scan3A_48 = arith.constant 16 : i32
      %scan3A_49 = arith.addi %scan3A_47, %scan3A_48 : i32
      %scan3A_50 = arith.constant 1 : i32
      %scan3A_51 = scf.for %scan3A_54 = %scan3A_47 to %scan3A_49 step %scan3A_50 iter_args(%scan3A_55 = %scan3A_46) -> (i32)  : i32 {
        %dma_wait3A = arith.constant 0 : i32
        %dma_wait3A_56 = arith.constant 0 : i32
        %dma_wait3A_57 = arith.constant 0 : i32
        %dma_wait3A_58 = tpu.memref_slice %arg3[%dma_wait3A, %dma_wait3A_56, %dma_wait3A_57] : memref<2x10240x16xf32, #tpu.memory_space<hbm>> -> memref<1x128x16xf32, #tpu.memory_space<hbm>>
        %dma_wait3A_59 = tpu.memref_squeeze %dma_wait3A_58 : memref<1x128x16xf32, #tpu.memory_space<hbm>> -> memref<128x16xf32, #tpu.memory_space<hbm>>
        %dma_wait3A_60 = arith.constant 0 : i32
        %dma_wait3A_61 = arith.constant 0 : i32
        %dma_wait3A_62 = tpu.memref_slice %arg3[%dma_wait3A, %dma_wait3A_60, %dma_wait3A_61] : memref<2x10240x16xf32, #tpu.memory_space<hbm>> -> memref<1x128x16xf32, #tpu.memory_space<hbm>>
        %dma_wait3A_63 = tpu.memref_squeeze %dma_wait3A_62 : memref<1x128x16xf32, #tpu.memory_space<hbm>> -> memref<128x16xf32, #tpu.memory_space<hbm>>
        tpu.wait_dma2 semaphore(%arg8 : memref<!tpu.dma_semaphore, #tpu.memory_space<semaphore_mem>>) src(%dma_wait3A_63 : memref<128x16xf32, #tpu.memory_space<hbm>>) dst(%arg6 : memref<128x16xf32, #tpu.memory_space<vmem>>)
        %scan3A_64 = arith.constant 0 : i32
        scf.yield %scan3A_64 : i32
      }
      %scan3A_52 = arith.constant 16 : i32
      %scan3A_53 = arith.constant 0 : i32
      scf.yield %scan3A_53 : i32
    }
    %scan3A_30 = arith.constant 5 : i32
    %barrier3A_31 = arith.constant 0 : index
    tpu.barrier barrier_id(%barrier3A_31)
    %mul3A_32 = arith.constant 640 : i32
    %mul3A_33 = arith.muli %arg1, %mul3A_32 : i32
    "tpu.region"() ({
      %run_scoped3A = tpu.sem_alloc : memref<!tpu.dma_semaphore, #tpu.memory_space<semaphore_mem>>
      %dma_start3A = arith.constant 0 : i32
      %dma_start3A_34 = tpu.memref_slice %arg4[%mul3A_33, %dma_start3A] : memref<10240x16xf32, #tpu.memory_space<vmem_shared>> -> memref<640x16xf32, #tpu.memory_space<vmem_shared>>
      %dma_start3A_35 = arith.constant 0 : i32
      %dma_start3A_36 = tpu.memref_slice %arg4[%mul3A_33, %dma_start3A_35] : memref<10240x16xf32, #tpu.memory_space<vmem_shared>> -> memref<640x16xf32, #tpu.memory_space<vmem_shared>>
      tpu.enqueue_dma source(%dma_start3A_36 : memref<640x16xf32, #tpu.memory_space<vmem_shared>>) target(%arg7 : memref<640x16xf32, #tpu.memory_space<vmem>>) target_semaphore(%run_scoped3A : memref<!tpu.dma_semaphore, #tpu.memory_space<semaphore_mem>>)
      %dma_wait3A = arith.constant 0 : i32
      %dma_wait3A_37 = tpu.memref_slice %arg4[%mul3A_33, %dma_wait3A] : memref<10240x16xf32, #tpu.memory_space<vmem_shared>> -> memref<640x16xf32, #tpu.memory_space<vmem_shared>>
      %dma_wait3A_38 = arith.constant 0 : i32
      %dma_wait3A_39 = tpu.memref_slice %arg4[%mul3A_33, %dma_wait3A_38] : memref<10240x16xf32, #tpu.memory_space<vmem_shared>> -> memref<640x16xf32, #tpu.memory_space<vmem_shared>>
      tpu.wait_dma2 semaphore(%run_scoped3A : memref<!tpu.dma_semaphore, #tpu.memory_space<semaphore_mem>>) src(%dma_wait3A_39 : memref<640x16xf32, #tpu.memory_space<vmem_shared>>) dst(%arg7 : memref<640x16xf32, #tpu.memory_space<vmem>>)
      tpu.yield
    }) : () -> ()
    "tpu.region"() ({
      %run_scoped3A = tpu.sem_alloc : memref<!tpu.dma_semaphore, #tpu.memory_space<semaphore_mem>>
      %dma_start3A = arith.constant 0 : i32
      %dma_start3A_34 = tpu.memref_slice %arg3[%arg0, %mul3A_33, %dma_start3A] : memref<2x10240x16xf32, #tpu.memory_space<hbm>> -> memref<1x640x16xf32, #tpu.memory_space<hbm>>
      %dma_start3A_35 = tpu.memref_squeeze %dma_start3A_34 : memref<1x640x16xf32, #tpu.memory_space<hbm>> -> memref<640x16xf32, #tpu.memory_space<hbm>>
      %dma_start3A_36 = arith.constant 0 : i32
      %dma_start3A_37 = tpu.memref_slice %arg3[%arg0, %mul3A_33, %dma_start3A_36] : memref<2x10240x16xf32, #tpu.memory_space<hbm>> -> memref<1x640x16xf32, #tpu.memory_space<hbm>>
      %dma_start3A_38 = tpu.memref_squeeze %dma_start3A_37 : memref<1x640x16xf32, #tpu.memory_space<hbm>> -> memref<640x16xf32, #tpu.memory_space<hbm>>
      tpu.enqueue_dma source(%arg7 : memref<640x16xf32, #tpu.memory_space<vmem>>) target(%dma_start3A_38 : memref<640x16xf32, #tpu.memory_space<hbm>>) target_semaphore(%run_scoped3A : memref<!tpu.dma_semaphore, #tpu.memory_space<semaphore_mem>>)
      %dma_wait3A = arith.constant 0 : i32
      %dma_wait3A_39 = tpu.memref_slice %arg3[%arg0, %mul3A_33, %dma_wait3A] : memref<2x10240x16xf32, #tpu.memory_space<hbm>> -> memref<1x640x16xf32, #tpu.memory_space<hbm>>
      %dma_wait3A_40 = tpu.memref_squeeze %dma_wait3A_39 : memref<1x640x16xf32, #tpu.memory_space<hbm>> -> memref<640x16xf32, #tpu.memory_space<hbm>>
      %dma_wait3A_41 = arith.constant 0 : i32
      %dma_wait3A_42 = tpu.memref_slice %arg3[%arg0, %mul3A_33, %dma_wait3A_41] : memref<2x10240x16xf32, #tpu.memory_space<hbm>> -> memref<1x640x16xf32, #tpu.memory_space<hbm>>
      %dma_wait3A_43 = tpu.memref_squeeze %dma_wait3A_42 : memref<1x640x16xf32, #tpu.memory_space<hbm>> -> memref<640x16xf32, #tpu.memory_space<hbm>>
      tpu.wait_dma2 semaphore(%run_scoped3A : memref<!tpu.dma_semaphore, #tpu.memory_space<semaphore_mem>>) src(%arg7 : memref<640x16xf32, #tpu.memory_space<vmem>>) dst(%dma_wait3A_43 : memref<640x16xf32, #tpu.memory_space<hbm>>)
      tpu.yield
    }) : () -> ()
    return
  }
}

#map = affine_map<(d0, d1) -> (0, 0)>
#map1 = affine_map<(d0, d1) -> (0, 0, 0)>
module attributes {stable_mosaic.version = 14 : i64} {
  func.func @k(%arg0: i32, %arg1: i32, %arg2: memref<2560x128xi32, #tpu.memory_space<hbm>>, %arg3: memref<2560x128xi32, #tpu.memory_space<hbm>>, %arg4: memref<10240x16xf32, #tpu.memory_space<hbm>>, %arg5: memref<2x10240x16xf32, #tpu.memory_space<hbm>>, %arg6: memref<10240x16xf32, #tpu.memory_space<vmem_shared>>, %arg7: memref<10240x16xf32, #tpu.memory_space<vmem_shared>>, %arg8: memref<80x128xi32, #tpu.memory_space<vmem>>, %arg9: memref<80x128xi32, #tpu.memory_space<vmem>>, %arg10: memref<128x16xf32, #tpu.memory_space<vmem>>, %arg11: memref<128x16xf32, #tpu.memory_space<vmem>>, %arg12: memref<128x16xf32, #tpu.memory_space<vmem>>, %arg13: memref<128x16xf32, #tpu.memory_space<vmem>>, %arg14: memref<128x16xf32, #tpu.memory_space<vmem>>, %arg15: memref<128x16xf32, #tpu.memory_space<vmem>>, %arg16: memref<128x16xf32, #tpu.memory_space<vmem>>, %arg17: memref<128x16xf32, #tpu.memory_space<vmem>>, %arg18: memref<640x16xf32, #tpu.memory_space<vmem>>, %arg19: memref<!tpu.dma_semaphore, #tpu.memory_space<semaphore_mem>>, %arg20: memref<!tpu.dma_semaphore, #tpu.memory_space<semaphore_mem>>, %arg21: memref<!tpu.dma_semaphore, #tpu.memory_space<semaphore_mem>>, %arg22: memref<!tpu.dma_semaphore, #tpu.memory_space<semaphore_mem>>, %arg23: memref<!tpu.dma_semaphore, #tpu.memory_space<semaphore_mem>>, %arg24: memref<!tpu.dma_semaphore, #tpu.memory_space<semaphore_mem>>, %arg25: memref<!tpu.dma_semaphore, #tpu.memory_space<semaphore_mem>>, %arg26: memref<!tpu.dma_semaphore, #tpu.memory_space<semaphore_mem>>, %arg27: memref<!tpu.dma_semaphore, #tpu.memory_space<semaphore_mem>>, %arg28: memref<!tpu.dma_semaphore, #tpu.memory_space<semaphore_mem>>, %arg29: memref<!tpu.dma_semaphore, #tpu.memory_space<semaphore_mem>>, %arg30: memref<!tpu.dma_semaphore, #tpu.memory_space<semaphore_mem>>, %arg31: memref<!tpu.dma_semaphore, #tpu.memory_space<semaphore_mem>>, %arg32: memref<!tpu.dma_semaphore, #tpu.memory_space<semaphore_mem>>, %arg33: memref<!tpu.dma_semaphore, #tpu.memory_space<semaphore_mem>>, %arg34: memref<!tpu.dma_semaphore, #tpu.memory_space<semaphore_mem>>) attributes {dimension_semantics = [#tpu.dimension_semantics<core_parallel>, #tpu.dimension_semantics<subcore_parallel>], iteration_bounds = array<i64: 2, 16>, scalar_prefetch = 0 : i64, scratch_operands = 29 : i64, tpu.core_type = #tpu.core_type<sc_vector_subcore>, window_params = [{transform_indices = #map}, {transform_indices = #map}, {transform_indices = #map}, {transform_indices = #map1}]} {
    %broadcast_in_dim3A = arith.constant 0.000000e+00 : f32
    %broadcast_in_dim3A_0 = vector.broadcast %broadcast_in_dim3A : f32 to vector<16xf32>
    %scan3A = arith.constant 0 : i32
    %scan3A_1 = arith.constant 0 : i32
    %scan3A_2 = arith.constant 640 : i32
    %scan3A_3 = arith.addi %scan3A_1, %scan3A_2 : i32
    %scan3A_4 = arith.constant 1 : i32
    %scan3A_5 = scf.for %scan3A_136 = %scan3A_1 to %scan3A_3 step %scan3A_4 iter_args(%scan3A_137 = %scan3A) -> (i32)  : i32 {
      %swap3A = arith.index_cast %scan3A_136 : i32 to index
      %swap3A_138 = arith.constant 0 : index
      %swap3A_139 = tpu.vector_load %arg18[%swap3A, %swap3A_138] {strides = array<i32>} : memref<640x16xf32, #tpu.memory_space<vmem>>, vector<1x16xf32>,
      %swap3A_140 = vector.shape_cast %swap3A_139 : vector<1x16xf32> to vector<16xf32>
      %swap3A_141 = vector.shape_cast %broadcast_in_dim3A_0 : vector<16xf32> to vector<1x16xf32>
      tpu.vector_store %arg18[%swap3A, %swap3A_138], %swap3A_141 {strides = array<i32>} : memref<640x16xf32, #tpu.memory_space<vmem>>, vector<1x16xf32>,
      %scan3A_142 = arith.constant 0 : i32
      scf.yield %scan3A_142 : i32
    }
    %scan3A_6 = arith.constant 640 : i32
    %mul3A = arith.constant 640 : i32
    %mul3A_7 = arith.muli %arg1, %mul3A : i32
    "tpu.region"() ({
      %run_scoped3A = tpu.sem_alloc : memref<!tpu.dma_semaphore, #tpu.memory_space<semaphore_mem>>
      %dma_start3A_136 = arith.constant 0 : i32
      %dma_start3A_137 = tpu.memref_slice %arg6[%mul3A_7, %dma_start3A_136] : memref<10240x16xf32, #tpu.memory_space<vmem_shared>> -> memref<640x16xf32, #tpu.memory_space<vmem_shared>>
      %dma_start3A_138 = arith.constant 0 : i32
      %dma_start3A_139 = tpu.memref_slice %arg6[%mul3A_7, %dma_start3A_138] : memref<10240x16xf32, #tpu.memory_space<vmem_shared>> -> memref<640x16xf32, #tpu.memory_space<vmem_shared>>
      tpu.enqueue_dma source(%arg18 : memref<640x16xf32, #tpu.memory_space<vmem>>) target(%dma_start3A_139 : memref<640x16xf32, #tpu.memory_space<vmem_shared>>) target_semaphore(%run_scoped3A : memref<!tpu.dma_semaphore, #tpu.memory_space<semaphore_mem>>)
      %dma_wait3A_140 = arith.constant 0 : i32
      %dma_wait3A_141 = tpu.memref_slice %arg6[%mul3A_7, %dma_wait3A_140] : memref<10240x16xf32, #tpu.memory_space<vmem_shared>> -> memref<640x16xf32, #tpu.memory_space<vmem_shared>>
      %dma_wait3A_142 = arith.constant 0 : i32
      %dma_wait3A_143 = tpu.memref_slice %arg6[%mul3A_7, %dma_wait3A_142] : memref<10240x16xf32, #tpu.memory_space<vmem_shared>> -> memref<640x16xf32, #tpu.memory_space<vmem_shared>>
      tpu.wait_dma2 semaphore(%run_scoped3A : memref<!tpu.dma_semaphore, #tpu.memory_space<semaphore_mem>>) src(%arg18 : memref<640x16xf32, #tpu.memory_space<vmem>>) dst(%dma_wait3A_143 : memref<640x16xf32, #tpu.memory_space<vmem_shared>>)
      tpu.yield
    }) : () -> ()
    %mul3A_8 = arith.constant 640 : i32
    %mul3A_9 = arith.muli %arg1, %mul3A_8 : i32
    %mul3A_10 = arith.constant 640 : i32
    %mul3A_11 = arith.muli %arg1, %mul3A_10 : i32
    "tpu.region"() ({
      %run_scoped3A = tpu.sem_alloc : memref<!tpu.dma_semaphore, #tpu.memory_space<semaphore_mem>>
      %dma_start3A_136 = arith.constant 0 : i32
      %dma_start3A_137 = tpu.memref_slice %arg7[%mul3A_11, %dma_start3A_136] : memref<10240x16xf32, #tpu.memory_space<vmem_shared>> -> memref<640x16xf32, #tpu.memory_space<vmem_shared>>
      %dma_start3A_138 = arith.constant 0 : i32
      %dma_start3A_139 = tpu.memref_slice %arg4[%mul3A_9, %dma_start3A_138] : memref<10240x16xf32, #tpu.memory_space<hbm>> -> memref<640x16xf32, #tpu.memory_space<hbm>>
      tpu.enqueue_dma source(%dma_start3A_139 : memref<640x16xf32, #tpu.memory_space<hbm>>) target(%dma_start3A_137 : memref<640x16xf32, #tpu.memory_space<vmem_shared>>) target_semaphore(%run_scoped3A : memref<!tpu.dma_semaphore, #tpu.memory_space<semaphore_mem>>)
      %dma_wait3A_140 = arith.constant 0 : i32
      %dma_wait3A_141 = tpu.memref_slice %arg7[%mul3A_11, %dma_wait3A_140] : memref<10240x16xf32, #tpu.memory_space<vmem_shared>> -> memref<640x16xf32, #tpu.memory_space<vmem_shared>>
      %dma_wait3A_142 = arith.constant 0 : i32
      %dma_wait3A_143 = tpu.memref_slice %arg4[%mul3A_9, %dma_wait3A_142] : memref<10240x16xf32, #tpu.memory_space<hbm>> -> memref<640x16xf32, #tpu.memory_space<hbm>>
      tpu.wait_dma2 semaphore(%run_scoped3A : memref<!tpu.dma_semaphore, #tpu.memory_space<semaphore_mem>>) src(%dma_wait3A_143 : memref<640x16xf32, #tpu.memory_space<hbm>>) dst(%dma_wait3A_141 : memref<640x16xf32, #tpu.memory_space<vmem_shared>>)
      tpu.yield
    }) : () -> ()
    %barrier3A = arith.constant 0 : index
    tpu.barrier barrier_id(%barrier3A)
    %mul3A_12 = arith.constant 2 : i32
    %mul3A_13 = arith.muli %arg1, %mul3A_12 : i32
    %add3A = arith.addi %mul3A_13, %arg0 : i32
    %mul3A_14 = arith.constant 80 : i32
    %mul3A_15 = arith.muli %add3A, %mul3A_14 : i32
    "tpu.region"() ({
      %run_scoped3A = tpu.sem_alloc : memref<!tpu.dma_semaphore, #tpu.memory_space<semaphore_mem>>
      %dma_start3A_136 = arith.constant 0 : i32
      %dma_start3A_137 = tpu.memref_slice %arg2[%mul3A_15, %dma_start3A_136] : memref<2560x128xi32, #tpu.memory_space<hbm>> -> memref<80x128xi32, #tpu.memory_space<hbm>>
      %dma_start3A_138 = arith.constant 0 : i32
      %dma_start3A_139 = tpu.memref_slice %arg2[%mul3A_15, %dma_start3A_138] : memref<2560x128xi32, #tpu.memory_space<hbm>> -> memref<80x128xi32, #tpu.memory_space<hbm>>
      tpu.enqueue_dma source(%dma_start3A_139 : memref<80x128xi32, #tpu.memory_space<hbm>>) target(%arg8 : memref<80x128xi32, #tpu.memory_space<vmem>>) target_semaphore(%run_scoped3A : memref<!tpu.dma_semaphore, #tpu.memory_space<semaphore_mem>>)
      %dma_wait3A_140 = arith.constant 0 : i32
      %dma_wait3A_141 = tpu.memref_slice %arg2[%mul3A_15, %dma_wait3A_140] : memref<2560x128xi32, #tpu.memory_space<hbm>> -> memref<80x128xi32, #tpu.memory_space<hbm>>
      %dma_wait3A_142 = arith.constant 0 : i32
      %dma_wait3A_143 = tpu.memref_slice %arg2[%mul3A_15, %dma_wait3A_142] : memref<2560x128xi32, #tpu.memory_space<hbm>> -> memref<80x128xi32, #tpu.memory_space<hbm>>
      tpu.wait_dma2 semaphore(%run_scoped3A : memref<!tpu.dma_semaphore, #tpu.memory_space<semaphore_mem>>) src(%dma_wait3A_143 : memref<80x128xi32, #tpu.memory_space<hbm>>) dst(%arg8 : memref<80x128xi32, #tpu.memory_space<vmem>>)
      tpu.yield
    }) : () -> ()
    "tpu.region"() ({
      %run_scoped3A = tpu.sem_alloc : memref<!tpu.dma_semaphore, #tpu.memory_space<semaphore_mem>>
      %dma_start3A_136 = arith.constant 0 : i32
      %dma_start3A_137 = tpu.memref_slice %arg3[%mul3A_15, %dma_start3A_136] : memref<2560x128xi32, #tpu.memory_space<hbm>> -> memref<80x128xi32, #tpu.memory_space<hbm>>
      %dma_start3A_138 = arith.constant 0 : i32
      %dma_start3A_139 = tpu.memref_slice %arg3[%mul3A_15, %dma_start3A_138] : memref<2560x128xi32, #tpu.memory_space<hbm>> -> memref<80x128xi32, #tpu.memory_space<hbm>>
      tpu.enqueue_dma source(%dma_start3A_139 : memref<80x128xi32, #tpu.memory_space<hbm>>) target(%arg9 : memref<80x128xi32, #tpu.memory_space<vmem>>) target_semaphore(%run_scoped3A : memref<!tpu.dma_semaphore, #tpu.memory_space<semaphore_mem>>)
      %dma_wait3A_140 = arith.constant 0 : i32
      %dma_wait3A_141 = tpu.memref_slice %arg3[%mul3A_15, %dma_wait3A_140] : memref<2560x128xi32, #tpu.memory_space<hbm>> -> memref<80x128xi32, #tpu.memory_space<hbm>>
      %dma_wait3A_142 = arith.constant 0 : i32
      %dma_wait3A_143 = tpu.memref_slice %arg3[%mul3A_15, %dma_wait3A_142] : memref<2560x128xi32, #tpu.memory_space<hbm>> -> memref<80x128xi32, #tpu.memory_space<hbm>>
      tpu.wait_dma2 semaphore(%run_scoped3A : memref<!tpu.dma_semaphore, #tpu.memory_space<semaphore_mem>>) src(%dma_wait3A_143 : memref<80x128xi32, #tpu.memory_space<hbm>>) dst(%arg9 : memref<80x128xi32, #tpu.memory_space<vmem>>)
      tpu.yield
    }) : () -> ()
    %dma_start3A = arith.constant 0 : i32
    %dma_start3A_16 = arith.constant 0 : i32
    %dma_start3A_17 = tpu.memref_slice %arg8[%dma_start3A, %dma_start3A_16] : memref<80x128xi32, #tpu.memory_space<vmem>> -> memref<1x128xi32, #tpu.memory_space<vmem>>
    %dma_start3A_18 = tpu.memref_squeeze %dma_start3A_17 : memref<1x128xi32, #tpu.memory_space<vmem>> -> memref<128xi32, #tpu.memory_space<vmem>>
    %dma_start3A_19 = arith.constant 0 : i32
    %dma_start3A_20 = arith.constant 0 : i32
    %dma_start3A_21 = tpu.memref_slice %arg7[%dma_start3A_19, %dma_start3A_20] : memref<10240x16xf32, #tpu.memory_space<vmem_shared>> -> memref<10240x16xf32, #tpu.memory_space<vmem_shared>>
    tpu.enqueue_indirect_dma source(%dma_start3A_21 : memref<10240x16xf32, #tpu.memory_space<vmem_shared>>) target(%arg10 : memref<128x16xf32, #tpu.memory_space<vmem>>) offsets(%dma_start3A_18 : memref<128xi32, #tpu.memory_space<vmem>>) semaphore(%arg19 : memref<!tpu.dma_semaphore, #tpu.memory_space<semaphore_mem>>)
    %dma_start3A_22 = arith.constant 1 : i32
    %dma_start3A_23 = arith.constant 0 : i32
    %dma_start3A_24 = tpu.memref_slice %arg8[%dma_start3A_22, %dma_start3A_23] : memref<80x128xi32, #tpu.memory_space<vmem>> -> memref<1x128xi32, #tpu.memory_space<vmem>>
    %dma_start3A_25 = tpu.memref_squeeze %dma_start3A_24 : memref<1x128xi32, #tpu.memory_space<vmem>> -> memref<128xi32, #tpu.memory_space<vmem>>
    %dma_start3A_26 = arith.constant 0 : i32
    %dma_start3A_27 = arith.constant 0 : i32
    %dma_start3A_28 = tpu.memref_slice %arg7[%dma_start3A_26, %dma_start3A_27] : memref<10240x16xf32, #tpu.memory_space<vmem_shared>> -> memref<10240x16xf32, #tpu.memory_space<vmem_shared>>
    tpu.enqueue_indirect_dma source(%dma_start3A_28 : memref<10240x16xf32, #tpu.memory_space<vmem_shared>>) target(%arg11 : memref<128x16xf32, #tpu.memory_space<vmem>>) offsets(%dma_start3A_25 : memref<128xi32, #tpu.memory_space<vmem>>) semaphore(%arg20 : memref<!tpu.dma_semaphore, #tpu.memory_space<semaphore_mem>>)
    %dma_start3A_29 = arith.constant 2 : i32
    %dma_start3A_30 = arith.constant 0 : i32
    %dma_start3A_31 = tpu.memref_slice %arg8[%dma_start3A_29, %dma_start3A_30] : memref<80x128xi32, #tpu.memory_space<vmem>> -> memref<1x128xi32, #tpu.memory_space<vmem>>
    %dma_start3A_32 = tpu.memref_squeeze %dma_start3A_31 : memref<1x128xi32, #tpu.memory_space<vmem>> -> memref<128xi32, #tpu.memory_space<vmem>>
    %dma_start3A_33 = arith.constant 0 : i32
    %dma_start3A_34 = arith.constant 0 : i32
    %dma_start3A_35 = tpu.memref_slice %arg7[%dma_start3A_33, %dma_start3A_34] : memref<10240x16xf32, #tpu.memory_space<vmem_shared>> -> memref<10240x16xf32, #tpu.memory_space<vmem_shared>>
    tpu.enqueue_indirect_dma source(%dma_start3A_35 : memref<10240x16xf32, #tpu.memory_space<vmem_shared>>) target(%arg12 : memref<128x16xf32, #tpu.memory_space<vmem>>) offsets(%dma_start3A_32 : memref<128xi32, #tpu.memory_space<vmem>>) semaphore(%arg21 : memref<!tpu.dma_semaphore, #tpu.memory_space<semaphore_mem>>)
    %dma_start3A_36 = arith.constant 3 : i32
    %dma_start3A_37 = arith.constant 0 : i32
    %dma_start3A_38 = tpu.memref_slice %arg8[%dma_start3A_36, %dma_start3A_37] : memref<80x128xi32, #tpu.memory_space<vmem>> -> memref<1x128xi32, #tpu.memory_space<vmem>>
    %dma_start3A_39 = tpu.memref_squeeze %dma_start3A_38 : memref<1x128xi32, #tpu.memory_space<vmem>> -> memref<128xi32, #tpu.memory_space<vmem>>
    %dma_start3A_40 = arith.constant 0 : i32
    %dma_start3A_41 = arith.constant 0 : i32
    %dma_start3A_42 = tpu.memref_slice %arg7[%dma_start3A_40, %dma_start3A_41] : memref<10240x16xf32, #tpu.memory_space<vmem_shared>> -> memref<10240x16xf32, #tpu.memory_space<vmem_shared>>
    tpu.enqueue_indirect_dma source(%dma_start3A_42 : memref<10240x16xf32, #tpu.memory_space<vmem_shared>>) target(%arg13 : memref<128x16xf32, #tpu.memory_space<vmem>>) offsets(%dma_start3A_39 : memref<128xi32, #tpu.memory_space<vmem>>) semaphore(%arg22 : memref<!tpu.dma_semaphore, #tpu.memory_space<semaphore_mem>>)
    %dma_start3A_43 = arith.constant 4 : i32
    %dma_start3A_44 = arith.constant 0 : i32
    %dma_start3A_45 = tpu.memref_slice %arg8[%dma_start3A_43, %dma_start3A_44] : memref<80x128xi32, #tpu.memory_space<vmem>> -> memref<1x128xi32, #tpu.memory_space<vmem>>
    %dma_start3A_46 = tpu.memref_squeeze %dma_start3A_45 : memref<1x128xi32, #tpu.memory_space<vmem>> -> memref<128xi32, #tpu.memory_space<vmem>>
    %dma_start3A_47 = arith.constant 0 : i32
    %dma_start3A_48 = arith.constant 0 : i32
    %dma_start3A_49 = tpu.memref_slice %arg7[%dma_start3A_47, %dma_start3A_48] : memref<10240x16xf32, #tpu.memory_space<vmem_shared>> -> memref<10240x16xf32, #tpu.memory_space<vmem_shared>>
    tpu.enqueue_indirect_dma source(%dma_start3A_49 : memref<10240x16xf32, #tpu.memory_space<vmem_shared>>) target(%arg14 : memref<128x16xf32, #tpu.memory_space<vmem>>) offsets(%dma_start3A_46 : memref<128xi32, #tpu.memory_space<vmem>>) semaphore(%arg23 : memref<!tpu.dma_semaphore, #tpu.memory_space<semaphore_mem>>)
    %dma_start3A_50 = arith.constant 5 : i32
    %dma_start3A_51 = arith.constant 0 : i32
    %dma_start3A_52 = tpu.memref_slice %arg8[%dma_start3A_50, %dma_start3A_51] : memref<80x128xi32, #tpu.memory_space<vmem>> -> memref<1x128xi32, #tpu.memory_space<vmem>>
    %dma_start3A_53 = tpu.memref_squeeze %dma_start3A_52 : memref<1x128xi32, #tpu.memory_space<vmem>> -> memref<128xi32, #tpu.memory_space<vmem>>
    %dma_start3A_54 = arith.constant 0 : i32
    %dma_start3A_55 = arith.constant 0 : i32
    %dma_start3A_56 = tpu.memref_slice %arg7[%dma_start3A_54, %dma_start3A_55] : memref<10240x16xf32, #tpu.memory_space<vmem_shared>> -> memref<10240x16xf32, #tpu.memory_space<vmem_shared>>
    tpu.enqueue_indirect_dma source(%dma_start3A_56 : memref<10240x16xf32, #tpu.memory_space<vmem_shared>>) target(%arg15 : memref<128x16xf32, #tpu.memory_space<vmem>>) offsets(%dma_start3A_53 : memref<128xi32, #tpu.memory_space<vmem>>) semaphore(%arg24 : memref<!tpu.dma_semaphore, #tpu.memory_space<semaphore_mem>>)
    %dma_start3A_57 = arith.constant 6 : i32
    %dma_start3A_58 = arith.constant 0 : i32
    %dma_start3A_59 = tpu.memref_slice %arg8[%dma_start3A_57, %dma_start3A_58] : memref<80x128xi32, #tpu.memory_space<vmem>> -> memref<1x128xi32, #tpu.memory_space<vmem>>
    %dma_start3A_60 = tpu.memref_squeeze %dma_start3A_59 : memref<1x128xi32, #tpu.memory_space<vmem>> -> memref<128xi32, #tpu.memory_space<vmem>>
    %dma_start3A_61 = arith.constant 0 : i32
    %dma_start3A_62 = arith.constant 0 : i32
    %dma_start3A_63 = tpu.memref_slice %arg7[%dma_start3A_61, %dma_start3A_62] : memref<10240x16xf32, #tpu.memory_space<vmem_shared>> -> memref<10240x16xf32, #tpu.memory_space<vmem_shared>>
    tpu.enqueue_indirect_dma source(%dma_start3A_63 : memref<10240x16xf32, #tpu.memory_space<vmem_shared>>) target(%arg16 : memref<128x16xf32, #tpu.memory_space<vmem>>) offsets(%dma_start3A_60 : memref<128xi32, #tpu.memory_space<vmem>>) semaphore(%arg25 : memref<!tpu.dma_semaphore, #tpu.memory_space<semaphore_mem>>)
    %dma_start3A_64 = arith.constant 7 : i32
    %dma_start3A_65 = arith.constant 0 : i32
    %dma_start3A_66 = tpu.memref_slice %arg8[%dma_start3A_64, %dma_start3A_65] : memref<80x128xi32, #tpu.memory_space<vmem>> -> memref<1x128xi32, #tpu.memory_space<vmem>>
    %dma_start3A_67 = tpu.memref_squeeze %dma_start3A_66 : memref<1x128xi32, #tpu.memory_space<vmem>> -> memref<128xi32, #tpu.memory_space<vmem>>
    %dma_start3A_68 = arith.constant 0 : i32
    %dma_start3A_69 = arith.constant 0 : i32
    %dma_start3A_70 = tpu.memref_slice %arg7[%dma_start3A_68, %dma_start3A_69] : memref<10240x16xf32, #tpu.memory_space<vmem_shared>> -> memref<10240x16xf32, #tpu.memory_space<vmem_shared>>
    tpu.enqueue_indirect_dma source(%dma_start3A_70 : memref<10240x16xf32, #tpu.memory_space<vmem_shared>>) target(%arg17 : memref<128x16xf32, #tpu.memory_space<vmem>>) offsets(%dma_start3A_67 : memref<128xi32, #tpu.memory_space<vmem>>) semaphore(%arg26 : memref<!tpu.dma_semaphore, #tpu.memory_space<semaphore_mem>>)
    %scan3A_71 = arith.constant 0 : i32
    %scan3A_72 = arith.constant 0 : i32
    %scan3A_73 = arith.constant 10 : i32
    %scan3A_74 = arith.addi %scan3A_72, %scan3A_73 : i32
    %scan3A_75 = arith.constant 1 : i32
    %scan3A_76 = scf.for %scan3A_136 = %scan3A_72 to %scan3A_74 step %scan3A_75 iter_args(%scan3A_137 = %scan3A_71) -> (i32)  : i32 {
      %mul3A_138 = arith.constant 8 : i32
      %mul3A_139 = arith.muli %scan3A_136, %mul3A_138 : i32
      %dma_wait3A_140 = arith.constant 0 : i32
      %dma_wait3A_141 = arith.constant 0 : i32
      %dma_wait3A_142 = tpu.memref_slice %arg8[%dma_wait3A_140, %dma_wait3A_141] : memref<80x128xi32, #tpu.memory_space<vmem>> -> memref<1x128xi32, #tpu.memory_space<vmem>>
      %dma_wait3A_143 = tpu.memref_squeeze %dma_wait3A_142 : memref<1x128xi32, #tpu.memory_space<vmem>> -> memref<128xi32, #tpu.memory_space<vmem>>
      %dma_wait3A_144 = arith.constant 0 : i32
      %dma_wait3A_145 = arith.constant 0 : i32
      %dma_wait3A_146 = tpu.memref_slice %arg4[%dma_wait3A_144, %dma_wait3A_145] : memref<10240x16xf32, #tpu.memory_space<hbm>> -> memref<10240x16xf32, #tpu.memory_space<hbm>>
      tpu.wait_indirect_dma semaphore(%arg19 : memref<!tpu.dma_semaphore, #tpu.memory_space<semaphore_mem>>) src(%dma_wait3A_146 : memref<10240x16xf32, #tpu.memory_space<hbm>>) dst(%arg10 : memref<128x16xf32, #tpu.memory_space<vmem>>)
      %add3A_147 = arith.constant 0 : i32
      %add3A_148 = arith.addi %mul3A_139, %add3A_147 : i32
      %dma_start3A_149 = arith.constant 0 : i32
      %dma_start3A_150 = tpu.memref_slice %arg9[%add3A_148, %dma_start3A_149] : memref<80x128xi32, #tpu.memory_space<vmem>> -> memref<1x128xi32, #tpu.memory_space<vmem>>
      %dma_start3A_151 = tpu.memref_squeeze %dma_start3A_150 : memref<1x128xi32, #tpu.memory_space<vmem>> -> memref<128xi32, #tpu.memory_space<vmem>>
      %dma_start3A_152 = arith.constant 0 : i32
      %dma_start3A_153 = arith.constant 0 : i32
      %dma_start3A_154 = tpu.memref_slice %arg6[%dma_start3A_152, %dma_start3A_153] : memref<10240x16xf32, #tpu.memory_space<vmem_shared>> -> memref<10240x16xf32, #tpu.memory_space<vmem_shared>>
      tpu.enqueue_indirect_dma source(%arg10 : memref<128x16xf32, #tpu.memory_space<vmem>>) target(%dma_start3A_154 : memref<10240x16xf32, #tpu.memory_space<vmem_shared>>) offsets(%dma_start3A_151 : memref<128xi32, #tpu.memory_space<vmem>>) semaphore(%arg27 : memref<!tpu.dma_semaphore, #tpu.memory_space<semaphore_mem>>) {add = true}
      %dma_wait3A_155 = arith.constant 0 : i32
      %dma_wait3A_156 = arith.constant 0 : i32
      %dma_wait3A_157 = tpu.memref_slice %arg8[%dma_wait3A_155, %dma_wait3A_156] : memref<80x128xi32, #tpu.memory_space<vmem>> -> memref<1x128xi32, #tpu.memory_space<vmem>>
      %dma_wait3A_158 = tpu.memref_squeeze %dma_wait3A_157 : memref<1x128xi32, #tpu.memory_space<vmem>> -> memref<128xi32, #tpu.memory_space<vmem>>
      %dma_wait3A_159 = arith.constant 0 : i32
      %dma_wait3A_160 = arith.constant 0 : i32
      %dma_wait3A_161 = tpu.memref_slice %arg4[%dma_wait3A_159, %dma_wait3A_160] : memref<10240x16xf32, #tpu.memory_space<hbm>> -> memref<10240x16xf32, #tpu.memory_space<hbm>>
      tpu.wait_indirect_dma semaphore(%arg20 : memref<!tpu.dma_semaphore, #tpu.memory_space<semaphore_mem>>) src(%dma_wait3A_161 : memref<10240x16xf32, #tpu.memory_space<hbm>>) dst(%arg11 : memref<128x16xf32, #tpu.memory_space<vmem>>)
      %add3A_162 = arith.constant 1 : i32
      %add3A_163 = arith.addi %mul3A_139, %add3A_162 : i32
      %dma_start3A_164 = arith.constant 0 : i32
      %dma_start3A_165 = tpu.memref_slice %arg9[%add3A_163, %dma_start3A_164] : memref<80x128xi32, #tpu.memory_space<vmem>> -> memref<1x128xi32, #tpu.memory_space<vmem>>
      %dma_start3A_166 = tpu.memref_squeeze %dma_start3A_165 : memref<1x128xi32, #tpu.memory_space<vmem>> -> memref<128xi32, #tpu.memory_space<vmem>>
      %dma_start3A_167 = arith.constant 0 : i32
      %dma_start3A_168 = arith.constant 0 : i32
      %dma_start3A_169 = tpu.memref_slice %arg6[%dma_start3A_167, %dma_start3A_168] : memref<10240x16xf32, #tpu.memory_space<vmem_shared>> -> memref<10240x16xf32, #tpu.memory_space<vmem_shared>>
      tpu.enqueue_indirect_dma source(%arg11 : memref<128x16xf32, #tpu.memory_space<vmem>>) target(%dma_start3A_169 : memref<10240x16xf32, #tpu.memory_space<vmem_shared>>) offsets(%dma_start3A_166 : memref<128xi32, #tpu.memory_space<vmem>>) semaphore(%arg28 : memref<!tpu.dma_semaphore, #tpu.memory_space<semaphore_mem>>) {add = true}
      %dma_wait3A_170 = arith.constant 0 : i32
      %dma_wait3A_171 = arith.constant 0 : i32
      %dma_wait3A_172 = tpu.memref_slice %arg8[%dma_wait3A_170, %dma_wait3A_171] : memref<80x128xi32, #tpu.memory_space<vmem>> -> memref<1x128xi32, #tpu.memory_space<vmem>>
      %dma_wait3A_173 = tpu.memref_squeeze %dma_wait3A_172 : memref<1x128xi32, #tpu.memory_space<vmem>> -> memref<128xi32, #tpu.memory_space<vmem>>
      %dma_wait3A_174 = arith.constant 0 : i32
      %dma_wait3A_175 = arith.constant 0 : i32
      %dma_wait3A_176 = tpu.memref_slice %arg4[%dma_wait3A_174, %dma_wait3A_175] : memref<10240x16xf32, #tpu.memory_space<hbm>> -> memref<10240x16xf32, #tpu.memory_space<hbm>>
      tpu.wait_indirect_dma semaphore(%arg21 : memref<!tpu.dma_semaphore, #tpu.memory_space<semaphore_mem>>) src(%dma_wait3A_176 : memref<10240x16xf32, #tpu.memory_space<hbm>>) dst(%arg12 : memref<128x16xf32, #tpu.memory_space<vmem>>)
      %add3A_177 = arith.constant 2 : i32
      %add3A_178 = arith.addi %mul3A_139, %add3A_177 : i32
      %dma_start3A_179 = arith.constant 0 : i32
      %dma_start3A_180 = tpu.memref_slice %arg9[%add3A_178, %dma_start3A_179] : memref<80x128xi32, #tpu.memory_space<vmem>> -> memref<1x128xi32, #tpu.memory_space<vmem>>
      %dma_start3A_181 = tpu.memref_squeeze %dma_start3A_180 : memref<1x128xi32, #tpu.memory_space<vmem>> -> memref<128xi32, #tpu.memory_space<vmem>>
      %dma_start3A_182 = arith.constant 0 : i32
      %dma_start3A_183 = arith.constant 0 : i32
      %dma_start3A_184 = tpu.memref_slice %arg6[%dma_start3A_182, %dma_start3A_183] : memref<10240x16xf32, #tpu.memory_space<vmem_shared>> -> memref<10240x16xf32, #tpu.memory_space<vmem_shared>>
      tpu.enqueue_indirect_dma source(%arg12 : memref<128x16xf32, #tpu.memory_space<vmem>>) target(%dma_start3A_184 : memref<10240x16xf32, #tpu.memory_space<vmem_shared>>) offsets(%dma_start3A_181 : memref<128xi32, #tpu.memory_space<vmem>>) semaphore(%arg29 : memref<!tpu.dma_semaphore, #tpu.memory_space<semaphore_mem>>) {add = true}
      %dma_wait3A_185 = arith.constant 0 : i32
      %dma_wait3A_186 = arith.constant 0 : i32
      %dma_wait3A_187 = tpu.memref_slice %arg8[%dma_wait3A_185, %dma_wait3A_186] : memref<80x128xi32, #tpu.memory_space<vmem>> -> memref<1x128xi32, #tpu.memory_space<vmem>>
      %dma_wait3A_188 = tpu.memref_squeeze %dma_wait3A_187 : memref<1x128xi32, #tpu.memory_space<vmem>> -> memref<128xi32, #tpu.memory_space<vmem>>
      %dma_wait3A_189 = arith.constant 0 : i32
      %dma_wait3A_190 = arith.constant 0 : i32
      %dma_wait3A_191 = tpu.memref_slice %arg4[%dma_wait3A_189, %dma_wait3A_190] : memref<10240x16xf32, #tpu.memory_space<hbm>> -> memref<10240x16xf32, #tpu.memory_space<hbm>>
      tpu.wait_indirect_dma semaphore(%arg22 : memref<!tpu.dma_semaphore, #tpu.memory_space<semaphore_mem>>) src(%dma_wait3A_191 : memref<10240x16xf32, #tpu.memory_space<hbm>>) dst(%arg13 : memref<128x16xf32, #tpu.memory_space<vmem>>)
      %add3A_192 = arith.constant 3 : i32
      %add3A_193 = arith.addi %mul3A_139, %add3A_192 : i32
      %dma_start3A_194 = arith.constant 0 : i32
      %dma_start3A_195 = tpu.memref_slice %arg9[%add3A_193, %dma_start3A_194] : memref<80x128xi32, #tpu.memory_space<vmem>> -> memref<1x128xi32, #tpu.memory_space<vmem>>
      %dma_start3A_196 = tpu.memref_squeeze %dma_start3A_195 : memref<1x128xi32, #tpu.memory_space<vmem>> -> memref<128xi32, #tpu.memory_space<vmem>>
      %dma_start3A_197 = arith.constant 0 : i32
      %dma_start3A_198 = arith.constant 0 : i32
      %dma_start3A_199 = tpu.memref_slice %arg6[%dma_start3A_197, %dma_start3A_198] : memref<10240x16xf32, #tpu.memory_space<vmem_shared>> -> memref<10240x16xf32, #tpu.memory_space<vmem_shared>>
      tpu.enqueue_indirect_dma source(%arg13 : memref<128x16xf32, #tpu.memory_space<vmem>>) target(%dma_start3A_199 : memref<10240x16xf32, #tpu.memory_space<vmem_shared>>) offsets(%dma_start3A_196 : memref<128xi32, #tpu.memory_space<vmem>>) semaphore(%arg30 : memref<!tpu.dma_semaphore, #tpu.memory_space<semaphore_mem>>) {add = true}
      %dma_wait3A_200 = arith.constant 0 : i32
      %dma_wait3A_201 = arith.constant 0 : i32
      %dma_wait3A_202 = tpu.memref_slice %arg8[%dma_wait3A_200, %dma_wait3A_201] : memref<80x128xi32, #tpu.memory_space<vmem>> -> memref<1x128xi32, #tpu.memory_space<vmem>>
      %dma_wait3A_203 = tpu.memref_squeeze %dma_wait3A_202 : memref<1x128xi32, #tpu.memory_space<vmem>> -> memref<128xi32, #tpu.memory_space<vmem>>
      %dma_wait3A_204 = arith.constant 0 : i32
      %dma_wait3A_205 = arith.constant 0 : i32
      %dma_wait3A_206 = tpu.memref_slice %arg4[%dma_wait3A_204, %dma_wait3A_205] : memref<10240x16xf32, #tpu.memory_space<hbm>> -> memref<10240x16xf32, #tpu.memory_space<hbm>>
      tpu.wait_indirect_dma semaphore(%arg23 : memref<!tpu.dma_semaphore, #tpu.memory_space<semaphore_mem>>) src(%dma_wait3A_206 : memref<10240x16xf32, #tpu.memory_space<hbm>>) dst(%arg14 : memref<128x16xf32, #tpu.memory_space<vmem>>)
      %add3A_207 = arith.constant 4 : i32
      %add3A_208 = arith.addi %mul3A_139, %add3A_207 : i32
      %dma_start3A_209 = arith.constant 0 : i32
      %dma_start3A_210 = tpu.memref_slice %arg9[%add3A_208, %dma_start3A_209] : memref<80x128xi32, #tpu.memory_space<vmem>> -> memref<1x128xi32, #tpu.memory_space<vmem>>
      %dma_start3A_211 = tpu.memref_squeeze %dma_start3A_210 : memref<1x128xi32, #tpu.memory_space<vmem>> -> memref<128xi32, #tpu.memory_space<vmem>>
      %dma_start3A_212 = arith.constant 0 : i32
      %dma_start3A_213 = arith.constant 0 : i32
      %dma_start3A_214 = tpu.memref_slice %arg6[%dma_start3A_212, %dma_start3A_213] : memref<10240x16xf32, #tpu.memory_space<vmem_shared>> -> memref<10240x16xf32, #tpu.memory_space<vmem_shared>>
      tpu.enqueue_indirect_dma source(%arg14 : memref<128x16xf32, #tpu.memory_space<vmem>>) target(%dma_start3A_214 : memref<10240x16xf32, #tpu.memory_space<vmem_shared>>) offsets(%dma_start3A_211 : memref<128xi32, #tpu.memory_space<vmem>>) semaphore(%arg31 : memref<!tpu.dma_semaphore, #tpu.memory_space<semaphore_mem>>) {add = true}
      %dma_wait3A_215 = arith.constant 0 : i32
      %dma_wait3A_216 = arith.constant 0 : i32
      %dma_wait3A_217 = tpu.memref_slice %arg8[%dma_wait3A_215, %dma_wait3A_216] : memref<80x128xi32, #tpu.memory_space<vmem>> -> memref<1x128xi32, #tpu.memory_space<vmem>>
      %dma_wait3A_218 = tpu.memref_squeeze %dma_wait3A_217 : memref<1x128xi32, #tpu.memory_space<vmem>> -> memref<128xi32, #tpu.memory_space<vmem>>
      %dma_wait3A_219 = arith.constant 0 : i32
      %dma_wait3A_220 = arith.constant 0 : i32
      %dma_wait3A_221 = tpu.memref_slice %arg4[%dma_wait3A_219, %dma_wait3A_220] : memref<10240x16xf32, #tpu.memory_space<hbm>> -> memref<10240x16xf32, #tpu.memory_space<hbm>>
      tpu.wait_indirect_dma semaphore(%arg24 : memref<!tpu.dma_semaphore, #tpu.memory_space<semaphore_mem>>) src(%dma_wait3A_221 : memref<10240x16xf32, #tpu.memory_space<hbm>>) dst(%arg15 : memref<128x16xf32, #tpu.memory_space<vmem>>)
      %add3A_222 = arith.constant 5 : i32
      %add3A_223 = arith.addi %mul3A_139, %add3A_222 : i32
      %dma_start3A_224 = arith.constant 0 : i32
      %dma_start3A_225 = tpu.memref_slice %arg9[%add3A_223, %dma_start3A_224] : memref<80x128xi32, #tpu.memory_space<vmem>> -> memref<1x128xi32, #tpu.memory_space<vmem>>
      %dma_start3A_226 = tpu.memref_squeeze %dma_start3A_225 : memref<1x128xi32, #tpu.memory_space<vmem>> -> memref<128xi32, #tpu.memory_space<vmem>>
      %dma_start3A_227 = arith.constant 0 : i32
      %dma_start3A_228 = arith.constant 0 : i32
      %dma_start3A_229 = tpu.memref_slice %arg6[%dma_start3A_227, %dma_start3A_228] : memref<10240x16xf32, #tpu.memory_space<vmem_shared>> -> memref<10240x16xf32, #tpu.memory_space<vmem_shared>>
      tpu.enqueue_indirect_dma source(%arg15 : memref<128x16xf32, #tpu.memory_space<vmem>>) target(%dma_start3A_229 : memref<10240x16xf32, #tpu.memory_space<vmem_shared>>) offsets(%dma_start3A_226 : memref<128xi32, #tpu.memory_space<vmem>>) semaphore(%arg32 : memref<!tpu.dma_semaphore, #tpu.memory_space<semaphore_mem>>) {add = true}
      %dma_wait3A_230 = arith.constant 0 : i32
      %dma_wait3A_231 = arith.constant 0 : i32
      %dma_wait3A_232 = tpu.memref_slice %arg8[%dma_wait3A_230, %dma_wait3A_231] : memref<80x128xi32, #tpu.memory_space<vmem>> -> memref<1x128xi32, #tpu.memory_space<vmem>>
      %dma_wait3A_233 = tpu.memref_squeeze %dma_wait3A_232 : memref<1x128xi32, #tpu.memory_space<vmem>> -> memref<128xi32, #tpu.memory_space<vmem>>
      %dma_wait3A_234 = arith.constant 0 : i32
      %dma_wait3A_235 = arith.constant 0 : i32
      %dma_wait3A_236 = tpu.memref_slice %arg4[%dma_wait3A_234, %dma_wait3A_235] : memref<10240x16xf32, #tpu.memory_space<hbm>> -> memref<10240x16xf32, #tpu.memory_space<hbm>>
      tpu.wait_indirect_dma semaphore(%arg25 : memref<!tpu.dma_semaphore, #tpu.memory_space<semaphore_mem>>) src(%dma_wait3A_236 : memref<10240x16xf32, #tpu.memory_space<hbm>>) dst(%arg16 : memref<128x16xf32, #tpu.memory_space<vmem>>)
      %add3A_237 = arith.constant 6 : i32
      %add3A_238 = arith.addi %mul3A_139, %add3A_237 : i32
      %dma_start3A_239 = arith.constant 0 : i32
      %dma_start3A_240 = tpu.memref_slice %arg9[%add3A_238, %dma_start3A_239] : memref<80x128xi32, #tpu.memory_space<vmem>> -> memref<1x128xi32, #tpu.memory_space<vmem>>
      %dma_start3A_241 = tpu.memref_squeeze %dma_start3A_240 : memref<1x128xi32, #tpu.memory_space<vmem>> -> memref<128xi32, #tpu.memory_space<vmem>>
      %dma_start3A_242 = arith.constant 0 : i32
      %dma_start3A_243 = arith.constant 0 : i32
      %dma_start3A_244 = tpu.memref_slice %arg6[%dma_start3A_242, %dma_start3A_243] : memref<10240x16xf32, #tpu.memory_space<vmem_shared>> -> memref<10240x16xf32, #tpu.memory_space<vmem_shared>>
      tpu.enqueue_indirect_dma source(%arg16 : memref<128x16xf32, #tpu.memory_space<vmem>>) target(%dma_start3A_244 : memref<10240x16xf32, #tpu.memory_space<vmem_shared>>) offsets(%dma_start3A_241 : memref<128xi32, #tpu.memory_space<vmem>>) semaphore(%arg33 : memref<!tpu.dma_semaphore, #tpu.memory_space<semaphore_mem>>) {add = true}
      %dma_wait3A_245 = arith.constant 0 : i32
      %dma_wait3A_246 = arith.constant 0 : i32
      %dma_wait3A_247 = tpu.memref_slice %arg8[%dma_wait3A_245, %dma_wait3A_246] : memref<80x128xi32, #tpu.memory_space<vmem>> -> memref<1x128xi32, #tpu.memory_space<vmem>>
      %dma_wait3A_248 = tpu.memref_squeeze %dma_wait3A_247 : memref<1x128xi32, #tpu.memory_space<vmem>> -> memref<128xi32, #tpu.memory_space<vmem>>
      %dma_wait3A_249 = arith.constant 0 : i32
      %dma_wait3A_250 = arith.constant 0 : i32
      %dma_wait3A_251 = tpu.memref_slice %arg4[%dma_wait3A_249, %dma_wait3A_250] : memref<10240x16xf32, #tpu.memory_space<hbm>> -> memref<10240x16xf32, #tpu.memory_space<hbm>>
      tpu.wait_indirect_dma semaphore(%arg26 : memref<!tpu.dma_semaphore, #tpu.memory_space<semaphore_mem>>) src(%dma_wait3A_251 : memref<10240x16xf32, #tpu.memory_space<hbm>>) dst(%arg17 : memref<128x16xf32, #tpu.memory_space<vmem>>)
      %add3A_252 = arith.constant 7 : i32
      %add3A_253 = arith.addi %mul3A_139, %add3A_252 : i32
      %dma_start3A_254 = arith.constant 0 : i32
      %dma_start3A_255 = tpu.memref_slice %arg9[%add3A_253, %dma_start3A_254] : memref<80x128xi32, #tpu.memory_space<vmem>> -> memref<1x128xi32, #tpu.memory_space<vmem>>
      %dma_start3A_256 = tpu.memref_squeeze %dma_start3A_255 : memref<1x128xi32, #tpu.memory_space<vmem>> -> memref<128xi32, #tpu.memory_space<vmem>>
      %dma_start3A_257 = arith.constant 0 : i32
      %dma_start3A_258 = arith.constant 0 : i32
      %dma_start3A_259 = tpu.memref_slice %arg6[%dma_start3A_257, %dma_start3A_258] : memref<10240x16xf32, #tpu.memory_space<vmem_shared>> -> memref<10240x16xf32, #tpu.memory_space<vmem_shared>>
      tpu.enqueue_indirect_dma source(%arg17 : memref<128x16xf32, #tpu.memory_space<vmem>>) target(%dma_start3A_259 : memref<10240x16xf32, #tpu.memory_space<vmem_shared>>) offsets(%dma_start3A_256 : memref<128xi32, #tpu.memory_space<vmem>>) semaphore(%arg34 : memref<!tpu.dma_semaphore, #tpu.memory_space<semaphore_mem>>) {add = true}
      %lt3A = arith.constant 9 : i32
      %lt3A_260 = arith.cmpi slt, %scan3A_136, %lt3A : i32
      %convert_element_type3A = arith.extui %lt3A_260 : i1 to i32
      %cond3A = arith.constant 0 : i32
      %cond3A_261 = arith.cmpi ne, %convert_element_type3A, %cond3A : i32
      scf.if %cond3A_261 {
        %dma_wait3A_298 = arith.constant 0 : i32
        %dma_wait3A_299 = arith.constant 0 : i32
        %dma_wait3A_300 = tpu.memref_slice %arg8[%dma_wait3A_298, %dma_wait3A_299] : memref<80x128xi32, #tpu.memory_space<vmem>> -> memref<1x128xi32, #tpu.memory_space<vmem>>
        %dma_wait3A_301 = tpu.memref_squeeze %dma_wait3A_300 : memref<1x128xi32, #tpu.memory_space<vmem>> -> memref<128xi32, #tpu.memory_space<vmem>>
        %dma_wait3A_302 = arith.constant 0 : i32
        %dma_wait3A_303 = arith.constant 0 : i32
        %dma_wait3A_304 = tpu.memref_slice %arg4[%dma_wait3A_302, %dma_wait3A_303] : memref<10240x16xf32, #tpu.memory_space<hbm>> -> memref<10240x16xf32, #tpu.memory_space<hbm>>
        tpu.wait_indirect_dma semaphore(%arg27 : memref<!tpu.dma_semaphore, #tpu.memory_space<semaphore_mem>>) src(%dma_wait3A_304 : memref<10240x16xf32, #tpu.memory_space<hbm>>) dst(%arg10 : memref<128x16xf32, #tpu.memory_space<vmem>>)
        %add3A_305 = arith.constant 8 : i32
        %add3A_306 = arith.addi %mul3A_139, %add3A_305 : i32
        %add3A_307 = arith.constant 0 : i32
        %add3A_308 = arith.addi %add3A_306, %add3A_307 : i32
        %dma_start3A_309 = arith.constant 0 : i32
        %dma_start3A_310 = tpu.memref_slice %arg8[%add3A_308, %dma_start3A_309] : memref<80x128xi32, #tpu.memory_space<vmem>> -> memref<1x128xi32, #tpu.memory_space<vmem>>
        %dma_start3A_311 = tpu.memref_squeeze %dma_start3A_310 : memref<1x128xi32, #tpu.memory_space<vmem>> -> memref<128xi32, #tpu.memory_space<vmem>>
        %dma_start3A_312 = arith.constant 0 : i32
        %dma_start3A_313 = arith.constant 0 : i32
        %dma_start3A_314 = tpu.memref_slice %arg7[%dma_start3A_312, %dma_start3A_313] : memref<10240x16xf32, #tpu.memory_space<vmem_shared>> -> memref<10240x16xf32, #tpu.memory_space<vmem_shared>>
        tpu.enqueue_indirect_dma source(%dma_start3A_314 : memref<10240x16xf32, #tpu.memory_space<vmem_shared>>) target(%arg10 : memref<128x16xf32, #tpu.memory_space<vmem>>) offsets(%dma_start3A_311 : memref<128xi32, #tpu.memory_space<vmem>>) semaphore(%arg19 : memref<!tpu.dma_semaphore, #tpu.memory_space<semaphore_mem>>)
      } else {
      }
      %lt3A_262 = arith.constant 9 : i32
      %lt3A_263 = arith.cmpi slt, %scan3A_136, %lt3A_262 : i32
      %convert_element_type3A_264 = arith.extui %lt3A_263 : i1 to i32
      %cond3A_265 = arith.constant 0 : i32
      %cond3A_266 = arith.cmpi ne, %convert_element_type3A_264, %cond3A_265 : i32
      scf.if %cond3A_266 {
        %dma_wait3A_298 = arith.constant 0 : i32
        %dma_wait3A_299 = arith.constant 0 : i32
        %dma_wait3A_300 = tpu.memref_slice %arg8[%dma_wait3A_298, %dma_wait3A_299] : memref<80x128xi32, #tpu.memory_space<vmem>> -> memref<1x128xi32, #tpu.memory_space<vmem>>
        %dma_wait3A_301 = tpu.memref_squeeze %dma_wait3A_300 : memref<1x128xi32, #tpu.memory_space<vmem>> -> memref<128xi32, #tpu.memory_space<vmem>>
        %dma_wait3A_302 = arith.constant 0 : i32
        %dma_wait3A_303 = arith.constant 0 : i32
        %dma_wait3A_304 = tpu.memref_slice %arg4[%dma_wait3A_302, %dma_wait3A_303] : memref<10240x16xf32, #tpu.memory_space<hbm>> -> memref<10240x16xf32, #tpu.memory_space<hbm>>
        tpu.wait_indirect_dma semaphore(%arg28 : memref<!tpu.dma_semaphore, #tpu.memory_space<semaphore_mem>>) src(%dma_wait3A_304 : memref<10240x16xf32, #tpu.memory_space<hbm>>) dst(%arg11 : memref<128x16xf32, #tpu.memory_space<vmem>>)
        %add3A_305 = arith.constant 8 : i32
        %add3A_306 = arith.addi %mul3A_139, %add3A_305 : i32
        %add3A_307 = arith.constant 1 : i32
        %add3A_308 = arith.addi %add3A_306, %add3A_307 : i32
        %dma_start3A_309 = arith.constant 0 : i32
        %dma_start3A_310 = tpu.memref_slice %arg8[%add3A_308, %dma_start3A_309] : memref<80x128xi32, #tpu.memory_space<vmem>> -> memref<1x128xi32, #tpu.memory_space<vmem>>
        %dma_start3A_311 = tpu.memref_squeeze %dma_start3A_310 : memref<1x128xi32, #tpu.memory_space<vmem>> -> memref<128xi32, #tpu.memory_space<vmem>>
        %dma_start3A_312 = arith.constant 0 : i32
        %dma_start3A_313 = arith.constant 0 : i32
        %dma_start3A_314 = tpu.memref_slice %arg7[%dma_start3A_312, %dma_start3A_313] : memref<10240x16xf32, #tpu.memory_space<vmem_shared>> -> memref<10240x16xf32, #tpu.memory_space<vmem_shared>>
        tpu.enqueue_indirect_dma source(%dma_start3A_314 : memref<10240x16xf32, #tpu.memory_space<vmem_shared>>) target(%arg11 : memref<128x16xf32, #tpu.memory_space<vmem>>) offsets(%dma_start3A_311 : memref<128xi32, #tpu.memory_space<vmem>>) semaphore(%arg20 : memref<!tpu.dma_semaphore, #tpu.memory_space<semaphore_mem>>)
      } else {
      }
      %lt3A_267 = arith.constant 9 : i32
      %lt3A_268 = arith.cmpi slt, %scan3A_136, %lt3A_267 : i32
      %convert_element_type3A_269 = arith.extui %lt3A_268 : i1 to i32
      %cond3A_270 = arith.constant 0 : i32
      %cond3A_271 = arith.cmpi ne, %convert_element_type3A_269, %cond3A_270 : i32
      scf.if %cond3A_271 {
        %dma_wait3A_298 = arith.constant 0 : i32
        %dma_wait3A_299 = arith.constant 0 : i32
        %dma_wait3A_300 = tpu.memref_slice %arg8[%dma_wait3A_298, %dma_wait3A_299] : memref<80x128xi32, #tpu.memory_space<vmem>> -> memref<1x128xi32, #tpu.memory_space<vmem>>
        %dma_wait3A_301 = tpu.memref_squeeze %dma_wait3A_300 : memref<1x128xi32, #tpu.memory_space<vmem>> -> memref<128xi32, #tpu.memory_space<vmem>>
        %dma_wait3A_302 = arith.constant 0 : i32
        %dma_wait3A_303 = arith.constant 0 : i32
        %dma_wait3A_304 = tpu.memref_slice %arg4[%dma_wait3A_302, %dma_wait3A_303] : memref<10240x16xf32, #tpu.memory_space<hbm>> -> memref<10240x16xf32, #tpu.memory_space<hbm>>
        tpu.wait_indirect_dma semaphore(%arg29 : memref<!tpu.dma_semaphore, #tpu.memory_space<semaphore_mem>>) src(%dma_wait3A_304 : memref<10240x16xf32, #tpu.memory_space<hbm>>) dst(%arg12 : memref<128x16xf32, #tpu.memory_space<vmem>>)
        %add3A_305 = arith.constant 8 : i32
        %add3A_306 = arith.addi %mul3A_139, %add3A_305 : i32
        %add3A_307 = arith.constant 2 : i32
        %add3A_308 = arith.addi %add3A_306, %add3A_307 : i32
        %dma_start3A_309 = arith.constant 0 : i32
        %dma_start3A_310 = tpu.memref_slice %arg8[%add3A_308, %dma_start3A_309] : memref<80x128xi32, #tpu.memory_space<vmem>> -> memref<1x128xi32, #tpu.memory_space<vmem>>
        %dma_start3A_311 = tpu.memref_squeeze %dma_start3A_310 : memref<1x128xi32, #tpu.memory_space<vmem>> -> memref<128xi32, #tpu.memory_space<vmem>>
        %dma_start3A_312 = arith.constant 0 : i32
        %dma_start3A_313 = arith.constant 0 : i32
        %dma_start3A_314 = tpu.memref_slice %arg7[%dma_start3A_312, %dma_start3A_313] : memref<10240x16xf32, #tpu.memory_space<vmem_shared>> -> memref<10240x16xf32, #tpu.memory_space<vmem_shared>>
        tpu.enqueue_indirect_dma source(%dma_start3A_314 : memref<10240x16xf32, #tpu.memory_space<vmem_shared>>) target(%arg12 : memref<128x16xf32, #tpu.memory_space<vmem>>) offsets(%dma_start3A_311 : memref<128xi32, #tpu.memory_space<vmem>>) semaphore(%arg21 : memref<!tpu.dma_semaphore, #tpu.memory_space<semaphore_mem>>)
      } else {
      }
      %lt3A_272 = arith.constant 9 : i32
      %lt3A_273 = arith.cmpi slt, %scan3A_136, %lt3A_272 : i32
      %convert_element_type3A_274 = arith.extui %lt3A_273 : i1 to i32
      %cond3A_275 = arith.constant 0 : i32
      %cond3A_276 = arith.cmpi ne, %convert_element_type3A_274, %cond3A_275 : i32
      scf.if %cond3A_276 {
        %dma_wait3A_298 = arith.constant 0 : i32
        %dma_wait3A_299 = arith.constant 0 : i32
        %dma_wait3A_300 = tpu.memref_slice %arg8[%dma_wait3A_298, %dma_wait3A_299] : memref<80x128xi32, #tpu.memory_space<vmem>> -> memref<1x128xi32, #tpu.memory_space<vmem>>
        %dma_wait3A_301 = tpu.memref_squeeze %dma_wait3A_300 : memref<1x128xi32, #tpu.memory_space<vmem>> -> memref<128xi32, #tpu.memory_space<vmem>>
        %dma_wait3A_302 = arith.constant 0 : i32
        %dma_wait3A_303 = arith.constant 0 : i32
        %dma_wait3A_304 = tpu.memref_slice %arg4[%dma_wait3A_302, %dma_wait3A_303] : memref<10240x16xf32, #tpu.memory_space<hbm>> -> memref<10240x16xf32, #tpu.memory_space<hbm>>
        tpu.wait_indirect_dma semaphore(%arg30 : memref<!tpu.dma_semaphore, #tpu.memory_space<semaphore_mem>>) src(%dma_wait3A_304 : memref<10240x16xf32, #tpu.memory_space<hbm>>) dst(%arg13 : memref<128x16xf32, #tpu.memory_space<vmem>>)
        %add3A_305 = arith.constant 8 : i32
        %add3A_306 = arith.addi %mul3A_139, %add3A_305 : i32
        %add3A_307 = arith.constant 3 : i32
        %add3A_308 = arith.addi %add3A_306, %add3A_307 : i32
        %dma_start3A_309 = arith.constant 0 : i32
        %dma_start3A_310 = tpu.memref_slice %arg8[%add3A_308, %dma_start3A_309] : memref<80x128xi32, #tpu.memory_space<vmem>> -> memref<1x128xi32, #tpu.memory_space<vmem>>
        %dma_start3A_311 = tpu.memref_squeeze %dma_start3A_310 : memref<1x128xi32, #tpu.memory_space<vmem>> -> memref<128xi32, #tpu.memory_space<vmem>>
        %dma_start3A_312 = arith.constant 0 : i32
        %dma_start3A_313 = arith.constant 0 : i32
        %dma_start3A_314 = tpu.memref_slice %arg7[%dma_start3A_312, %dma_start3A_313] : memref<10240x16xf32, #tpu.memory_space<vmem_shared>> -> memref<10240x16xf32, #tpu.memory_space<vmem_shared>>
        tpu.enqueue_indirect_dma source(%dma_start3A_314 : memref<10240x16xf32, #tpu.memory_space<vmem_shared>>) target(%arg13 : memref<128x16xf32, #tpu.memory_space<vmem>>) offsets(%dma_start3A_311 : memref<128xi32, #tpu.memory_space<vmem>>) semaphore(%arg22 : memref<!tpu.dma_semaphore, #tpu.memory_space<semaphore_mem>>)
      } else {
      }
      %lt3A_277 = arith.constant 9 : i32
      %lt3A_278 = arith.cmpi slt, %scan3A_136, %lt3A_277 : i32
      %convert_element_type3A_279 = arith.extui %lt3A_278 : i1 to i32
      %cond3A_280 = arith.constant 0 : i32
      %cond3A_281 = arith.cmpi ne, %convert_element_type3A_279, %cond3A_280 : i32
      scf.if %cond3A_281 {
        %dma_wait3A_298 = arith.constant 0 : i32
        %dma_wait3A_299 = arith.constant 0 : i32
        %dma_wait3A_300 = tpu.memref_slice %arg8[%dma_wait3A_298, %dma_wait3A_299] : memref<80x128xi32, #tpu.memory_space<vmem>> -> memref<1x128xi32, #tpu.memory_space<vmem>>
        %dma_wait3A_301 = tpu.memref_squeeze %dma_wait3A_300 : memref<1x128xi32, #tpu.memory_space<vmem>> -> memref<128xi32, #tpu.memory_space<vmem>>
        %dma_wait3A_302 = arith.constant 0 : i32
        %dma_wait3A_303 = arith.constant 0 : i32
        %dma_wait3A_304 = tpu.memref_slice %arg4[%dma_wait3A_302, %dma_wait3A_303] : memref<10240x16xf32, #tpu.memory_space<hbm>> -> memref<10240x16xf32, #tpu.memory_space<hbm>>
        tpu.wait_indirect_dma semaphore(%arg31 : memref<!tpu.dma_semaphore, #tpu.memory_space<semaphore_mem>>) src(%dma_wait3A_304 : memref<10240x16xf32, #tpu.memory_space<hbm>>) dst(%arg14 : memref<128x16xf32, #tpu.memory_space<vmem>>)
        %add3A_305 = arith.constant 8 : i32
        %add3A_306 = arith.addi %mul3A_139, %add3A_305 : i32
        %add3A_307 = arith.constant 4 : i32
        %add3A_308 = arith.addi %add3A_306, %add3A_307 : i32
        %dma_start3A_309 = arith.constant 0 : i32
        %dma_start3A_310 = tpu.memref_slice %arg8[%add3A_308, %dma_start3A_309] : memref<80x128xi32, #tpu.memory_space<vmem>> -> memref<1x128xi32, #tpu.memory_space<vmem>>
        %dma_start3A_311 = tpu.memref_squeeze %dma_start3A_310 : memref<1x128xi32, #tpu.memory_space<vmem>> -> memref<128xi32, #tpu.memory_space<vmem>>
        %dma_start3A_312 = arith.constant 0 : i32
        %dma_start3A_313 = arith.constant 0 : i32
        %dma_start3A_314 = tpu.memref_slice %arg7[%dma_start3A_312, %dma_start3A_313] : memref<10240x16xf32, #tpu.memory_space<vmem_shared>> -> memref<10240x16xf32, #tpu.memory_space<vmem_shared>>
        tpu.enqueue_indirect_dma source(%dma_start3A_314 : memref<10240x16xf32, #tpu.memory_space<vmem_shared>>) target(%arg14 : memref<128x16xf32, #tpu.memory_space<vmem>>) offsets(%dma_start3A_311 : memref<128xi32, #tpu.memory_space<vmem>>) semaphore(%arg23 : memref<!tpu.dma_semaphore, #tpu.memory_space<semaphore_mem>>)
      } else {
      }
      %lt3A_282 = arith.constant 9 : i32
      %lt3A_283 = arith.cmpi slt, %scan3A_136, %lt3A_282 : i32
      %convert_element_type3A_284 = arith.extui %lt3A_283 : i1 to i32
      %cond3A_285 = arith.constant 0 : i32
      %cond3A_286 = arith.cmpi ne, %convert_element_type3A_284, %cond3A_285 : i32
      scf.if %cond3A_286 {
        %dma_wait3A_298 = arith.constant 0 : i32
        %dma_wait3A_299 = arith.constant 0 : i32
        %dma_wait3A_300 = tpu.memref_slice %arg8[%dma_wait3A_298, %dma_wait3A_299] : memref<80x128xi32, #tpu.memory_space<vmem>> -> memref<1x128xi32, #tpu.memory_space<vmem>>
        %dma_wait3A_301 = tpu.memref_squeeze %dma_wait3A_300 : memref<1x128xi32, #tpu.memory_space<vmem>> -> memref<128xi32, #tpu.memory_space<vmem>>
        %dma_wait3A_302 = arith.constant 0 : i32
        %dma_wait3A_303 = arith.constant 0 : i32
        %dma_wait3A_304 = tpu.memref_slice %arg4[%dma_wait3A_302, %dma_wait3A_303] : memref<10240x16xf32, #tpu.memory_space<hbm>> -> memref<10240x16xf32, #tpu.memory_space<hbm>>
        tpu.wait_indirect_dma semaphore(%arg32 : memref<!tpu.dma_semaphore, #tpu.memory_space<semaphore_mem>>) src(%dma_wait3A_304 : memref<10240x16xf32, #tpu.memory_space<hbm>>) dst(%arg15 : memref<128x16xf32, #tpu.memory_space<vmem>>)
        %add3A_305 = arith.constant 8 : i32
        %add3A_306 = arith.addi %mul3A_139, %add3A_305 : i32
        %add3A_307 = arith.constant 5 : i32
        %add3A_308 = arith.addi %add3A_306, %add3A_307 : i32
        %dma_start3A_309 = arith.constant 0 : i32
        %dma_start3A_310 = tpu.memref_slice %arg8[%add3A_308, %dma_start3A_309] : memref<80x128xi32, #tpu.memory_space<vmem>> -> memref<1x128xi32, #tpu.memory_space<vmem>>
        %dma_start3A_311 = tpu.memref_squeeze %dma_start3A_310 : memref<1x128xi32, #tpu.memory_space<vmem>> -> memref<128xi32, #tpu.memory_space<vmem>>
        %dma_start3A_312 = arith.constant 0 : i32
        %dma_start3A_313 = arith.constant 0 : i32
        %dma_start3A_314 = tpu.memref_slice %arg7[%dma_start3A_312, %dma_start3A_313] : memref<10240x16xf32, #tpu.memory_space<vmem_shared>> -> memref<10240x16xf32, #tpu.memory_space<vmem_shared>>
        tpu.enqueue_indirect_dma source(%dma_start3A_314 : memref<10240x16xf32, #tpu.memory_space<vmem_shared>>) target(%arg15 : memref<128x16xf32, #tpu.memory_space<vmem>>) offsets(%dma_start3A_311 : memref<128xi32, #tpu.memory_space<vmem>>) semaphore(%arg24 : memref<!tpu.dma_semaphore, #tpu.memory_space<semaphore_mem>>)
      } else {
      }
      %lt3A_287 = arith.constant 9 : i32
      %lt3A_288 = arith.cmpi slt, %scan3A_136, %lt3A_287 : i32
      %convert_element_type3A_289 = arith.extui %lt3A_288 : i1 to i32
      %cond3A_290 = arith.constant 0 : i32
      %cond3A_291 = arith.cmpi ne, %convert_element_type3A_289, %cond3A_290 : i32
      scf.if %cond3A_291 {
        %dma_wait3A_298 = arith.constant 0 : i32
        %dma_wait3A_299 = arith.constant 0 : i32
        %dma_wait3A_300 = tpu.memref_slice %arg8[%dma_wait3A_298, %dma_wait3A_299] : memref<80x128xi32, #tpu.memory_space<vmem>> -> memref<1x128xi32, #tpu.memory_space<vmem>>
        %dma_wait3A_301 = tpu.memref_squeeze %dma_wait3A_300 : memref<1x128xi32, #tpu.memory_space<vmem>> -> memref<128xi32, #tpu.memory_space<vmem>>
        %dma_wait3A_302 = arith.constant 0 : i32
        %dma_wait3A_303 = arith.constant 0 : i32
        %dma_wait3A_304 = tpu.memref_slice %arg4[%dma_wait3A_302, %dma_wait3A_303] : memref<10240x16xf32, #tpu.memory_space<hbm>> -> memref<10240x16xf32, #tpu.memory_space<hbm>>
        tpu.wait_indirect_dma semaphore(%arg33 : memref<!tpu.dma_semaphore, #tpu.memory_space<semaphore_mem>>) src(%dma_wait3A_304 : memref<10240x16xf32, #tpu.memory_space<hbm>>) dst(%arg16 : memref<128x16xf32, #tpu.memory_space<vmem>>)
        %add3A_305 = arith.constant 8 : i32
        %add3A_306 = arith.addi %mul3A_139, %add3A_305 : i32
        %add3A_307 = arith.constant 6 : i32
        %add3A_308 = arith.addi %add3A_306, %add3A_307 : i32
        %dma_start3A_309 = arith.constant 0 : i32
        %dma_start3A_310 = tpu.memref_slice %arg8[%add3A_308, %dma_start3A_309] : memref<80x128xi32, #tpu.memory_space<vmem>> -> memref<1x128xi32, #tpu.memory_space<vmem>>
        %dma_start3A_311 = tpu.memref_squeeze %dma_start3A_310 : memref<1x128xi32, #tpu.memory_space<vmem>> -> memref<128xi32, #tpu.memory_space<vmem>>
        %dma_start3A_312 = arith.constant 0 : i32
        %dma_start3A_313 = arith.constant 0 : i32
        %dma_start3A_314 = tpu.memref_slice %arg7[%dma_start3A_312, %dma_start3A_313] : memref<10240x16xf32, #tpu.memory_space<vmem_shared>> -> memref<10240x16xf32, #tpu.memory_space<vmem_shared>>
        tpu.enqueue_indirect_dma source(%dma_start3A_314 : memref<10240x16xf32, #tpu.memory_space<vmem_shared>>) target(%arg16 : memref<128x16xf32, #tpu.memory_space<vmem>>) offsets(%dma_start3A_311 : memref<128xi32, #tpu.memory_space<vmem>>) semaphore(%arg25 : memref<!tpu.dma_semaphore, #tpu.memory_space<semaphore_mem>>)
      } else {
      }
      %lt3A_292 = arith.constant 9 : i32
      %lt3A_293 = arith.cmpi slt, %scan3A_136, %lt3A_292 : i32
      %convert_element_type3A_294 = arith.extui %lt3A_293 : i1 to i32
      %cond3A_295 = arith.constant 0 : i32
      %cond3A_296 = arith.cmpi ne, %convert_element_type3A_294, %cond3A_295 : i32
      scf.if %cond3A_296 {
        %dma_wait3A_298 = arith.constant 0 : i32
        %dma_wait3A_299 = arith.constant 0 : i32
        %dma_wait3A_300 = tpu.memref_slice %arg8[%dma_wait3A_298, %dma_wait3A_299] : memref<80x128xi32, #tpu.memory_space<vmem>> -> memref<1x128xi32, #tpu.memory_space<vmem>>
        %dma_wait3A_301 = tpu.memref_squeeze %dma_wait3A_300 : memref<1x128xi32, #tpu.memory_space<vmem>> -> memref<128xi32, #tpu.memory_space<vmem>>
        %dma_wait3A_302 = arith.constant 0 : i32
        %dma_wait3A_303 = arith.constant 0 : i32
        %dma_wait3A_304 = tpu.memref_slice %arg4[%dma_wait3A_302, %dma_wait3A_303] : memref<10240x16xf32, #tpu.memory_space<hbm>> -> memref<10240x16xf32, #tpu.memory_space<hbm>>
        tpu.wait_indirect_dma semaphore(%arg34 : memref<!tpu.dma_semaphore, #tpu.memory_space<semaphore_mem>>) src(%dma_wait3A_304 : memref<10240x16xf32, #tpu.memory_space<hbm>>) dst(%arg17 : memref<128x16xf32, #tpu.memory_space<vmem>>)
        %add3A_305 = arith.constant 8 : i32
        %add3A_306 = arith.addi %mul3A_139, %add3A_305 : i32
        %add3A_307 = arith.constant 7 : i32
        %add3A_308 = arith.addi %add3A_306, %add3A_307 : i32
        %dma_start3A_309 = arith.constant 0 : i32
        %dma_start3A_310 = tpu.memref_slice %arg8[%add3A_308, %dma_start3A_309] : memref<80x128xi32, #tpu.memory_space<vmem>> -> memref<1x128xi32, #tpu.memory_space<vmem>>
        %dma_start3A_311 = tpu.memref_squeeze %dma_start3A_310 : memref<1x128xi32, #tpu.memory_space<vmem>> -> memref<128xi32, #tpu.memory_space<vmem>>
        %dma_start3A_312 = arith.constant 0 : i32
        %dma_start3A_313 = arith.constant 0 : i32
        %dma_start3A_314 = tpu.memref_slice %arg7[%dma_start3A_312, %dma_start3A_313] : memref<10240x16xf32, #tpu.memory_space<vmem_shared>> -> memref<10240x16xf32, #tpu.memory_space<vmem_shared>>
        tpu.enqueue_indirect_dma source(%dma_start3A_314 : memref<10240x16xf32, #tpu.memory_space<vmem_shared>>) target(%arg17 : memref<128x16xf32, #tpu.memory_space<vmem>>) offsets(%dma_start3A_311 : memref<128xi32, #tpu.memory_space<vmem>>) semaphore(%arg26 : memref<!tpu.dma_semaphore, #tpu.memory_space<semaphore_mem>>)
      } else {
      }
      %scan3A_297 = arith.constant 0 : i32
      scf.yield %scan3A_297 : i32
    }
    %scan3A_77 = arith.constant 10 : i32
    %dma_wait3A = arith.constant 0 : i32
    %dma_wait3A_78 = arith.constant 0 : i32
    %dma_wait3A_79 = tpu.memref_slice %arg8[%dma_wait3A, %dma_wait3A_78] : memref<80x128xi32, #tpu.memory_space<vmem>> -> memref<1x128xi32, #tpu.memory_space<vmem>>
    %dma_wait3A_80 = tpu.memref_squeeze %dma_wait3A_79 : memref<1x128xi32, #tpu.memory_space<vmem>> -> memref<128xi32, #tpu.memory_space<vmem>>
    %dma_wait3A_81 = arith.constant 0 : i32
    %dma_wait3A_82 = arith.constant 0 : i32
    %dma_wait3A_83 = tpu.memref_slice %arg4[%dma_wait3A_81, %dma_wait3A_82] : memref<10240x16xf32, #tpu.memory_space<hbm>> -> memref<10240x16xf32, #tpu.memory_space<hbm>>
    tpu.wait_indirect_dma semaphore(%arg27 : memref<!tpu.dma_semaphore, #tpu.memory_space<semaphore_mem>>) src(%dma_wait3A_83 : memref<10240x16xf32, #tpu.memory_space<hbm>>) dst(%arg10 : memref<128x16xf32, #tpu.memory_space<vmem>>)
    %dma_wait3A_84 = arith.constant 0 : i32
    %dma_wait3A_85 = arith.constant 0 : i32
    %dma_wait3A_86 = tpu.memref_slice %arg8[%dma_wait3A_84, %dma_wait3A_85] : memref<80x128xi32, #tpu.memory_space<vmem>> -> memref<1x128xi32, #tpu.memory_space<vmem>>
    %dma_wait3A_87 = tpu.memref_squeeze %dma_wait3A_86 : memref<1x128xi32, #tpu.memory_space<vmem>> -> memref<128xi32, #tpu.memory_space<vmem>>
    %dma_wait3A_88 = arith.constant 0 : i32
    %dma_wait3A_89 = arith.constant 0 : i32
    %dma_wait3A_90 = tpu.memref_slice %arg4[%dma_wait3A_88, %dma_wait3A_89] : memref<10240x16xf32, #tpu.memory_space<hbm>> -> memref<10240x16xf32, #tpu.memory_space<hbm>>
    tpu.wait_indirect_dma semaphore(%arg28 : memref<!tpu.dma_semaphore, #tpu.memory_space<semaphore_mem>>) src(%dma_wait3A_90 : memref<10240x16xf32, #tpu.memory_space<hbm>>) dst(%arg11 : memref<128x16xf32, #tpu.memory_space<vmem>>)
    %dma_wait3A_91 = arith.constant 0 : i32
    %dma_wait3A_92 = arith.constant 0 : i32
    %dma_wait3A_93 = tpu.memref_slice %arg8[%dma_wait3A_91, %dma_wait3A_92] : memref<80x128xi32, #tpu.memory_space<vmem>> -> memref<1x128xi32, #tpu.memory_space<vmem>>
    %dma_wait3A_94 = tpu.memref_squeeze %dma_wait3A_93 : memref<1x128xi32, #tpu.memory_space<vmem>> -> memref<128xi32, #tpu.memory_space<vmem>>
    %dma_wait3A_95 = arith.constant 0 : i32
    %dma_wait3A_96 = arith.constant 0 : i32
    %dma_wait3A_97 = tpu.memref_slice %arg4[%dma_wait3A_95, %dma_wait3A_96] : memref<10240x16xf32, #tpu.memory_space<hbm>> -> memref<10240x16xf32, #tpu.memory_space<hbm>>
    tpu.wait_indirect_dma semaphore(%arg29 : memref<!tpu.dma_semaphore, #tpu.memory_space<semaphore_mem>>) src(%dma_wait3A_97 : memref<10240x16xf32, #tpu.memory_space<hbm>>) dst(%arg12 : memref<128x16xf32, #tpu.memory_space<vmem>>)
    %dma_wait3A_98 = arith.constant 0 : i32
    %dma_wait3A_99 = arith.constant 0 : i32
    %dma_wait3A_100 = tpu.memref_slice %arg8[%dma_wait3A_98, %dma_wait3A_99] : memref<80x128xi32, #tpu.memory_space<vmem>> -> memref<1x128xi32, #tpu.memory_space<vmem>>
    %dma_wait3A_101 = tpu.memref_squeeze %dma_wait3A_100 : memref<1x128xi32, #tpu.memory_space<vmem>> -> memref<128xi32, #tpu.memory_space<vmem>>
    %dma_wait3A_102 = arith.constant 0 : i32
    %dma_wait3A_103 = arith.constant 0 : i32
    %dma_wait3A_104 = tpu.memref_slice %arg4[%dma_wait3A_102, %dma_wait3A_103] : memref<10240x16xf32, #tpu.memory_space<hbm>> -> memref<10240x16xf32, #tpu.memory_space<hbm>>
    tpu.wait_indirect_dma semaphore(%arg30 : memref<!tpu.dma_semaphore, #tpu.memory_space<semaphore_mem>>) src(%dma_wait3A_104 : memref<10240x16xf32, #tpu.memory_space<hbm>>) dst(%arg13 : memref<128x16xf32, #tpu.memory_space<vmem>>)
    %dma_wait3A_105 = arith.constant 0 : i32
    %dma_wait3A_106 = arith.constant 0 : i32
    %dma_wait3A_107 = tpu.memref_slice %arg8[%dma_wait3A_105, %dma_wait3A_106] : memref<80x128xi32, #tpu.memory_space<vmem>> -> memref<1x128xi32, #tpu.memory_space<vmem>>
    %dma_wait3A_108 = tpu.memref_squeeze %dma_wait3A_107 : memref<1x128xi32, #tpu.memory_space<vmem>> -> memref<128xi32, #tpu.memory_space<vmem>>
    %dma_wait3A_109 = arith.constant 0 : i32
    %dma_wait3A_110 = arith.constant 0 : i32
    %dma_wait3A_111 = tpu.memref_slice %arg4[%dma_wait3A_109, %dma_wait3A_110] : memref<10240x16xf32, #tpu.memory_space<hbm>> -> memref<10240x16xf32, #tpu.memory_space<hbm>>
    tpu.wait_indirect_dma semaphore(%arg31 : memref<!tpu.dma_semaphore, #tpu.memory_space<semaphore_mem>>) src(%dma_wait3A_111 : memref<10240x16xf32, #tpu.memory_space<hbm>>) dst(%arg14 : memref<128x16xf32, #tpu.memory_space<vmem>>)
    %dma_wait3A_112 = arith.constant 0 : i32
    %dma_wait3A_113 = arith.constant 0 : i32
    %dma_wait3A_114 = tpu.memref_slice %arg8[%dma_wait3A_112, %dma_wait3A_113] : memref<80x128xi32, #tpu.memory_space<vmem>> -> memref<1x128xi32, #tpu.memory_space<vmem>>
    %dma_wait3A_115 = tpu.memref_squeeze %dma_wait3A_114 : memref<1x128xi32, #tpu.memory_space<vmem>> -> memref<128xi32, #tpu.memory_space<vmem>>
    %dma_wait3A_116 = arith.constant 0 : i32
    %dma_wait3A_117 = arith.constant 0 : i32
    %dma_wait3A_118 = tpu.memref_slice %arg4[%dma_wait3A_116, %dma_wait3A_117] : memref<10240x16xf32, #tpu.memory_space<hbm>> -> memref<10240x16xf32, #tpu.memory_space<hbm>>
    tpu.wait_indirect_dma semaphore(%arg32 : memref<!tpu.dma_semaphore, #tpu.memory_space<semaphore_mem>>) src(%dma_wait3A_118 : memref<10240x16xf32, #tpu.memory_space<hbm>>) dst(%arg15 : memref<128x16xf32, #tpu.memory_space<vmem>>)
    %dma_wait3A_119 = arith.constant 0 : i32
    %dma_wait3A_120 = arith.constant 0 : i32
    %dma_wait3A_121 = tpu.memref_slice %arg8[%dma_wait3A_119, %dma_wait3A_120] : memref<80x128xi32, #tpu.memory_space<vmem>> -> memref<1x128xi32, #tpu.memory_space<vmem>>
    %dma_wait3A_122 = tpu.memref_squeeze %dma_wait3A_121 : memref<1x128xi32, #tpu.memory_space<vmem>> -> memref<128xi32, #tpu.memory_space<vmem>>
    %dma_wait3A_123 = arith.constant 0 : i32
    %dma_wait3A_124 = arith.constant 0 : i32
    %dma_wait3A_125 = tpu.memref_slice %arg4[%dma_wait3A_123, %dma_wait3A_124] : memref<10240x16xf32, #tpu.memory_space<hbm>> -> memref<10240x16xf32, #tpu.memory_space<hbm>>
    tpu.wait_indirect_dma semaphore(%arg33 : memref<!tpu.dma_semaphore, #tpu.memory_space<semaphore_mem>>) src(%dma_wait3A_125 : memref<10240x16xf32, #tpu.memory_space<hbm>>) dst(%arg16 : memref<128x16xf32, #tpu.memory_space<vmem>>)
    %dma_wait3A_126 = arith.constant 0 : i32
    %dma_wait3A_127 = arith.constant 0 : i32
    %dma_wait3A_128 = tpu.memref_slice %arg8[%dma_wait3A_126, %dma_wait3A_127] : memref<80x128xi32, #tpu.memory_space<vmem>> -> memref<1x128xi32, #tpu.memory_space<vmem>>
    %dma_wait3A_129 = tpu.memref_squeeze %dma_wait3A_128 : memref<1x128xi32, #tpu.memory_space<vmem>> -> memref<128xi32, #tpu.memory_space<vmem>>
    %dma_wait3A_130 = arith.constant 0 : i32
    %dma_wait3A_131 = arith.constant 0 : i32
    %dma_wait3A_132 = tpu.memref_slice %arg4[%dma_wait3A_130, %dma_wait3A_131] : memref<10240x16xf32, #tpu.memory_space<hbm>> -> memref<10240x16xf32, #tpu.memory_space<hbm>>
    tpu.wait_indirect_dma semaphore(%arg34 : memref<!tpu.dma_semaphore, #tpu.memory_space<semaphore_mem>>) src(%dma_wait3A_132 : memref<10240x16xf32, #tpu.memory_space<hbm>>) dst(%arg17 : memref<128x16xf32, #tpu.memory_space<vmem>>)
    %barrier3A_133 = arith.constant 0 : index
    tpu.barrier barrier_id(%barrier3A_133)
    %mul3A_134 = arith.constant 640 : i32
    %mul3A_135 = arith.muli %arg1, %mul3A_134 : i32
    "tpu.region"() ({
      %run_scoped3A = tpu.sem_alloc : memref<!tpu.dma_semaphore, #tpu.memory_space<semaphore_mem>>
      %dma_start3A_136 = arith.constant 0 : i32
      %dma_start3A_137 = tpu.memref_slice %arg6[%mul3A_135, %dma_start3A_136] : memref<10240x16xf32, #tpu.memory_space<vmem_shared>> -> memref<640x16xf32, #tpu.memory_space<vmem_shared>>
      %dma_start3A_138 = arith.constant 0 : i32
      %dma_start3A_139 = tpu.memref_slice %arg6[%mul3A_135, %dma_start3A_138] : memref<10240x16xf32, #tpu.memory_space<vmem_shared>> -> memref<640x16xf32, #tpu.memory_space<vmem_shared>>
      tpu.enqueue_dma source(%dma_start3A_139 : memref<640x16xf32, #tpu.memory_space<vmem_shared>>) target(%arg18 : memref<640x16xf32, #tpu.memory_space<vmem>>) target_semaphore(%run_scoped3A : memref<!tpu.dma_semaphore, #tpu.memory_space<semaphore_mem>>)
      %dma_wait3A_140 = arith.constant 0 : i32
      %dma_wait3A_141 = tpu.memref_slice %arg6[%mul3A_135, %dma_wait3A_140] : memref<10240x16xf32, #tpu.memory_space<vmem_shared>> -> memref<640x16xf32, #tpu.memory_space<vmem_shared>>
      %dma_wait3A_142 = arith.constant 0 : i32
      %dma_wait3A_143 = tpu.memref_slice %arg6[%mul3A_135, %dma_wait3A_142] : memref<10240x16xf32, #tpu.memory_space<vmem_shared>> -> memref<640x16xf32, #tpu.memory_space<vmem_shared>>
      tpu.wait_dma2 semaphore(%run_scoped3A : memref<!tpu.dma_semaphore, #tpu.memory_space<semaphore_mem>>) src(%dma_wait3A_143 : memref<640x16xf32, #tpu.memory_space<vmem_shared>>) dst(%arg18 : memref<640x16xf32, #tpu.memory_space<vmem>>)
      tpu.yield
    }) : () -> ()
    "tpu.region"() ({
      %run_scoped3A = tpu.sem_alloc : memref<!tpu.dma_semaphore, #tpu.memory_space<semaphore_mem>>
      %dma_start3A_136 = arith.constant 0 : i32
      %dma_start3A_137 = tpu.memref_slice %arg5[%arg0, %mul3A_135, %dma_start3A_136] : memref<2x10240x16xf32, #tpu.memory_space<hbm>> -> memref<1x640x16xf32, #tpu.memory_space<hbm>>
      %dma_start3A_138 = tpu.memref_squeeze %dma_start3A_137 : memref<1x640x16xf32, #tpu.memory_space<hbm>> -> memref<640x16xf32, #tpu.memory_space<hbm>>
      %dma_start3A_139 = arith.constant 0 : i32
      %dma_start3A_140 = tpu.memref_slice %arg5[%arg0, %mul3A_135, %dma_start3A_139] : memref<2x10240x16xf32, #tpu.memory_space<hbm>> -> memref<1x640x16xf32, #tpu.memory_space<hbm>>
      %dma_start3A_141 = tpu.memref_squeeze %dma_start3A_140 : memref<1x640x16xf32, #tpu.memory_space<hbm>> -> memref<640x16xf32, #tpu.memory_space<hbm>>
      tpu.enqueue_dma source(%arg18 : memref<640x16xf32, #tpu.memory_space<vmem>>) target(%dma_start3A_141 : memref<640x16xf32, #tpu.memory_space<hbm>>) target_semaphore(%run_scoped3A : memref<!tpu.dma_semaphore, #tpu.memory_space<semaphore_mem>>)
      %dma_wait3A_142 = arith.constant 0 : i32
      %dma_wait3A_143 = tpu.memref_slice %arg5[%arg0, %mul3A_135, %dma_wait3A_142] : memref<2x10240x16xf32, #tpu.memory_space<hbm>> -> memref<1x640x16xf32, #tpu.memory_space<hbm>>
      %dma_wait3A_144 = tpu.memref_squeeze %dma_wait3A_143 : memref<1x640x16xf32, #tpu.memory_space<hbm>> -> memref<640x16xf32, #tpu.memory_space<hbm>>
      %dma_wait3A_145 = arith.constant 0 : i32
      %dma_wait3A_146 = tpu.memref_slice %arg5[%arg0, %mul3A_135, %dma_wait3A_145] : memref<2x10240x16xf32, #tpu.memory_space<hbm>> -> memref<1x640x16xf32, #tpu.memory_space<hbm>>
      %dma_wait3A_147 = tpu.memref_squeeze %dma_wait3A_146 : memref<1x640x16xf32, #tpu.memory_space<hbm>> -> memref<640x16xf32, #tpu.memory_space<hbm>>
      tpu.wait_dma2 semaphore(%run_scoped3A : memref<!tpu.dma_semaphore, #tpu.memory_space<semaphore_mem>>) src(%arg18 : memref<640x16xf32, #tpu.memory_space<vmem>>) dst(%dma_wait3A_147 : memref<640x16xf32, #tpu.memory_space<hbm>>)
      tpu.yield
    }) : () -> ()
    return
  }
}

#map = affine_map<(d0, d1) -> (0, 0)>
#map1 = affine_map<(d0, d1) -> (0, 0, 0)>
module attributes {stable_mosaic.version = 14 : i64} {
  func.func @k(%arg0: i32, %arg1: i32, %arg2: memref<2560x128xi32, #tpu.memory_space<hbm>>, %arg3: memref<2560x128xi32, #tpu.memory_space<hbm>>, %arg4: memref<10240x16xf32, #tpu.memory_space<hbm>>, %arg5: memref<2x10240x16xf32, #tpu.memory_space<hbm>>, %arg6: memref<10240x16xf32, #tpu.memory_space<vmem_shared>>, %arg7: memref<10240x16xf32, #tpu.memory_space<vmem_shared>>, %arg8: memref<80x128xi32, #tpu.memory_space<vmem>>, %arg9: memref<80x128xi32, #tpu.memory_space<vmem>>, %arg10: memref<128x16xf32, #tpu.memory_space<vmem>>, %arg11: memref<128x16xf32, #tpu.memory_space<vmem>>, %arg12: memref<128x16xf32, #tpu.memory_space<vmem>>, %arg13: memref<128x16xf32, #tpu.memory_space<vmem>>, %arg14: memref<128x16xf32, #tpu.memory_space<vmem>>, %arg15: memref<128x16xf32, #tpu.memory_space<vmem>>, %arg16: memref<128x16xf32, #tpu.memory_space<vmem>>, %arg17: memref<128x16xf32, #tpu.memory_space<vmem>>, %arg18: memref<640x16xf32, #tpu.memory_space<vmem>>, %arg19: memref<!tpu.dma_semaphore, #tpu.memory_space<semaphore_mem>>, %arg20: memref<!tpu.dma_semaphore, #tpu.memory_space<semaphore_mem>>, %arg21: memref<!tpu.dma_semaphore, #tpu.memory_space<semaphore_mem>>, %arg22: memref<!tpu.dma_semaphore, #tpu.memory_space<semaphore_mem>>, %arg23: memref<!tpu.dma_semaphore, #tpu.memory_space<semaphore_mem>>, %arg24: memref<!tpu.dma_semaphore, #tpu.memory_space<semaphore_mem>>, %arg25: memref<!tpu.dma_semaphore, #tpu.memory_space<semaphore_mem>>, %arg26: memref<!tpu.dma_semaphore, #tpu.memory_space<semaphore_mem>>, %arg27: memref<!tpu.dma_semaphore, #tpu.memory_space<semaphore_mem>>, %arg28: memref<!tpu.dma_semaphore, #tpu.memory_space<semaphore_mem>>, %arg29: memref<!tpu.dma_semaphore, #tpu.memory_space<semaphore_mem>>, %arg30: memref<!tpu.dma_semaphore, #tpu.memory_space<semaphore_mem>>, %arg31: memref<!tpu.dma_semaphore, #tpu.memory_space<semaphore_mem>>, %arg32: memref<!tpu.dma_semaphore, #tpu.memory_space<semaphore_mem>>, %arg33: memref<!tpu.dma_semaphore, #tpu.memory_space<semaphore_mem>>, %arg34: memref<!tpu.dma_semaphore, #tpu.memory_space<semaphore_mem>>) attributes {dimension_semantics = [#tpu.dimension_semantics<core_parallel>, #tpu.dimension_semantics<subcore_parallel>], iteration_bounds = array<i64: 2, 16>, scalar_prefetch = 0 : i64, scratch_operands = 29 : i64, tpu.core_type = #tpu.core_type<sc_vector_subcore>, window_params = [{transform_indices = #map}, {transform_indices = #map}, {transform_indices = #map}, {transform_indices = #map1}]} {
    %broadcast_in_dim3A = arith.constant 0.000000e+00 : f32
    %broadcast_in_dim3A_0 = vector.broadcast %broadcast_in_dim3A : f32 to vector<16xf32>
    %scan3A = arith.constant 0 : i32
    %scan3A_1 = arith.constant 0 : i32
    %scan3A_2 = arith.constant 640 : i32
    %scan3A_3 = arith.addi %scan3A_1, %scan3A_2 : i32
    %scan3A_4 = arith.constant 1 : i32
    %scan3A_5 = scf.for %scan3A_136 = %scan3A_1 to %scan3A_3 step %scan3A_4 iter_args(%scan3A_137 = %scan3A) -> (i32)  : i32 {
      %swap3A = arith.index_cast %scan3A_136 : i32 to index
      %swap3A_138 = arith.constant 0 : index
      %swap3A_139 = tpu.vector_load %arg18[%swap3A, %swap3A_138] {strides = array<i32>} : memref<640x16xf32, #tpu.memory_space<vmem>>, vector<1x16xf32>,
      %swap3A_140 = vector.shape_cast %swap3A_139 : vector<1x16xf32> to vector<16xf32>
      %swap3A_141 = vector.shape_cast %broadcast_in_dim3A_0 : vector<16xf32> to vector<1x16xf32>
      tpu.vector_store %arg18[%swap3A, %swap3A_138], %swap3A_141 {strides = array<i32>} : memref<640x16xf32, #tpu.memory_space<vmem>>, vector<1x16xf32>,
      %scan3A_142 = arith.constant 0 : i32
      scf.yield %scan3A_142 : i32
    }
    %scan3A_6 = arith.constant 640 : i32
    %mul3A = arith.constant 640 : i32
    %mul3A_7 = arith.muli %arg1, %mul3A : i32
    "tpu.region"() ({
      %run_scoped3A = tpu.sem_alloc : memref<!tpu.dma_semaphore, #tpu.memory_space<semaphore_mem>>
      %dma_start3A_136 = arith.constant 0 : i32
      %dma_start3A_137 = tpu.memref_slice %arg6[%mul3A_7, %dma_start3A_136] : memref<10240x16xf32, #tpu.memory_space<vmem_shared>> -> memref<640x16xf32, #tpu.memory_space<vmem_shared>>
      %dma_start3A_138 = arith.constant 0 : i32
      %dma_start3A_139 = tpu.memref_slice %arg6[%mul3A_7, %dma_start3A_138] : memref<10240x16xf32, #tpu.memory_space<vmem_shared>> -> memref<640x16xf32, #tpu.memory_space<vmem_shared>>
      tpu.enqueue_dma source(%arg18 : memref<640x16xf32, #tpu.memory_space<vmem>>) target(%dma_start3A_139 : memref<640x16xf32, #tpu.memory_space<vmem_shared>>) target_semaphore(%run_scoped3A : memref<!tpu.dma_semaphore, #tpu.memory_space<semaphore_mem>>)
      %dma_wait3A_140 = arith.constant 0 : i32
      %dma_wait3A_141 = tpu.memref_slice %arg6[%mul3A_7, %dma_wait3A_140] : memref<10240x16xf32, #tpu.memory_space<vmem_shared>> -> memref<640x16xf32, #tpu.memory_space<vmem_shared>>
      %dma_wait3A_142 = arith.constant 0 : i32
      %dma_wait3A_143 = tpu.memref_slice %arg6[%mul3A_7, %dma_wait3A_142] : memref<10240x16xf32, #tpu.memory_space<vmem_shared>> -> memref<640x16xf32, #tpu.memory_space<vmem_shared>>
      tpu.wait_dma2 semaphore(%run_scoped3A : memref<!tpu.dma_semaphore, #tpu.memory_space<semaphore_mem>>) src(%arg18 : memref<640x16xf32, #tpu.memory_space<vmem>>) dst(%dma_wait3A_143 : memref<640x16xf32, #tpu.memory_space<vmem_shared>>)
      tpu.yield
    }) : () -> ()
    %mul3A_8 = arith.constant 640 : i32
    %mul3A_9 = arith.muli %arg1, %mul3A_8 : i32
    %mul3A_10 = arith.constant 640 : i32
    %mul3A_11 = arith.muli %arg1, %mul3A_10 : i32
    "tpu.region"() ({
      %run_scoped3A = tpu.sem_alloc : memref<!tpu.dma_semaphore, #tpu.memory_space<semaphore_mem>>
      %dma_start3A_136 = arith.constant 0 : i32
      %dma_start3A_137 = tpu.memref_slice %arg7[%mul3A_11, %dma_start3A_136] : memref<10240x16xf32, #tpu.memory_space<vmem_shared>> -> memref<640x16xf32, #tpu.memory_space<vmem_shared>>
      %dma_start3A_138 = arith.constant 0 : i32
      %dma_start3A_139 = tpu.memref_slice %arg4[%mul3A_9, %dma_start3A_138] : memref<10240x16xf32, #tpu.memory_space<hbm>> -> memref<640x16xf32, #tpu.memory_space<hbm>>
      tpu.enqueue_dma source(%dma_start3A_139 : memref<640x16xf32, #tpu.memory_space<hbm>>) target(%dma_start3A_137 : memref<640x16xf32, #tpu.memory_space<vmem_shared>>) target_semaphore(%run_scoped3A : memref<!tpu.dma_semaphore, #tpu.memory_space<semaphore_mem>>)
      %dma_wait3A_140 = arith.constant 0 : i32
      %dma_wait3A_141 = tpu.memref_slice %arg7[%mul3A_11, %dma_wait3A_140] : memref<10240x16xf32, #tpu.memory_space<vmem_shared>> -> memref<640x16xf32, #tpu.memory_space<vmem_shared>>
      %dma_wait3A_142 = arith.constant 0 : i32
      %dma_wait3A_143 = tpu.memref_slice %arg4[%mul3A_9, %dma_wait3A_142] : memref<10240x16xf32, #tpu.memory_space<hbm>> -> memref<640x16xf32, #tpu.memory_space<hbm>>
      tpu.wait_dma2 semaphore(%run_scoped3A : memref<!tpu.dma_semaphore, #tpu.memory_space<semaphore_mem>>) src(%dma_wait3A_143 : memref<640x16xf32, #tpu.memory_space<hbm>>) dst(%dma_wait3A_141 : memref<640x16xf32, #tpu.memory_space<vmem_shared>>)
      tpu.yield
    }) : () -> ()
    %barrier3A = arith.constant 0 : index
    tpu.barrier barrier_id(%barrier3A)
    %mul3A_12 = arith.constant 2 : i32
    %mul3A_13 = arith.muli %arg1, %mul3A_12 : i32
    %add3A = arith.addi %mul3A_13, %arg0 : i32
    %mul3A_14 = arith.constant 80 : i32
    %mul3A_15 = arith.muli %add3A, %mul3A_14 : i32
    "tpu.region"() ({
      %run_scoped3A = tpu.sem_alloc : memref<!tpu.dma_semaphore, #tpu.memory_space<semaphore_mem>>
      %dma_start3A_136 = arith.constant 0 : i32
      %dma_start3A_137 = tpu.memref_slice %arg2[%mul3A_15, %dma_start3A_136] : memref<2560x128xi32, #tpu.memory_space<hbm>> -> memref<80x128xi32, #tpu.memory_space<hbm>>
      %dma_start3A_138 = arith.constant 0 : i32
      %dma_start3A_139 = tpu.memref_slice %arg2[%mul3A_15, %dma_start3A_138] : memref<2560x128xi32, #tpu.memory_space<hbm>> -> memref<80x128xi32, #tpu.memory_space<hbm>>
      tpu.enqueue_dma source(%dma_start3A_139 : memref<80x128xi32, #tpu.memory_space<hbm>>) target(%arg8 : memref<80x128xi32, #tpu.memory_space<vmem>>) target_semaphore(%run_scoped3A : memref<!tpu.dma_semaphore, #tpu.memory_space<semaphore_mem>>)
      %dma_wait3A_140 = arith.constant 0 : i32
      %dma_wait3A_141 = tpu.memref_slice %arg2[%mul3A_15, %dma_wait3A_140] : memref<2560x128xi32, #tpu.memory_space<hbm>> -> memref<80x128xi32, #tpu.memory_space<hbm>>
      %dma_wait3A_142 = arith.constant 0 : i32
      %dma_wait3A_143 = tpu.memref_slice %arg2[%mul3A_15, %dma_wait3A_142] : memref<2560x128xi32, #tpu.memory_space<hbm>> -> memref<80x128xi32, #tpu.memory_space<hbm>>
      tpu.wait_dma2 semaphore(%run_scoped3A : memref<!tpu.dma_semaphore, #tpu.memory_space<semaphore_mem>>) src(%dma_wait3A_143 : memref<80x128xi32, #tpu.memory_space<hbm>>) dst(%arg8 : memref<80x128xi32, #tpu.memory_space<vmem>>)
      tpu.yield
    }) : () -> ()
    "tpu.region"() ({
      %run_scoped3A = tpu.sem_alloc : memref<!tpu.dma_semaphore, #tpu.memory_space<semaphore_mem>>
      %dma_start3A_136 = arith.constant 0 : i32
      %dma_start3A_137 = tpu.memref_slice %arg3[%mul3A_15, %dma_start3A_136] : memref<2560x128xi32, #tpu.memory_space<hbm>> -> memref<80x128xi32, #tpu.memory_space<hbm>>
      %dma_start3A_138 = arith.constant 0 : i32
      %dma_start3A_139 = tpu.memref_slice %arg3[%mul3A_15, %dma_start3A_138] : memref<2560x128xi32, #tpu.memory_space<hbm>> -> memref<80x128xi32, #tpu.memory_space<hbm>>
      tpu.enqueue_dma source(%dma_start3A_139 : memref<80x128xi32, #tpu.memory_space<hbm>>) target(%arg9 : memref<80x128xi32, #tpu.memory_space<vmem>>) target_semaphore(%run_scoped3A : memref<!tpu.dma_semaphore, #tpu.memory_space<semaphore_mem>>)
      %dma_wait3A_140 = arith.constant 0 : i32
      %dma_wait3A_141 = tpu.memref_slice %arg3[%mul3A_15, %dma_wait3A_140] : memref<2560x128xi32, #tpu.memory_space<hbm>> -> memref<80x128xi32, #tpu.memory_space<hbm>>
      %dma_wait3A_142 = arith.constant 0 : i32
      %dma_wait3A_143 = tpu.memref_slice %arg3[%mul3A_15, %dma_wait3A_142] : memref<2560x128xi32, #tpu.memory_space<hbm>> -> memref<80x128xi32, #tpu.memory_space<hbm>>
      tpu.wait_dma2 semaphore(%run_scoped3A : memref<!tpu.dma_semaphore, #tpu.memory_space<semaphore_mem>>) src(%dma_wait3A_143 : memref<80x128xi32, #tpu.memory_space<hbm>>) dst(%arg9 : memref<80x128xi32, #tpu.memory_space<vmem>>)
      tpu.yield
    }) : () -> ()
    %dma_start3A = arith.constant 0 : i32
    %dma_start3A_16 = arith.constant 0 : i32
    %dma_start3A_17 = tpu.memref_slice %arg8[%dma_start3A, %dma_start3A_16] : memref<80x128xi32, #tpu.memory_space<vmem>> -> memref<1x128xi32, #tpu.memory_space<vmem>>
    %dma_start3A_18 = tpu.memref_squeeze %dma_start3A_17 : memref<1x128xi32, #tpu.memory_space<vmem>> -> memref<128xi32, #tpu.memory_space<vmem>>
    %dma_start3A_19 = arith.constant 0 : i32
    %dma_start3A_20 = arith.constant 0 : i32
    %dma_start3A_21 = tpu.memref_slice %arg7[%dma_start3A_19, %dma_start3A_20] : memref<10240x16xf32, #tpu.memory_space<vmem_shared>> -> memref<10240x16xf32, #tpu.memory_space<vmem_shared>>
    tpu.enqueue_indirect_dma source(%dma_start3A_21 : memref<10240x16xf32, #tpu.memory_space<vmem_shared>>) target(%arg10 : memref<128x16xf32, #tpu.memory_space<vmem>>) offsets(%dma_start3A_18 : memref<128xi32, #tpu.memory_space<vmem>>) semaphore(%arg19 : memref<!tpu.dma_semaphore, #tpu.memory_space<semaphore_mem>>)
    %dma_start3A_22 = arith.constant 1 : i32
    %dma_start3A_23 = arith.constant 0 : i32
    %dma_start3A_24 = tpu.memref_slice %arg8[%dma_start3A_22, %dma_start3A_23] : memref<80x128xi32, #tpu.memory_space<vmem>> -> memref<1x128xi32, #tpu.memory_space<vmem>>
    %dma_start3A_25 = tpu.memref_squeeze %dma_start3A_24 : memref<1x128xi32, #tpu.memory_space<vmem>> -> memref<128xi32, #tpu.memory_space<vmem>>
    %dma_start3A_26 = arith.constant 0 : i32
    %dma_start3A_27 = arith.constant 0 : i32
    %dma_start3A_28 = tpu.memref_slice %arg7[%dma_start3A_26, %dma_start3A_27] : memref<10240x16xf32, #tpu.memory_space<vmem_shared>> -> memref<10240x16xf32, #tpu.memory_space<vmem_shared>>
    tpu.enqueue_indirect_dma source(%dma_start3A_28 : memref<10240x16xf32, #tpu.memory_space<vmem_shared>>) target(%arg11 : memref<128x16xf32, #tpu.memory_space<vmem>>) offsets(%dma_start3A_25 : memref<128xi32, #tpu.memory_space<vmem>>) semaphore(%arg20 : memref<!tpu.dma_semaphore, #tpu.memory_space<semaphore_mem>>)
    %dma_start3A_29 = arith.constant 2 : i32
    %dma_start3A_30 = arith.constant 0 : i32
    %dma_start3A_31 = tpu.memref_slice %arg8[%dma_start3A_29, %dma_start3A_30] : memref<80x128xi32, #tpu.memory_space<vmem>> -> memref<1x128xi32, #tpu.memory_space<vmem>>
    %dma_start3A_32 = tpu.memref_squeeze %dma_start3A_31 : memref<1x128xi32, #tpu.memory_space<vmem>> -> memref<128xi32, #tpu.memory_space<vmem>>
    %dma_start3A_33 = arith.constant 0 : i32
    %dma_start3A_34 = arith.constant 0 : i32
    %dma_start3A_35 = tpu.memref_slice %arg7[%dma_start3A_33, %dma_start3A_34] : memref<10240x16xf32, #tpu.memory_space<vmem_shared>> -> memref<10240x16xf32, #tpu.memory_space<vmem_shared>>
    tpu.enqueue_indirect_dma source(%dma_start3A_35 : memref<10240x16xf32, #tpu.memory_space<vmem_shared>>) target(%arg12 : memref<128x16xf32, #tpu.memory_space<vmem>>) offsets(%dma_start3A_32 : memref<128xi32, #tpu.memory_space<vmem>>) semaphore(%arg21 : memref<!tpu.dma_semaphore, #tpu.memory_space<semaphore_mem>>)
    %dma_start3A_36 = arith.constant 3 : i32
    %dma_start3A_37 = arith.constant 0 : i32
    %dma_start3A_38 = tpu.memref_slice %arg8[%dma_start3A_36, %dma_start3A_37] : memref<80x128xi32, #tpu.memory_space<vmem>> -> memref<1x128xi32, #tpu.memory_space<vmem>>
    %dma_start3A_39 = tpu.memref_squeeze %dma_start3A_38 : memref<1x128xi32, #tpu.memory_space<vmem>> -> memref<128xi32, #tpu.memory_space<vmem>>
    %dma_start3A_40 = arith.constant 0 : i32
    %dma_start3A_41 = arith.constant 0 : i32
    %dma_start3A_42 = tpu.memref_slice %arg7[%dma_start3A_40, %dma_start3A_41] : memref<10240x16xf32, #tpu.memory_space<vmem_shared>> -> memref<10240x16xf32, #tpu.memory_space<vmem_shared>>
    tpu.enqueue_indirect_dma source(%dma_start3A_42 : memref<10240x16xf32, #tpu.memory_space<vmem_shared>>) target(%arg13 : memref<128x16xf32, #tpu.memory_space<vmem>>) offsets(%dma_start3A_39 : memref<128xi32, #tpu.memory_space<vmem>>) semaphore(%arg22 : memref<!tpu.dma_semaphore, #tpu.memory_space<semaphore_mem>>)
    %dma_start3A_43 = arith.constant 4 : i32
    %dma_start3A_44 = arith.constant 0 : i32
    %dma_start3A_45 = tpu.memref_slice %arg8[%dma_start3A_43, %dma_start3A_44] : memref<80x128xi32, #tpu.memory_space<vmem>> -> memref<1x128xi32, #tpu.memory_space<vmem>>
    %dma_start3A_46 = tpu.memref_squeeze %dma_start3A_45 : memref<1x128xi32, #tpu.memory_space<vmem>> -> memref<128xi32, #tpu.memory_space<vmem>>
    %dma_start3A_47 = arith.constant 0 : i32
    %dma_start3A_48 = arith.constant 0 : i32
    %dma_start3A_49 = tpu.memref_slice %arg7[%dma_start3A_47, %dma_start3A_48] : memref<10240x16xf32, #tpu.memory_space<vmem_shared>> -> memref<10240x16xf32, #tpu.memory_space<vmem_shared>>
    tpu.enqueue_indirect_dma source(%dma_start3A_49 : memref<10240x16xf32, #tpu.memory_space<vmem_shared>>) target(%arg14 : memref<128x16xf32, #tpu.memory_space<vmem>>) offsets(%dma_start3A_46 : memref<128xi32, #tpu.memory_space<vmem>>) semaphore(%arg23 : memref<!tpu.dma_semaphore, #tpu.memory_space<semaphore_mem>>)
    %dma_start3A_50 = arith.constant 5 : i32
    %dma_start3A_51 = arith.constant 0 : i32
    %dma_start3A_52 = tpu.memref_slice %arg8[%dma_start3A_50, %dma_start3A_51] : memref<80x128xi32, #tpu.memory_space<vmem>> -> memref<1x128xi32, #tpu.memory_space<vmem>>
    %dma_start3A_53 = tpu.memref_squeeze %dma_start3A_52 : memref<1x128xi32, #tpu.memory_space<vmem>> -> memref<128xi32, #tpu.memory_space<vmem>>
    %dma_start3A_54 = arith.constant 0 : i32
    %dma_start3A_55 = arith.constant 0 : i32
    %dma_start3A_56 = tpu.memref_slice %arg7[%dma_start3A_54, %dma_start3A_55] : memref<10240x16xf32, #tpu.memory_space<vmem_shared>> -> memref<10240x16xf32, #tpu.memory_space<vmem_shared>>
    tpu.enqueue_indirect_dma source(%dma_start3A_56 : memref<10240x16xf32, #tpu.memory_space<vmem_shared>>) target(%arg15 : memref<128x16xf32, #tpu.memory_space<vmem>>) offsets(%dma_start3A_53 : memref<128xi32, #tpu.memory_space<vmem>>) semaphore(%arg24 : memref<!tpu.dma_semaphore, #tpu.memory_space<semaphore_mem>>)
    %dma_start3A_57 = arith.constant 6 : i32
    %dma_start3A_58 = arith.constant 0 : i32
    %dma_start3A_59 = tpu.memref_slice %arg8[%dma_start3A_57, %dma_start3A_58] : memref<80x128xi32, #tpu.memory_space<vmem>> -> memref<1x128xi32, #tpu.memory_space<vmem>>
    %dma_start3A_60 = tpu.memref_squeeze %dma_start3A_59 : memref<1x128xi32, #tpu.memory_space<vmem>> -> memref<128xi32, #tpu.memory_space<vmem>>
    %dma_start3A_61 = arith.constant 0 : i32
    %dma_start3A_62 = arith.constant 0 : i32
    %dma_start3A_63 = tpu.memref_slice %arg7[%dma_start3A_61, %dma_start3A_62] : memref<10240x16xf32, #tpu.memory_space<vmem_shared>> -> memref<10240x16xf32, #tpu.memory_space<vmem_shared>>
    tpu.enqueue_indirect_dma source(%dma_start3A_63 : memref<10240x16xf32, #tpu.memory_space<vmem_shared>>) target(%arg16 : memref<128x16xf32, #tpu.memory_space<vmem>>) offsets(%dma_start3A_60 : memref<128xi32, #tpu.memory_space<vmem>>) semaphore(%arg25 : memref<!tpu.dma_semaphore, #tpu.memory_space<semaphore_mem>>)
    %dma_start3A_64 = arith.constant 7 : i32
    %dma_start3A_65 = arith.constant 0 : i32
    %dma_start3A_66 = tpu.memref_slice %arg8[%dma_start3A_64, %dma_start3A_65] : memref<80x128xi32, #tpu.memory_space<vmem>> -> memref<1x128xi32, #tpu.memory_space<vmem>>
    %dma_start3A_67 = tpu.memref_squeeze %dma_start3A_66 : memref<1x128xi32, #tpu.memory_space<vmem>> -> memref<128xi32, #tpu.memory_space<vmem>>
    %dma_start3A_68 = arith.constant 0 : i32
    %dma_start3A_69 = arith.constant 0 : i32
    %dma_start3A_70 = tpu.memref_slice %arg7[%dma_start3A_68, %dma_start3A_69] : memref<10240x16xf32, #tpu.memory_space<vmem_shared>> -> memref<10240x16xf32, #tpu.memory_space<vmem_shared>>
    tpu.enqueue_indirect_dma source(%dma_start3A_70 : memref<10240x16xf32, #tpu.memory_space<vmem_shared>>) target(%arg17 : memref<128x16xf32, #tpu.memory_space<vmem>>) offsets(%dma_start3A_67 : memref<128xi32, #tpu.memory_space<vmem>>) semaphore(%arg26 : memref<!tpu.dma_semaphore, #tpu.memory_space<semaphore_mem>>)
    %scan3A_71 = arith.constant 0 : i32
    %scan3A_72 = arith.constant 0 : i32
    %scan3A_73 = arith.constant 10 : i32
    %scan3A_74 = arith.addi %scan3A_72, %scan3A_73 : i32
    %scan3A_75 = arith.constant 1 : i32
    %scan3A_76 = scf.for %scan3A_136 = %scan3A_72 to %scan3A_74 step %scan3A_75 iter_args(%scan3A_137 = %scan3A_71) -> (i32)  : i32 {
      %mul3A_138 = arith.constant 8 : i32
      %mul3A_139 = arith.muli %scan3A_136, %mul3A_138 : i32
      %dma_wait3A_140 = arith.constant 0 : i32
      %dma_wait3A_141 = arith.constant 0 : i32
      %dma_wait3A_142 = tpu.memref_slice %arg8[%dma_wait3A_140, %dma_wait3A_141] : memref<80x128xi32, #tpu.memory_space<vmem>> -> memref<1x128xi32, #tpu.memory_space<vmem>>
      %dma_wait3A_143 = tpu.memref_squeeze %dma_wait3A_142 : memref<1x128xi32, #tpu.memory_space<vmem>> -> memref<128xi32, #tpu.memory_space<vmem>>
      %dma_wait3A_144 = arith.constant 0 : i32
      %dma_wait3A_145 = arith.constant 0 : i32
      %dma_wait3A_146 = tpu.memref_slice %arg4[%dma_wait3A_144, %dma_wait3A_145] : memref<10240x16xf32, #tpu.memory_space<hbm>> -> memref<10240x16xf32, #tpu.memory_space<hbm>>
      tpu.wait_indirect_dma semaphore(%arg19 : memref<!tpu.dma_semaphore, #tpu.memory_space<semaphore_mem>>) src(%dma_wait3A_146 : memref<10240x16xf32, #tpu.memory_space<hbm>>) dst(%arg10 : memref<128x16xf32, #tpu.memory_space<vmem>>)
      %add3A_147 = arith.constant 0 : i32
      %add3A_148 = arith.addi %mul3A_139, %add3A_147 : i32
      %dma_start3A_149 = arith.constant 0 : i32
      %dma_start3A_150 = tpu.memref_slice %arg9[%add3A_148, %dma_start3A_149] : memref<80x128xi32, #tpu.memory_space<vmem>> -> memref<1x128xi32, #tpu.memory_space<vmem>>
      %dma_start3A_151 = tpu.memref_squeeze %dma_start3A_150 : memref<1x128xi32, #tpu.memory_space<vmem>> -> memref<128xi32, #tpu.memory_space<vmem>>
      %dma_start3A_152 = arith.constant 0 : i32
      %dma_start3A_153 = arith.constant 0 : i32
      %dma_start3A_154 = tpu.memref_slice %arg6[%dma_start3A_152, %dma_start3A_153] : memref<10240x16xf32, #tpu.memory_space<vmem_shared>> -> memref<10240x16xf32, #tpu.memory_space<vmem_shared>>
      tpu.enqueue_indirect_dma source(%arg10 : memref<128x16xf32, #tpu.memory_space<vmem>>) target(%dma_start3A_154 : memref<10240x16xf32, #tpu.memory_space<vmem_shared>>) offsets(%dma_start3A_151 : memref<128xi32, #tpu.memory_space<vmem>>) semaphore(%arg27 : memref<!tpu.dma_semaphore, #tpu.memory_space<semaphore_mem>>) {add = true}
      %dma_wait3A_155 = arith.constant 0 : i32
      %dma_wait3A_156 = arith.constant 0 : i32
      %dma_wait3A_157 = tpu.memref_slice %arg8[%dma_wait3A_155, %dma_wait3A_156] : memref<80x128xi32, #tpu.memory_space<vmem>> -> memref<1x128xi32, #tpu.memory_space<vmem>>
      %dma_wait3A_158 = tpu.memref_squeeze %dma_wait3A_157 : memref<1x128xi32, #tpu.memory_space<vmem>> -> memref<128xi32, #tpu.memory_space<vmem>>
      %dma_wait3A_159 = arith.constant 0 : i32
      %dma_wait3A_160 = arith.constant 0 : i32
      %dma_wait3A_161 = tpu.memref_slice %arg4[%dma_wait3A_159, %dma_wait3A_160] : memref<10240x16xf32, #tpu.memory_space<hbm>> -> memref<10240x16xf32, #tpu.memory_space<hbm>>
      tpu.wait_indirect_dma semaphore(%arg20 : memref<!tpu.dma_semaphore, #tpu.memory_space<semaphore_mem>>) src(%dma_wait3A_161 : memref<10240x16xf32, #tpu.memory_space<hbm>>) dst(%arg11 : memref<128x16xf32, #tpu.memory_space<vmem>>)
      %add3A_162 = arith.constant 1 : i32
      %add3A_163 = arith.addi %mul3A_139, %add3A_162 : i32
      %dma_start3A_164 = arith.constant 0 : i32
      %dma_start3A_165 = tpu.memref_slice %arg9[%add3A_163, %dma_start3A_164] : memref<80x128xi32, #tpu.memory_space<vmem>> -> memref<1x128xi32, #tpu.memory_space<vmem>>
      %dma_start3A_166 = tpu.memref_squeeze %dma_start3A_165 : memref<1x128xi32, #tpu.memory_space<vmem>> -> memref<128xi32, #tpu.memory_space<vmem>>
      %dma_start3A_167 = arith.constant 0 : i32
      %dma_start3A_168 = arith.constant 0 : i32
      %dma_start3A_169 = tpu.memref_slice %arg6[%dma_start3A_167, %dma_start3A_168] : memref<10240x16xf32, #tpu.memory_space<vmem_shared>> -> memref<10240x16xf32, #tpu.memory_space<vmem_shared>>
      tpu.enqueue_indirect_dma source(%arg11 : memref<128x16xf32, #tpu.memory_space<vmem>>) target(%dma_start3A_169 : memref<10240x16xf32, #tpu.memory_space<vmem_shared>>) offsets(%dma_start3A_166 : memref<128xi32, #tpu.memory_space<vmem>>) semaphore(%arg28 : memref<!tpu.dma_semaphore, #tpu.memory_space<semaphore_mem>>) {add = true}
      %dma_wait3A_170 = arith.constant 0 : i32
      %dma_wait3A_171 = arith.constant 0 : i32
      %dma_wait3A_172 = tpu.memref_slice %arg8[%dma_wait3A_170, %dma_wait3A_171] : memref<80x128xi32, #tpu.memory_space<vmem>> -> memref<1x128xi32, #tpu.memory_space<vmem>>
      %dma_wait3A_173 = tpu.memref_squeeze %dma_wait3A_172 : memref<1x128xi32, #tpu.memory_space<vmem>> -> memref<128xi32, #tpu.memory_space<vmem>>
      %dma_wait3A_174 = arith.constant 0 : i32
      %dma_wait3A_175 = arith.constant 0 : i32
      %dma_wait3A_176 = tpu.memref_slice %arg4[%dma_wait3A_174, %dma_wait3A_175] : memref<10240x16xf32, #tpu.memory_space<hbm>> -> memref<10240x16xf32, #tpu.memory_space<hbm>>
      tpu.wait_indirect_dma semaphore(%arg21 : memref<!tpu.dma_semaphore, #tpu.memory_space<semaphore_mem>>) src(%dma_wait3A_176 : memref<10240x16xf32, #tpu.memory_space<hbm>>) dst(%arg12 : memref<128x16xf32, #tpu.memory_space<vmem>>)
      %add3A_177 = arith.constant 2 : i32
      %add3A_178 = arith.addi %mul3A_139, %add3A_177 : i32
      %dma_start3A_179 = arith.constant 0 : i32
      %dma_start3A_180 = tpu.memref_slice %arg9[%add3A_178, %dma_start3A_179] : memref<80x128xi32, #tpu.memory_space<vmem>> -> memref<1x128xi32, #tpu.memory_space<vmem>>
      %dma_start3A_181 = tpu.memref_squeeze %dma_start3A_180 : memref<1x128xi32, #tpu.memory_space<vmem>> -> memref<128xi32, #tpu.memory_space<vmem>>
      %dma_start3A_182 = arith.constant 0 : i32
      %dma_start3A_183 = arith.constant 0 : i32
      %dma_start3A_184 = tpu.memref_slice %arg6[%dma_start3A_182, %dma_start3A_183] : memref<10240x16xf32, #tpu.memory_space<vmem_shared>> -> memref<10240x16xf32, #tpu.memory_space<vmem_shared>>
      tpu.enqueue_indirect_dma source(%arg12 : memref<128x16xf32, #tpu.memory_space<vmem>>) target(%dma_start3A_184 : memref<10240x16xf32, #tpu.memory_space<vmem_shared>>) offsets(%dma_start3A_181 : memref<128xi32, #tpu.memory_space<vmem>>) semaphore(%arg29 : memref<!tpu.dma_semaphore, #tpu.memory_space<semaphore_mem>>) {add = true}
      %dma_wait3A_185 = arith.constant 0 : i32
      %dma_wait3A_186 = arith.constant 0 : i32
      %dma_wait3A_187 = tpu.memref_slice %arg8[%dma_wait3A_185, %dma_wait3A_186] : memref<80x128xi32, #tpu.memory_space<vmem>> -> memref<1x128xi32, #tpu.memory_space<vmem>>
      %dma_wait3A_188 = tpu.memref_squeeze %dma_wait3A_187 : memref<1x128xi32, #tpu.memory_space<vmem>> -> memref<128xi32, #tpu.memory_space<vmem>>
      %dma_wait3A_189 = arith.constant 0 : i32
      %dma_wait3A_190 = arith.constant 0 : i32
      %dma_wait3A_191 = tpu.memref_slice %arg4[%dma_wait3A_189, %dma_wait3A_190] : memref<10240x16xf32, #tpu.memory_space<hbm>> -> memref<10240x16xf32, #tpu.memory_space<hbm>>
      tpu.wait_indirect_dma semaphore(%arg22 : memref<!tpu.dma_semaphore, #tpu.memory_space<semaphore_mem>>) src(%dma_wait3A_191 : memref<10240x16xf32, #tpu.memory_space<hbm>>) dst(%arg13 : memref<128x16xf32, #tpu.memory_space<vmem>>)
      %add3A_192 = arith.constant 3 : i32
      %add3A_193 = arith.addi %mul3A_139, %add3A_192 : i32
      %dma_start3A_194 = arith.constant 0 : i32
      %dma_start3A_195 = tpu.memref_slice %arg9[%add3A_193, %dma_start3A_194] : memref<80x128xi32, #tpu.memory_space<vmem>> -> memref<1x128xi32, #tpu.memory_space<vmem>>
      %dma_start3A_196 = tpu.memref_squeeze %dma_start3A_195 : memref<1x128xi32, #tpu.memory_space<vmem>> -> memref<128xi32, #tpu.memory_space<vmem>>
      %dma_start3A_197 = arith.constant 0 : i32
      %dma_start3A_198 = arith.constant 0 : i32
      %dma_start3A_199 = tpu.memref_slice %arg6[%dma_start3A_197, %dma_start3A_198] : memref<10240x16xf32, #tpu.memory_space<vmem_shared>> -> memref<10240x16xf32, #tpu.memory_space<vmem_shared>>
      tpu.enqueue_indirect_dma source(%arg13 : memref<128x16xf32, #tpu.memory_space<vmem>>) target(%dma_start3A_199 : memref<10240x16xf32, #tpu.memory_space<vmem_shared>>) offsets(%dma_start3A_196 : memref<128xi32, #tpu.memory_space<vmem>>) semaphore(%arg30 : memref<!tpu.dma_semaphore, #tpu.memory_space<semaphore_mem>>) {add = true}
      %dma_wait3A_200 = arith.constant 0 : i32
      %dma_wait3A_201 = arith.constant 0 : i32
      %dma_wait3A_202 = tpu.memref_slice %arg8[%dma_wait3A_200, %dma_wait3A_201] : memref<80x128xi32, #tpu.memory_space<vmem>> -> memref<1x128xi32, #tpu.memory_space<vmem>>
      %dma_wait3A_203 = tpu.memref_squeeze %dma_wait3A_202 : memref<1x128xi32, #tpu.memory_space<vmem>> -> memref<128xi32, #tpu.memory_space<vmem>>
      %dma_wait3A_204 = arith.constant 0 : i32
      %dma_wait3A_205 = arith.constant 0 : i32
      %dma_wait3A_206 = tpu.memref_slice %arg4[%dma_wait3A_204, %dma_wait3A_205] : memref<10240x16xf32, #tpu.memory_space<hbm>> -> memref<10240x16xf32, #tpu.memory_space<hbm>>
      tpu.wait_indirect_dma semaphore(%arg23 : memref<!tpu.dma_semaphore, #tpu.memory_space<semaphore_mem>>) src(%dma_wait3A_206 : memref<10240x16xf32, #tpu.memory_space<hbm>>) dst(%arg14 : memref<128x16xf32, #tpu.memory_space<vmem>>)
      %add3A_207 = arith.constant 4 : i32
      %add3A_208 = arith.addi %mul3A_139, %add3A_207 : i32
      %dma_start3A_209 = arith.constant 0 : i32
      %dma_start3A_210 = tpu.memref_slice %arg9[%add3A_208, %dma_start3A_209] : memref<80x128xi32, #tpu.memory_space<vmem>> -> memref<1x128xi32, #tpu.memory_space<vmem>>
      %dma_start3A_211 = tpu.memref_squeeze %dma_start3A_210 : memref<1x128xi32, #tpu.memory_space<vmem>> -> memref<128xi32, #tpu.memory_space<vmem>>
      %dma_start3A_212 = arith.constant 0 : i32
      %dma_start3A_213 = arith.constant 0 : i32
      %dma_start3A_214 = tpu.memref_slice %arg6[%dma_start3A_212, %dma_start3A_213] : memref<10240x16xf32, #tpu.memory_space<vmem_shared>> -> memref<10240x16xf32, #tpu.memory_space<vmem_shared>>
      tpu.enqueue_indirect_dma source(%arg14 : memref<128x16xf32, #tpu.memory_space<vmem>>) target(%dma_start3A_214 : memref<10240x16xf32, #tpu.memory_space<vmem_shared>>) offsets(%dma_start3A_211 : memref<128xi32, #tpu.memory_space<vmem>>) semaphore(%arg31 : memref<!tpu.dma_semaphore, #tpu.memory_space<semaphore_mem>>) {add = true}
      %dma_wait3A_215 = arith.constant 0 : i32
      %dma_wait3A_216 = arith.constant 0 : i32
      %dma_wait3A_217 = tpu.memref_slice %arg8[%dma_wait3A_215, %dma_wait3A_216] : memref<80x128xi32, #tpu.memory_space<vmem>> -> memref<1x128xi32, #tpu.memory_space<vmem>>
      %dma_wait3A_218 = tpu.memref_squeeze %dma_wait3A_217 : memref<1x128xi32, #tpu.memory_space<vmem>> -> memref<128xi32, #tpu.memory_space<vmem>>
      %dma_wait3A_219 = arith.constant 0 : i32
      %dma_wait3A_220 = arith.constant 0 : i32
      %dma_wait3A_221 = tpu.memref_slice %arg4[%dma_wait3A_219, %dma_wait3A_220] : memref<10240x16xf32, #tpu.memory_space<hbm>> -> memref<10240x16xf32, #tpu.memory_space<hbm>>
      tpu.wait_indirect_dma semaphore(%arg24 : memref<!tpu.dma_semaphore, #tpu.memory_space<semaphore_mem>>) src(%dma_wait3A_221 : memref<10240x16xf32, #tpu.memory_space<hbm>>) dst(%arg15 : memref<128x16xf32, #tpu.memory_space<vmem>>)
      %add3A_222 = arith.constant 5 : i32
      %add3A_223 = arith.addi %mul3A_139, %add3A_222 : i32
      %dma_start3A_224 = arith.constant 0 : i32
      %dma_start3A_225 = tpu.memref_slice %arg9[%add3A_223, %dma_start3A_224] : memref<80x128xi32, #tpu.memory_space<vmem>> -> memref<1x128xi32, #tpu.memory_space<vmem>>
      %dma_start3A_226 = tpu.memref_squeeze %dma_start3A_225 : memref<1x128xi32, #tpu.memory_space<vmem>> -> memref<128xi32, #tpu.memory_space<vmem>>
      %dma_start3A_227 = arith.constant 0 : i32
      %dma_start3A_228 = arith.constant 0 : i32
      %dma_start3A_229 = tpu.memref_slice %arg6[%dma_start3A_227, %dma_start3A_228] : memref<10240x16xf32, #tpu.memory_space<vmem_shared>> -> memref<10240x16xf32, #tpu.memory_space<vmem_shared>>
      tpu.enqueue_indirect_dma source(%arg15 : memref<128x16xf32, #tpu.memory_space<vmem>>) target(%dma_start3A_229 : memref<10240x16xf32, #tpu.memory_space<vmem_shared>>) offsets(%dma_start3A_226 : memref<128xi32, #tpu.memory_space<vmem>>) semaphore(%arg32 : memref<!tpu.dma_semaphore, #tpu.memory_space<semaphore_mem>>) {add = true}
      %dma_wait3A_230 = arith.constant 0 : i32
      %dma_wait3A_231 = arith.constant 0 : i32
      %dma_wait3A_232 = tpu.memref_slice %arg8[%dma_wait3A_230, %dma_wait3A_231] : memref<80x128xi32, #tpu.memory_space<vmem>> -> memref<1x128xi32, #tpu.memory_space<vmem>>
      %dma_wait3A_233 = tpu.memref_squeeze %dma_wait3A_232 : memref<1x128xi32, #tpu.memory_space<vmem>> -> memref<128xi32, #tpu.memory_space<vmem>>
      %dma_wait3A_234 = arith.constant 0 : i32
      %dma_wait3A_235 = arith.constant 0 : i32
      %dma_wait3A_236 = tpu.memref_slice %arg4[%dma_wait3A_234, %dma_wait3A_235] : memref<10240x16xf32, #tpu.memory_space<hbm>> -> memref<10240x16xf32, #tpu.memory_space<hbm>>
      tpu.wait_indirect_dma semaphore(%arg25 : memref<!tpu.dma_semaphore, #tpu.memory_space<semaphore_mem>>) src(%dma_wait3A_236 : memref<10240x16xf32, #tpu.memory_space<hbm>>) dst(%arg16 : memref<128x16xf32, #tpu.memory_space<vmem>>)
      %add3A_237 = arith.constant 6 : i32
      %add3A_238 = arith.addi %mul3A_139, %add3A_237 : i32
      %dma_start3A_239 = arith.constant 0 : i32
      %dma_start3A_240 = tpu.memref_slice %arg9[%add3A_238, %dma_start3A_239] : memref<80x128xi32, #tpu.memory_space<vmem>> -> memref<1x128xi32, #tpu.memory_space<vmem>>
      %dma_start3A_241 = tpu.memref_squeeze %dma_start3A_240 : memref<1x128xi32, #tpu.memory_space<vmem>> -> memref<128xi32, #tpu.memory_space<vmem>>
      %dma_start3A_242 = arith.constant 0 : i32
      %dma_start3A_243 = arith.constant 0 : i32
      %dma_start3A_244 = tpu.memref_slice %arg6[%dma_start3A_242, %dma_start3A_243] : memref<10240x16xf32, #tpu.memory_space<vmem_shared>> -> memref<10240x16xf32, #tpu.memory_space<vmem_shared>>
      tpu.enqueue_indirect_dma source(%arg16 : memref<128x16xf32, #tpu.memory_space<vmem>>) target(%dma_start3A_244 : memref<10240x16xf32, #tpu.memory_space<vmem_shared>>) offsets(%dma_start3A_241 : memref<128xi32, #tpu.memory_space<vmem>>) semaphore(%arg33 : memref<!tpu.dma_semaphore, #tpu.memory_space<semaphore_mem>>) {add = true}
      %dma_wait3A_245 = arith.constant 0 : i32
      %dma_wait3A_246 = arith.constant 0 : i32
      %dma_wait3A_247 = tpu.memref_slice %arg8[%dma_wait3A_245, %dma_wait3A_246] : memref<80x128xi32, #tpu.memory_space<vmem>> -> memref<1x128xi32, #tpu.memory_space<vmem>>
      %dma_wait3A_248 = tpu.memref_squeeze %dma_wait3A_247 : memref<1x128xi32, #tpu.memory_space<vmem>> -> memref<128xi32, #tpu.memory_space<vmem>>
      %dma_wait3A_249 = arith.constant 0 : i32
      %dma_wait3A_250 = arith.constant 0 : i32
      %dma_wait3A_251 = tpu.memref_slice %arg4[%dma_wait3A_249, %dma_wait3A_250] : memref<10240x16xf32, #tpu.memory_space<hbm>> -> memref<10240x16xf32, #tpu.memory_space<hbm>>
      tpu.wait_indirect_dma semaphore(%arg26 : memref<!tpu.dma_semaphore, #tpu.memory_space<semaphore_mem>>) src(%dma_wait3A_251 : memref<10240x16xf32, #tpu.memory_space<hbm>>) dst(%arg17 : memref<128x16xf32, #tpu.memory_space<vmem>>)
      %add3A_252 = arith.constant 7 : i32
      %add3A_253 = arith.addi %mul3A_139, %add3A_252 : i32
      %dma_start3A_254 = arith.constant 0 : i32
      %dma_start3A_255 = tpu.memref_slice %arg9[%add3A_253, %dma_start3A_254] : memref<80x128xi32, #tpu.memory_space<vmem>> -> memref<1x128xi32, #tpu.memory_space<vmem>>
      %dma_start3A_256 = tpu.memref_squeeze %dma_start3A_255 : memref<1x128xi32, #tpu.memory_space<vmem>> -> memref<128xi32, #tpu.memory_space<vmem>>
      %dma_start3A_257 = arith.constant 0 : i32
      %dma_start3A_258 = arith.constant 0 : i32
      %dma_start3A_259 = tpu.memref_slice %arg6[%dma_start3A_257, %dma_start3A_258] : memref<10240x16xf32, #tpu.memory_space<vmem_shared>> -> memref<10240x16xf32, #tpu.memory_space<vmem_shared>>
      tpu.enqueue_indirect_dma source(%arg17 : memref<128x16xf32, #tpu.memory_space<vmem>>) target(%dma_start3A_259 : memref<10240x16xf32, #tpu.memory_space<vmem_shared>>) offsets(%dma_start3A_256 : memref<128xi32, #tpu.memory_space<vmem>>) semaphore(%arg34 : memref<!tpu.dma_semaphore, #tpu.memory_space<semaphore_mem>>) {add = true}
      %lt3A = arith.constant 9 : i32
      %lt3A_260 = arith.cmpi slt, %scan3A_136, %lt3A : i32
      %convert_element_type3A = arith.extui %lt3A_260 : i1 to i32
      %cond3A = arith.constant 0 : i32
      %cond3A_261 = arith.cmpi ne, %convert_element_type3A, %cond3A : i32
      scf.if %cond3A_261 {
        %dma_wait3A_298 = arith.constant 0 : i32
        %dma_wait3A_299 = arith.constant 0 : i32
        %dma_wait3A_300 = tpu.memref_slice %arg8[%dma_wait3A_298, %dma_wait3A_299] : memref<80x128xi32, #tpu.memory_space<vmem>> -> memref<1x128xi32, #tpu.memory_space<vmem>>
        %dma_wait3A_301 = tpu.memref_squeeze %dma_wait3A_300 : memref<1x128xi32, #tpu.memory_space<vmem>> -> memref<128xi32, #tpu.memory_space<vmem>>
        %dma_wait3A_302 = arith.constant 0 : i32
        %dma_wait3A_303 = arith.constant 0 : i32
        %dma_wait3A_304 = tpu.memref_slice %arg4[%dma_wait3A_302, %dma_wait3A_303] : memref<10240x16xf32, #tpu.memory_space<hbm>> -> memref<10240x16xf32, #tpu.memory_space<hbm>>
        tpu.wait_indirect_dma semaphore(%arg27 : memref<!tpu.dma_semaphore, #tpu.memory_space<semaphore_mem>>) src(%dma_wait3A_304 : memref<10240x16xf32, #tpu.memory_space<hbm>>) dst(%arg10 : memref<128x16xf32, #tpu.memory_space<vmem>>)
        %add3A_305 = arith.constant 8 : i32
        %add3A_306 = arith.addi %mul3A_139, %add3A_305 : i32
        %add3A_307 = arith.constant 0 : i32
        %add3A_308 = arith.addi %add3A_306, %add3A_307 : i32
        %dma_start3A_309 = arith.constant 0 : i32
        %dma_start3A_310 = tpu.memref_slice %arg8[%add3A_308, %dma_start3A_309] : memref<80x128xi32, #tpu.memory_space<vmem>> -> memref<1x128xi32, #tpu.memory_space<vmem>>
        %dma_start3A_311 = tpu.memref_squeeze %dma_start3A_310 : memref<1x128xi32, #tpu.memory_space<vmem>> -> memref<128xi32, #tpu.memory_space<vmem>>
        %dma_start3A_312 = arith.constant 0 : i32
        %dma_start3A_313 = arith.constant 0 : i32
        %dma_start3A_314 = tpu.memref_slice %arg7[%dma_start3A_312, %dma_start3A_313] : memref<10240x16xf32, #tpu.memory_space<vmem_shared>> -> memref<10240x16xf32, #tpu.memory_space<vmem_shared>>
        tpu.enqueue_indirect_dma source(%dma_start3A_314 : memref<10240x16xf32, #tpu.memory_space<vmem_shared>>) target(%arg10 : memref<128x16xf32, #tpu.memory_space<vmem>>) offsets(%dma_start3A_311 : memref<128xi32, #tpu.memory_space<vmem>>) semaphore(%arg19 : memref<!tpu.dma_semaphore, #tpu.memory_space<semaphore_mem>>)
      } else {
      }
      %lt3A_262 = arith.constant 9 : i32
      %lt3A_263 = arith.cmpi slt, %scan3A_136, %lt3A_262 : i32
      %convert_element_type3A_264 = arith.extui %lt3A_263 : i1 to i32
      %cond3A_265 = arith.constant 0 : i32
      %cond3A_266 = arith.cmpi ne, %convert_element_type3A_264, %cond3A_265 : i32
      scf.if %cond3A_266 {
        %dma_wait3A_298 = arith.constant 0 : i32
        %dma_wait3A_299 = arith.constant 0 : i32
        %dma_wait3A_300 = tpu.memref_slice %arg8[%dma_wait3A_298, %dma_wait3A_299] : memref<80x128xi32, #tpu.memory_space<vmem>> -> memref<1x128xi32, #tpu.memory_space<vmem>>
        %dma_wait3A_301 = tpu.memref_squeeze %dma_wait3A_300 : memref<1x128xi32, #tpu.memory_space<vmem>> -> memref<128xi32, #tpu.memory_space<vmem>>
        %dma_wait3A_302 = arith.constant 0 : i32
        %dma_wait3A_303 = arith.constant 0 : i32
        %dma_wait3A_304 = tpu.memref_slice %arg4[%dma_wait3A_302, %dma_wait3A_303] : memref<10240x16xf32, #tpu.memory_space<hbm>> -> memref<10240x16xf32, #tpu.memory_space<hbm>>
        tpu.wait_indirect_dma semaphore(%arg28 : memref<!tpu.dma_semaphore, #tpu.memory_space<semaphore_mem>>) src(%dma_wait3A_304 : memref<10240x16xf32, #tpu.memory_space<hbm>>) dst(%arg11 : memref<128x16xf32, #tpu.memory_space<vmem>>)
        %add3A_305 = arith.constant 8 : i32
        %add3A_306 = arith.addi %mul3A_139, %add3A_305 : i32
        %add3A_307 = arith.constant 1 : i32
        %add3A_308 = arith.addi %add3A_306, %add3A_307 : i32
        %dma_start3A_309 = arith.constant 0 : i32
        %dma_start3A_310 = tpu.memref_slice %arg8[%add3A_308, %dma_start3A_309] : memref<80x128xi32, #tpu.memory_space<vmem>> -> memref<1x128xi32, #tpu.memory_space<vmem>>
        %dma_start3A_311 = tpu.memref_squeeze %dma_start3A_310 : memref<1x128xi32, #tpu.memory_space<vmem>> -> memref<128xi32, #tpu.memory_space<vmem>>
        %dma_start3A_312 = arith.constant 0 : i32
        %dma_start3A_313 = arith.constant 0 : i32
        %dma_start3A_314 = tpu.memref_slice %arg7[%dma_start3A_312, %dma_start3A_313] : memref<10240x16xf32, #tpu.memory_space<vmem_shared>> -> memref<10240x16xf32, #tpu.memory_space<vmem_shared>>
        tpu.enqueue_indirect_dma source(%dma_start3A_314 : memref<10240x16xf32, #tpu.memory_space<vmem_shared>>) target(%arg11 : memref<128x16xf32, #tpu.memory_space<vmem>>) offsets(%dma_start3A_311 : memref<128xi32, #tpu.memory_space<vmem>>) semaphore(%arg20 : memref<!tpu.dma_semaphore, #tpu.memory_space<semaphore_mem>>)
      } else {
      }
      %lt3A_267 = arith.constant 9 : i32
      %lt3A_268 = arith.cmpi slt, %scan3A_136, %lt3A_267 : i32
      %convert_element_type3A_269 = arith.extui %lt3A_268 : i1 to i32
      %cond3A_270 = arith.constant 0 : i32
      %cond3A_271 = arith.cmpi ne, %convert_element_type3A_269, %cond3A_270 : i32
      scf.if %cond3A_271 {
        %dma_wait3A_298 = arith.constant 0 : i32
        %dma_wait3A_299 = arith.constant 0 : i32
        %dma_wait3A_300 = tpu.memref_slice %arg8[%dma_wait3A_298, %dma_wait3A_299] : memref<80x128xi32, #tpu.memory_space<vmem>> -> memref<1x128xi32, #tpu.memory_space<vmem>>
        %dma_wait3A_301 = tpu.memref_squeeze %dma_wait3A_300 : memref<1x128xi32, #tpu.memory_space<vmem>> -> memref<128xi32, #tpu.memory_space<vmem>>
        %dma_wait3A_302 = arith.constant 0 : i32
        %dma_wait3A_303 = arith.constant 0 : i32
        %dma_wait3A_304 = tpu.memref_slice %arg4[%dma_wait3A_302, %dma_wait3A_303] : memref<10240x16xf32, #tpu.memory_space<hbm>> -> memref<10240x16xf32, #tpu.memory_space<hbm>>
        tpu.wait_indirect_dma semaphore(%arg29 : memref<!tpu.dma_semaphore, #tpu.memory_space<semaphore_mem>>) src(%dma_wait3A_304 : memref<10240x16xf32, #tpu.memory_space<hbm>>) dst(%arg12 : memref<128x16xf32, #tpu.memory_space<vmem>>)
        %add3A_305 = arith.constant 8 : i32
        %add3A_306 = arith.addi %mul3A_139, %add3A_305 : i32
        %add3A_307 = arith.constant 2 : i32
        %add3A_308 = arith.addi %add3A_306, %add3A_307 : i32
        %dma_start3A_309 = arith.constant 0 : i32
        %dma_start3A_310 = tpu.memref_slice %arg8[%add3A_308, %dma_start3A_309] : memref<80x128xi32, #tpu.memory_space<vmem>> -> memref<1x128xi32, #tpu.memory_space<vmem>>
        %dma_start3A_311 = tpu.memref_squeeze %dma_start3A_310 : memref<1x128xi32, #tpu.memory_space<vmem>> -> memref<128xi32, #tpu.memory_space<vmem>>
        %dma_start3A_312 = arith.constant 0 : i32
        %dma_start3A_313 = arith.constant 0 : i32
        %dma_start3A_314 = tpu.memref_slice %arg7[%dma_start3A_312, %dma_start3A_313] : memref<10240x16xf32, #tpu.memory_space<vmem_shared>> -> memref<10240x16xf32, #tpu.memory_space<vmem_shared>>
        tpu.enqueue_indirect_dma source(%dma_start3A_314 : memref<10240x16xf32, #tpu.memory_space<vmem_shared>>) target(%arg12 : memref<128x16xf32, #tpu.memory_space<vmem>>) offsets(%dma_start3A_311 : memref<128xi32, #tpu.memory_space<vmem>>) semaphore(%arg21 : memref<!tpu.dma_semaphore, #tpu.memory_space<semaphore_mem>>)
      } else {
      }
      %lt3A_272 = arith.constant 9 : i32
      %lt3A_273 = arith.cmpi slt, %scan3A_136, %lt3A_272 : i32
      %convert_element_type3A_274 = arith.extui %lt3A_273 : i1 to i32
      %cond3A_275 = arith.constant 0 : i32
      %cond3A_276 = arith.cmpi ne, %convert_element_type3A_274, %cond3A_275 : i32
      scf.if %cond3A_276 {
        %dma_wait3A_298 = arith.constant 0 : i32
        %dma_wait3A_299 = arith.constant 0 : i32
        %dma_wait3A_300 = tpu.memref_slice %arg8[%dma_wait3A_298, %dma_wait3A_299] : memref<80x128xi32, #tpu.memory_space<vmem>> -> memref<1x128xi32, #tpu.memory_space<vmem>>
        %dma_wait3A_301 = tpu.memref_squeeze %dma_wait3A_300 : memref<1x128xi32, #tpu.memory_space<vmem>> -> memref<128xi32, #tpu.memory_space<vmem>>
        %dma_wait3A_302 = arith.constant 0 : i32
        %dma_wait3A_303 = arith.constant 0 : i32
        %dma_wait3A_304 = tpu.memref_slice %arg4[%dma_wait3A_302, %dma_wait3A_303] : memref<10240x16xf32, #tpu.memory_space<hbm>> -> memref<10240x16xf32, #tpu.memory_space<hbm>>
        tpu.wait_indirect_dma semaphore(%arg30 : memref<!tpu.dma_semaphore, #tpu.memory_space<semaphore_mem>>) src(%dma_wait3A_304 : memref<10240x16xf32, #tpu.memory_space<hbm>>) dst(%arg13 : memref<128x16xf32, #tpu.memory_space<vmem>>)
        %add3A_305 = arith.constant 8 : i32
        %add3A_306 = arith.addi %mul3A_139, %add3A_305 : i32
        %add3A_307 = arith.constant 3 : i32
        %add3A_308 = arith.addi %add3A_306, %add3A_307 : i32
        %dma_start3A_309 = arith.constant 0 : i32
        %dma_start3A_310 = tpu.memref_slice %arg8[%add3A_308, %dma_start3A_309] : memref<80x128xi32, #tpu.memory_space<vmem>> -> memref<1x128xi32, #tpu.memory_space<vmem>>
        %dma_start3A_311 = tpu.memref_squeeze %dma_start3A_310 : memref<1x128xi32, #tpu.memory_space<vmem>> -> memref<128xi32, #tpu.memory_space<vmem>>
        %dma_start3A_312 = arith.constant 0 : i32
        %dma_start3A_313 = arith.constant 0 : i32
        %dma_start3A_314 = tpu.memref_slice %arg7[%dma_start3A_312, %dma_start3A_313] : memref<10240x16xf32, #tpu.memory_space<vmem_shared>> -> memref<10240x16xf32, #tpu.memory_space<vmem_shared>>
        tpu.enqueue_indirect_dma source(%dma_start3A_314 : memref<10240x16xf32, #tpu.memory_space<vmem_shared>>) target(%arg13 : memref<128x16xf32, #tpu.memory_space<vmem>>) offsets(%dma_start3A_311 : memref<128xi32, #tpu.memory_space<vmem>>) semaphore(%arg22 : memref<!tpu.dma_semaphore, #tpu.memory_space<semaphore_mem>>)
      } else {
      }
      %lt3A_277 = arith.constant 9 : i32
      %lt3A_278 = arith.cmpi slt, %scan3A_136, %lt3A_277 : i32
      %convert_element_type3A_279 = arith.extui %lt3A_278 : i1 to i32
      %cond3A_280 = arith.constant 0 : i32
      %cond3A_281 = arith.cmpi ne, %convert_element_type3A_279, %cond3A_280 : i32
      scf.if %cond3A_281 {
        %dma_wait3A_298 = arith.constant 0 : i32
        %dma_wait3A_299 = arith.constant 0 : i32
        %dma_wait3A_300 = tpu.memref_slice %arg8[%dma_wait3A_298, %dma_wait3A_299] : memref<80x128xi32, #tpu.memory_space<vmem>> -> memref<1x128xi32, #tpu.memory_space<vmem>>
        %dma_wait3A_301 = tpu.memref_squeeze %dma_wait3A_300 : memref<1x128xi32, #tpu.memory_space<vmem>> -> memref<128xi32, #tpu.memory_space<vmem>>
        %dma_wait3A_302 = arith.constant 0 : i32
        %dma_wait3A_303 = arith.constant 0 : i32
        %dma_wait3A_304 = tpu.memref_slice %arg4[%dma_wait3A_302, %dma_wait3A_303] : memref<10240x16xf32, #tpu.memory_space<hbm>> -> memref<10240x16xf32, #tpu.memory_space<hbm>>
        tpu.wait_indirect_dma semaphore(%arg31 : memref<!tpu.dma_semaphore, #tpu.memory_space<semaphore_mem>>) src(%dma_wait3A_304 : memref<10240x16xf32, #tpu.memory_space<hbm>>) dst(%arg14 : memref<128x16xf32, #tpu.memory_space<vmem>>)
        %add3A_305 = arith.constant 8 : i32
        %add3A_306 = arith.addi %mul3A_139, %add3A_305 : i32
        %add3A_307 = arith.constant 4 : i32
        %add3A_308 = arith.addi %add3A_306, %add3A_307 : i32
        %dma_start3A_309 = arith.constant 0 : i32
        %dma_start3A_310 = tpu.memref_slice %arg8[%add3A_308, %dma_start3A_309] : memref<80x128xi32, #tpu.memory_space<vmem>> -> memref<1x128xi32, #tpu.memory_space<vmem>>
        %dma_start3A_311 = tpu.memref_squeeze %dma_start3A_310 : memref<1x128xi32, #tpu.memory_space<vmem>> -> memref<128xi32, #tpu.memory_space<vmem>>
        %dma_start3A_312 = arith.constant 0 : i32
        %dma_start3A_313 = arith.constant 0 : i32
        %dma_start3A_314 = tpu.memref_slice %arg7[%dma_start3A_312, %dma_start3A_313] : memref<10240x16xf32, #tpu.memory_space<vmem_shared>> -> memref<10240x16xf32, #tpu.memory_space<vmem_shared>>
        tpu.enqueue_indirect_dma source(%dma_start3A_314 : memref<10240x16xf32, #tpu.memory_space<vmem_shared>>) target(%arg14 : memref<128x16xf32, #tpu.memory_space<vmem>>) offsets(%dma_start3A_311 : memref<128xi32, #tpu.memory_space<vmem>>) semaphore(%arg23 : memref<!tpu.dma_semaphore, #tpu.memory_space<semaphore_mem>>)
      } else {
      }
      %lt3A_282 = arith.constant 9 : i32
      %lt3A_283 = arith.cmpi slt, %scan3A_136, %lt3A_282 : i32
      %convert_element_type3A_284 = arith.extui %lt3A_283 : i1 to i32
      %cond3A_285 = arith.constant 0 : i32
      %cond3A_286 = arith.cmpi ne, %convert_element_type3A_284, %cond3A_285 : i32
      scf.if %cond3A_286 {
        %dma_wait3A_298 = arith.constant 0 : i32
        %dma_wait3A_299 = arith.constant 0 : i32
        %dma_wait3A_300 = tpu.memref_slice %arg8[%dma_wait3A_298, %dma_wait3A_299] : memref<80x128xi32, #tpu.memory_space<vmem>> -> memref<1x128xi32, #tpu.memory_space<vmem>>
        %dma_wait3A_301 = tpu.memref_squeeze %dma_wait3A_300 : memref<1x128xi32, #tpu.memory_space<vmem>> -> memref<128xi32, #tpu.memory_space<vmem>>
        %dma_wait3A_302 = arith.constant 0 : i32
        %dma_wait3A_303 = arith.constant 0 : i32
        %dma_wait3A_304 = tpu.memref_slice %arg4[%dma_wait3A_302, %dma_wait3A_303] : memref<10240x16xf32, #tpu.memory_space<hbm>> -> memref<10240x16xf32, #tpu.memory_space<hbm>>
        tpu.wait_indirect_dma semaphore(%arg32 : memref<!tpu.dma_semaphore, #tpu.memory_space<semaphore_mem>>) src(%dma_wait3A_304 : memref<10240x16xf32, #tpu.memory_space<hbm>>) dst(%arg15 : memref<128x16xf32, #tpu.memory_space<vmem>>)
        %add3A_305 = arith.constant 8 : i32
        %add3A_306 = arith.addi %mul3A_139, %add3A_305 : i32
        %add3A_307 = arith.constant 5 : i32
        %add3A_308 = arith.addi %add3A_306, %add3A_307 : i32
        %dma_start3A_309 = arith.constant 0 : i32
        %dma_start3A_310 = tpu.memref_slice %arg8[%add3A_308, %dma_start3A_309] : memref<80x128xi32, #tpu.memory_space<vmem>> -> memref<1x128xi32, #tpu.memory_space<vmem>>
        %dma_start3A_311 = tpu.memref_squeeze %dma_start3A_310 : memref<1x128xi32, #tpu.memory_space<vmem>> -> memref<128xi32, #tpu.memory_space<vmem>>
        %dma_start3A_312 = arith.constant 0 : i32
        %dma_start3A_313 = arith.constant 0 : i32
        %dma_start3A_314 = tpu.memref_slice %arg7[%dma_start3A_312, %dma_start3A_313] : memref<10240x16xf32, #tpu.memory_space<vmem_shared>> -> memref<10240x16xf32, #tpu.memory_space<vmem_shared>>
        tpu.enqueue_indirect_dma source(%dma_start3A_314 : memref<10240x16xf32, #tpu.memory_space<vmem_shared>>) target(%arg15 : memref<128x16xf32, #tpu.memory_space<vmem>>) offsets(%dma_start3A_311 : memref<128xi32, #tpu.memory_space<vmem>>) semaphore(%arg24 : memref<!tpu.dma_semaphore, #tpu.memory_space<semaphore_mem>>)
      } else {
      }
      %lt3A_287 = arith.constant 9 : i32
      %lt3A_288 = arith.cmpi slt, %scan3A_136, %lt3A_287 : i32
      %convert_element_type3A_289 = arith.extui %lt3A_288 : i1 to i32
      %cond3A_290 = arith.constant 0 : i32
      %cond3A_291 = arith.cmpi ne, %convert_element_type3A_289, %cond3A_290 : i32
      scf.if %cond3A_291 {
        %dma_wait3A_298 = arith.constant 0 : i32
        %dma_wait3A_299 = arith.constant 0 : i32
        %dma_wait3A_300 = tpu.memref_slice %arg8[%dma_wait3A_298, %dma_wait3A_299] : memref<80x128xi32, #tpu.memory_space<vmem>> -> memref<1x128xi32, #tpu.memory_space<vmem>>
        %dma_wait3A_301 = tpu.memref_squeeze %dma_wait3A_300 : memref<1x128xi32, #tpu.memory_space<vmem>> -> memref<128xi32, #tpu.memory_space<vmem>>
        %dma_wait3A_302 = arith.constant 0 : i32
        %dma_wait3A_303 = arith.constant 0 : i32
        %dma_wait3A_304 = tpu.memref_slice %arg4[%dma_wait3A_302, %dma_wait3A_303] : memref<10240x16xf32, #tpu.memory_space<hbm>> -> memref<10240x16xf32, #tpu.memory_space<hbm>>
        tpu.wait_indirect_dma semaphore(%arg33 : memref<!tpu.dma_semaphore, #tpu.memory_space<semaphore_mem>>) src(%dma_wait3A_304 : memref<10240x16xf32, #tpu.memory_space<hbm>>) dst(%arg16 : memref<128x16xf32, #tpu.memory_space<vmem>>)
        %add3A_305 = arith.constant 8 : i32
        %add3A_306 = arith.addi %mul3A_139, %add3A_305 : i32
        %add3A_307 = arith.constant 6 : i32
        %add3A_308 = arith.addi %add3A_306, %add3A_307 : i32
        %dma_start3A_309 = arith.constant 0 : i32
        %dma_start3A_310 = tpu.memref_slice %arg8[%add3A_308, %dma_start3A_309] : memref<80x128xi32, #tpu.memory_space<vmem>> -> memref<1x128xi32, #tpu.memory_space<vmem>>
        %dma_start3A_311 = tpu.memref_squeeze %dma_start3A_310 : memref<1x128xi32, #tpu.memory_space<vmem>> -> memref<128xi32, #tpu.memory_space<vmem>>
        %dma_start3A_312 = arith.constant 0 : i32
        %dma_start3A_313 = arith.constant 0 : i32
        %dma_start3A_314 = tpu.memref_slice %arg7[%dma_start3A_312, %dma_start3A_313] : memref<10240x16xf32, #tpu.memory_space<vmem_shared>> -> memref<10240x16xf32, #tpu.memory_space<vmem_shared>>
        tpu.enqueue_indirect_dma source(%dma_start3A_314 : memref<10240x16xf32, #tpu.memory_space<vmem_shared>>) target(%arg16 : memref<128x16xf32, #tpu.memory_space<vmem>>) offsets(%dma_start3A_311 : memref<128xi32, #tpu.memory_space<vmem>>) semaphore(%arg25 : memref<!tpu.dma_semaphore, #tpu.memory_space<semaphore_mem>>)
      } else {
      }
      %lt3A_292 = arith.constant 9 : i32
      %lt3A_293 = arith.cmpi slt, %scan3A_136, %lt3A_292 : i32
      %convert_element_type3A_294 = arith.extui %lt3A_293 : i1 to i32
      %cond3A_295 = arith.constant 0 : i32
      %cond3A_296 = arith.cmpi ne, %convert_element_type3A_294, %cond3A_295 : i32
      scf.if %cond3A_296 {
        %dma_wait3A_298 = arith.constant 0 : i32
        %dma_wait3A_299 = arith.constant 0 : i32
        %dma_wait3A_300 = tpu.memref_slice %arg8[%dma_wait3A_298, %dma_wait3A_299] : memref<80x128xi32, #tpu.memory_space<vmem>> -> memref<1x128xi32, #tpu.memory_space<vmem>>
        %dma_wait3A_301 = tpu.memref_squeeze %dma_wait3A_300 : memref<1x128xi32, #tpu.memory_space<vmem>> -> memref<128xi32, #tpu.memory_space<vmem>>
        %dma_wait3A_302 = arith.constant 0 : i32
        %dma_wait3A_303 = arith.constant 0 : i32
        %dma_wait3A_304 = tpu.memref_slice %arg4[%dma_wait3A_302, %dma_wait3A_303] : memref<10240x16xf32, #tpu.memory_space<hbm>> -> memref<10240x16xf32, #tpu.memory_space<hbm>>
        tpu.wait_indirect_dma semaphore(%arg34 : memref<!tpu.dma_semaphore, #tpu.memory_space<semaphore_mem>>) src(%dma_wait3A_304 : memref<10240x16xf32, #tpu.memory_space<hbm>>) dst(%arg17 : memref<128x16xf32, #tpu.memory_space<vmem>>)
        %add3A_305 = arith.constant 8 : i32
        %add3A_306 = arith.addi %mul3A_139, %add3A_305 : i32
        %add3A_307 = arith.constant 7 : i32
        %add3A_308 = arith.addi %add3A_306, %add3A_307 : i32
        %dma_start3A_309 = arith.constant 0 : i32
        %dma_start3A_310 = tpu.memref_slice %arg8[%add3A_308, %dma_start3A_309] : memref<80x128xi32, #tpu.memory_space<vmem>> -> memref<1x128xi32, #tpu.memory_space<vmem>>
        %dma_start3A_311 = tpu.memref_squeeze %dma_start3A_310 : memref<1x128xi32, #tpu.memory_space<vmem>> -> memref<128xi32, #tpu.memory_space<vmem>>
        %dma_start3A_312 = arith.constant 0 : i32
        %dma_start3A_313 = arith.constant 0 : i32
        %dma_start3A_314 = tpu.memref_slice %arg7[%dma_start3A_312, %dma_start3A_313] : memref<10240x16xf32, #tpu.memory_space<vmem_shared>> -> memref<10240x16xf32, #tpu.memory_space<vmem_shared>>
        tpu.enqueue_indirect_dma source(%dma_start3A_314 : memref<10240x16xf32, #tpu.memory_space<vmem_shared>>) target(%arg17 : memref<128x16xf32, #tpu.memory_space<vmem>>) offsets(%dma_start3A_311 : memref<128xi32, #tpu.memory_space<vmem>>) semaphore(%arg26 : memref<!tpu.dma_semaphore, #tpu.memory_space<semaphore_mem>>)
      } else {
      }
      %scan3A_297 = arith.constant 0 : i32
      scf.yield %scan3A_297 : i32
    }
    %scan3A_77 = arith.constant 10 : i32
    %dma_wait3A = arith.constant 0 : i32
    %dma_wait3A_78 = arith.constant 0 : i32
    %dma_wait3A_79 = tpu.memref_slice %arg8[%dma_wait3A, %dma_wait3A_78] : memref<80x128xi32, #tpu.memory_space<vmem>> -> memref<1x128xi32, #tpu.memory_space<vmem>>
    %dma_wait3A_80 = tpu.memref_squeeze %dma_wait3A_79 : memref<1x128xi32, #tpu.memory_space<vmem>> -> memref<128xi32, #tpu.memory_space<vmem>>
    %dma_wait3A_81 = arith.constant 0 : i32
    %dma_wait3A_82 = arith.constant 0 : i32
    %dma_wait3A_83 = tpu.memref_slice %arg4[%dma_wait3A_81, %dma_wait3A_82] : memref<10240x16xf32, #tpu.memory_space<hbm>> -> memref<10240x16xf32, #tpu.memory_space<hbm>>
    tpu.wait_indirect_dma semaphore(%arg27 : memref<!tpu.dma_semaphore, #tpu.memory_space<semaphore_mem>>) src(%dma_wait3A_83 : memref<10240x16xf32, #tpu.memory_space<hbm>>) dst(%arg10 : memref<128x16xf32, #tpu.memory_space<vmem>>)
    %dma_wait3A_84 = arith.constant 0 : i32
    %dma_wait3A_85 = arith.constant 0 : i32
    %dma_wait3A_86 = tpu.memref_slice %arg8[%dma_wait3A_84, %dma_wait3A_85] : memref<80x128xi32, #tpu.memory_space<vmem>> -> memref<1x128xi32, #tpu.memory_space<vmem>>
    %dma_wait3A_87 = tpu.memref_squeeze %dma_wait3A_86 : memref<1x128xi32, #tpu.memory_space<vmem>> -> memref<128xi32, #tpu.memory_space<vmem>>
    %dma_wait3A_88 = arith.constant 0 : i32
    %dma_wait3A_89 = arith.constant 0 : i32
    %dma_wait3A_90 = tpu.memref_slice %arg4[%dma_wait3A_88, %dma_wait3A_89] : memref<10240x16xf32, #tpu.memory_space<hbm>> -> memref<10240x16xf32, #tpu.memory_space<hbm>>
    tpu.wait_indirect_dma semaphore(%arg28 : memref<!tpu.dma_semaphore, #tpu.memory_space<semaphore_mem>>) src(%dma_wait3A_90 : memref<10240x16xf32, #tpu.memory_space<hbm>>) dst(%arg11 : memref<128x16xf32, #tpu.memory_space<vmem>>)
    %dma_wait3A_91 = arith.constant 0 : i32
    %dma_wait3A_92 = arith.constant 0 : i32
    %dma_wait3A_93 = tpu.memref_slice %arg8[%dma_wait3A_91, %dma_wait3A_92] : memref<80x128xi32, #tpu.memory_space<vmem>> -> memref<1x128xi32, #tpu.memory_space<vmem>>
    %dma_wait3A_94 = tpu.memref_squeeze %dma_wait3A_93 : memref<1x128xi32, #tpu.memory_space<vmem>> -> memref<128xi32, #tpu.memory_space<vmem>>
    %dma_wait3A_95 = arith.constant 0 : i32
    %dma_wait3A_96 = arith.constant 0 : i32
    %dma_wait3A_97 = tpu.memref_slice %arg4[%dma_wait3A_95, %dma_wait3A_96] : memref<10240x16xf32, #tpu.memory_space<hbm>> -> memref<10240x16xf32, #tpu.memory_space<hbm>>
    tpu.wait_indirect_dma semaphore(%arg29 : memref<!tpu.dma_semaphore, #tpu.memory_space<semaphore_mem>>) src(%dma_wait3A_97 : memref<10240x16xf32, #tpu.memory_space<hbm>>) dst(%arg12 : memref<128x16xf32, #tpu.memory_space<vmem>>)
    %dma_wait3A_98 = arith.constant 0 : i32
    %dma_wait3A_99 = arith.constant 0 : i32
    %dma_wait3A_100 = tpu.memref_slice %arg8[%dma_wait3A_98, %dma_wait3A_99] : memref<80x128xi32, #tpu.memory_space<vmem>> -> memref<1x128xi32, #tpu.memory_space<vmem>>
    %dma_wait3A_101 = tpu.memref_squeeze %dma_wait3A_100 : memref<1x128xi32, #tpu.memory_space<vmem>> -> memref<128xi32, #tpu.memory_space<vmem>>
    %dma_wait3A_102 = arith.constant 0 : i32
    %dma_wait3A_103 = arith.constant 0 : i32
    %dma_wait3A_104 = tpu.memref_slice %arg4[%dma_wait3A_102, %dma_wait3A_103] : memref<10240x16xf32, #tpu.memory_space<hbm>> -> memref<10240x16xf32, #tpu.memory_space<hbm>>
    tpu.wait_indirect_dma semaphore(%arg30 : memref<!tpu.dma_semaphore, #tpu.memory_space<semaphore_mem>>) src(%dma_wait3A_104 : memref<10240x16xf32, #tpu.memory_space<hbm>>) dst(%arg13 : memref<128x16xf32, #tpu.memory_space<vmem>>)
    %dma_wait3A_105 = arith.constant 0 : i32
    %dma_wait3A_106 = arith.constant 0 : i32
    %dma_wait3A_107 = tpu.memref_slice %arg8[%dma_wait3A_105, %dma_wait3A_106] : memref<80x128xi32, #tpu.memory_space<vmem>> -> memref<1x128xi32, #tpu.memory_space<vmem>>
    %dma_wait3A_108 = tpu.memref_squeeze %dma_wait3A_107 : memref<1x128xi32, #tpu.memory_space<vmem>> -> memref<128xi32, #tpu.memory_space<vmem>>
    %dma_wait3A_109 = arith.constant 0 : i32
    %dma_wait3A_110 = arith.constant 0 : i32
    %dma_wait3A_111 = tpu.memref_slice %arg4[%dma_wait3A_109, %dma_wait3A_110] : memref<10240x16xf32, #tpu.memory_space<hbm>> -> memref<10240x16xf32, #tpu.memory_space<hbm>>
    tpu.wait_indirect_dma semaphore(%arg31 : memref<!tpu.dma_semaphore, #tpu.memory_space<semaphore_mem>>) src(%dma_wait3A_111 : memref<10240x16xf32, #tpu.memory_space<hbm>>) dst(%arg14 : memref<128x16xf32, #tpu.memory_space<vmem>>)
    %dma_wait3A_112 = arith.constant 0 : i32
    %dma_wait3A_113 = arith.constant 0 : i32
    %dma_wait3A_114 = tpu.memref_slice %arg8[%dma_wait3A_112, %dma_wait3A_113] : memref<80x128xi32, #tpu.memory_space<vmem>> -> memref<1x128xi32, #tpu.memory_space<vmem>>
    %dma_wait3A_115 = tpu.memref_squeeze %dma_wait3A_114 : memref<1x128xi32, #tpu.memory_space<vmem>> -> memref<128xi32, #tpu.memory_space<vmem>>
    %dma_wait3A_116 = arith.constant 0 : i32
    %dma_wait3A_117 = arith.constant 0 : i32
    %dma_wait3A_118 = tpu.memref_slice %arg4[%dma_wait3A_116, %dma_wait3A_117] : memref<10240x16xf32, #tpu.memory_space<hbm>> -> memref<10240x16xf32, #tpu.memory_space<hbm>>
    tpu.wait_indirect_dma semaphore(%arg32 : memref<!tpu.dma_semaphore, #tpu.memory_space<semaphore_mem>>) src(%dma_wait3A_118 : memref<10240x16xf32, #tpu.memory_space<hbm>>) dst(%arg15 : memref<128x16xf32, #tpu.memory_space<vmem>>)
    %dma_wait3A_119 = arith.constant 0 : i32
    %dma_wait3A_120 = arith.constant 0 : i32
    %dma_wait3A_121 = tpu.memref_slice %arg8[%dma_wait3A_119, %dma_wait3A_120] : memref<80x128xi32, #tpu.memory_space<vmem>> -> memref<1x128xi32, #tpu.memory_space<vmem>>
    %dma_wait3A_122 = tpu.memref_squeeze %dma_wait3A_121 : memref<1x128xi32, #tpu.memory_space<vmem>> -> memref<128xi32, #tpu.memory_space<vmem>>
    %dma_wait3A_123 = arith.constant 0 : i32
    %dma_wait3A_124 = arith.constant 0 : i32
    %dma_wait3A_125 = tpu.memref_slice %arg4[%dma_wait3A_123, %dma_wait3A_124] : memref<10240x16xf32, #tpu.memory_space<hbm>> -> memref<10240x16xf32, #tpu.memory_space<hbm>>
    tpu.wait_indirect_dma semaphore(%arg33 : memref<!tpu.dma_semaphore, #tpu.memory_space<semaphore_mem>>) src(%dma_wait3A_125 : memref<10240x16xf32, #tpu.memory_space<hbm>>) dst(%arg16 : memref<128x16xf32, #tpu.memory_space<vmem>>)
    %dma_wait3A_126 = arith.constant 0 : i32
    %dma_wait3A_127 = arith.constant 0 : i32
    %dma_wait3A_128 = tpu.memref_slice %arg8[%dma_wait3A_126, %dma_wait3A_127] : memref<80x128xi32, #tpu.memory_space<vmem>> -> memref<1x128xi32, #tpu.memory_space<vmem>>
    %dma_wait3A_129 = tpu.memref_squeeze %dma_wait3A_128 : memref<1x128xi32, #tpu.memory_space<vmem>> -> memref<128xi32, #tpu.memory_space<vmem>>
    %dma_wait3A_130 = arith.constant 0 : i32
    %dma_wait3A_131 = arith.constant 0 : i32
    %dma_wait3A_132 = tpu.memref_slice %arg4[%dma_wait3A_130, %dma_wait3A_131] : memref<10240x16xf32, #tpu.memory_space<hbm>> -> memref<10240x16xf32, #tpu.memory_space<hbm>>
    tpu.wait_indirect_dma semaphore(%arg34 : memref<!tpu.dma_semaphore, #tpu.memory_space<semaphore_mem>>) src(%dma_wait3A_132 : memref<10240x16xf32, #tpu.memory_space<hbm>>) dst(%arg17 : memref<128x16xf32, #tpu.memory_space<vmem>>)
    %barrier3A_133 = arith.constant 0 : index
    tpu.barrier barrier_id(%barrier3A_133)
    %mul3A_134 = arith.constant 640 : i32
    %mul3A_135 = arith.muli %arg1, %mul3A_134 : i32
    "tpu.region"() ({
      %run_scoped3A = tpu.sem_alloc : memref<!tpu.dma_semaphore, #tpu.memory_space<semaphore_mem>>
      %dma_start3A_136 = arith.constant 0 : i32
      %dma_start3A_137 = tpu.memref_slice %arg6[%mul3A_135, %dma_start3A_136] : memref<10240x16xf32, #tpu.memory_space<vmem_shared>> -> memref<640x16xf32, #tpu.memory_space<vmem_shared>>
      %dma_start3A_138 = arith.constant 0 : i32
      %dma_start3A_139 = tpu.memref_slice %arg6[%mul3A_135, %dma_start3A_138] : memref<10240x16xf32, #tpu.memory_space<vmem_shared>> -> memref<640x16xf32, #tpu.memory_space<vmem_shared>>
      tpu.enqueue_dma source(%dma_start3A_139 : memref<640x16xf32, #tpu.memory_space<vmem_shared>>) target(%arg18 : memref<640x16xf32, #tpu.memory_space<vmem>>) target_semaphore(%run_scoped3A : memref<!tpu.dma_semaphore, #tpu.memory_space<semaphore_mem>>)
      %dma_wait3A_140 = arith.constant 0 : i32
      %dma_wait3A_141 = tpu.memref_slice %arg6[%mul3A_135, %dma_wait3A_140] : memref<10240x16xf32, #tpu.memory_space<vmem_shared>> -> memref<640x16xf32, #tpu.memory_space<vmem_shared>>
      %dma_wait3A_142 = arith.constant 0 : i32
      %dma_wait3A_143 = tpu.memref_slice %arg6[%mul3A_135, %dma_wait3A_142] : memref<10240x16xf32, #tpu.memory_space<vmem_shared>> -> memref<640x16xf32, #tpu.memory_space<vmem_shared>>
      tpu.wait_dma2 semaphore(%run_scoped3A : memref<!tpu.dma_semaphore, #tpu.memory_space<semaphore_mem>>) src(%dma_wait3A_143 : memref<640x16xf32, #tpu.memory_space<vmem_shared>>) dst(%arg18 : memref<640x16xf32, #tpu.memory_space<vmem>>)
      tpu.yield
    }) : () -> ()
    "tpu.region"() ({
      %run_scoped3A = tpu.sem_alloc : memref<!tpu.dma_semaphore, #tpu.memory_space<semaphore_mem>>
      %dma_start3A_136 = arith.constant 0 : i32
      %dma_start3A_137 = tpu.memref_slice %arg5[%arg0, %mul3A_135, %dma_start3A_136] : memref<2x10240x16xf32, #tpu.memory_space<hbm>> -> memref<1x640x16xf32, #tpu.memory_space<hbm>>
      %dma_start3A_138 = tpu.memref_squeeze %dma_start3A_137 : memref<1x640x16xf32, #tpu.memory_space<hbm>> -> memref<640x16xf32, #tpu.memory_space<hbm>>
      %dma_start3A_139 = arith.constant 0 : i32
      %dma_start3A_140 = tpu.memref_slice %arg5[%arg0, %mul3A_135, %dma_start3A_139] : memref<2x10240x16xf32, #tpu.memory_space<hbm>> -> memref<1x640x16xf32, #tpu.memory_space<hbm>>
      %dma_start3A_141 = tpu.memref_squeeze %dma_start3A_140 : memref<1x640x16xf32, #tpu.memory_space<hbm>> -> memref<640x16xf32, #tpu.memory_space<hbm>>
      tpu.enqueue_dma source(%arg18 : memref<640x16xf32, #tpu.memory_space<vmem>>) target(%dma_start3A_141 : memref<640x16xf32, #tpu.memory_space<hbm>>) target_semaphore(%run_scoped3A : memref<!tpu.dma_semaphore, #tpu.memory_space<semaphore_mem>>)
      %dma_wait3A_142 = arith.constant 0 : i32
      %dma_wait3A_143 = tpu.memref_slice %arg5[%arg0, %mul3A_135, %dma_wait3A_142] : memref<2x10240x16xf32, #tpu.memory_space<hbm>> -> memref<1x640x16xf32, #tpu.memory_space<hbm>>
      %dma_wait3A_144 = tpu.memref_squeeze %dma_wait3A_143 : memref<1x640x16xf32, #tpu.memory_space<hbm>> -> memref<640x16xf32, #tpu.memory_space<hbm>>
      %dma_wait3A_145 = arith.constant 0 : i32
      %dma_wait3A_146 = tpu.memref_slice %arg5[%arg0, %mul3A_135, %dma_wait3A_145] : memref<2x10240x16xf32, #tpu.memory_space<hbm>> -> memref<1x640x16xf32, #tpu.memory_space<hbm>>
      %dma_wait3A_147 = tpu.memref_squeeze %dma_wait3A_146 : memref<1x640x16xf32, #tpu.memory_space<hbm>> -> memref<640x16xf32, #tpu.memory_space<hbm>>
      tpu.wait_dma2 semaphore(%run_scoped3A : memref<!tpu.dma_semaphore, #tpu.memory_space<semaphore_mem>>) src(%arg18 : memref<640x16xf32, #tpu.memory_space<vmem>>) dst(%dma_wait3A_147 : memref<640x16xf32, #tpu.memory_space<hbm>>)
      tpu.yield
    }) : () -> ()
    return
  }
}

module attributes {stable_mosaic.version = 14 : i64} {
  func.func @_mm1_body(%arg0: i32, %arg1: memref<1024x128xf32, #tpu.memory_space<vmem>>, %arg2: memref<2x1024x16xf32, #tpu.memory_space<vmem>>, %arg3: memref<3x128x64xf32, #tpu.memory_space<vmem>>, %arg4: memref<2x1024x32xf32, #tpu.memory_space<vmem>>, %arg5: memref<2x1024x32xf32, #tpu.memory_space<vmem>>, %arg6: memref<2x1024x32xf32, #tpu.memory_space<vmem>>, %arg7: memref<1024x1xf32, #tpu.memory_space<vmem>>, %arg8: memref<1024x32xf32, #tpu.memory_space<vmem>>, %arg9: memref<1024x32xf32, #tpu.memory_space<vmem>>, %arg10: memref<1024x16xf32, #tpu.memory_space<vmem>>, %arg11: memref<1024x16xf32, #tpu.memory_space<vmem>>) attributes {dimension_semantics = [#tpu.dimension_semantics<arbitrary>], iteration_bounds = array<i64: 10>, scalar_prefetch = 0 : i64, scratch_operands = 0 : i64, tpu.core_type = #tpu.core_type<tc>, window_params = [{transform_indices = @transform_0, window_bounds = array<i64: 1024, 128>}, {transform_indices = @transform_1, window_bounds = array<i64: 2, 1024, 16>}, {pipeline_mode = #tpu.pipeline_mode<synchronous>, transform_indices = @transform_2, window_bounds = array<i64: 3, 128, 64>}, {transform_indices = @transform_3, window_bounds = array<i64: 2, 1024, 32>}, {transform_indices = @transform_4, window_bounds = array<i64: 2, 1024, 32>}, {transform_indices = @transform_5, window_bounds = array<i64: 2, 1024, 32>}, {transform_indices = @transform_6, window_bounds = array<i64: 1024, 1>}, {transform_indices = @transform_7, window_bounds = array<i64: 1024, 32>}, {transform_indices = @transform_8, window_bounds = array<i64: 1024, 32>}, {transform_indices = @transform_9, window_bounds = array<i64: 1024, 16>}, {transform_indices = @transform_10, window_bounds = array<i64: 1024, 16>}]} {
    %get3A = arith.constant 0 : index
    %get3A_0 = arith.constant 0 : index
    %get3A_1 = arith.constant 0 : index
    %get3A_2 = vector.load %arg2[%get3A, %get3A_0, %get3A_1] : memref<2x1024x16xf32, #tpu.memory_space<vmem>>, vector<1x1024x1xf32>
    %get3A_3 = vector.shape_cast %get3A_2 : vector<1x1024x1xf32> to vector<1024x1xf32>
    %get3A_4 = arith.constant 1 : index
    %get3A_5 = arith.constant 0 : index
    %get3A_6 = arith.constant 0 : index
    %get3A_7 = vector.load %arg2[%get3A_4, %get3A_5, %get3A_6] : memref<2x1024x16xf32, #tpu.memory_space<vmem>>, vector<1x1024x1xf32>
    %get3A_8 = vector.shape_cast %get3A_7 : vector<1x1024x1xf32> to vector<1024x1xf32>
    %add3A = arith.addf %get3A_3, %get3A_8 : vector<1024x1xf32>
    %gt3A = arith.constant 0.000000e+00 : f32
    %gt3A_9 = vector.broadcast %gt3A : f32 to vector<1024x1xf32>
    %gt3A_10 = arith.cmpf ogt, %add3A, %gt3A_9 : vector<1024x1xf32>
    %rsqrt3A = math.rsqrt %add3A : vector<1024x1xf32>
    %jit3A = arith.constant 0.000000e+00 : f32
    %broadcast_in_dim3A = vector.broadcast %jit3A : f32 to vector<1024x1xf32>
    %select_n3A = arith.select %gt3A_10, %rsqrt3A, %broadcast_in_dim3A : vector<1024x1xi1>, vector<1024x1xf32>
    %swap3A = arith.constant 0 : index
    %swap3A_11 = arith.constant 0 : index
    %swap3A_12 = vector.load %arg7[%swap3A, %swap3A_11] : memref<1024x1xf32, #tpu.memory_space<vmem>>, vector<1024x1xf32>
    tpu.vector_store %arg7[%swap3A, %swap3A_11], %select_n3A {strides = array<i32>} : memref<1024x1xf32, #tpu.memory_space<vmem>>, vector<1024x1xf32>,
    %mul3A = arith.mulf %select_n3A, %select_n3A : vector<1024x1xf32>
    %mul3A_13 = arith.constant -2.000000e+00 : f32
    %mul3A_14 = vector.broadcast %mul3A_13 : f32 to vector<1024x1xf32>
    %mul3A_15 = arith.mulf %mul3A_14, %mul3A : vector<1024x1xf32>
    %broadcast_in_dim3A_16 = vector.shape_cast %mul3A_15 : vector<1024x1xf32> to vector<1024x1xf32>
    %broadcast_in_dim3A_17 = vector.broadcast %broadcast_in_dim3A_16 : vector<1024x1xf32> to vector<1024x32xf32>
    %swap3A_18 = arith.constant 0 : index
    %swap3A_19 = arith.constant 0 : index
    %swap3A_20 = vector.load %arg8[%swap3A_18, %swap3A_19] : memref<1024x32xf32, #tpu.memory_space<vmem>>, vector<1024x32xf32>
    tpu.vector_store %arg8[%swap3A_18, %swap3A_19], %broadcast_in_dim3A_17 {strides = array<i32>} : memref<1024x32xf32, #tpu.memory_space<vmem>>, vector<1024x32xf32>,
    %neg3A = arith.constant 0.000000e+00 : f32
    %neg3A_21 = vector.broadcast %neg3A : f32 to vector<1024x1xf32>
    %neg3A_22 = arith.subf %neg3A_21, %select_n3A : vector<1024x1xf32>
    %broadcast_in_dim3A_23 = vector.shape_cast %neg3A_22 : vector<1024x1xf32> to vector<1024x1xf32>
    %broadcast_in_dim3A_24 = vector.broadcast %broadcast_in_dim3A_23 : vector<1024x1xf32> to vector<1024x32xf32>
    %swap3A_25 = arith.constant 0 : index
    %swap3A_26 = arith.constant 0 : index
    %swap3A_27 = vector.load %arg9[%swap3A_25, %swap3A_26] : memref<1024x32xf32, #tpu.memory_space<vmem>>, vector<1024x32xf32>
    tpu.vector_store %arg9[%swap3A_25, %swap3A_26], %broadcast_in_dim3A_24 {strides = array<i32>} : memref<1024x32xf32, #tpu.memory_space<vmem>>, vector<1024x32xf32>,
    %mul3A_28 = arith.constant -2.000000e+00 : f32
    %mul3A_29 = vector.broadcast %mul3A_28 : f32 to vector<1024x1xf32>
    %mul3A_30 = arith.mulf %mul3A_29, %mul3A : vector<1024x1xf32>
    %broadcast_in_dim3A_31 = vector.shape_cast %mul3A_30 : vector<1024x1xf32> to vector<1024x1xf32>
    %broadcast_in_dim3A_32 = vector.broadcast %broadcast_in_dim3A_31 : vector<1024x1xf32> to vector<1024x16xf32>
    %swap3A_33 = arith.constant 0 : index
    %swap3A_34 = arith.constant 0 : index
    %swap3A_35 = vector.load %arg10[%swap3A_33, %swap3A_34] : memref<1024x16xf32, #tpu.memory_space<vmem>>, vector<1024x16xf32>
    tpu.vector_store %arg10[%swap3A_33, %swap3A_34], %broadcast_in_dim3A_32 {strides = array<i32>} : memref<1024x16xf32, #tpu.memory_space<vmem>>, vector<1024x16xf32>,
    %neg3A_36 = arith.constant 0.000000e+00 : f32
    %neg3A_37 = vector.broadcast %neg3A_36 : f32 to vector<1024x1xf32>
    %neg3A_38 = arith.subf %neg3A_37, %select_n3A : vector<1024x1xf32>
    %broadcast_in_dim3A_39 = vector.shape_cast %neg3A_38 : vector<1024x1xf32> to vector<1024x1xf32>
    %broadcast_in_dim3A_40 = vector.broadcast %broadcast_in_dim3A_39 : vector<1024x1xf32> to vector<1024x16xf32>
    %swap3A_41 = arith.constant 0 : index
    %swap3A_42 = arith.constant 0 : index
    %swap3A_43 = vector.load %arg11[%swap3A_41, %swap3A_42] : memref<1024x16xf32, #tpu.memory_space<vmem>>, vector<1024x16xf32>
    tpu.vector_store %arg11[%swap3A_41, %swap3A_42], %broadcast_in_dim3A_40 {strides = array<i32>} : memref<1024x16xf32, #tpu.memory_space<vmem>>, vector<1024x16xf32>,
    %get3A_44 = arith.constant 0 : index
    %get3A_45 = arith.constant 0 : index
    %get3A_46 = vector.load %arg1[%get3A_44, %get3A_45] : memref<1024x128xf32, #tpu.memory_space<vmem>>, vector<1024x128xf32>
    %get3A_47 = arith.constant 0 : index
    %get3A_48 = arith.constant 0 : index
    %get3A_49 = arith.constant 0 : index
    %get3A_50 = vector.load %arg3[%get3A_47, %get3A_48, %get3A_49] : memref<3x128x64xf32, #tpu.memory_space<vmem>>, vector<1x128x64xf32>
    %get3A_51 = vector.shape_cast %get3A_50 : vector<1x128x64xf32> to vector<128x64xf32>
    %get3A_52 = arith.constant 2 : index
    %get3A_53 = arith.constant 0 : index
    %get3A_54 = arith.constant 0 : index
    %get3A_55 = vector.load %arg3[%get3A_52, %get3A_53, %get3A_54] : memref<3x128x64xf32, #tpu.memory_space<vmem>>, vector<1x128x64xf32>
    %get3A_56 = vector.shape_cast %get3A_55 : vector<1x128x64xf32> to vector<128x64xf32>
    %sub3A = arith.subf %get3A_51, %get3A_56 : vector<128x64xf32>
    %dot_general3A = arith.constant dense<0.000000e+00> : vector<1024x64xf32>
    %dot_general3A_57 = tpu.matmul %get3A_46, %sub3A, %dot_general3A {dimension_numbers = #tpu.dot_dimension_numbers<[1], [0], [0], [1], [0, 0, 1, 1], [], []>, precision = #tpu.contract_precision<fp32>, transpose_lhs_hint = false} : vector<1024x128xf32>, vector<128x64xf32>, vector<1024x64xf32> -> vector<1024x64xf32>
    %get3A_58 = arith.constant 1 : index
    %get3A_59 = arith.constant 0 : index
    %get3A_60 = arith.constant 0 : index
    %get3A_61 = vector.load %arg3[%get3A_58, %get3A_59, %get3A_60] : memref<3x128x64xf32, #tpu.memory_space<vmem>>, vector<1x128x64xf32>
    %get3A_62 = vector.shape_cast %get3A_61 : vector<1x128x64xf32> to vector<128x64xf32>
    %dot_general3A_63 = arith.constant dense<0.000000e+00> : vector<1024x64xf32>
    %dot_general3A_64 = tpu.matmul %get3A_46, %get3A_62, %dot_general3A_63 {dimension_numbers = #tpu.dot_dimension_numbers<[1], [0], [0], [1], [0, 0, 1, 1], [], []>, precision = #tpu.contract_precision<fp32>, transpose_lhs_hint = false} : vector<1024x128xf32>, vector<128x64xf32>, vector<1024x64xf32> -> vector<1024x64xf32>
    %mul3A_65 = vector.broadcast %select_n3A : vector<1024x1xf32> to vector<1024x64xf32>
    %mul3A_66 = arith.mulf %mul3A_65, %dot_general3A_64 : vector<1024x64xf32>
    %get3A_67 = arith.constant 2 : index
    %get3A_68 = arith.constant 0 : index
    %get3A_69 = arith.constant 0 : index
    %get3A_70 = vector.load %arg3[%get3A_67, %get3A_68, %get3A_69] : memref<3x128x64xf32, #tpu.memory_space<vmem>>, vector<1x128x64xf32>
    %get3A_71 = vector.shape_cast %get3A_70 : vector<1x128x64xf32> to vector<128x64xf32>
    %dot_general3A_72 = arith.constant dense<0.000000e+00> : vector<1024x64xf32>
    %dot_general3A_73 = tpu.matmul %get3A_46, %get3A_71, %dot_general3A_72 {dimension_numbers = #tpu.dot_dimension_numbers<[1], [0], [0], [1], [0, 0, 1, 1], [], []>, precision = #tpu.contract_precision<fp32>, transpose_lhs_hint = false} : vector<1024x128xf32>, vector<128x64xf32>, vector<1024x64xf32> -> vector<1024x64xf32>
    %mul3A_74 = vector.broadcast %select_n3A : vector<1024x1xf32> to vector<1024x64xf32>
    %mul3A_75 = arith.mulf %mul3A_74, %dot_general3A_73 : vector<1024x64xf32>
    %slice3A = vector.extract_strided_slice %dot_general3A_57 {offsets = [0, 0], sizes = [1024, 32], strides = [1, 1]} : vector<1024x64xf32> to vector<1024x32xf32>
    %swap3A_76 = arith.constant 0 : index
    %swap3A_77 = arith.constant 0 : index
    %swap3A_78 = arith.constant 0 : index
    %swap3A_79 = vector.load %arg4[%swap3A_76, %swap3A_77, %swap3A_78] : memref<2x1024x32xf32, #tpu.memory_space<vmem>>, vector<1x1024x32xf32>
    %swap3A_80 = vector.shape_cast %swap3A_79 : vector<1x1024x32xf32> to vector<1024x32xf32>
    %swap3A_81 = vector.shape_cast %slice3A : vector<1024x32xf32> to vector<1x1024x32xf32>
    tpu.vector_store %arg4[%swap3A_76, %swap3A_77, %swap3A_78], %swap3A_81 {strides = array<i32>} : memref<2x1024x32xf32, #tpu.memory_space<vmem>>, vector<1x1024x32xf32>,
    %slice3A_82 = vector.extract_strided_slice %dot_general3A_57 {offsets = [0, 32], sizes = [1024, 32], strides = [1, 1]} : vector<1024x64xf32> to vector<1024x32xf32>
    %swap3A_83 = arith.constant 1 : index
    %swap3A_84 = arith.constant 0 : index
    %swap3A_85 = arith.constant 0 : index
    %swap3A_86 = vector.load %arg4[%swap3A_83, %swap3A_84, %swap3A_85] : memref<2x1024x32xf32, #tpu.memory_space<vmem>>, vector<1x1024x32xf32>
    %swap3A_87 = vector.shape_cast %swap3A_86 : vector<1x1024x32xf32> to vector<1024x32xf32>
    %swap3A_88 = vector.shape_cast %slice3A_82 : vector<1024x32xf32> to vector<1x1024x32xf32>
    tpu.vector_store %arg4[%swap3A_83, %swap3A_84, %swap3A_85], %swap3A_88 {strides = array<i32>} : memref<2x1024x32xf32, #tpu.memory_space<vmem>>, vector<1x1024x32xf32>,
    %slice3A_89 = vector.extract_strided_slice %mul3A_66 {offsets = [0, 0], sizes = [1024, 32], strides = [1, 1]} : vector<1024x64xf32> to vector<1024x32xf32>
    %swap3A_90 = arith.constant 0 : index
    %swap3A_91 = arith.constant 0 : index
    %swap3A_92 = arith.constant 0 : index
    %swap3A_93 = vector.load %arg5[%swap3A_90, %swap3A_91, %swap3A_92] : memref<2x1024x32xf32, #tpu.memory_space<vmem>>, vector<1x1024x32xf32>
    %swap3A_94 = vector.shape_cast %swap3A_93 : vector<1x1024x32xf32> to vector<1024x32xf32>
    %swap3A_95 = vector.shape_cast %slice3A_89 : vector<1024x32xf32> to vector<1x1024x32xf32>
    tpu.vector_store %arg5[%swap3A_90, %swap3A_91, %swap3A_92], %swap3A_95 {strides = array<i32>} : memref<2x1024x32xf32, #tpu.memory_space<vmem>>, vector<1x1024x32xf32>,
    %slice3A_96 = vector.extract_strided_slice %mul3A_66 {offsets = [0, 32], sizes = [1024, 32], strides = [1, 1]} : vector<1024x64xf32> to vector<1024x32xf32>
    %swap3A_97 = arith.constant 1 : index
    %swap3A_98 = arith.constant 0 : index
    %swap3A_99 = arith.constant 0 : index
    %swap3A_100 = vector.load %arg5[%swap3A_97, %swap3A_98, %swap3A_99] : memref<2x1024x32xf32, #tpu.memory_space<vmem>>, vector<1x1024x32xf32>
    %swap3A_101 = vector.shape_cast %swap3A_100 : vector<1x1024x32xf32> to vector<1024x32xf32>
    %swap3A_102 = vector.shape_cast %slice3A_96 : vector<1024x32xf32> to vector<1x1024x32xf32>
    tpu.vector_store %arg5[%swap3A_97, %swap3A_98, %swap3A_99], %swap3A_102 {strides = array<i32>} : memref<2x1024x32xf32, #tpu.memory_space<vmem>>, vector<1x1024x32xf32>,
    %slice3A_103 = vector.extract_strided_slice %mul3A_75 {offsets = [0, 0], sizes = [1024, 32], strides = [1, 1]} : vector<1024x64xf32> to vector<1024x32xf32>
    %swap3A_104 = arith.constant 0 : index
    %swap3A_105 = arith.constant 0 : index
    %swap3A_106 = arith.constant 0 : index
    %swap3A_107 = vector.load %arg6[%swap3A_104, %swap3A_105, %swap3A_106] : memref<2x1024x32xf32, #tpu.memory_space<vmem>>, vector<1x1024x32xf32>
    %swap3A_108 = vector.shape_cast %swap3A_107 : vector<1x1024x32xf32> to vector<1024x32xf32>
    %swap3A_109 = vector.shape_cast %slice3A_103 : vector<1024x32xf32> to vector<1x1024x32xf32>
    tpu.vector_store %arg6[%swap3A_104, %swap3A_105, %swap3A_106], %swap3A_109 {strides = array<i32>} : memref<2x1024x32xf32, #tpu.memory_space<vmem>>, vector<1x1024x32xf32>,
    %slice3A_110 = vector.extract_strided_slice %mul3A_75 {offsets = [0, 32], sizes = [1024, 32], strides = [1, 1]} : vector<1024x64xf32> to vector<1024x32xf32>
    %swap3A_111 = arith.constant 1 : index
    %swap3A_112 = arith.constant 0 : index
    %swap3A_113 = arith.constant 0 : index
    %swap3A_114 = vector.load %arg6[%swap3A_111, %swap3A_112, %swap3A_113] : memref<2x1024x32xf32, #tpu.memory_space<vmem>>, vector<1x1024x32xf32>
    %swap3A_115 = vector.shape_cast %swap3A_114 : vector<1x1024x32xf32> to vector<1024x32xf32>
    %swap3A_116 = vector.shape_cast %slice3A_110 : vector<1024x32xf32> to vector<1x1024x32xf32>
    tpu.vector_store %arg6[%swap3A_111, %swap3A_112, %swap3A_113], %swap3A_116 {strides = array<i32>} : memref<2x1024x32xf32, #tpu.memory_space<vmem>>, vector<1x1024x32xf32>,
    return
  }
  func.func @transform_0(%arg0: i32) -> (i32, i32) {
    %c0_i32 = arith.constant 0 : i32
    %c0_i32_0 = arith.constant 0 : i32
    return %arg0, %c0_i32 : i32, i32
  }
  func.func @transform_1(%arg0: i32) -> (i32, i32, i32) {
    %c0_i32 = arith.constant 0 : i32
    %c0_i32_0 = arith.constant 0 : i32
    %c0_i32_1 = arith.constant 0 : i32
    return %c0_i32, %arg0, %c0_i32_0 : i32, i32, i32
  }
  func.func @transform_2(%arg0: i32) -> (i32, i32, i32) {
    %c0_i32 = arith.constant 0 : i32
    %c0_i32_0 = arith.constant 0 : i32
    %c0_i32_1 = arith.constant 0 : i32
    %c0_i32_2 = arith.constant 0 : i32
    return %c0_i32, %c0_i32_0, %c0_i32_1 : i32, i32, i32
  }
  func.func @transform_3(%arg0: i32) -> (i32, i32, i32) {
    %c0_i32 = arith.constant 0 : i32
    %c0_i32_0 = arith.constant 0 : i32
    %c0_i32_1 = arith.constant 0 : i32
    return %c0_i32, %arg0, %c0_i32_0 : i32, i32, i32
  }
  func.func @transform_4(%arg0: i32) -> (i32, i32, i32) {
    %c0_i32 = arith.constant 0 : i32
    %c0_i32_0 = arith.constant 0 : i32
    %c0_i32_1 = arith.constant 0 : i32
    return %c0_i32, %arg0, %c0_i32_0 : i32, i32, i32
  }
  func.func @transform_5(%arg0: i32) -> (i32, i32, i32) {
    %c0_i32 = arith.constant 0 : i32
    %c0_i32_0 = arith.constant 0 : i32
    %c0_i32_1 = arith.constant 0 : i32
    return %c0_i32, %arg0, %c0_i32_0 : i32, i32, i32
  }
  func.func @transform_6(%arg0: i32) -> (i32, i32) {
    %c0_i32 = arith.constant 0 : i32
    %c0_i32_0 = arith.constant 0 : i32
    return %arg0, %c0_i32 : i32, i32
  }
  func.func @transform_7(%arg0: i32) -> (i32, i32) {
    %c0_i32 = arith.constant 0 : i32
    %c0_i32_0 = arith.constant 0 : i32
    return %arg0, %c0_i32 : i32, i32
  }
  func.func @transform_8(%arg0: i32) -> (i32, i32) {
    %c0_i32 = arith.constant 0 : i32
    %c0_i32_0 = arith.constant 0 : i32
    return %arg0, %c0_i32 : i32, i32
  }
  func.func @transform_9(%arg0: i32) -> (i32, i32) {
    %c0_i32 = arith.constant 0 : i32
    %c0_i32_0 = arith.constant 0 : i32
    return %arg0, %c0_i32 : i32, i32
  }
  func.func @transform_10(%arg0: i32) -> (i32, i32) {
    %c0_i32 = arith.constant 0 : i32
    %c0_i32_0 = arith.constant 0 : i32
    return %arg0, %c0_i32 : i32, i32
  }
}

module attributes {stable_mosaic.version = 14 : i64} {
  func.func @_mm2_body(%arg0: i32, %arg1: memref<2x1024x32xf32, #tpu.memory_space<vmem>>, %arg2: memref<3x64x16xf32, #tpu.memory_space<vmem>>, %arg3: memref<1x64xf32, #tpu.memory_space<vmem>>, %arg4: memref<1024x1xf32, #tpu.memory_space<vmem>>, %arg5: memref<1024x16xf32, #tpu.memory_space<vmem>>, %arg6: memref<1024x16xf32, #tpu.memory_space<vmem>>, %arg7: memref<1024x16xf32, #tpu.memory_space<vmem>>) attributes {dimension_semantics = [#tpu.dimension_semantics<arbitrary>], iteration_bounds = array<i64: 10>, scalar_prefetch = 0 : i64, scratch_operands = 0 : i64, tpu.core_type = #tpu.core_type<tc>, window_params = [{transform_indices = @transform_0, window_bounds = array<i64: 2, 1024, 32>}, {pipeline_mode = #tpu.pipeline_mode<synchronous>, transform_indices = @transform_1, window_bounds = array<i64: 3, 64, 16>}, {pipeline_mode = #tpu.pipeline_mode<synchronous>, transform_indices = @transform_2, window_bounds = array<i64: 1, 64>}, {transform_indices = @transform_3, window_bounds = array<i64: 1024, 1>}, {transform_indices = @transform_4, window_bounds = array<i64: 1024, 16>}, {transform_indices = @transform_5, window_bounds = array<i64: 1024, 16>}, {transform_indices = @transform_6, window_bounds = array<i64: 1024, 16>}]} {
    %get3A = arith.constant 0 : index
    %get3A_0 = arith.constant 0 : index
    %get3A_1 = arith.constant 0 : index
    %get3A_2 = vector.load %arg1[%get3A, %get3A_0, %get3A_1] : memref<2x1024x32xf32, #tpu.memory_space<vmem>>, vector<1x1024x32xf32>
    %get3A_3 = vector.shape_cast %get3A_2 : vector<1x1024x32xf32> to vector<1024x32xf32>
    %get3A_4 = arith.constant 1 : index
    %get3A_5 = arith.constant 0 : index
    %get3A_6 = arith.constant 0 : index
    %get3A_7 = vector.load %arg1[%get3A_4, %get3A_5, %get3A_6] : memref<2x1024x32xf32, #tpu.memory_space<vmem>>, vector<1x1024x32xf32>
    %get3A_8 = vector.shape_cast %get3A_7 : vector<1x1024x32xf32> to vector<1024x32xf32>
    %concatenate3A = tpu.concatenate %get3A_3, %get3A_8 in 1 : vector<1024x32xf32>, vector<1024x32xf32> -> vector<1024x64xf32>
    %get3A_9 = arith.constant 0 : index
    %get3A_10 = arith.constant 0 : index
    %get3A_11 = vector.load %arg3[%get3A_9, %get3A_10] : memref<1x64xf32, #tpu.memory_space<vmem>>, vector<1x64xf32>
    %add3A = vector.broadcast %get3A_11 : vector<1x64xf32> to vector<1024x64xf32>
    %add3A_12 = arith.addf %concatenate3A, %add3A : vector<1024x64xf32>
    %max3A = arith.constant 0.000000e+00 : f32
    %max3A_13 = vector.broadcast %max3A : f32 to vector<1024x64xf32>
    %max3A_14 = arith.maximumf %add3A_12, %max3A_13 : vector<1024x64xf32>
    %get3A_15 = arith.constant 0 : index
    %get3A_16 = arith.constant 0 : index
    %get3A_17 = vector.load %arg4[%get3A_15, %get3A_16] : memref<1024x1xf32, #tpu.memory_space<vmem>>, vector<1024x1xf32>
    %get3A_18 = arith.constant 0 : index
    %get3A_19 = arith.constant 0 : index
    %get3A_20 = arith.constant 0 : index
    %get3A_21 = vector.load %arg2[%get3A_18, %get3A_19, %get3A_20] : memref<3x64x16xf32, #tpu.memory_space<vmem>>, vector<1x64x16xf32>
    %get3A_22 = vector.shape_cast %get3A_21 : vector<1x64x16xf32> to vector<64x16xf32>
    %get3A_23 = arith.constant 2 : index
    %get3A_24 = arith.constant 0 : index
    %get3A_25 = arith.constant 0 : index
    %get3A_26 = vector.load %arg2[%get3A_23, %get3A_24, %get3A_25] : memref<3x64x16xf32, #tpu.memory_space<vmem>>, vector<1x64x16xf32>
    %get3A_27 = vector.shape_cast %get3A_26 : vector<1x64x16xf32> to vector<64x16xf32>
    %sub3A = arith.subf %get3A_22, %get3A_27 : vector<64x16xf32>
    %dot_general3A = arith.constant dense<0.000000e+00> : vector<1024x16xf32>
    %dot_general3A_28 = tpu.matmul %max3A_14, %sub3A, %dot_general3A {dimension_numbers = #tpu.dot_dimension_numbers<[1], [0], [0], [1], [0, 0, 1, 1], [], []>, precision = #tpu.contract_precision<fp32>, transpose_lhs_hint = false} : vector<1024x64xf32>, vector<64x16xf32>, vector<1024x16xf32> -> vector<1024x16xf32>
    %swap3A = arith.constant 0 : index
    %swap3A_29 = arith.constant 0 : index
    %swap3A_30 = vector.load %arg5[%swap3A, %swap3A_29] : memref<1024x16xf32, #tpu.memory_space<vmem>>, vector<1024x16xf32>
    tpu.vector_store %arg5[%swap3A, %swap3A_29], %dot_general3A_28 {strides = array<i32>} : memref<1024x16xf32, #tpu.memory_space<vmem>>, vector<1024x16xf32>,
    %get3A_31 = arith.constant 1 : index
    %get3A_32 = arith.constant 0 : index
    %get3A_33 = arith.constant 0 : index
    %get3A_34 = vector.load %arg2[%get3A_31, %get3A_32, %get3A_33] : memref<3x64x16xf32, #tpu.memory_space<vmem>>, vector<1x64x16xf32>
    %get3A_35 = vector.shape_cast %get3A_34 : vector<1x64x16xf32> to vector<64x16xf32>
    %dot_general3A_36 = arith.constant dense<0.000000e+00> : vector<1024x16xf32>
    %dot_general3A_37 = tpu.matmul %max3A_14, %get3A_35, %dot_general3A_36 {dimension_numbers = #tpu.dot_dimension_numbers<[1], [0], [0], [1], [0, 0, 1, 1], [], []>, precision = #tpu.contract_precision<fp32>, transpose_lhs_hint = false} : vector<1024x64xf32>, vector<64x16xf32>, vector<1024x16xf32> -> vector<1024x16xf32>
    %mul3A = vector.broadcast %get3A_17 : vector<1024x1xf32> to vector<1024x16xf32>
    %mul3A_38 = arith.mulf %mul3A, %dot_general3A_37 : vector<1024x16xf32>
    %swap3A_39 = arith.constant 0 : index
    %swap3A_40 = arith.constant 0 : index
    %swap3A_41 = vector.load %arg6[%swap3A_39, %swap3A_40] : memref<1024x16xf32, #tpu.memory_space<vmem>>, vector<1024x16xf32>
    tpu.vector_store %arg6[%swap3A_39, %swap3A_40], %mul3A_38 {strides = array<i32>} : memref<1024x16xf32, #tpu.memory_space<vmem>>, vector<1024x16xf32>,
    %get3A_42 = arith.constant 2 : index
    %get3A_43 = arith.constant 0 : index
    %get3A_44 = arith.constant 0 : index
    %get3A_45 = vector.load %arg2[%get3A_42, %get3A_43, %get3A_44] : memref<3x64x16xf32, #tpu.memory_space<vmem>>, vector<1x64x16xf32>
    %get3A_46 = vector.shape_cast %get3A_45 : vector<1x64x16xf32> to vector<64x16xf32>
    %dot_general3A_47 = arith.constant dense<0.000000e+00> : vector<1024x16xf32>
    %dot_general3A_48 = tpu.matmul %max3A_14, %get3A_46, %dot_general3A_47 {dimension_numbers = #tpu.dot_dimension_numbers<[1], [0], [0], [1], [0, 0, 1, 1], [], []>, precision = #tpu.contract_precision<fp32>, transpose_lhs_hint = false} : vector<1024x64xf32>, vector<64x16xf32>, vector<1024x16xf32> -> vector<1024x16xf32>
    %mul3A_49 = vector.broadcast %get3A_17 : vector<1024x1xf32> to vector<1024x16xf32>
    %mul3A_50 = arith.mulf %mul3A_49, %dot_general3A_48 : vector<1024x16xf32>
    %swap3A_51 = arith.constant 0 : index
    %swap3A_52 = arith.constant 0 : index
    %swap3A_53 = vector.load %arg7[%swap3A_51, %swap3A_52] : memref<1024x16xf32, #tpu.memory_space<vmem>>, vector<1024x16xf32>
    tpu.vector_store %arg7[%swap3A_51, %swap3A_52], %mul3A_50 {strides = array<i32>} : memref<1024x16xf32, #tpu.memory_space<vmem>>, vector<1024x16xf32>,
    return
  }
  func.func @transform_0(%arg0: i32) -> (i32, i32, i32) {
    %c0_i32 = arith.constant 0 : i32
    %c0_i32_0 = arith.constant 0 : i32
    %c0_i32_1 = arith.constant 0 : i32
    return %c0_i32, %arg0, %c0_i32_0 : i32, i32, i32
  }
  func.func @transform_1(%arg0: i32) -> (i32, i32, i32) {
    %c0_i32 = arith.constant 0 : i32
    %c0_i32_0 = arith.constant 0 : i32
    %c0_i32_1 = arith.constant 0 : i32
    %c0_i32_2 = arith.constant 0 : i32
    return %c0_i32, %c0_i32_0, %c0_i32_1 : i32, i32, i32
  }
  func.func @transform_2(%arg0: i32) -> (i32, i32) {
    %c0_i32 = arith.constant 0 : i32
    %c0_i32_0 = arith.constant 0 : i32
    %c0_i32_1 = arith.constant 0 : i32
    return %c0_i32, %c0_i32_0 : i32, i32
  }
  func.func @transform_3(%arg0: i32) -> (i32, i32) {
    %c0_i32 = arith.constant 0 : i32
    %c0_i32_0 = arith.constant 0 : i32
    return %arg0, %c0_i32 : i32, i32
  }
  func.func @transform_4(%arg0: i32) -> (i32, i32) {
    %c0_i32 = arith.constant 0 : i32
    %c0_i32_0 = arith.constant 0 : i32
    return %arg0, %c0_i32 : i32, i32
  }
  func.func @transform_5(%arg0: i32) -> (i32, i32) {
    %c0_i32 = arith.constant 0 : i32
    %c0_i32_0 = arith.constant 0 : i32
    return %arg0, %c0_i32 : i32, i32
  }
  func.func @transform_6(%arg0: i32) -> (i32, i32) {
    %c0_i32 = arith.constant 0 : i32
    %c0_i32_0 = arith.constant 0 : i32
    return %arg0, %c0_i32 : i32, i32
  }
}

module attributes {stable_mosaic.version = 14 : i64} {
  func.func @_cmb_body(%arg0: memref<10240x16xf32, #tpu.memory_space<vmem>>, %arg1: memref<10240x16xf32, #tpu.memory_space<vmem>>, %arg2: memref<2x10240x16xf32, #tpu.memory_space<vmem>>, %arg3: memref<10240x16xf32, #tpu.memory_space<vmem>>) attributes {dimension_semantics = [], scalar_prefetch = 0 : i64, scratch_operands = 0 : i64, tpu.core_type = #tpu.core_type<tc>} {
    %get3A = arith.constant 0 : index
    %get3A_0 = arith.constant 0 : index
    %get3A_1 = vector.load %arg0[%get3A, %get3A_0] : memref<10240x16xf32, #tpu.memory_space<vmem>>, vector<10240x16xf32>
    %get3A_2 = arith.constant 0 : index
    %get3A_3 = arith.constant 0 : index
    %get3A_4 = vector.load %arg1[%get3A_2, %get3A_3] : memref<10240x16xf32, #tpu.memory_space<vmem>>, vector<10240x16xf32>
    %get3A_5 = arith.constant 0 : index
    %get3A_6 = arith.constant 0 : index
    %get3A_7 = arith.constant 0 : index
    %get3A_8 = vector.load %arg2[%get3A_5, %get3A_6, %get3A_7] : memref<2x10240x16xf32, #tpu.memory_space<vmem>>, vector<1x10240x16xf32>
    %get3A_9 = vector.shape_cast %get3A_8 : vector<1x10240x16xf32> to vector<10240x16xf32>
    %get3A_10 = arith.constant 1 : index
    %get3A_11 = arith.constant 0 : index
    %get3A_12 = arith.constant 0 : index
    %get3A_13 = vector.load %arg2[%get3A_10, %get3A_11, %get3A_12] : memref<2x10240x16xf32, #tpu.memory_space<vmem>>, vector<1x10240x16xf32>
    %get3A_14 = vector.shape_cast %get3A_13 : vector<1x10240x16xf32> to vector<10240x16xf32>
    %add3A = arith.addf %get3A_9, %get3A_14 : vector<10240x16xf32>
    %mul3A = arith.mulf %get3A_4, %add3A : vector<10240x16xf32>
    %add3A_15 = arith.addf %get3A_1, %mul3A : vector<10240x16xf32>
    %swap3A = arith.constant 0 : index
    %swap3A_16 = arith.constant 0 : index
    %swap3A_17 = vector.load %arg3[%swap3A, %swap3A_16] : memref<10240x16xf32, #tpu.memory_space<vmem>>, vector<10240x16xf32>
    tpu.vector_store %arg3[%swap3A, %swap3A_16], %add3A_15 {strides = array<i32>} : memref<10240x16xf32, #tpu.memory_space<vmem>>, vector<10240x16xf32>,
    return
  }
}

module attributes {stable_mosaic.version = 14 : i64} {
  func.func @_fin_body(%arg0: memref<10240x16xf32, #tpu.memory_space<vmem>>, %arg1: memref<10240x16xf32, #tpu.memory_space<vmem>>, %arg2: memref<2x10240x16xf32, #tpu.memory_space<vmem>>, %arg3: memref<1x16xf32, #tpu.memory_space<vmem>>, %arg4: memref<10000x16xf32, #tpu.memory_space<vmem>>) attributes {dimension_semantics = [], scalar_prefetch = 0 : i64, scratch_operands = 0 : i64, tpu.core_type = #tpu.core_type<tc>} {
    %get3A = arith.constant 0 : index
    %get3A_0 = arith.constant 0 : index
    %get3A_1 = vector.load %arg0[%get3A, %get3A_0] : memref<10240x16xf32, #tpu.memory_space<vmem>>, vector<10240x16xf32>
    %get3A_2 = arith.constant 0 : index
    %get3A_3 = arith.constant 0 : index
    %get3A_4 = vector.load %arg1[%get3A_2, %get3A_3] : memref<10240x16xf32, #tpu.memory_space<vmem>>, vector<10240x16xf32>
    %get3A_5 = arith.constant 0 : index
    %get3A_6 = arith.constant 0 : index
    %get3A_7 = arith.constant 0 : index
    %get3A_8 = vector.load %arg2[%get3A_5, %get3A_6, %get3A_7] : memref<2x10240x16xf32, #tpu.memory_space<vmem>>, vector<1x10240x16xf32>
    %get3A_9 = vector.shape_cast %get3A_8 : vector<1x10240x16xf32> to vector<10240x16xf32>
    %get3A_10 = arith.constant 1 : index
    %get3A_11 = arith.constant 0 : index
    %get3A_12 = arith.constant 0 : index
    %get3A_13 = vector.load %arg2[%get3A_10, %get3A_11, %get3A_12] : memref<2x10240x16xf32, #tpu.memory_space<vmem>>, vector<1x10240x16xf32>
    %get3A_14 = vector.shape_cast %get3A_13 : vector<1x10240x16xf32> to vector<10240x16xf32>
    %add3A = arith.addf %get3A_9, %get3A_14 : vector<10240x16xf32>
    %mul3A = arith.mulf %get3A_4, %add3A : vector<10240x16xf32>
    %add3A_15 = arith.addf %get3A_1, %mul3A : vector<10240x16xf32>
    %get3A_16 = arith.constant 0 : index
    %get3A_17 = arith.constant 0 : index
    %get3A_18 = vector.load %arg3[%get3A_16, %get3A_17] : memref<1x16xf32, #tpu.memory_space<vmem>>, vector<1x16xf32>
    %add3A_19 = vector.broadcast %get3A_18 : vector<1x16xf32> to vector<10240x16xf32>
    %add3A_20 = arith.addf %add3A_15, %add3A_19 : vector<10240x16xf32>
    %slice3A = vector.extract_strided_slice %add3A_20 {offsets = [0, 0], sizes = [10000, 16], strides = [1, 1]} : vector<10240x16xf32> to vector<10000x16xf32>
    %swap3A = arith.constant 0 : index
    %swap3A_21 = arith.constant 0 : index
    %swap3A_22 = vector.load %arg4[%swap3A, %swap3A_21] : memref<10000x16xf32, #tpu.memory_space<vmem>>, vector<10000x16xf32>
    tpu.vector_store %arg4[%swap3A, %swap3A_21], %slice3A {strides = array<i32>} : memref<10000x16xf32, #tpu.memory_space<vmem>>, vector<10000x16xf32>,
    return
  }
}

</mosaic_0001>

<sc_bundles>
// kernel: kernel.10.cloned.1.call-start
scs
__scs_entry_jumppad:
0x0: {  	(pc) =	sbr.rel $0x88, $3  }
0x1: {  	(tag) =	ssettag $0x0;
	lr =	simm.s32 $0x1  }
0x2: {  	[smem:$0x3F9B] =	sst lr;
	_ =	strace $0xD0000000  }
0x3: {  	_ = 	snop  }
0x4: {  	_ = 	snop  }
0x5: {  	_ = 	snop  }
0x6: {  	_ = 	snop  }
0x7: {  	_ = 	snop  }
__scs_overlays_trampoline_lowered:
0x8: {  	[smem:$0x3FAA] =	sst s0  }
0x9: {  	[smem:$0x3FAB] =	sst s1  }
0xa: {  	[smem:$0x3FAC] =	sst s2  }
0xb: {  	[smem:$0x3FAD] =	sst s3  }
0xc: {  	[smem:$0x3FAE] =	sst s4  }
0xd: {  	[smem:$0x3FAF] =	sst s5  }
0xe: {  	[smem:$0x3FB0] =	sst s6  }
0xf: {  	[smem:$0x3FB1] =	sst s7  }
0x10: {  	[smem:$0x3FB2] =	sst s8  }
0x11: {  	[smem:$0x3FB3] =	sst s9;
	s0 =	simm.s32 @!p0 $0x0  }
0x12: {  	s1 =	sld [smem:$0x3F99];
	s0 =	simm.s32 @p0 $0x1  }
0x13: {  	[smem:$0x3FB4] =	sst s0;
	s0 =	simm.s32 @!p1 $0x0  }
0x14: {  	s2 =	sld [smem:$0x3F98];
	s0 =	simm.s32 @p1 $0x1  }
0x15: {  	[smem:$0x3FB5] =	sst s0;
	s0 =	simm.s32 @!p2 $0x0  }
0x16: {  	s3 =	sld [smem:$0x3FDB];
	s0 =	simm.s32 @p2 $0x1  }
0x17: {  	s4 =	simm.s32 $0x1BF5;
	[smem:$0x3FB7] =	sst s0  }
0x18: {  	s0 =	sld [smem:$0x3F9A];
	_ =	swait.ge [sflag:s4], $0x0  }
0x19: {  	s7 =	sld [smem:$0x3F9B]  }
0x1a: {  	s8 =	sadd.s32 $0xFFFFE003, lr  }
0x1b: {  	s9 =	sadd.s32 $0xFFFFFEF7, lr;
	s5 =	simm.s32 $0xFFFFFFFF;
	p2 =	slt.u32 s8, $0xFFFFF086  }
0x1c: {  	p1 =	slt.u32 s9, $0xF7A;
	s5 =	simm.s32 @!p2 $0x0  }
0x1d: {  	s5 =	simm.s32 @p1 $0x1;
	p0 =	seq.s32 s7, s2  }
0x1e: {  	s7 =	smul.u32 @!p0 $0xF7A, s2;
	p2 =	seq.s32 @!p0 s5, $0x0  }
0x1f: {  	s9 =	smul.u32 $0xF7A, s1;
	s8 =	simm.s32 @!p0 $0x1BF5;
	p2 =	por !p2, p0  }
0x20: {  	[sflag:s8] =	ssyncset.s32 @!p0 $0xFFFFF086;
	s6 =	sadd.s32 @!p0 s3, s7;
	s7 =	simm.s32 @!p0 $0x108  }
0x21: {  	s3 =	sadd.s32 s3, s9;
	s6 =	sadd.s32 @!p0 $0x88, s6;
	s7 =	simm.s32 @p2 $0x1082  }
0x22: {  	[simem:s7], [sflag:s8] =	dma.local @!p0 [hbm:s6], $0xF7A  }
0x23: {  	s9 =	sor.u32 $0xD0000000, s2;
	s6 =	simm.s32 $0x108;
	_ =	swait.ge @!p0 [sflag:s8], $0x0  }
0x24: {  	s3 =	sadd.s32 $0x88, s3;
	s6 =	simm.s32 @!p1 $0x1082;
	[sflag:s4] =	ssyncset.s32 $0xFFFFF086  }
0x25: {  	[simem:s6], [sflag:s4] =	dma.local [hbm:s3], $0xF7A  }
0x26: {  	[smem:$0x3F9B] =	sst s1;
	(tag) =	ssettag s2;
	_ =	strace s9  }
0x27: {  	s1 =	sld [smem:$0x3FAB]  }
0x28: {  	s2 =	sld [smem:$0x3FAC]  }
0x29: {  	s4 =	sld [smem:$0x3FAE]  }
0x2a: {  	p0 =	seq.s32 s5, $0x0;
	s5 =	sld [smem:$0x3FAF]  }
0x2b: {  	s6 =	sld [smem:$0x3FB0]  }
0x2c: {  	s7 =	sld [smem:$0x3FB1]  }
0x2d: {  	s3 =	simm.s32 $0x108;
	s8 =	sld [smem:$0x3FB2]  }
0x2e: {  	s3 =	simm.s32 @!p0 $0x1082;
	s9 =	sld [smem:$0x3FB3]  }
0x2f: {  	lr =	sadd.s32 s0, s3;
	s0 =	sld [smem:$0x3FAA]  }
0x30: {  	s3 =	sld [smem:$0x3FAD]  }
0x31: {  	[smem:$0x3FB6] =	sst s10  }
0x32: {  	s10 =	sld [smem:$0x3FB4];
	_ =	sdelay $0x3  }
0x33: {  	p0 =	seq.s32 s10, $0x1;
	s10 =	sld [smem:$0x3FB6];
	_ =	sdelay $0x3  }
0x34: {  	[smem:$0x3FB6] =	sst s10  }
0x35: {  	s10 =	sld [smem:$0x3FB5];
	_ =	sdelay $0x3  }
0x36: {  	p1 =	seq.s32 s10, $0x1;
	s10 =	sld [smem:$0x3FB6];
	_ =	sdelay $0x3  }
0x37: {  	[smem:$0x3FB6] =	sst s10  }
0x38: {  	s10 =	sld [smem:$0x3FB7]  }
0x39: {  	_ = 	snop;
	(pc) =	sbr.ind lr, $3  }
0x3a: {  	_ = 	snop  }
0x3b: {  	_ = 	snop  }
0x3c: {  	p2 =	seq.s32 s10, $0x1;
	s10 =	sld [smem:$0x3FB6]  }
0x3d: {  	_ =	shalt  }
0x3e: {  	_ =	shalt  }
0x3f: {  	_ =	shalt  }
0x40: {  	_ =	shalt  }
0x41: {  	_ =	shalt  }
0x42: {  	_ =	shalt  }
0x43: {  	_ =	shalt  }
0x44: {  	_ =	shalt  }
0x45: {  	_ =	shalt  }
0x46: {  	_ =	shalt  }
0x47: {  	_ =	shalt  }
0x48: {  	_ =	shalt  }
0x49: {  	_ =	shalt  }
0x4a: {  	_ =	shalt  }
0x4b: {  	_ =	shalt  }
0x4c: {  	_ =	shalt  }
0x4d: {  	_ =	shalt  }
0x4e: {  	_ =	shalt  }
0x4f: {  	_ =	shalt  }
0x50: {  	_ =	shalt  }
0x51: {  	_ =	shalt  }
0x52: {  	_ =	shalt  }
0x53: {  	_ =	shalt  }
0x54: {  	_ =	shalt  }
0x55: {  	_ =	shalt  }
0x56: {  	_ =	shalt  }
0x57: {  	_ =	shalt  }
0x58: {  	_ =	shalt  }
0x59: {  	_ =	shalt  }
0x5a: {  	_ =	shalt  }
0x5b: {  	_ =	shalt  }
0x5c: {  	_ =	shalt  }
0x5d: {  	_ =	shalt  }
0x5e: {  	_ =	shalt  }
0x5f: {  	_ =	shalt  }
0x60: {  	_ =	shalt  }
0x61: {  	_ =	shalt  }
0x62: {  	_ =	shalt  }
0x63: {  	_ =	shalt  }
0x64: {  	_ =	shalt  }
0x65: {  	_ =	shalt  }
0x66: {  	_ =	shalt  }
0x67: {  	_ =	shalt  }
0x68: {  	_ =	shalt  }
0x69: {  	_ =	shalt  }
0x6a: {  	_ =	shalt  }
0x6b: {  	_ =	shalt  }
0x6c: {  	_ =	shalt  }
0x6d: {  	_ =	shalt  }
0x6e: {  	_ =	shalt  }
0x6f: {  	_ =	shalt  }
0x70: {  	_ =	shalt  }
0x71: {  	_ =	shalt  }
0x72: {  	_ =	shalt  }
0x73: {  	_ =	shalt  }
0x74: {  	_ =	shalt  }
0x75: {  	_ =	shalt  }
0x76: {  	_ =	shalt  }
0x77: {  	_ =	shalt  }
0x78: {  	_ =	shalt  }
0x79: {  	_ =	shalt  }
0x7a: {  	_ =	shalt  }
0x7b: {  	_ =	shalt  }
0x7c: {  	_ =	shalt  }
0x7d: {  	_ =	shalt  }
0x7e: {  	_ =	shalt  }
0x7f: {  	_ =	shalt  }
0x80: {  	_ =	shalt  }
0x81: {  	_ =	shalt  }
0x82: {  	_ =	shalt  }
0x83: {  	_ =	shalt  }
0x84: {  	_ =	shalt  }
0x85: {  	_ =	shalt  }
0x86: {  	_ =	shalt  }
0x87: {  	_ =	shalt  }
.Lfunc_end0:
.L_simem_size_0:
called_computation_lowered:
.L_overlay_start_0:
0x88: {  	s2 =	sld [smem:$0x3FD9]  }
0x89: {  	s3 =	sld [smem:$0x3FFE];
	_ =	sdelay $0x1  }
0x8a: {  	s1 =	srdreg.scid  }
0x8b: {  	s0 =	sand.u32 $0x1, s1  }
0x8c: {  	s16 =	sshll.u32 s0, $0xA;
	s2 =	sadd.s32 s3, s2  }
0x8d: {  	s2 =	sadd.s32 s2, s16  }
0x8e: {  	[smem:$0x3FC2] =	sst s2  }
0x8f: {  	_ = 	snop  }
0x90: {  	(tm) =	ssettm $0x1  }
0x91: {  	s17 =	sld [smem:$0x3FFB];
	_ =	sdelay $0x3  }
0x92: {  	_ =	strace s17  }
0x93: {  	s2 =	sld [smem:$0x3FFC];
	_ =	sdelay $0x3  }
0x94: {  	_ =	strace s2  }
0x95: {  	s2 =	sld [smem:$0x3FFD];
	_ =	sdelay $0x3  }
0x96: {  	_ =	strace s2  }
0x97: {  	_ =	strace $0x8FFFFFFF  }
0x98: {  	s18 =	sld [smem:$0x3FDB];
	_ =	sdelay $0x1  }
0x99: {  	s19 =	simm.s32 $_scs_section_size  }
0x9a: {  	s4 =	simm.s32 $_size__tile_overlayer_lowered;
	s5 =	simm.s32 $_tile_overlayer_lowered  }
0x9b: {  	s22 =	simm.s32 $0x1BFF;
	s21 =	sshll.u32 s5, $0x1;
	s2 =	sadd.s32 s19, s18  }
0x9c: {  	s6 =	simm.s32 $0x0;
	s20 =	sshll.u32 s4, $0x1;
	s4 =	sadd.s32 s21, s2  }
0x9d: {  	[timem:s6], [sflag:s22] =	dma.local [hbm:s4], s20  }
0x9e: {  	_ =	swait.ge [sflag:s22], s20  }
0x9f: {  	s3 =	ssub.s32 $0x0, s20;
	[sflag:s22] =	ssyncset.done $0x0  }
0xa0: {  	[sflag:s22] =	ssyncadd.s32 s3;
	_ =	sdelay $0x1  }
0xa1: {  	s23 =	simm.s32 $0x1B8B  }
0xa2: {  	_ =	swait.ge [sflag:s23], $0x1  }
0xa3: {  	[sflag:s23] =	ssyncset.done $0x0  }
0xa4: {  	s25 =	simm.s32 $0x1B8E;
	s24 =	sld [smem:$0x3FFE];
	[sflag:s23] =	ssyncadd.s32 $0xFFFFFFFF  }
0xa5: {  	s26 =	simm.s32 $execute0_lowered;
	[smem:$0x3FD2] =	sst s25  }
0xa6: {  	s4 =	sshll.u32 s26, $0x1;
	_ =	strace $0x80000046;
	[dreg:$0x1] =	wrdreg $0xFFFFFFFF  }
0xa7: {  	s28 =	simm.s32 $_size_execute0_lowered;
	s2 =	sadd.s32 s2, s4;
	[dreg:$0x0] =	wrdreg $0x0  }
0xa8: {  	s4 =	sshll.u32 s28, $0x1;
	[dreg:$0x2] =	wrdreg s2  }
0xa9: {  	[dreg:$0x3] =	wrdreg s4  }
0xaa: {  	[dreg:$0x4] =	wrdreg $0xC0  }
0xab: {  	_ =	task [dreg:s6], $0x5FFFF  }
0xac: {  	[dreg:$0x1] =	wrdreg $0xFFFFFFFF  }
0xad: {  	[dreg:$0x0] =	wrdreg $0x60  }
0xae: {  	[dreg:$0x2] =	wrdreg s24  }
0xaf: {  	[dreg:$0x3] =	wrdreg $0x0  }
0xb0: {  	[dreg:$0x4] =	wrdreg $0x9  }
0xb1: {  	_ =	task.clear_ibuf [dreg:s6], $0x5FFFF;
	_ =	strace $0x90000046  }
0xb2: {  	s29 =	simm.s32 $0x9;
	_ =	strace $0x80000048  }
0xb3: {  	_ =	swait.ge [sflag:s29], $0x1  }
0xb4: {  	[sflag:s29] =	ssyncadd.s32 $0xFFFFFFFF  }
0xb5: {  	_ =	strace $0x90000048  }
0xb6: {  	_ =	sfence  }
0xb7: {  	s30 =	sld [smem:$0x0];
	_ =	sdelay $0x2  }
0xb8: {  	s31 =	sshll.u32 s1, $0xD;
	s1 =	sshrl.u32 s1, $0x2  }
0xb9: {  	s3 =	sand.u32 $0x4000, s31;
	s1 =	sadd.s32 s1, s30  }
0xba: {  	s0 =	sor.u32 s3, s0;
	s1 =	sshll.u32 s1, $0x11  }
0xbb: {  	s0 =	sor.u32 s1, s0  }
0xbc: {  	s0 =	sadd.s32 $0x8F2B, s0  }
0xbd: {  	[sflag:s0] =	ssyncadd.remote.s32 $0x1  }
0xbe: {  	_ =	sfence.sel $0xFFFF  }
0xbf: {  	[dreg:$0x0] =	wrdreg $0xFFFFFFFF;
	(pc) =	sbr.abs _section_cstart, $3  }
0xc0: {  	[dreg:$0x1] =	wrdreg $0xFFFFFFFF  }
0xc1: {  	_ =	task.clear_ibuf [dreg:s6], $0x2FFFF;
	_ =	strace $0x9FFFFFFF  }
0xc2: {  	(tm) =	ssettm $0x7FFFFFFF  }
0xc3: {  	_ =	shalt  }
tec
execute0_lowered:
.L_overlay_start_1:
0x0: {  	(tag) =	ssettag $0x1  }
0x1: {  	s0 =	srdreg.scid  }
0x2: {  	s3 =	stileid.u32;
	s4 =	rddreg [dreg:$0x0]  }
0x3: {  	s2 =	rddreg [dreg:$0x1];
	s8 =	simm.s32 $0x3800;
	s9 =	simm.s32 $0x2  }
0x4: {  	s10 =	simm.s32 $0x2800;
	s11 =	simm.s32 $0x80;
	s12 =	simm.s32 $0x3000  }
0x5: {  	s13 =	simm.s32 $0x2880;
	s14 =	simm.s32 $0x2900;
	s15 =	simm.s32 $0x2980  }
0x6: {  	s16 =	simm.s32 $0x2A00;
	s17 =	simm.s32 $0x2A80;
	s18 =	simm.s32 $0x2B00  }
0x7: {  	s19 =	simm.s32 $0x2B80;
	s20 =	simm.s32 $0x2C00;
	s21 =	simm.s32 $0x2C80  }
0x8: {  	s22 =	simm.s32 $0x2D00;
	s23 =	simm.s32 $0x2D80;
	s24 =	simm.s32 $0x2E00  }
0x9: {  	s25 =	simm.s32 $0x2E80;
	s28 =	simm.s32 $0x2F80;
	s1 =	smul.u32 $0x5000, s3  }
0xa: {  	s29 =	simm.s32 $0x1;
	s0 =	sand.u32 $0x1, s0;
	s6 =	smul.u32 $0x2800, s3  }
0xb: {  	s30 =	simm.s32 $0x0;
	s3 =	simm.s32 $0x0;
	s7 =	smul.u32 $0x28000, s0  }
0xc: {  	s5 =	smul.u32 $0x2800, s0;
	[smem:$0x7FF] =	sst s3;
	s0 =	ssub.s32 $0x2, s0  }
0xd: {  	_ =	strace $0x80000047;
	s31 =	sshrl.u32 s0, $0x1;
	s26 =	sadd.s32 s6, s7  }
0xe: {  	s1 =	sadd.s32 s5, s1;
	s0 =	ssub.s32 s0, s31;
	s5 =	sshrl.u32 s26, $0x3  }
0xf: {  	s1 =	sshrl.u32 s1, $0x3;
	s26 =	simm.s32 $0x2F00;
	s5 =	sadd.s32 s5, s4  }
0x10: {  	v0 =	vimm.f32 $0.0e+00;
	vm0 =	vcmask $0x300;
	s1 =	sadd.s32 s1, s4;
	s4 =	sadd.s32 s6, s2;
	s5 =	sadd.s32 $0xD400, s5  }
0x11: {  	v1 =	vsel vm0, $0x3F800000, v0;
	s6 =	smax.u32 s0, $0x1;
	s7 =	sadd.s32 $0x3400, s1;
	[dreg:$0x3] =	wrdreg s5  }
.LBB2_1:
0x12: {  	s0 =	simm.s32 $0x0  }
.LBB2_2:
0x13: {  	p0 =	sne.s32 s0, $0x9FC0  }
.Ltmp0:
0x14: {  	_ = 	snop;
	(pc) =	sbr.rel @p0 .LBB2_2-.Ltmp0, $3  }
0x15: {  	_ =	sdelay $0x1  }
0x16: {  	s1 =	sshra.s32 s0, $0x2  }
0x17: {  	s0 =	sadd.s32 $0x40, s0;
	[tilespmem:s1+$0x3800] =	vst v0  }
0x18: {  	s1 =	simm.s32 $0x40;
	s0 =	simm.s32 $0x0  }
.LBB2_4:
0x19: {  	p0 =	sne.s32 s1, $0x1FC0;
	[tilespmem:s0+$0x3000] =	vst v1;
	s0 =	smov.u32 s1;
	s1 =	sadd.s32 $0x40, s1  }
.Ltmp1:
0x1a: {  	(pc) =	sbr.rel @p0 .LBB2_4-.Ltmp1, $2  }
0x1b: {  	_ =	sdelay $0x2  }
0x1c: {  	s0 =	sshra.s32 s0, $0x2  }
0x1d: {  	[tilespmem:s0+$0x3000] =	vst v1  }
0x1e: {  	[spmem:s4] =	stream.linear.scatter [tilespmem:s8], [sflag:$0x2], $0x2800, $0x38;
	[tilespmem:$0x6000] =	vst v63  }
0x1f: {  	_ =	swait.ge [sflag:s9], $0x2800  }
0x20: {  	[sflag:s9] =	ssyncset.done $0x0  }
0x21: {  	[sflag:s9] =	ssyncadd.s32 $0xFFFFD800  }
0x22: {  	s5 =	sadd.s32 $0x0, s7;
	[bflag:$0x0] =	sbarrier.arrive $0xFFFF  }
0x23: {  	[tilespmem:s10], [sflag:$0x2] =	stream.linear.gather [hbm4b:s5+s3], $0x800, $0x38;
	[tilespmem:$0x6000] =	vst v63  }
0x24: {  	_ =	swait.ge [sflag:s9], $0x800  }
0x25: {  	[sflag:s9] =	ssyncset.done $0x0  }
0x26: {  	[sflag:s9] =	ssyncadd.s32 $0xFFFFF800  }
0x27: {  	[spmem:s2] =	stream.indirect.scatter.add.f32 [tilespmem:s12], [sflag:$0x1], $0x10, s10, s11, $0xb8;
	[tilespmem:$0x6000] =	vst v63  }
0x28: {  	_ = 	snop  }
0x29: {  	[spmem:s2] =	stream.indirect.scatter.add.f32 [tilespmem:s12], [sflag:$0x1], $0x10, s13, s11, $0xb8;
	[tilespmem:$0x6000] =	vst v63  }
0x2a: {  	_ = 	snop  }
0x2b: {  	[spmem:s2] =	stream.indirect.scatter.add.f32 [tilespmem:s12], [sflag:$0x1], $0x10, s14, s11, $0xb8;
	[tilespmem:$0x6000] =	vst v63  }
0x2c: {  	_ = 	snop  }
0x2d: {  	[spmem:s2] =	stream.indirect.scatter.add.f32 [tilespmem:s12], [sflag:$0x1], $0x10, s15, s11, $0xb8;
	[tilespmem:$0x6000] =	vst v63  }
0x2e: {  	_ = 	snop  }
0x2f: {  	[spmem:s2] =	stream.indirect.scatter.add.f32 [tilespmem:s12], [sflag:$0x1], $0x10, s16, s11, $0xb8;
	[tilespmem:$0x6000] =	vst v63  }
0x30: {  	_ = 	snop  }
0x31: {  	[spmem:s2] =	stream.indirect.scatter.add.f32 [tilespmem:s12], [sflag:$0x1], $0x10, s17, s11, $0xb8;
	[tilespmem:$0x6000] =	vst v63  }
0x32: {  	_ = 	snop  }
0x33: {  	[spmem:s2] =	stream.indirect.scatter.add.f32 [tilespmem:s12], [sflag:$0x1], $0x10, s18, s11, $0xb8;
	[tilespmem:$0x6000] =	vst v63  }
0x34: {  	_ = 	snop  }
0x35: {  	[spmem:s2] =	stream.indirect.scatter.add.f32 [tilespmem:s12], [sflag:$0x1], $0x10, s19, s11, $0xb8;
	[tilespmem:$0x6000] =	vst v63  }
0x36: {  	_ = 	snop  }
0x37: {  	[spmem:s2] =	stream.indirect.scatter.add.f32 [tilespmem:s12], [sflag:$0x1], $0x10, s20, s11, $0xb8;
	[tilespmem:$0x6000] =	vst v63  }
0x38: {  	_ = 	snop  }
0x39: {  	[spmem:s2] =	stream.indirect.scatter.add.f32 [tilespmem:s12], [sflag:$0x1], $0x10, s21, s11, $0xb8;
	[tilespmem:$0x6000] =	vst v63  }
0x3a: {  	_ = 	snop  }
0x3b: {  	[spmem:s2] =	stream.indirect.scatter.add.f32 [tilespmem:s12], [sflag:$0x1], $0x10, s22, s11, $0xb8;
	[tilespmem:$0x6000] =	vst v63  }
0x3c: {  	_ = 	snop  }
0x3d: {  	[spmem:s2] =	stream.indirect.scatter.add.f32 [tilespmem:s12], [sflag:$0x1], $0x10, s23, s11, $0xb8;
	[tilespmem:$0x6000] =	vst v63  }
0x3e: {  	_ = 	snop  }
0x3f: {  	[spmem:s2] =	stream.indirect.scatter.add.f32 [tilespmem:s12], [sflag:$0x1], $0x10, s24, s11, $0xb8;
	[tilespmem:$0x6000] =	vst v63  }
0x40: {  	_ = 	snop  }
0x41: {  	[spmem:s2] =	stream.indirect.scatter.add.f32 [tilespmem:s12], [sflag:$0x1], $0x10, s25, s11, $0xb8;
	[tilespmem:$0x6000] =	vst v63  }
0x42: {  	_ = 	snop  }
0x43: {  	[spmem:s2] =	stream.indirect.scatter.add.f32 [tilespmem:s12], [sflag:$0x1], $0x10, s26, s11, $0xb8;
	[tilespmem:$0x6000] =	vst v63  }
0x44: {  	_ = 	snop  }
0x45: {  	[spmem:s2] =	stream.indirect.scatter.add.f32 [tilespmem:s12], [sflag:$0x1], $0x10, s28, s11, $0xb8;
	[tilespmem:$0x6000] =	vst v63  }
0x46: {  	_ =	swait.ge [sflag:s29], $0x800  }
0x47: {  	[sflag:s29] =	ssyncset.done $0x0  }
0x48: {  	[sflag:s29] =	ssyncadd.s32 $0xFFFFF800  }
0x49: {  	_ =	swait.ge [sflag:s29], $0x800  }
0x4a: {  	[sflag:s29] =	ssyncset.done $0x0  }
0x4b: {  	[sflag:s29] =	ssyncadd.s32 $0xFFFFF800  }
0x4c: {  	_ =	swait.ge [sflag:s29], $0x800  }
0x4d: {  	[sflag:s29] =	ssyncset.done $0x0  }
0x4e: {  	[sflag:s29] =	ssyncadd.s32 $0xFFFFF800  }
0x4f: {  	_ =	swait.ge [sflag:s29], $0x800  }
0x50: {  	[sflag:s29] =	ssyncset.done $0x0  }
0x51: {  	[sflag:s29] =	ssyncadd.s32 $0xFFFFF800  }
0x52: {  	_ =	swait.ge [sflag:s29], $0x800  }
0x53: {  	[sflag:s29] =	ssyncset.done $0x0  }
0x54: {  	[sflag:s29] =	ssyncadd.s32 $0xFFFFF800  }
0x55: {  	_ =	swait.ge [sflag:s29], $0x800  }
0x56: {  	[sflag:s29] =	ssyncset.done $0x0  }
0x57: {  	[sflag:s29] =	ssyncadd.s32 $0xFFFFF800  }
0x58: {  	_ =	swait.ge [sflag:s29], $0x800  }
0x59: {  	[sflag:s29] =	ssyncset.done $0x0  }
0x5a: {  	[sflag:s29] =	ssyncadd.s32 $0xFFFFF800  }
0x5b: {  	_ =	swait.ge [sflag:s29], $0x800  }
0x5c: {  	[sflag:s29] =	ssyncset.done $0x0  }
0x5d: {  	[sflag:s29] =	ssyncadd.s32 $0xFFFFF800  }
0x5e: {  	_ =	swait.ge [sflag:s29], $0x800  }
0x5f: {  	[sflag:s29] =	ssyncset.done $0x0  }
0x60: {  	[sflag:s29] =	ssyncadd.s32 $0xFFFFF800  }
0x61: {  	_ =	swait.ge [sflag:s29], $0x800  }
0x62: {  	[sflag:s29] =	ssyncset.done $0x0  }
0x63: {  	[sflag:s29] =	ssyncadd.s32 $0xFFFFF800  }
0x64: {  	_ =	swait.ge [sflag:s29], $0x800  }
0x65: {  	[sflag:s29] =	ssyncset.done $0x0  }
0x66: {  	[sflag:s29] =	ssyncadd.s32 $0xFFFFF800  }
0x67: {  	_ =	swait.ge [sflag:s29], $0x800  }
0x68: {  	[sflag:s29] =	ssyncset.done $0x0  }
0x69: {  	[sflag:s29] =	ssyncadd.s32 $0xFFFFF800  }
0x6a: {  	_ =	swait.ge [sflag:s29], $0x800  }
0x6b: {  	[sflag:s29] =	ssyncset.done $0x0  }
0x6c: {  	[sflag:s29] =	ssyncadd.s32 $0xFFFFF800  }
0x6d: {  	_ =	swait.ge [sflag:s29], $0x800  }
0x6e: {  	[sflag:s29] =	ssyncset.done $0x0  }
0x6f: {  	[sflag:s29] =	ssyncadd.s32 $0xFFFFF800  }
0x70: {  	_ =	swait.ge [sflag:s29], $0x800  }
0x71: {  	[sflag:s29] =	ssyncset.done $0x0  }
0x72: {  	[sflag:s29] =	ssyncadd.s32 $0xFFFFF800  }
0x73: {  	_ =	swait.ge [sflag:s29], $0x800  }
0x74: {  	s31 =	simm.s32 $0x100;
	s1 =	simm.s32 $0x200;
	[sflag:s29] =	ssyncset.done $0x0  }
.LBB2_6:
0x75: {  	s5 =	sadd.s32 s31, s7  }
0x76: {  	[sflag:s29] =	ssyncadd.s32 $0xFFFFF800;
	s31 =	smov.u32 s1;
	s0 =	sadd.s32 $0x100, s1  }
0x77: {  	[tilespmem:s10], [sflag:$0x2] =	stream.linear.gather [hbm4b:s5+s3], $0x800, $0x38;
	[tilespmem:$0x6000] =	vst v63  }
0x78: {  	p0 =	sne.s32 s1, $0x400;
	_ =	swait.ge [sflag:s9], $0x800  }
0x79: {  	[sflag:s9] =	ssyncset.done $0x0  }
0x7a: {  	[sflag:s9] =	ssyncadd.s32 $0xFFFFF800  }
0x7b: {  	[spmem:s2] =	stream.indirect.scatter.add.f32 [tilespmem:s12], [sflag:$0x1], $0x10, s10, s11, $0xb8;
	[tilespmem:$0x6000] =	vst v63  }
0x7c: {  	_ = 	snop  }
0x7d: {  	[spmem:s2] =	stream.indirect.scatter.add.f32 [tilespmem:s12], [sflag:$0x1], $0x10, s13, s11, $0xb8;
	[tilespmem:$0x6000] =	vst v63  }
0x7e: {  	_ = 	snop  }
0x7f: {  	[spmem:s2] =	stream.indirect.scatter.add.f32 [tilespmem:s12], [sflag:$0x1], $0x10, s14, s11, $0xb8;
	[tilespmem:$0x6000] =	vst v63  }
0x80: {  	_ = 	snop  }
0x81: {  	[spmem:s2] =	stream.indirect.scatter.add.f32 [tilespmem:s12], [sflag:$0x1], $0x10, s15, s11, $0xb8;
	[tilespmem:$0x6000] =	vst v63  }
0x82: {  	_ = 	snop  }
0x83: {  	[spmem:s2] =	stream.indirect.scatter.add.f32 [tilespmem:s12], [sflag:$0x1], $0x10, s16, s11, $0xb8;
	[tilespmem:$0x6000] =	vst v63  }
0x84: {  	_ = 	snop  }
0x85: {  	[spmem:s2] =	stream.indirect.scatter.add.f32 [tilespmem:s12], [sflag:$0x1], $0x10, s17, s11, $0xb8;
	[tilespmem:$0x6000] =	vst v63  }
0x86: {  	_ = 	snop  }
0x87: {  	[spmem:s2] =	stream.indirect.scatter.add.f32 [tilespmem:s12], [sflag:$0x1], $0x10, s18, s11, $0xb8;
	[tilespmem:$0x6000] =	vst v63  }
0x88: {  	_ = 	snop  }
0x89: {  	[spmem:s2] =	stream.indirect.scatter.add.f32 [tilespmem:s12], [sflag:$0x1], $0x10, s19, s11, $0xb8;
	[tilespmem:$0x6000] =	vst v63  }
0x8a: {  	_ = 	snop  }
0x8b: {  	[spmem:s2] =	stream.indirect.scatter.add.f32 [tilespmem:s12], [sflag:$0x1], $0x10, s20, s11, $0xb8;
	[tilespmem:$0x6000] =	vst v63  }
0x8c: {  	_ = 	snop  }
0x8d: {  	[spmem:s2] =	stream.indirect.scatter.add.f32 [tilespmem:s12], [sflag:$0x1], $0x10, s21, s11, $0xb8;
	[tilespmem:$0x6000] =	vst v63  }
0x8e: {  	_ = 	snop  }
0x8f: {  	[spmem:s2] =	stream.indirect.scatter.add.f32 [tilespmem:s12], [sflag:$0x1], $0x10, s22, s11, $0xb8;
	[tilespmem:$0x6000] =	vst v63  }
0x90: {  	_ = 	snop  }
0x91: {  	[spmem:s2] =	stream.indirect.scatter.add.f32 [tilespmem:s12], [sflag:$0x1], $0x10, s23, s11, $0xb8;
	[tilespmem:$0x6000] =	vst v63  }
0x92: {  	_ = 	snop  }
0x93: {  	[spmem:s2] =	stream.indirect.scatter.add.f32 [tilespmem:s12], [sflag:$0x1], $0x10, s24, s11, $0xb8;
	[tilespmem:$0x6000] =	vst v63  }
0x94: {  	_ = 	snop  }
0x95: {  	[spmem:s2] =	stream.indirect.scatter.add.f32 [tilespmem:s12], [sflag:$0x1], $0x10, s25, s11, $0xb8;
	[tilespmem:$0x6000] =	vst v63  }
0x96: {  	_ = 	snop  }
0x97: {  	[spmem:s2] =	stream.indirect.scatter.add.f32 [tilespmem:s12], [sflag:$0x1], $0x10, s26, s11, $0xb8;
	[tilespmem:$0x6000] =	vst v63  }
0x98: {  	_ = 	snop  }
0x99: {  	[spmem:s2] =	stream.indirect.scatter.add.f32 [tilespmem:s12], [sflag:$0x1], $0x10, s28, s11, $0xb8;
	[tilespmem:$0x6000] =	vst v63  }
0x9a: {  	_ =	swait.ge [sflag:s29], $0x800  }
0x9b: {  	[sflag:s29] =	ssyncset.done $0x0  }
0x9c: {  	[sflag:s29] =	ssyncadd.s32 $0xFFFFF800  }
0x9d: {  	_ =	swait.ge [sflag:s29], $0x800  }
0x9e: {  	[sflag:s29] =	ssyncset.done $0x0  }
0x9f: {  	[sflag:s29] =	ssyncadd.s32 $0xFFFFF800  }
0xa0: {  	_ =	swait.ge [sflag:s29], $0x800  }
0xa1: {  	[sflag:s29] =	ssyncset.done $0x0  }
0xa2: {  	[sflag:s29] =	ssyncadd.s32 $0xFFFFF800  }
0xa3: {  	_ =	swait.ge [sflag:s29], $0x800  }
0xa4: {  	[sflag:s29] =	ssyncset.done $0x0  }
0xa5: {  	[sflag:s29] =	ssyncadd.s32 $0xFFFFF800  }
0xa6: {  	_ =	swait.ge [sflag:s29], $0x800  }
0xa7: {  	[sflag:s29] =	ssyncset.done $0x0  }
0xa8: {  	[sflag:s29] =	ssyncadd.s32 $0xFFFFF800  }
0xa9: {  	_ =	swait.ge [sflag:s29], $0x800  }
0xaa: {  	[sflag:s29] =	ssyncset.done $0x0  }
0xab: {  	[sflag:s29] =	ssyncadd.s32 $0xFFFFF800  }
0xac: {  	_ =	swait.ge [sflag:s29], $0x800  }
0xad: {  	[sflag:s29] =	ssyncset.done $0x0  }
0xae: {  	[sflag:s29] =	ssyncadd.s32 $0xFFFFF800  }
0xaf: {  	_ =	swait.ge [sflag:s29], $0x800  }
0xb0: {  	[sflag:s29] =	ssyncset.done $0x0  }
0xb1: {  	[sflag:s29] =	ssyncadd.s32 $0xFFFFF800  }
0xb2: {  	_ =	swait.ge [sflag:s29], $0x800  }
0xb3: {  	[sflag:s29] =	ssyncset.done $0x0  }
0xb4: {  	[sflag:s29] =	ssyncadd.s32 $0xFFFFF800  }
0xb5: {  	_ =	swait.ge [sflag:s29], $0x800  }
0xb6: {  	[sflag:s29] =	ssyncset.done $0x0  }
0xb7: {  	[sflag:s29] =	ssyncadd.s32 $0xFFFFF800  }
0xb8: {  	_ =	swait.ge [sflag:s29], $0x800  }
0xb9: {  	[sflag:s29] =	ssyncset.done $0x0  }
0xba: {  	[sflag:s29] =	ssyncadd.s32 $0xFFFFF800  }
0xbb: {  	_ =	swait.ge [sflag:s29], $0x800  }
0xbc: {  	[sflag:s29] =	ssyncset.done $0x0  }
0xbd: {  	[sflag:s29] =	ssyncadd.s32 $0xFFFFF800  }
0xbe: {  	_ =	swait.ge [sflag:s29], $0x800  }
0xbf: {  	[sflag:s29] =	ssyncset.done $0x0  }
0xc0: {  	[sflag:s29] =	ssyncadd.s32 $0xFFFFF800  }
0xc1: {  	_ =	swait.ge [sflag:s29], $0x800  }
0xc2: {  	[sflag:s29] =	ssyncset.done $0x0  }
0xc3: {  	[sflag:s29] =	ssyncadd.s32 $0xFFFFF800  }
.Ltmp2:
0xc4: {  	_ =	swait.ge [sflag:s29], $0x800;
	(pc) =	sbr.rel @p0 .LBB2_6-.Ltmp2, $4  }
0xc5: {  	[sflag:s29] =	ssyncset.done $0x0  }
0xc6: {  	[sflag:s29] =	ssyncadd.s32 $0xFFFFF800  }
0xc7: {  	_ =	swait.ge [sflag:s29], $0x800  }
0xc8: {  	s1 =	smov.u32 s0;
	[sflag:s29] =	ssyncset.done $0x0  }
0xc9: {  	s0 =	sadd.s32 s31, s7;
	[sflag:s29] =	ssyncadd.s32 $0xFFFFF800  }
0xca: {  	[tilespmem:s10], [sflag:$0x2] =	stream.linear.gather [hbm4b:s0+s3], $0x800, $0x38;
	[tilespmem:$0x6000] =	vst v63  }
0xcb: {  	_ =	swait.ge [sflag:s9], $0x800  }
0xcc: {  	[sflag:s9] =	ssyncset.done $0x0  }
0xcd: {  	[sflag:s9] =	ssyncadd.s32 $0xFFFFF800  }
0xce: {  	[spmem:s2] =	stream.indirect.scatter.add.f32 [tilespmem:s12], [sflag:$0x1], $0x10, s10, s11, $0xb8;
	[tilespmem:$0x6000] =	vst v63  }
0xcf: {  	_ = 	snop  }
0xd0: {  	[spmem:s2] =	stream.indirect.scatter.add.f32 [tilespmem:s12], [sflag:$0x1], $0x10, s13, s11, $0xb8;
	[tilespmem:$0x6000] =	vst v63  }
0xd1: {  	_ = 	snop  }
0xd2: {  	[spmem:s2] =	stream.indirect.scatter.add.f32 [tilespmem:s12], [sflag:$0x1], $0x10, s14, s11, $0xb8;
	[tilespmem:$0x6000] =	vst v63  }
0xd3: {  	_ = 	snop  }
0xd4: {  	[spmem:s2] =	stream.indirect.scatter.add.f32 [tilespmem:s12], [sflag:$0x1], $0x10, s15, s11, $0xb8;
	[tilespmem:$0x6000] =	vst v63  }
0xd5: {  	_ = 	snop  }
0xd6: {  	[spmem:s2] =	stream.indirect.scatter.add.f32 [tilespmem:s12], [sflag:$0x1], $0x10, s16, s11, $0xb8;
	[tilespmem:$0x6000] =	vst v63  }
0xd7: {  	_ = 	snop  }
0xd8: {  	[spmem:s2] =	stream.indirect.scatter.add.f32 [tilespmem:s12], [sflag:$0x1], $0x10, s17, s11, $0xb8;
	[tilespmem:$0x6000] =	vst v63  }
0xd9: {  	_ = 	snop  }
0xda: {  	[spmem:s2] =	stream.indirect.scatter.add.f32 [tilespmem:s12], [sflag:$0x1], $0x10, s18, s11, $0xb8;
	[tilespmem:$0x6000] =	vst v63  }
0xdb: {  	_ = 	snop  }
0xdc: {  	[spmem:s2] =	stream.indirect.scatter.add.f32 [tilespmem:s12], [sflag:$0x1], $0x10, s19, s11, $0xb8;
	[tilespmem:$0x6000] =	vst v63  }
0xdd: {  	_ = 	snop  }
0xde: {  	[spmem:s2] =	stream.indirect.scatter.add.f32 [tilespmem:s12], [sflag:$0x1], $0x10, s20, s11, $0xb8;
	[tilespmem:$0x6000] =	vst v63  }
0xdf: {  	_ = 	snop  }
0xe0: {  	[spmem:s2] =	stream.indirect.scatter.add.f32 [tilespmem:s12], [sflag:$0x1], $0x10, s21, s11, $0xb8;
	[tilespmem:$0x6000] =	vst v63  }
0xe1: {  	_ = 	snop  }
0xe2: {  	[spmem:s2] =	stream.indirect.scatter.add.f32 [tilespmem:s12], [sflag:$0x1], $0x10, s22, s11, $0xb8;
	[tilespmem:$0x6000] =	vst v63  }
0xe3: {  	_ = 	snop  }
0xe4: {  	[spmem:s2] =	stream.indirect.scatter.add.f32 [tilespmem:s12], [sflag:$0x1], $0x10, s23, s11, $0xb8;
	[tilespmem:$0x6000] =	vst v63  }
0xe5: {  	_ = 	snop  }
0xe6: {  	[spmem:s2] =	stream.indirect.scatter.add.f32 [tilespmem:s12], [sflag:$0x1], $0x10, s24, s11, $0xb8;
	[tilespmem:$0x6000] =	vst v63  }
0xe7: {  	_ = 	snop  }
0xe8: {  	[spmem:s2] =	stream.indirect.scatter.add.f32 [tilespmem:s12], [sflag:$0x1], $0x10, s25, s11, $0xb8;
	[tilespmem:$0x6000] =	vst v63  }
0xe9: {  	_ = 	snop  }
0xea: {  	[spmem:s2] =	stream.indirect.scatter.add.f32 [tilespmem:s12], [sflag:$0x1], $0x10, s26, s11, $0xb8;
	[tilespmem:$0x6000] =	vst v63  }
0xeb: {  	_ = 	snop  }
0xec: {  	[spmem:s2] =	stream.indirect.scatter.add.f32 [tilespmem:s12], [sflag:$0x1], $0x10, s28, s11, $0xb8;
	[tilespmem:$0x6000] =	vst v63  }
0xed: {  	_ =	swait.ge [sflag:s29], $0x800  }
0xee: {  	[sflag:s29] =	ssyncset.done $0x0  }
0xef: {  	[sflag:s29] =	ssyncadd.s32 $0xFFFFF800  }
0xf0: {  	_ =	swait.ge [sflag:s29], $0x800  }
0xf1: {  	[sflag:s29] =	ssyncset.done $0x0  }
0xf2: {  	[sflag:s29] =	ssyncadd.s32 $0xFFFFF800  }
0xf3: {  	_ =	swait.ge [sflag:s29], $0x800  }
0xf4: {  	[sflag:s29] =	ssyncset.done $0x0  }
0xf5: {  	[sflag:s29] =	ssyncadd.s32 $0xFFFFF800  }
0xf6: {  	_ =	swait.ge [sflag:s29], $0x800  }
0xf7: {  	[sflag:s29] =	ssyncset.done $0x0  }
0xf8: {  	[sflag:s29] =	ssyncadd.s32 $0xFFFFF800  }
0xf9: {  	_ =	swait.ge [sflag:s29], $0x800  }
0xfa: {  	[sflag:s29] =	ssyncset.done $0x0  }
0xfb: {  	[sflag:s29] =	ssyncadd.s32 $0xFFFFF800  }
0xfc: {  	_ =	swait.ge [sflag:s29], $0x800  }
0xfd: {  	[sflag:s29] =	ssyncset.done $0x0  }
0xfe: {  	[sflag:s29] =	ssyncadd.s32 $0xFFFFF800  }
0xff: {  	_ =	swait.ge [sflag:s29], $0x800  }
0x100: {  	[sflag:s29] =	ssyncset.done $0x0  }
0x101: {  	[sflag:s29] =	ssyncadd.s32 $0xFFFFF800  }
0x102: {  	_ =	swait.ge [sflag:s29], $0x800  }
0x103: {  	[sflag:s29] =	ssyncset.done $0x0  }
0x104: {  	[sflag:s29] =	ssyncadd.s32 $0xFFFFF800  }
0x105: {  	_ =	swait.ge [sflag:s29], $0x800  }
0x106: {  	[sflag:s29] =	ssyncset.done $0x0  }
0x107: {  	[sflag:s29] =	ssyncadd.s32 $0xFFFFF800  }
0x108: {  	_ =	swait.ge [sflag:s29], $0x800  }
0x109: {  	[sflag:s29] =	ssyncset.done $0x0  }
0x10a: {  	[sflag:s29] =	ssyncadd.s32 $0xFFFFF800  }
0x10b: {  	_ =	swait.ge [sflag:s29], $0x800  }
0x10c: {  	[sflag:s29] =	ssyncset.done $0x0  }
0x10d: {  	[sflag:s29] =	ssyncadd.s32 $0xFFFFF800  }
0x10e: {  	_ =	swait.ge [sflag:s29], $0x800  }
0x10f: {  	[sflag:s29] =	ssyncset.done $0x0  }
0x110: {  	[sflag:s29] =	ssyncadd.s32 $0xFFFFF800  }
0x111: {  	_ =	swait.ge [sflag:s29], $0x800  }
0x112: {  	[sflag:s29] =	ssyncset.done $0x0  }
0x113: {  	[sflag:s29] =	ssyncadd.s32 $0xFFFFF800  }
0x114: {  	_ =	swait.ge [sflag:s29], $0x800  }
0x115: {  	[sflag:s29] =	ssyncset.done $0x0  }
0x116: {  	[sflag:s29] =	ssyncadd.s32 $0xFFFFF800  }
0x117: {  	_ =	swait.ge [sflag:s29], $0x800  }
0x118: {  	[sflag:s29] =	ssyncset.done $0x0  }
0x119: {  	[sflag:s29] =	ssyncadd.s32 $0xFFFFF800  }
0x11a: {  	_ =	swait.ge [sflag:s29], $0x800  }
0x11b: {  	[sflag:s29] =	ssyncset.done $0x0  }
0x11c: {  	[sflag:s29] =	ssyncadd.s32 $0xFFFFF800  }
0x11d: {  	[bflag:$0x0] =	sbarrier.arrive $0xFFFF  }
0x11e: {  	[tilespmem:s8], [sflag:$0x2] =	stream.linear.gather [spmem:s4], $0x2800, $0x38;
	[tilespmem:$0x6000] =	vst v63  }
0x11f: {  	s30 =	sadd.s32 $0x1, s30;
	_ =	swait.ge [sflag:s9], $0x2800  }
0x120: {  	p0 =	sne.s32 s30, s6;
	[sflag:s9] =	ssyncset.done $0x0  }
.Ltmp3:
0x121: {  	s31 =	rddreg [dreg:$0x3];
	[sflag:s9] =	ssyncadd.s32 $0xFFFFD800;
	(pc) =	sbr.rel @p0 .LBB2_1-.Ltmp3, $4  }
0x122: {  	[hbm4b:s31+s3] =	stream.linear.scatter [tilespmem:s8], [sflag:$0x2], $0x2800, $0x38;
	[tilespmem:$0x6000] =	vst v63  }
0x123: {  	_ =	swait.ge [sflag:s9], $0x2800  }
0x124: {  	[sflag:s9] =	ssyncset.done $0x0  }
0x125: {  	[sflag:s9] =	ssyncadd.s32 $0xFFFFD800  }
0x126: {  	_ =	sfence.sel $0x180000  }
0x127: {  	[bflag:$0x0] =	sbarrier.arrive $0xFFFF  }
0x128: {  	_ =	strace $0x90000047  }
0x129: {  	s0 =	stileid.u32;
	[bflag:$0x2] =	sbarrier.arrive $0xFFFF  }
0x12a: {  	p0 =	sne.s32 s0, $0x0;
	s0 =	rddreg [dreg:$0x2]  }
0x12b: {  	s0 =	sadd.s32 @!p0 $0x100000, s0  }
0x12c: {  	[sflag:s0] =	ssyncadd.tile.s32 @!p0 $0x1;
	_ =	shalt  }
.Lfunc_end2:
_tile_overlayer_lowered:
.L_overlay_start_2:
0x12d: {  	(tag) =	ssettag $0x2  }
0x12e: {  	s0 =	rddreg [dreg:$0x0];
	s2 =	stileid.u32  }
0x12f: {  	s1 =	rddreg [dreg:$0x1];
	p0 =	sne.s32 s2, $0x0  }
0x130: {  	s3 =	rddreg [dreg:$0x2];
	[bflag:$0x3] =	sbarrier.arrive $0xFFFF;
	s2 =	simm.s32 @!p0 $0x1C02  }
0x131: {  	[timem:s3], [sflag:s2] =	dma.local @!p0 [hbm:s0], s1  }
0x132: {  	s0 =	simm.s32 @!p0 $0x2  }
0x133: {  	_ =	swait.ge @!p0 [sflag:s0], s1  }
0x134: {  	s1 =	ssub.s32 @!p0 $0x0, s1;
	[sflag:s0] =	ssyncset.done @!p0 $0x0  }
0x135: {  	[sflag:s0] =	ssyncadd.s32 @!p0 s1  }
0x136: {  	[bflag:$0x3] =	sbarrier.arrive $0xFFFF  }
0x137: {  	_ =	shalt  }

// kernel: kernel.13.cloned.1.call-start
scs
__scs_entry_jumppad:
0x0: {  	(pc) =	sbr.rel $0x88, $3  }
0x1: {  	(tag) =	ssettag $0x0;
	lr =	simm.s32 $0x1  }
0x2: {  	[smem:$0x3F9B] =	sst lr;
	_ =	strace $0xD0000000  }
0x3: {  	_ = 	snop  }
0x4: {  	_ = 	snop  }
0x5: {  	_ = 	snop  }
0x6: {  	_ = 	snop  }
0x7: {  	_ = 	snop  }
__scs_overlays_trampoline_lowered:
0x8: {  	[smem:$0x3FAA] =	sst s0  }
0x9: {  	[smem:$0x3FAB] =	sst s1  }
0xa: {  	[smem:$0x3FAC] =	sst s2  }
0xb: {  	[smem:$0x3FAD] =	sst s3  }
0xc: {  	[smem:$0x3FAE] =	sst s4  }
0xd: {  	[smem:$0x3FAF] =	sst s5  }
0xe: {  	[smem:$0x3FB0] =	sst s6  }
0xf: {  	[smem:$0x3FB1] =	sst s7  }
0x10: {  	[smem:$0x3FB2] =	sst s8  }
0x11: {  	[smem:$0x3FB3] =	sst s9;
	s0 =	simm.s32 @!p0 $0x0  }
0x12: {  	s1 =	sld [smem:$0x3F99];
	s0 =	simm.s32 @p0 $0x1  }
0x13: {  	[smem:$0x3FB4] =	sst s0;
	s0 =	simm.s32 @!p1 $0x0  }
0x14: {  	s2 =	sld [smem:$0x3F98];
	s0 =	simm.s32 @p1 $0x1  }
0x15: {  	[smem:$0x3FB5] =	sst s0;
	s0 =	simm.s32 @!p2 $0x0  }
0x16: {  	s3 =	sld [smem:$0x3FDB];
	s0 =	simm.s32 @p2 $0x1  }
0x17: {  	s4 =	simm.s32 $0x1BF5;
	[smem:$0x3FB7] =	sst s0  }
0x18: {  	s0 =	sld [smem:$0x3F9A];
	_ =	swait.ge [sflag:s4], $0x0  }
0x19: {  	s7 =	sld [smem:$0x3F9B]  }
0x1a: {  	s8 =	sadd.s32 $0xFFFFE003, lr  }
0x1b: {  	s9 =	sadd.s32 $0xFFFFFEF7, lr;
	s5 =	simm.s32 $0xFFFFFFFF;
	p2 =	slt.u32 s8, $0xFFFFF086  }
0x1c: {  	p1 =	slt.u32 s9, $0xF7A;
	s5 =	simm.s32 @!p2 $0x0  }
0x1d: {  	s5 =	simm.s32 @p1 $0x1;
	p0 =	seq.s32 s7, s2  }
0x1e: {  	s7 =	smul.u32 @!p0 $0xF7A, s2;
	p2 =	seq.s32 @!p0 s5, $0x0  }
0x1f: {  	s9 =	smul.u32 $0xF7A, s1;
	s8 =	simm.s32 @!p0 $0x1BF5;
	p2 =	por !p2, p0  }
0x20: {  	[sflag:s8] =	ssyncset.s32 @!p0 $0xFFFFF086;
	s6 =	sadd.s32 @!p0 s3, s7;
	s7 =	simm.s32 @!p0 $0x108  }
0x21: {  	s3 =	sadd.s32 s3, s9;
	s6 =	sadd.s32 @!p0 $0x88, s6;
	s7 =	simm.s32 @p2 $0x1082  }
0x22: {  	[simem:s7], [sflag:s8] =	dma.local @!p0 [hbm:s6], $0xF7A  }
0x23: {  	s9 =	sor.u32 $0xD0000000, s2;
	s6 =	simm.s32 $0x108;
	_ =	swait.ge @!p0 [sflag:s8], $0x0  }
0x24: {  	s3 =	sadd.s32 $0x88, s3;
	s6 =	simm.s32 @!p1 $0x1082;
	[sflag:s4] =	ssyncset.s32 $0xFFFFF086  }
0x25: {  	[simem:s6], [sflag:s4] =	dma.local [hbm:s3], $0xF7A  }
0x26: {  	[smem:$0x3F9B] =	sst s1;
	(tag) =	ssettag s2;
	_ =	strace s9  }
0x27: {  	s1 =	sld [smem:$0x3FAB]  }
0x28: {  	s2 =	sld [smem:$0x3FAC]  }
0x29: {  	s4 =	sld [smem:$0x3FAE]  }
0x2a: {  	p0 =	seq.s32 s5, $0x0;
	s5 =	sld [smem:$0x3FAF]  }
0x2b: {  	s6 =	sld [smem:$0x3FB0]  }
0x2c: {  	s7 =	sld [smem:$0x3FB1]  }
0x2d: {  	s3 =	simm.s32 $0x108;
	s8 =	sld [smem:$0x3FB2]  }
0x2e: {  	s3 =	simm.s32 @!p0 $0x1082;
	s9 =	sld [smem:$0x3FB3]  }
0x2f: {  	lr =	sadd.s32 s0, s3;
	s0 =	sld [smem:$0x3FAA]  }
0x30: {  	s3 =	sld [smem:$0x3FAD]  }
0x31: {  	[smem:$0x3FB6] =	sst s10  }
0x32: {  	s10 =	sld [smem:$0x3FB4];
	_ =	sdelay $0x3  }
0x33: {  	p0 =	seq.s32 s10, $0x1;
	s10 =	sld [smem:$0x3FB6];
	_ =	sdelay $0x3  }
0x34: {  	[smem:$0x3FB6] =	sst s10  }
0x35: {  	s10 =	sld [smem:$0x3FB5];
	_ =	sdelay $0x3  }
0x36: {  	p1 =	seq.s32 s10, $0x1;
	s10 =	sld [smem:$0x3FB6];
	_ =	sdelay $0x3  }
0x37: {  	[smem:$0x3FB6] =	sst s10  }
0x38: {  	s10 =	sld [smem:$0x3FB7]  }
0x39: {  	_ = 	snop;
	(pc) =	sbr.ind lr, $3  }
0x3a: {  	_ = 	snop  }
0x3b: {  	_ = 	snop  }
0x3c: {  	p2 =	seq.s32 s10, $0x1;
	s10 =	sld [smem:$0x3FB6]  }
0x3d: {  	_ =	shalt  }
0x3e: {  	_ =	shalt  }
0x3f: {  	_ =	shalt  }
0x40: {  	_ =	shalt  }
0x41: {  	_ =	shalt  }
0x42: {  	_ =	shalt  }
0x43: {  	_ =	shalt  }
0x44: {  	_ =	shalt  }
0x45: {  	_ =	shalt  }
0x46: {  	_ =	shalt  }
0x47: {  	_ =	shalt  }
0x48: {  	_ =	shalt  }
0x49: {  	_ =	shalt  }
0x4a: {  	_ =	shalt  }
0x4b: {  	_ =	shalt  }
0x4c: {  	_ =	shalt  }
0x4d: {  	_ =	shalt  }
0x4e: {  	_ =	shalt  }
0x4f: {  	_ =	shalt  }
0x50: {  	_ =	shalt  }
0x51: {  	_ =	shalt  }
0x52: {  	_ =	shalt  }
0x53: {  	_ =	shalt  }
0x54: {  	_ =	shalt  }
0x55: {  	_ =	shalt  }
0x56: {  	_ =	shalt  }
0x57: {  	_ =	shalt  }
0x58: {  	_ =	shalt  }
0x59: {  	_ =	shalt  }
0x5a: {  	_ =	shalt  }
0x5b: {  	_ =	shalt  }
0x5c: {  	_ =	shalt  }
0x5d: {  	_ =	shalt  }
0x5e: {  	_ =	shalt  }
0x5f: {  	_ =	shalt  }
0x60: {  	_ =	shalt  }
0x61: {  	_ =	shalt  }
0x62: {  	_ =	shalt  }
0x63: {  	_ =	shalt  }
0x64: {  	_ =	shalt  }
0x65: {  	_ =	shalt  }
0x66: {  	_ =	shalt  }
0x67: {  	_ =	shalt  }
0x68: {  	_ =	shalt  }
0x69: {  	_ =	shalt  }
0x6a: {  	_ =	shalt  }
0x6b: {  	_ =	shalt  }
0x6c: {  	_ =	shalt  }
0x6d: {  	_ =	shalt  }
0x6e: {  	_ =	shalt  }
0x6f: {  	_ =	shalt  }
0x70: {  	_ =	shalt  }
0x71: {  	_ =	shalt  }
0x72: {  	_ =	shalt  }
0x73: {  	_ =	shalt  }
0x74: {  	_ =	shalt  }
0x75: {  	_ =	shalt  }
0x76: {  	_ =	shalt  }
0x77: {  	_ =	shalt  }
0x78: {  	_ =	shalt  }
0x79: {  	_ =	shalt  }
0x7a: {  	_ =	shalt  }
0x7b: {  	_ =	shalt  }
0x7c: {  	_ =	shalt  }
0x7d: {  	_ =	shalt  }
0x7e: {  	_ =	shalt  }
0x7f: {  	_ =	shalt  }
0x80: {  	_ =	shalt  }
0x81: {  	_ =	shalt  }
0x82: {  	_ =	shalt  }
0x83: {  	_ =	shalt  }
0x84: {  	_ =	shalt  }
0x85: {  	_ =	shalt  }
0x86: {  	_ =	shalt  }
0x87: {  	_ =	shalt  }
.Lfunc_end0:
.L_simem_size_0:
called_computation.1_lowered:
.L_overlay_start_0:
0x88: {  	s2 =	sld [smem:$0x3FD9]  }
0x89: {  	s3 =	sld [smem:$0x3FFE];
	_ =	sdelay $0x1  }
0x8a: {  	s1 =	srdreg.scid  }
0x8b: {  	s0 =	sand.u32 $0x1, s1  }
0x8c: {  	s16 =	sshll.u32 s0, $0xA;
	s2 =	sadd.s32 s3, s2  }
0x8d: {  	s2 =	sadd.s32 s2, s16  }
0x8e: {  	[smem:$0x3FC2] =	sst s2  }
0x8f: {  	_ = 	snop  }
0x90: {  	(tm) =	ssettm $0x1  }
0x91: {  	s17 =	sld [smem:$0x3FFB];
	_ =	sdelay $0x3  }
0x92: {  	_ =	strace s17  }
0x93: {  	s2 =	sld [smem:$0x3FFC];
	_ =	sdelay $0x3  }
0x94: {  	_ =	strace s2  }
0x95: {  	s2 =	sld [smem:$0x3FFD];
	_ =	sdelay $0x3  }
0x96: {  	_ =	strace s2  }
0x97: {  	_ =	strace $0x8FFFFFFF  }
0x98: {  	s18 =	sld [smem:$0x3FDB];
	_ =	sdelay $0x1  }
0x99: {  	s19 =	simm.s32 $_scs_section_size  }
0x9a: {  	s4 =	simm.s32 $_size__tile_overlayer_lowered;
	s5 =	simm.s32 $_tile_overlayer_lowered  }
0x9b: {  	s22 =	simm.s32 $0x1BFF;
	s21 =	sshll.u32 s5, $0x1;
	s2 =	sadd.s32 s19, s18  }
0x9c: {  	s6 =	simm.s32 $0x0;
	s20 =	sshll.u32 s4, $0x1;
	s4 =	sadd.s32 s21, s2  }
0x9d: {  	[timem:s6], [sflag:s22] =	dma.local [hbm:s4], s20  }
0x9e: {  	_ =	swait.ge [sflag:s22], s20  }
0x9f: {  	s3 =	ssub.s32 $0x0, s20;
	[sflag:s22] =	ssyncset.done $0x0  }
0xa0: {  	[sflag:s22] =	ssyncadd.s32 s3;
	_ =	sdelay $0x1  }
0xa1: {  	s23 =	simm.s32 $0x1B8B  }
0xa2: {  	_ =	swait.ge [sflag:s23], $0x1  }
0xa3: {  	[sflag:s23] =	ssyncset.done $0x0  }
0xa4: {  	s25 =	simm.s32 $0x1B8E;
	s24 =	sld [smem:$0x3FFE];
	[sflag:s23] =	ssyncadd.s32 $0xFFFFFFFF  }
0xa5: {  	s26 =	simm.s32 $execute0_lowered;
	[smem:$0x3FD2] =	sst s25  }
0xa6: {  	s4 =	sshll.u32 s26, $0x1;
	_ =	strace $0x80000049;
	[dreg:$0x1] =	wrdreg $0xFFFFFFFF  }
0xa7: {  	s28 =	simm.s32 $_size_execute0_lowered;
	s2 =	sadd.s32 s2, s4;
	[dreg:$0x0] =	wrdreg $0x0  }
0xa8: {  	s4 =	sshll.u32 s28, $0x1;
	[dreg:$0x2] =	wrdreg s2  }
0xa9: {  	[dreg:$0x3] =	wrdreg s4  }
0xaa: {  	[dreg:$0x4] =	wrdreg $0xC0  }
0xab: {  	_ =	task [dreg:s6], $0x5FFFF  }
0xac: {  	[dreg:$0x1] =	wrdreg $0xFFFFFFFF  }
0xad: {  	[dreg:$0x0] =	wrdreg $0x60  }
0xae: {  	[dreg:$0x2] =	wrdreg s24  }
0xaf: {  	[dreg:$0x3] =	wrdreg $0x50000  }
0xb0: {  	[dreg:$0x4] =	wrdreg $0xA0000  }
0xb1: {  	[dreg:$0x5] =	wrdreg $0x0  }
0xb2: {  	[dreg:$0x6] =	wrdreg $0x9  }
0xb3: {  	_ =	task.clear_ibuf [dreg:s6], $0x7FFFF;
	_ =	strace $0x90000049  }
0xb4: {  	s29 =	simm.s32 $0x9;
	_ =	strace $0x8000004B  }
0xb5: {  	_ =	swait.ge [sflag:s29], $0x1  }
0xb6: {  	[sflag:s29] =	ssyncadd.s32 $0xFFFFFFFF  }
0xb7: {  	_ =	strace $0x9000004B  }
0xb8: {  	_ =	sfence  }
0xb9: {  	s30 =	sld [smem:$0x0];
	_ =	sdelay $0x2  }
0xba: {  	s31 =	sshll.u32 s1, $0xD;
	s1 =	sshrl.u32 s1, $0x2  }
0xbb: {  	s3 =	sand.u32 $0x4000, s31;
	s1 =	sadd.s32 s1, s30  }
0xbc: {  	s0 =	sor.u32 s3, s0;
	s1 =	sshll.u32 s1, $0x11  }
0xbd: {  	s0 =	sor.u32 s1, s0  }
0xbe: {  	s0 =	sadd.s32 $0x8F2B, s0  }
0xbf: {  	[sflag:s0] =	ssyncadd.remote.s32 $0x1  }
0xc0: {  	_ =	sfence.sel $0xFFFF  }
0xc1: {  	[dreg:$0x0] =	wrdreg $0xFFFFFFFF;
	(pc) =	sbr.abs _section_cstart, $3  }
0xc2: {  	[dreg:$0x1] =	wrdreg $0xFFFFFFFF  }
0xc3: {  	_ =	task.clear_ibuf [dreg:s6], $0x2FFFF;
	_ =	strace $0x9FFFFFFF  }
0xc4: {  	(tm) =	ssettm $0x7FFFFFFF  }
0xc5: {  	_ =	shalt  }
tec
execute0_lowered:
.L_overlay_start_1:
0x0: {  	(tag) =	ssettag $0x1  }
0x1: {  	s0 =	rddreg [dreg:$0x0]  }
0x2: {  	s1 =	rddreg [dreg:$0x1]  }
0x3: {  	s2 =	rddreg [dreg:$0x2]  }
0x4: {  	s3 =	rddreg [dreg:$0x3];
	s4 =	simm.s32 $0x0;
	s14 =	srdreg.scid  }
0x5: {  	s11 =	stileid.u32;
	s29 =	simm.s32 $0x15800;
	s31 =	simm.s32 $0x16800  }
0x6: {  	s28 =	simm.s32 $0x8;
	[smem:$0x7FF] =	sst s4;
	s13 =	sadd.s32 $0x3400, s0  }
0x7: {  	s5 =	sadd.s32 $0x17400, s0;
	_ =	strace $0x8000004A;
	[dreg:$0x5] =	wrdreg s13  }
0x8: {  	s30 =	simm.s32 $0x9;
	s6 =	sadd.s32 $0x35400, s0;
	[dreg:$0x6] =	wrdreg s5  }
0x9: {  	s15 =	sadd.s32 $0x49400, s0;
	s7 =	sadd.s32 $0x21400, s0;
	[dreg:$0x7] =	wrdreg s6  }
0xa: {  	s4 =	sand.u32 $0x1, s14;
	s17 =	sadd.s32 $0xD400, s0;
	[dreg:$0x8] =	wrdreg s7  }
0xb: {  	s10 =	smul.u32 $0x280, s11;
	s18 =	sadd.s32 $0x5D400, s0;
	[dreg:$0x9] =	wrdreg s17  }
0xc: {  	s0 =	sadd.s32 $0x67400, s0;
	s8 =	smul.u32 $0x5000, s11;
	[dreg:$0xb] =	wrdreg s18  }
0xd: {  	s16 =	smul.u32 $0x2800, s4;
	[dreg:$0xc] =	wrdreg s0;
	s19 =	ssub.s32 $0x2, s4  }
0xe: {  	s4 =	smul.u32 $0x50000, s4;
	s7 =	simm.s32 $0xD;
	s20 =	sshrl.u32 s19, $0x1  }
0xf: {  	s22 =	sadd.s32 s8, s1;
	s24 =	sadd.s32 $0xA0, s10;
	[dreg:$0xa] =	wrdreg s10  }
0x10: {  	s25 =	sadd.s32 $0x140, s10;
	s26 =	sadd.s32 $0x1E0, s10;
	[dreg:$0xd] =	wrdreg s4  }
0x11: {  	s9 =	sadd.s32 s16, s10;
	s0 =	ssub.s32 s19, s20;
	[dreg:$0xf] =	wrdreg s22  }
0x12: {  	s12 =	sadd.s32 s16, s24;
	s13 =	sadd.s32 s16, s25;
	s6 =	sadd.s32 s16, s26  }
0x13: {  	s16 =	sadd.s32 s8, s3;
	s4 =	sshll.u32 s25, $0x5;
	s19 =	sshll.u32 s26, $0x5  }
0x14: {  	s26 =	smul.u32 $0xA0, s11;
	s11 =	simm.s32 $0xE;
	s21 =	sshll.u32 s9, $0x2  }
0x15: {  	s0 =	smax.u32 s0, $0x1;
	s9 =	sshll.u32 s12, $0x2;
	s10 =	sshll.u32 s13, $0x2  }
0x16: {  	s6 =	sshll.u32 s6, $0x2;
	s20 =	sadd.s32 s4, s1;
	s22 =	sadd.s32 s19, s1  }
0x17: {  	s12 =	simm.s32 $0x2;
	s13 =	simm.s32 $0x3;
	[dreg:$0xe] =	wrdreg s0  }
0x18: {  	s23 =	sadd.s32 s15, s21;
	s9 =	sadd.s32 s15, s9;
	[dreg:$0x17] =	wrdreg s20  }
0x19: {  	s14 =	sadd.s32 s15, s10;
	s5 =	sadd.s32 s15, s6;
	[dreg:$0x19] =	wrdreg s22  }
0x1a: {  	s15 =	sadd.s32 s8, s2;
	s0 =	sshll.u32 s24, $0x5;
	[dreg:$0x1f] =	wrdreg s26  }
0x1b: {  	s21 =	sadd.s32 s4, s2;
	s4 =	sadd.s32 s4, s3;
	[dreg:$0x10] =	wrdreg s23  }
0x1c: {  	s6 =	sadd.s32 s19, s3;
	s20 =	simm.s32 $0x11800;
	[dreg:$0x11] =	wrdreg s9  }
0x1d: {  	s22 =	simm.s32 $0x12800;
	s26 =	simm.s32 $0x14800;
	[dreg:$0x12] =	wrdreg s14  }
0x1e: {  	s10 =	simm.s32 $0x1;
	s8 =	simm.s32 $0xB;
	[dreg:$0x13] =	wrdreg s5  }
0x1f: {  	[dreg:$0x14] =	wrdreg s15;
	s17 =	sadd.s32 s0, s1;
	s18 =	sadd.s32 s0, s2  }
0x20: {  	s0 =	sadd.s32 s0, s3;
	[dreg:$0x18] =	wrdreg s21;
	s23 =	sadd.s32 s19, s2  }
0x21: {  	s5 =	sshrl.u32 s16, $0x3;
	s24 =	sshrl.u32 s4, $0x3;
	[dreg:$0x15] =	wrdreg s17  }
0x22: {  	s25 =	sshrl.u32 s6, $0x3;
	s19 =	simm.s32 $0x80;
	[dreg:$0x16] =	wrdreg s18  }
0x23: {  	s4 =	simm.s32 $0x17800;
	s9 =	simm.s32 $0x18800;
	[dreg:$0x1a] =	wrdreg s23  }
0x24: {  	s21 =	simm.s32 $0x5;
	s14 =	simm.s32 $0xF;
	[dreg:$0x1b] =	wrdreg s5  }
0x25: {  	s6 =	simm.s32 $0x10;
	s16 =	simm.s32 $0x0;
	[dreg:$0x1d] =	wrdreg s24  }
0x26: {  	s0 =	sshrl.u32 s0, $0x3;
	[dreg:$0x1e] =	wrdreg s25;
	s24 =	simm.s32 $0x13800  }
0x27: {  	s18 =	simm.s32 $0x4;
	s23 =	simm.s32 $0x6;
	s25 =	simm.s32 $0x7  }
0x28: {  	v0 =	vimm.f32 $0.0e+00;
	s5 =	simm.s32 $0xC;
	[dreg:$0x1c] =	wrdreg s0;
	s0 =	simm.s32 $0xA  }
.LBB2_1:
0x29: {  	[smem:$0x7FD] =	sst s16;
	s15 =	simm.s32 $0x80;
	s16 =	simm.s32 $0x0  }
.LBB2_2:
0x2a: {  	p0 =	sne.s32 s15, $0x4F80;
	[tilespmem:s16+$0x1AC00] =	vst v0;
	s17 =	smov.u32 s15;
	s15 =	sadd.s32 $0x80, s15  }
.Ltmp0:
0x2b: {  	[tilespmem:s16+$0x1AC10] =	vst v0;
	(pc) =	sbr.rel @p0 .LBB2_2-.Ltmp0, $2  }
0x2c: {  	_ =	sdelay $0x2  }
0x2d: {  	s16 =	sshra.s32 s17, $0x2  }
0x2e: {  	[tilespmem:s16+$0x1AC00] =	vst v0  }
0x2f: {  	[tilespmem:s16+$0x1AC10] =	vst v0;
	s15 =	rddreg [dreg:$0xf];
	s17 =	simm.s32 $0x1AC00;
	s16 =	simm.s32 $0x11  }
0x30: {  	[spmem:s15] =	stream.linear.scatter [tilespmem:s17], [sflag:$0x11], $0x1400, $0x38;
	[tilespmem:$0x1D400] =	vst v63  }
0x31: {  	_ =	swait.ge [sflag:s16], $0x1400  }
0x32: {  	[sflag:s16] =	ssyncset.done $0x0  }
0x33: {  	s15 =	rddreg [dreg:$0x14];
	[sflag:s16] =	ssyncadd.s32 $0xFFFFEC00  }
0x34: {  	[spmem:s15] =	stream.linear.scatter [tilespmem:s17], [sflag:$0x11], $0x1400, $0x38;
	[tilespmem:$0x1D400] =	vst v63  }
0x35: {  	_ =	swait.ge [sflag:s16], $0x1400  }
0x36: {  	[sflag:s16] =	ssyncset.done $0x0;
	s16 =	stileid.u32  }
0x37: {  	s16 =	sshll.u32 s16, $0x6  }
0x38: {  	s16 =	sor.u32 $0x1C11, s16  }
0x39: {  	[smem:$0x7FC] =	sst s16  }
0x3a: {  	s17 =	simm.s32 $0x11;
	s15 =	sld [smem:$0x7FC]  }
0x3b: {  	[sflag:s17] =	ssyncadd.s32 $0xFFFFEC00;
	s17 =	rddreg [dreg:$0x1b]  }
0x3c: {  	s16 =	rddreg [dreg:$0x10]  }
0x3d: {  	[spmem:s17], [sflag:s15] =	dma.local [hbm:s16], $0x280  }
0x3e: {  	s15 =	simm.s32 $0x11  }
0x3f: {  	_ =	swait.ge [sflag:s15], $0x280  }
0x40: {  	[sflag:s15] =	ssyncset.done $0x0  }
0x41: {  	s17 =	simm.s32 $0x1AC00;
	s16 =	rddreg [dreg:$0x15];
	[sflag:s15] =	ssyncadd.s32 $0xFFFFFD80  }
0x42: {  	[spmem:s16] =	stream.linear.scatter [tilespmem:s17], [sflag:$0x11], $0x1400, $0x38;
	[tilespmem:$0x1D400] =	vst v63  }
0x43: {  	_ =	swait.ge [sflag:s15], $0x1400  }
0x44: {  	[sflag:s15] =	ssyncset.done $0x0  }
0x45: {  	s16 =	rddreg [dreg:$0x16];
	[sflag:s15] =	ssyncadd.s32 $0xFFFFEC00  }
0x46: {  	[spmem:s16] =	stream.linear.scatter [tilespmem:s17], [sflag:$0x11], $0x1400, $0x38;
	[tilespmem:$0x1D400] =	vst v63  }
0x47: {  	_ =	swait.ge [sflag:s15], $0x1400  }
0x48: {  	[sflag:s15] =	ssyncset.done $0x0  }
0x49: {  	[sflag:s15] =	ssyncadd.s32 $0xFFFFEC00;
	s15 =	sld [smem:$0x7FC]  }
0x4a: {  	s16 =	rddreg [dreg:$0x11]  }
0x4b: {  	s17 =	rddreg [dreg:$0x1c]  }
0x4c: {  	[spmem:s17], [sflag:s15] =	dma.local [hbm:s16], $0x280  }
0x4d: {  	s15 =	simm.s32 $0x11  }
0x4e: {  	_ =	swait.ge [sflag:s15], $0x280  }
0x4f: {  	[sflag:s15] =	ssyncset.done $0x0  }
0x50: {  	s17 =	simm.s32 $0x1AC00;
	s16 =	rddreg [dreg:$0x17];
	[sflag:s15] =	ssyncadd.s32 $0xFFFFFD80  }
0x51: {  	[spmem:s16] =	stream.linear.scatter [tilespmem:s17], [sflag:$0x11], $0x1400, $0x38;
	[tilespmem:$0x1D400] =	vst v63  }
0x52: {  	_ =	swait.ge [sflag:s15], $0x1400  }
0x53: {  	[sflag:s15] =	ssyncset.done $0x0  }
0x54: {  	s16 =	rddreg [dreg:$0x18];
	[sflag:s15] =	ssyncadd.s32 $0xFFFFEC00  }
0x55: {  	[spmem:s16] =	stream.linear.scatter [tilespmem:s17], [sflag:$0x11], $0x1400, $0x38;
	[tilespmem:$0x1D400] =	vst v63  }
0x56: {  	_ =	swait.ge [sflag:s15], $0x1400  }
0x57: {  	[sflag:s15] =	ssyncset.done $0x0  }
0x58: {  	[sflag:s15] =	ssyncadd.s32 $0xFFFFEC00;
	s15 =	sld [smem:$0x7FC]  }
0x59: {  	s16 =	rddreg [dreg:$0x12]  }
0x5a: {  	s17 =	rddreg [dreg:$0x1d]  }
0x5b: {  	[spmem:s17], [sflag:s15] =	dma.local [hbm:s16], $0x280  }
0x5c: {  	s15 =	simm.s32 $0x11  }
0x5d: {  	_ =	swait.ge [sflag:s15], $0x280  }
0x5e: {  	[sflag:s15] =	ssyncset.done $0x0  }
0x5f: {  	s17 =	simm.s32 $0x1AC00;
	s16 =	rddreg [dreg:$0x19];
	[sflag:s15] =	ssyncadd.s32 $0xFFFFFD80  }
0x60: {  	[spmem:s16] =	stream.linear.scatter [tilespmem:s17], [sflag:$0x11], $0x1400, $0x38;
	[tilespmem:$0x1D400] =	vst v63  }
0x61: {  	_ =	swait.ge [sflag:s15], $0x1400  }
0x62: {  	[sflag:s15] =	ssyncset.done $0x0  }
0x63: {  	s16 =	rddreg [dreg:$0x1a];
	[sflag:s15] =	ssyncadd.s32 $0xFFFFEC00  }
0x64: {  	[spmem:s16] =	stream.linear.scatter [tilespmem:s17], [sflag:$0x11], $0x1400, $0x38;
	[tilespmem:$0x1D400] =	vst v63  }
0x65: {  	_ =	swait.ge [sflag:s15], $0x1400  }
0x66: {  	[sflag:s15] =	ssyncset.done $0x0  }
0x67: {  	[sflag:s15] =	ssyncadd.s32 $0xFFFFEC00;
	s15 =	sld [smem:$0x7FC]  }
0x68: {  	s16 =	rddreg [dreg:$0x13]  }
0x69: {  	s17 =	rddreg [dreg:$0x1e]  }
0x6a: {  	[spmem:s17], [sflag:s15] =	dma.local [hbm:s16], $0x280  }
0x6b: {  	s17 =	simm.s32 $0x11  }
0x6c: {  	_ =	swait.ge [sflag:s17], $0x280  }
0x6d: {  	[sflag:s17] =	ssyncset.done $0x0  }
0x6e: {  	[sflag:s17] =	ssyncadd.s32 $0xFFFFFD80  }
0x6f: {  	s15 =	simm.s32 $0x0;
	[bflag:$0x0] =	sbarrier.arrive $0xFFFF  }
.LBB2_4:
0x70: {  	s16 =	smul.u32 $0x28, s15  }
0x71: {  	s17 =	rddreg [dreg:$0x1f]  }
0x72: {  	[smem:$0x7FA] =	sst s15;
	s16 =	sadd.s32 s17, s16  }
0x73: {  	s15 =	simm.s32 $0x0;
	s17 =	rddreg [dreg:$0x5];
	s16 =	sshll.u32 s16, $0x4  }
0x74: {  	[smem:$0x7FB] =	sst s16;
	s17 =	sadd.s32 s17, s16;
	s16 =	simm.s32 $0xF000  }
0x75: {  	[tilespmem:s16], [sflag:$0x11] =	stream.linear.gather [hbm4b:s17+s15], $0x1400, $0x38;
	[tilespmem:$0x1D400] =	vst v63  }
0x76: {  	s17 =	simm.s32 $0x11  }
0x77: {  	_ =	swait.ge [sflag:s17], $0x1400  }
0x78: {  	[sflag:s17] =	ssyncset.done $0x0  }
0x79: {  	[sflag:s17] =	ssyncadd.s32 $0xFFFFEC00;
	s17 =	sld [smem:$0x7FB];
	_ =	sdelay $0x1  }
0x7a: {  	s16 =	rddreg [dreg:$0x6]  }
0x7b: {  	s15 =	simm.s32 $0x10400;
	s16 =	sadd.s32 s16, s17;
	s17 =	simm.s32 $0x0  }
0x7c: {  	[tilespmem:s15], [sflag:$0x11] =	stream.linear.gather [hbm4b:s16+s17], $0x1400, $0x38;
	[tilespmem:$0x1D400] =	vst v63  }
0x7d: {  	s16 =	simm.s32 $0x11  }
0x7e: {  	_ =	swait.ge [sflag:s16], $0x1400  }
0x7f: {  	[sflag:s16] =	ssyncset.done $0x0  }
0x80: {  	s17 =	simm.s32 $0xF000;
	[sflag:s16] =	ssyncadd.s32 $0xFFFFEC00  }
0x81: {  	[tilespmem:s20], [sflag:$0x1] =	stream.indirect.gather [spmem:s3], $0x20, s17, s19, $0xb8;
	[tilespmem:$0x1D400] =	vst v63  }
0x82: {  	s16 =	simm.s32 $0xF080  }
0x83: {  	[tilespmem:s22], [sflag:$0x2] =	stream.indirect.gather [spmem:s3], $0x20, s16, s19, $0xb8;
	[tilespmem:$0x1D400] =	vst v63  }
0x84: {  	s17 =	simm.s32 $0xF100  }
0x85: {  	[tilespmem:s24], [sflag:$0x3] =	stream.indirect.gather [spmem:s3], $0x20, s17, s19, $0xb8;
	[tilespmem:$0x1D400] =	vst v63  }
0x86: {  	s16 =	simm.s32 $0xF180  }
0x87: {  	[tilespmem:s26], [sflag:$0x4] =	stream.indirect.gather [spmem:s3], $0x20, s16, s19, $0xb8;
	[tilespmem:$0x1D400] =	vst v63  }
0x88: {  	s17 =	simm.s32 $0xF200  }
0x89: {  	[tilespmem:s29], [sflag:$0x5] =	stream.indirect.gather [spmem:s3], $0x20, s17, s19, $0xb8;
	[tilespmem:$0x1D400] =	vst v63  }
0x8a: {  	s16 =	simm.s32 $0xF280  }
0x8b: {  	[tilespmem:s31], [sflag:$0x6] =	stream.indirect.gather [spmem:s3], $0x20, s16, s19, $0xb8;
	[tilespmem:$0x1D400] =	vst v63  }
0x8c: {  	s17 =	simm.s32 $0xF300  }
0x8d: {  	[tilespmem:s4], [sflag:$0x7] =	stream.indirect.gather [spmem:s3], $0x20, s17, s19, $0xb8;
	[tilespmem:$0x1D400] =	vst v63  }
0x8e: {  	s16 =	simm.s32 $0xF380  }
0x8f: {  	[tilespmem:s9], [sflag:$0x8] =	stream.indirect.gather [spmem:s3], $0x20, s16, s19, $0xb8;
	[tilespmem:$0x1D400] =	vst v63  }
0x90: {  	_ =	swait.ge [sflag:s10], $0x1000  }
0x91: {  	[sflag:s10] =	ssyncset.done $0x0  }
0x92: {  	s17 =	simm.s32 $0x10400;
	[sflag:s10] =	ssyncadd.s32 $0xFFFFF000  }
0x93: {  	[spmem:s1] =	stream.indirect.scatter.add.f32 [tilespmem:s20], [sflag:$0x9], $0x20, s17, s19, $0xb8;
	[tilespmem:$0x1D400] =	vst v63  }
0x94: {  	_ =	swait.ge [sflag:s12], $0x1000  }
0x95: {  	[sflag:s12] =	ssyncset.done $0x0  }
0x96: {  	s15 =	simm.s32 $0x10480;
	[sflag:s12] =	ssyncadd.s32 $0xFFFFF000  }
0x97: {  	[spmem:s1] =	stream.indirect.scatter.add.f32 [tilespmem:s22], [sflag:$0xA], $0x20, s15, s19, $0xb8;
	[tilespmem:$0x1D400] =	vst v63  }
0x98: {  	_ =	swait.ge [sflag:s13], $0x1000  }
0x99: {  	[sflag:s13] =	ssyncset.done $0x0  }
0x9a: {  	s17 =	simm.s32 $0x10500;
	[sflag:s13] =	ssyncadd.s32 $0xFFFFF000  }
0x9b: {  	[spmem:s1] =	stream.indirect.scatter.add.f32 [tilespmem:s24], [sflag:$0xB], $0x20, s17, s19, $0xb8;
	[tilespmem:$0x1D400] =	vst v63  }
0x9c: {  	_ =	swait.ge [sflag:s18], $0x1000  }
0x9d: {  	[sflag:s18] =	ssyncset.done $0x0  }
0x9e: {  	s15 =	simm.s32 $0x10580;
	[sflag:s18] =	ssyncadd.s32 $0xFFFFF000  }
0x9f: {  	[spmem:s1] =	stream.indirect.scatter.add.f32 [tilespmem:s26], [sflag:$0xC], $0x20, s15, s19, $0xb8;
	[tilespmem:$0x1D400] =	vst v63  }
0xa0: {  	_ =	swait.ge [sflag:s21], $0x1000  }
0xa1: {  	[sflag:s21] =	ssyncset.done $0x0  }
0xa2: {  	s17 =	simm.s32 $0x10600;
	[sflag:s21] =	ssyncadd.s32 $0xFFFFF000  }
0xa3: {  	[spmem:s1] =	stream.indirect.scatter.add.f32 [tilespmem:s29], [sflag:$0xD], $0x20, s17, s19, $0xb8;
	[tilespmem:$0x1D400] =	vst v63  }
0xa4: {  	_ =	swait.ge [sflag:s23], $0x1000  }
0xa5: {  	[sflag:s23] =	ssyncset.done $0x0  }
0xa6: {  	s15 =	simm.s32 $0x10680;
	[sflag:s23] =	ssyncadd.s32 $0xFFFFF000  }
0xa7: {  	[spmem:s1] =	stream.indirect.scatter.add.f32 [tilespmem:s31], [sflag:$0xE], $0x20, s15, s19, $0xb8;
	[tilespmem:$0x1D400] =	vst v63  }
0xa8: {  	_ =	swait.ge [sflag:s25], $0x1000  }
0xa9: {  	[sflag:s25] =	ssyncset.done $0x0  }
0xaa: {  	s17 =	simm.s32 $0x10700;
	[sflag:s25] =	ssyncadd.s32 $0xFFFFF000  }
0xab: {  	[spmem:s1] =	stream.indirect.scatter.add.f32 [tilespmem:s4], [sflag:$0xF], $0x20, s17, s19, $0xb8;
	[tilespmem:$0x1D400] =	vst v63  }
0xac: {  	_ =	swait.ge [sflag:s28], $0x1000  }
0xad: {  	[sflag:s28] =	ssyncset.done $0x0  }
0xae: {  	s15 =	simm.s32 $0x10780;
	[sflag:s28] =	ssyncadd.s32 $0xFFFFF000  }
0xaf: {  	[spmem:s1] =	stream.indirect.scatter.add.f32 [tilespmem:s9], [sflag:$0x10], $0x20, s15, s19, $0xb8;
	[tilespmem:$0x1D400] =	vst v63  }
0xb0: {  	_ =	swait.ge [sflag:s30], $0x1000  }
0xb1: {  	[sflag:s30] =	ssyncset.done $0x0  }
0xb2: {  	s17 =	simm.s32 $0xF400;
	[sflag:s30] =	ssyncadd.s32 $0xFFFFF000  }
0xb3: {  	[tilespmem:s20], [sflag:$0x1] =	stream.indirect.gather [spmem:s3], $0x20, s17, s19, $0xb8;
	[tilespmem:$0x1D400] =	vst v63  }
0xb4: {  	_ =	swait.ge [sflag:s0], $0x1000  }
0xb5: {  	[sflag:s0] =	ssyncset.done $0x0  }
0xb6: {  	s15 =	simm.s32 $0xF480;
	[sflag:s0] =	ssyncadd.s32 $0xFFFFF000  }
0xb7: {  	[tilespmem:s22], [sflag:$0x2] =	stream.indirect.gather [spmem:s3], $0x20, s15, s19, $0xb8;
	[tilespmem:$0x1D400] =	vst v63  }
0xb8: {  	_ =	swait.ge [sflag:s8], $0x1000  }
0xb9: {  	[sflag:s8] =	ssyncset.done $0x0  }
0xba: {  	s17 =	simm.s32 $0xF500;
	[sflag:s8] =	ssyncadd.s32 $0xFFFFF000  }
0xbb: {  	[tilespmem:s24], [sflag:$0x3] =	stream.indirect.gather [spmem:s3], $0x20, s17, s19, $0xb8;
	[tilespmem:$0x1D400] =	vst v63  }
0xbc: {  	_ =	swait.ge [sflag:s5], $0x1000  }
0xbd: {  	[sflag:s5] =	ssyncset.done $0x0  }
0xbe: {  	s15 =	simm.s32 $0xF580;
	[sflag:s5] =	ssyncadd.s32 $0xFFFFF000  }
0xbf: {  	[tilespmem:s26], [sflag:$0x4] =	stream.indirect.gather [spmem:s3], $0x20, s15, s19, $0xb8;
	[tilespmem:$0x1D400] =	vst v63  }
0xc0: {  	_ =	swait.ge [sflag:s7], $0x1000  }
0xc1: {  	[sflag:s7] =	ssyncset.done $0x0  }
0xc2: {  	s17 =	simm.s32 $0xF600;
	[sflag:s7] =	ssyncadd.s32 $0xFFFFF000  }
0xc3: {  	[tilespmem:s29], [sflag:$0x5] =	stream.indirect.gather [spmem:s3], $0x20, s17, s19, $0xb8;
	[tilespmem:$0x1D400] =	vst v63  }
0xc4: {  	_ =	swait.ge [sflag:s11], $0x1000  }
0xc5: {  	[sflag:s11] =	ssyncset.done $0x0  }
0xc6: {  	s15 =	simm.s32 $0xF680;
	[sflag:s11] =	ssyncadd.s32 $0xFFFFF000  }
0xc7: {  	[tilespmem:s31], [sflag:$0x6] =	stream.indirect.gather [spmem:s3], $0x20, s15, s19, $0xb8;
	[tilespmem:$0x1D400] =	vst v63  }
0xc8: {  	_ =	swait.ge [sflag:s14], $0x1000  }
0xc9: {  	[sflag:s14] =	ssyncset.done $0x0  }
0xca: {  	s17 =	simm.s32 $0xF700;
	[sflag:s14] =	ssyncadd.s32 $0xFFFFF000  }
0xcb: {  	[tilespmem:s4], [sflag:$0x7] =	stream.indirect.gather [spmem:s3], $0x20, s17, s19, $0xb8;
	[tilespmem:$0x1D400] =	vst v63  }
0xcc: {  	_ =	swait.ge [sflag:s6], $0x1000  }
0xcd: {  	[sflag:s6] =	ssyncset.done $0x0  }
0xce: {  	s16 =	simm.s32 $0xF780;
	s17 =	simm.s32 $0x1000;
	[sflag:s6] =	ssyncadd.s32 $0xFFFFF000  }
.LBB2_5:
0xcf: {  	[tilespmem:s9], [sflag:$0x8] =	stream.indirect.gather [spmem:s3], $0x20, s16, s19, $0xb8;
	[tilespmem:$0x1D400] =	vst v63  }
0xd0: {  	s16 =	smov.u32 s17  }
0xd1: {  	p0 =	sne.s32 s17, $0x3000;
	s17 =	sadd.s32 $0x1000, s17;
	_ =	swait.ge [sflag:s10], $0x1000  }
0xd2: {  	s16 =	sshra.s32 s16, $0x2;
	[sflag:s10] =	ssyncset.done $0x0  }
0xd3: {  	s15 =	sadd.s32 $0x10400, s16;
	[sflag:s10] =	ssyncadd.s32 $0xFFFFF000  }
0xd4: {  	[spmem:s1] =	stream.indirect.scatter.add.f32 [tilespmem:s20], [sflag:$0x9], $0x20, s15, s19, $0xb8;
	[tilespmem:$0x1D400] =	vst v63  }
0xd5: {  	_ =	swait.ge [sflag:s12], $0x1000  }
0xd6: {  	[sflag:s12] =	ssyncset.done $0x0  }
0xd7: {  	s15 =	sadd.s32 $0x10480, s16;
	[sflag:s12] =	ssyncadd.s32 $0xFFFFF000  }
0xd8: {  	[spmem:s1] =	stream.indirect.scatter.add.f32 [tilespmem:s22], [sflag:$0xA], $0x20, s15, s19, $0xb8;
	[tilespmem:$0x1D400] =	vst v63  }
0xd9: {  	_ =	swait.ge [sflag:s13], $0x1000  }
0xda: {  	[sflag:s13] =	ssyncset.done $0x0  }
0xdb: {  	s15 =	sadd.s32 $0x10500, s16;
	[sflag:s13] =	ssyncadd.s32 $0xFFFFF000  }
0xdc: {  	[spmem:s1] =	stream.indirect.scatter.add.f32 [tilespmem:s24], [sflag:$0xB], $0x20, s15, s19, $0xb8;
	[tilespmem:$0x1D400] =	vst v63  }
0xdd: {  	_ =	swait.ge [sflag:s18], $0x1000  }
0xde: {  	[sflag:s18] =	ssyncset.done $0x0  }
0xdf: {  	s15 =	sadd.s32 $0x10580, s16;
	[sflag:s18] =	ssyncadd.s32 $0xFFFFF000  }
0xe0: {  	[spmem:s1] =	stream.indirect.scatter.add.f32 [tilespmem:s26], [sflag:$0xC], $0x20, s15, s19, $0xb8;
	[tilespmem:$0x1D400] =	vst v63  }
0xe1: {  	_ =	swait.ge [sflag:s21], $0x1000  }
0xe2: {  	[sflag:s21] =	ssyncset.done $0x0  }
0xe3: {  	s15 =	sadd.s32 $0x10600, s16;
	[sflag:s21] =	ssyncadd.s32 $0xFFFFF000  }
0xe4: {  	[spmem:s1] =	stream.indirect.scatter.add.f32 [tilespmem:s29], [sflag:$0xD], $0x20, s15, s19, $0xb8;
	[tilespmem:$0x1D400] =	vst v63  }
0xe5: {  	_ =	swait.ge [sflag:s23], $0x1000  }
0xe6: {  	[sflag:s23] =	ssyncset.done $0x0  }
0xe7: {  	s15 =	sadd.s32 $0x10680, s16;
	[sflag:s23] =	ssyncadd.s32 $0xFFFFF000  }
0xe8: {  	[spmem:s1] =	stream.indirect.scatter.add.f32 [tilespmem:s31], [sflag:$0xE], $0x20, s15, s19, $0xb8;
	[tilespmem:$0x1D400] =	vst v63  }
0xe9: {  	_ =	swait.ge [sflag:s25], $0x1000  }
0xea: {  	[sflag:s25] =	ssyncset.done $0x0  }
0xeb: {  	s15 =	sadd.s32 $0x10700, s16;
	[sflag:s25] =	ssyncadd.s32 $0xFFFFF000  }
0xec: {  	[spmem:s1] =	stream.indirect.scatter.add.f32 [tilespmem:s4], [sflag:$0xF], $0x20, s15, s19, $0xb8;
	[tilespmem:$0x1D400] =	vst v63  }
0xed: {  	_ =	swait.ge [sflag:s28], $0x1000  }
0xee: {  	[sflag:s28] =	ssyncset.done $0x0  }
0xef: {  	s15 =	sadd.s32 $0x10780, s16;
	[sflag:s28] =	ssyncadd.s32 $0xFFFFF000  }
0xf0: {  	[spmem:s1] =	stream.indirect.scatter.add.f32 [tilespmem:s9], [sflag:$0x10], $0x20, s15, s19, $0xb8;
	[tilespmem:$0x1D400] =	vst v63  }
0xf1: {  	_ =	swait.ge [sflag:s30], $0x1000  }
0xf2: {  	[sflag:s30] =	ssyncset.done $0x0  }
0xf3: {  	s15 =	sadd.s32 $0xF400, s16;
	[sflag:s30] =	ssyncadd.s32 $0xFFFFF000  }
0xf4: {  	[tilespmem:s20], [sflag:$0x1] =	stream.indirect.gather [spmem:s3], $0x20, s15, s19, $0xb8;
	[tilespmem:$0x1D400] =	vst v63  }
0xf5: {  	_ =	swait.ge [sflag:s0], $0x1000  }
0xf6: {  	[sflag:s0] =	ssyncset.done $0x0  }
0xf7: {  	s15 =	sadd.s32 $0xF480, s16;
	[sflag:s0] =	ssyncadd.s32 $0xFFFFF000  }
0xf8: {  	[tilespmem:s22], [sflag:$0x2] =	stream.indirect.gather [spmem:s3], $0x20, s15, s19, $0xb8;
	[tilespmem:$0x1D400] =	vst v63  }
0xf9: {  	_ =	swait.ge [sflag:s8], $0x1000  }
0xfa: {  	[sflag:s8] =	ssyncset.done $0x0  }
0xfb: {  	s15 =	sadd.s32 $0xF500, s16;
	[sflag:s8] =	ssyncadd.s32 $0xFFFFF000  }
0xfc: {  	[tilespmem:s24], [sflag:$0x3] =	stream.indirect.gather [spmem:s3], $0x20, s15, s19, $0xb8;
	[tilespmem:$0x1D400] =	vst v63  }
0xfd: {  	_ =	swait.ge [sflag:s5], $0x1000  }
0xfe: {  	[sflag:s5] =	ssyncset.done $0x0  }
0xff: {  	s15 =	sadd.s32 $0xF580, s16;
	[sflag:s5] =	ssyncadd.s32 $0xFFFFF000  }
0x100: {  	[tilespmem:s26], [sflag:$0x4] =	stream.indirect.gather [spmem:s3], $0x20, s15, s19, $0xb8;
	[tilespmem:$0x1D400] =	vst v63  }
0x101: {  	_ =	swait.ge [sflag:s7], $0x1000  }
0x102: {  	[sflag:s7] =	ssyncset.done $0x0  }
0x103: {  	s15 =	sadd.s32 $0xF600, s16;
	[sflag:s7] =	ssyncadd.s32 $0xFFFFF000  }
0x104: {  	[tilespmem:s29], [sflag:$0x5] =	stream.indirect.gather [spmem:s3], $0x20, s15, s19, $0xb8;
	[tilespmem:$0x1D400] =	vst v63  }
0x105: {  	_ =	swait.ge [sflag:s11], $0x1000  }
0x106: {  	[sflag:s11] =	ssyncset.done $0x0  }
0x107: {  	s15 =	sadd.s32 $0xF680, s16;
	[sflag:s11] =	ssyncadd.s32 $0xFFFFF000  }
0x108: {  	[tilespmem:s31], [sflag:$0x6] =	stream.indirect.gather [spmem:s3], $0x20, s15, s19, $0xb8;
	[tilespmem:$0x1D400] =	vst v63  }
0x109: {  	_ =	swait.ge [sflag:s14], $0x1000  }
0x10a: {  	[sflag:s14] =	ssyncset.done $0x0  }
.Ltmp1:
0x10b: {  	s15 =	sadd.s32 $0xF700, s16;
	[sflag:s14] =	ssyncadd.s32 $0xFFFFF000;
	(pc) =	sbr.rel @p0 .LBB2_5-.Ltmp1, $4  }
0x10c: {  	[tilespmem:s4], [sflag:$0x7] =	stream.indirect.gather [spmem:s3], $0x20, s15, s19, $0xb8;
	[tilespmem:$0x1D400] =	vst v63  }
0x10d: {  	_ =	swait.ge [sflag:s6], $0x1000  }
0x10e: {  	[sflag:s6] =	ssyncset.done $0x0  }
0x10f: {  	s16 =	sadd.s32 $0xF780, s16;
	[sflag:s6] =	ssyncadd.s32 $0xFFFFF000  }
0x110: {  	[tilespmem:s9], [sflag:$0x8] =	stream.indirect.gather [spmem:s3], $0x20, s16, s19, $0xb8;
	[tilespmem:$0x1D400] =	vst v63  }
0x111: {  	_ =	swait.ge [sflag:s10], $0x1000  }
0x112: {  	[sflag:s10] =	ssyncset.done $0x0  }
0x113: {  	s15 =	simm.s32 $0x11400;
	[sflag:s10] =	ssyncadd.s32 $0xFFFFF000  }
0x114: {  	[spmem:s1] =	stream.indirect.scatter.add.f32 [tilespmem:s20], [sflag:$0x9], $0x20, s15, s19, $0xb8;
	[tilespmem:$0x1D400] =	vst v63  }
0x115: {  	_ =	swait.ge [sflag:s12], $0x1000  }
0x116: {  	[sflag:s12] =	ssyncset.done $0x0  }
0x117: {  	s16 =	simm.s32 $0x11480;
	[sflag:s12] =	ssyncadd.s32 $0xFFFFF000  }
0x118: {  	[spmem:s1] =	stream.indirect.scatter.add.f32 [tilespmem:s22], [sflag:$0xA], $0x20, s16, s19, $0xb8;
	[tilespmem:$0x1D400] =	vst v63  }
0x119: {  	_ =	swait.ge [sflag:s13], $0x1000  }
0x11a: {  	[sflag:s13] =	ssyncset.done $0x0  }
0x11b: {  	s17 =	simm.s32 $0x11500;
	[sflag:s13] =	ssyncadd.s32 $0xFFFFF000  }
0x11c: {  	[spmem:s1] =	stream.indirect.scatter.add.f32 [tilespmem:s24], [sflag:$0xB], $0x20, s17, s19, $0xb8;
	[tilespmem:$0x1D400] =	vst v63  }
0x11d: {  	_ =	swait.ge [sflag:s18], $0x1000  }
0x11e: {  	[sflag:s18] =	ssyncset.done $0x0  }
0x11f: {  	s16 =	simm.s32 $0x11580;
	[sflag:s18] =	ssyncadd.s32 $0xFFFFF000  }
0x120: {  	[spmem:s1] =	stream.indirect.scatter.add.f32 [tilespmem:s26], [sflag:$0xC], $0x20, s16, s19, $0xb8;
	[tilespmem:$0x1D400] =	vst v63  }
0x121: {  	_ =	swait.ge [sflag:s21], $0x1000  }
0x122: {  	[sflag:s21] =	ssyncset.done $0x0  }
0x123: {  	s17 =	simm.s32 $0x11600;
	[sflag:s21] =	ssyncadd.s32 $0xFFFFF000  }
0x124: {  	[spmem:s1] =	stream.indirect.scatter.add.f32 [tilespmem:s29], [sflag:$0xD], $0x20, s17, s19, $0xb8;
	[tilespmem:$0x1D400] =	vst v63  }
0x125: {  	_ =	swait.ge [sflag:s23], $0x1000  }
0x126: {  	[sflag:s23] =	ssyncset.done $0x0  }
0x127: {  	s16 =	simm.s32 $0x11680;
	[sflag:s23] =	ssyncadd.s32 $0xFFFFF000  }
0x128: {  	[spmem:s1] =	stream.indirect.scatter.add.f32 [tilespmem:s31], [sflag:$0xE], $0x20, s16, s19, $0xb8;
	[tilespmem:$0x1D400] =	vst v63  }
0x129: {  	_ =	swait.ge [sflag:s25], $0x1000  }
0x12a: {  	[sflag:s25] =	ssyncset.done $0x0  }
0x12b: {  	s17 =	simm.s32 $0x11700;
	[sflag:s25] =	ssyncadd.s32 $0xFFFFF000  }
0x12c: {  	[spmem:s1] =	stream.indirect.scatter.add.f32 [tilespmem:s4], [sflag:$0xF], $0x20, s17, s19, $0xb8;
	[tilespmem:$0x1D400] =	vst v63  }
0x12d: {  	_ =	swait.ge [sflag:s28], $0x1000  }
0x12e: {  	[sflag:s28] =	ssyncset.done $0x0  }
0x12f: {  	s16 =	simm.s32 $0x11780;
	[sflag:s28] =	ssyncadd.s32 $0xFFFFF000  }
0x130: {  	[spmem:s1] =	stream.indirect.scatter.add.f32 [tilespmem:s9], [sflag:$0x10], $0x20, s16, s19, $0xb8;
	[tilespmem:$0x1D400] =	vst v63  }
0x131: {  	_ =	swait.ge [sflag:s30], $0x1000  }
0x132: {  	[sflag:s30] =	ssyncset.done $0x0  }
0x133: {  	[sflag:s30] =	ssyncadd.s32 $0xFFFFF000  }
0x134: {  	_ =	swait.ge [sflag:s0], $0x1000  }
0x135: {  	[sflag:s0] =	ssyncset.done $0x0  }
0x136: {  	[sflag:s0] =	ssyncadd.s32 $0xFFFFF000  }
0x137: {  	_ =	swait.ge [sflag:s8], $0x1000  }
0x138: {  	[sflag:s8] =	ssyncset.done $0x0  }
0x139: {  	[sflag:s8] =	ssyncadd.s32 $0xFFFFF000  }
0x13a: {  	_ =	swait.ge [sflag:s5], $0x1000  }
0x13b: {  	[sflag:s5] =	ssyncset.done $0x0  }
0x13c: {  	[sflag:s5] =	ssyncadd.s32 $0xFFFFF000  }
0x13d: {  	_ =	swait.ge [sflag:s7], $0x1000  }
0x13e: {  	[sflag:s7] =	ssyncset.done $0x0  }
0x13f: {  	[sflag:s7] =	ssyncadd.s32 $0xFFFFF000  }
0x140: {  	_ =	swait.ge [sflag:s11], $0x1000  }
0x141: {  	[sflag:s11] =	ssyncset.done $0x0  }
0x142: {  	[sflag:s11] =	ssyncadd.s32 $0xFFFFF000  }
0x143: {  	_ =	swait.ge [sflag:s14], $0x1000  }
0x144: {  	[sflag:s14] =	ssyncset.done $0x0  }
0x145: {  	[sflag:s14] =	ssyncadd.s32 $0xFFFFF000  }
0x146: {  	_ =	swait.ge [sflag:s6], $0x1000  }
0x147: {  	s17 =	sld [smem:$0x7FA];
	_ =	sdelay $0x2  }
0x148: {  	s15 =	sadd.s32 $0x1, s17  }
0x149: {  	p0 =	sne.s32 s15, $0x4  }
.Ltmp2:
0x14a: {  	_ = 	snop;
	(pc) =	sbr.rel @p0 .LBB2_4-.Ltmp2, $3  }
0x14b: {  	_ =	sdelay $0x1  }
0x14c: {  	[sflag:s6] =	ssyncset.done $0x0  }
0x14d: {  	[sflag:s6] =	ssyncadd.s32 $0xFFFFF000  }
0x14e: {  	[bflag:$0x0] =	sbarrier.arrive $0xFFFF;
	s15 =	simm.s32 $0x0;
	s17 =	simm.s32 $0x11  }
.LBB2_8:
0x14f: {  	[smem:$0x7F6] =	sst s15;
	s15 =	smul.u32 $0xA0, s15  }
0x150: {  	s16 =	rddreg [dreg:$0xa]  }
0x151: {  	s15 =	sadd.s32 s16, s15  }
0x152: {  	[smem:$0x7F9] =	sst s15;
	s15 =	sshll.u32 s15, $0x5  }
0x153: {  	[smem:$0x7F8] =	sst s15;
	s16 =	sadd.s32 s15, s1  }
0x154: {  	s15 =	simm.s32 $0x19800;
	[smem:$0x7F7] =	sst s16  }
0x155: {  	[tilespmem:s15], [sflag:$0x11] =	stream.linear.gather [spmem:s16], $0x1400, $0x38;
	[tilespmem:$0x1D400] =	vst v63  }
0x156: {  	_ =	swait.ge [sflag:s17], $0x1400  }
0x157: {  	s16 =	sld [smem:$0x7F8];
	_ =	sdelay $0x1  }
0x158: {  	s17 =	rddreg [dreg:$0xd]  }
0x159: {  	s15 =	sadd.s32 s17, s16;
	s17 =	simm.s32 $0x11  }
0x15a: {  	[sflag:s17] =	ssyncset.done $0x0  }
0x15b: {  	s16 =	sshrl.u32 s15, $0x3;
	s15 =	rddreg [dreg:$0x7];
	[sflag:s17] =	ssyncadd.s32 $0xFFFFEC00  }
0x15c: {  	s16 =	sadd.s32 s15, s16;
	s17 =	simm.s32 $0x1AC00;
	s15 =	simm.s32 $0x0  }
0x15d: {  	[tilespmem:s17], [sflag:$0x11] =	stream.linear.gather [hbm4b:s16+s15], $0x1400, $0x38;
	[tilespmem:$0x1D400] =	vst v63  }
0x15e: {  	s16 =	simm.s32 $0x11  }
0x15f: {  	_ =	swait.ge [sflag:s16], $0x1400  }
0x160: {  	s17 =	sld [smem:$0x7F9];
	_ =	sdelay $0x1  }
0x161: {  	[sflag:s16] =	ssyncset.done $0x0;
	s16 =	simm.s32 $0x11  }
0x162: {  	[sflag:s16] =	ssyncadd.s32 $0xFFFFEC00;
	s15 =	sshll.u32 s17, $0x2;
	s17 =	rddreg [dreg:$0x9]  }
0x163: {  	s16 =	simm.s32 $0x1C000;
	s15 =	sadd.s32 s17, s15;
	s17 =	simm.s32 $0x0  }
0x164: {  	[tilespmem:s16], [sflag:$0x11] =	stream.linear.gather [hbm4b:s15+s17], $0x1400, $0x38;
	[tilespmem:$0x1D400] =	vst v63  }
0x165: {  	s17 =	simm.s32 $0x11  }
0x166: {  	_ =	swait.ge [sflag:s17], $0x1400  }
0x167: {  	[sflag:s17] =	ssyncset.done $0x0  }
0x168: {  	s15 =	simm.s32 $0x0;
	[sflag:s17] =	ssyncadd.s32 $0xFFFFEC00  }
0x169: {  	v1 =	vld [tilespmem:s15+$0x1C000]  }
0x16a: {  	v2 =	vld [tilespmem:s15+$0x19800]  }
0x16b: {  	v3 =	vld [tilespmem:s15+$0x1C010]  }
0x16c: {  	v4 =	vld [tilespmem:s15+$0x19810]  }
0x16d: {  	v5 =	vld [tilespmem:s15+$0x1AC00]  }
0x16e: {  	v6 =	vld [tilespmem:s15+$0x1AC10];
	_ =	sdelay $0x1  }
0x16f: {  	s17 =	simm.s32 $0x20;
	v7 =	vmul.f32 v2, v1  }
0x170: {  	v1 =	vld [tilespmem:s17+$0x1C000];
	v8 =	vmul.f32 v4, v3  }
0x171: {  	v2 =	vld [tilespmem:s17+$0x19800];
	v4 =	vadd.f32 v7, v5  }
0x172: {  	s16 =	simm.s32 $0x100;
	v3 =	vld [tilespmem:s17+$0x1C010];
	v5 =	vadd.f32 v8, v6  }
.LBB2_9:
0x173: {  	p0 =	sne.s32 s16, $0x4F80;
	v6 =	vld [tilespmem:s17+$0x19810];
	[tilespmem:s15+$0x1AC00] =	vst v4  }
0x174: {  	v4 =	vld [tilespmem:s17+$0x1AC00];
	[tilespmem:s15+$0x1AC10] =	vst v5;
	s15 =	smov.u32 s17  }
0x175: {  	v5 =	vld [tilespmem:s15+$0x1AC10]  }
.Ltmp3:
0x176: {  	(pc) =	sbr.rel @p0 .LBB2_9-.Ltmp3, $4  }
0x177: {  	s17 =	sshra.s32 s16, $0x2;
	v7 =	vmul.f32 v2, v1  }
0x178: {  	v1 =	vld [tilespmem:s17+$0x1C000];
	v6 =	vmul.f32 v6, v3  }
0x179: {  	v2 =	vld [tilespmem:s17+$0x19800];
	v4 =	vadd.f32 v7, v4  }
0x17a: {  	s16 =	sadd.s32 $0x80, s16;
	v3 =	vld [tilespmem:s17+$0x1C010];
	v5 =	vadd.f32 v6, v5  }
0x17b: {  	v6 =	vld [tilespmem:s17+$0x19810];
	[tilespmem:s15+$0x1AC00] =	vst v4  }
0x17c: {  	v4 =	vld [tilespmem:s17+$0x1AC00];
	[tilespmem:s15+$0x1AC10] =	vst v5  }
0x17d: {  	v5 =	vld [tilespmem:s17+$0x1AC10];
	_ =	sdelay $0x1  }
0x17e: {  	v1 =	vmul.f32 v2, v1  }
0x17f: {  	v2 =	vmul.f32 v6, v3  }
0x180: {  	v1 =	vadd.f32 v1, v4  }
0x181: {  	v2 =	vadd.f32 v2, v5  }
0x182: {  	[tilespmem:s17+$0x1AC00] =	vst v1  }
0x183: {  	[tilespmem:s17+$0x1AC10] =	vst v2;
	s17 =	sld [smem:$0x7F7];
	_ =	sdelay $0x1  }
0x184: {  	s16 =	simm.s32 $0x1AC00  }
0x185: {  	[spmem:s17] =	stream.linear.scatter [tilespmem:s16], [sflag:$0x11], $0x1400, $0x38;
	[tilespmem:$0x1D400] =	vst v63  }
0x186: {  	s17 =	simm.s32 $0x11  }
0x187: {  	_ =	swait.ge [sflag:s17], $0x1400  }
0x188: {  	s16 =	sld [smem:$0x7F6];
	_ =	sdelay $0x2  }
0x189: {  	s15 =	sadd.s32 $0x1, s16  }
0x18a: {  	p0 =	sne.s32 s15, $0x4  }
.Ltmp4:
0x18b: {  	_ = 	snop;
	(pc) =	sbr.rel @p0 .LBB2_8-.Ltmp4, $3  }
0x18c: {  	_ =	sdelay $0x1  }
0x18d: {  	[sflag:s17] =	ssyncset.done $0x0  }
0x18e: {  	[sflag:s17] =	ssyncadd.s32 $0xFFFFEC00  }
0x18f: {  	[bflag:$0x0] =	sbarrier.arrive $0xFFFF;
	s15 =	simm.s32 $0x0  }
.LBB2_12:
0x190: {  	s16 =	smul.u32 $0x28, s15  }
0x191: {  	s17 =	rddreg [dreg:$0x1f]  }
0x192: {  	[smem:$0x7F4] =	sst s15;
	s16 =	sadd.s32 s17, s16  }
0x193: {  	s15 =	simm.s32 $0x0;
	s17 =	rddreg [dreg:$0x5];
	s16 =	sshll.u32 s16, $0x4  }
0x194: {  	[smem:$0x7F5] =	sst s16;
	s17 =	sadd.s32 s17, s16;
	s16 =	simm.s32 $0xF000  }
0x195: {  	[tilespmem:s16], [sflag:$0x11] =	stream.linear.gather [hbm4b:s17+s15], $0x1400, $0x38;
	[tilespmem:$0x1D400] =	vst v63  }
0x196: {  	s17 =	simm.s32 $0x11  }
0x197: {  	_ =	swait.ge [sflag:s17], $0x1400  }
0x198: {  	[sflag:s17] =	ssyncset.done $0x0  }
0x199: {  	[sflag:s17] =	ssyncadd.s32 $0xFFFFEC00;
	s17 =	sld [smem:$0x7F5];
	_ =	sdelay $0x1  }
0x19a: {  	s16 =	rddreg [dreg:$0x6]  }
0x19b: {  	s15 =	simm.s32 $0x10400;
	s16 =	sadd.s32 s16, s17;
	s17 =	simm.s32 $0x0  }
0x19c: {  	[tilespmem:s15], [sflag:$0x11] =	stream.linear.gather [hbm4b:s16+s17], $0x1400, $0x38;
	[tilespmem:$0x1D400] =	vst v63  }
0x19d: {  	s16 =	simm.s32 $0x11  }
0x19e: {  	_ =	swait.ge [sflag:s16], $0x1400  }
0x19f: {  	[sflag:s16] =	ssyncset.done $0x0  }
0x1a0: {  	s17 =	simm.s32 $0xF000;
	[sflag:s16] =	ssyncadd.s32 $0xFFFFEC00  }
0x1a1: {  	[tilespmem:s20], [sflag:$0x1] =	stream.indirect.gather [spmem:s1], $0x20, s17, s19, $0xb8;
	[tilespmem:$0x1D400] =	vst v63  }
0x1a2: {  	s16 =	simm.s32 $0xF080  }
0x1a3: {  	[tilespmem:s22], [sflag:$0x2] =	stream.indirect.gather [spmem:s1], $0x20, s16, s19, $0xb8;
	[tilespmem:$0x1D400] =	vst v63  }
0x1a4: {  	s17 =	simm.s32 $0xF100  }
0x1a5: {  	[tilespmem:s24], [sflag:$0x3] =	stream.indirect.gather [spmem:s1], $0x20, s17, s19, $0xb8;
	[tilespmem:$0x1D400] =	vst v63  }
0x1a6: {  	s16 =	simm.s32 $0xF180  }
0x1a7: {  	[tilespmem:s26], [sflag:$0x4] =	stream.indirect.gather [spmem:s1], $0x20, s16, s19, $0xb8;
	[tilespmem:$0x1D400] =	vst v63  }
0x1a8: {  	s17 =	simm.s32 $0xF200  }
0x1a9: {  	[tilespmem:s29], [sflag:$0x5] =	stream.indirect.gather [spmem:s1], $0x20, s17, s19, $0xb8;
	[tilespmem:$0x1D400] =	vst v63  }
0x1aa: {  	s16 =	simm.s32 $0xF280  }
0x1ab: {  	[tilespmem:s31], [sflag:$0x6] =	stream.indirect.gather [spmem:s1], $0x20, s16, s19, $0xb8;
	[tilespmem:$0x1D400] =	vst v63  }
0x1ac: {  	s17 =	simm.s32 $0xF300  }
0x1ad: {  	[tilespmem:s4], [sflag:$0x7] =	stream.indirect.gather [spmem:s1], $0x20, s17, s19, $0xb8;
	[tilespmem:$0x1D400] =	vst v63  }
0x1ae: {  	s16 =	simm.s32 $0xF380  }
0x1af: {  	[tilespmem:s9], [sflag:$0x8] =	stream.indirect.gather [spmem:s1], $0x20, s16, s19, $0xb8;
	[tilespmem:$0x1D400] =	vst v63  }
0x1b0: {  	_ =	swait.ge [sflag:s10], $0x1000  }
0x1b1: {  	[sflag:s10] =	ssyncset.done $0x0  }
0x1b2: {  	s17 =	simm.s32 $0x10400;
	[sflag:s10] =	ssyncadd.s32 $0xFFFFF000  }
0x1b3: {  	[spmem:s2] =	stream.indirect.scatter.add.f32 [tilespmem:s20], [sflag:$0x9], $0x20, s17, s19, $0xb8;
	[tilespmem:$0x1D400] =	vst v63  }
0x1b4: {  	_ =	swait.ge [sflag:s12], $0x1000  }
0x1b5: {  	[sflag:s12] =	ssyncset.done $0x0  }
0x1b6: {  	s15 =	simm.s32 $0x10480;
	[sflag:s12] =	ssyncadd.s32 $0xFFFFF000  }
0x1b7: {  	[spmem:s2] =	stream.indirect.scatter.add.f32 [tilespmem:s22], [sflag:$0xA], $0x20, s15, s19, $0xb8;
	[tilespmem:$0x1D400] =	vst v63  }
0x1b8: {  	_ =	swait.ge [sflag:s13], $0x1000  }
0x1b9: {  	[sflag:s13] =	ssyncset.done $0x0  }
0x1ba: {  	s17 =	simm.s32 $0x10500;
	[sflag:s13] =	ssyncadd.s32 $0xFFFFF000  }
0x1bb: {  	[spmem:s2] =	stream.indirect.scatter.add.f32 [tilespmem:s24], [sflag:$0xB], $0x20, s17, s19, $0xb8;
	[tilespmem:$0x1D400] =	vst v63  }
0x1bc: {  	_ =	swait.ge [sflag:s18], $0x1000  }
0x1bd: {  	[sflag:s18] =	ssyncset.done $0x0  }
0x1be: {  	s15 =	simm.s32 $0x10580;
	[sflag:s18] =	ssyncadd.s32 $0xFFFFF000  }
0x1bf: {  	[spmem:s2] =	stream.indirect.scatter.add.f32 [tilespmem:s26], [sflag:$0xC], $0x20, s15, s19, $0xb8;
	[tilespmem:$0x1D400] =	vst v63  }
0x1c0: {  	_ =	swait.ge [sflag:s21], $0x1000  }
0x1c1: {  	[sflag:s21] =	ssyncset.done $0x0  }
0x1c2: {  	s17 =	simm.s32 $0x10600;
	[sflag:s21] =	ssyncadd.s32 $0xFFFFF000  }
0x1c3: {  	[spmem:s2] =	stream.indirect.scatter.add.f32 [tilespmem:s29], [sflag:$0xD], $0x20, s17, s19, $0xb8;
	[tilespmem:$0x1D400] =	vst v63  }
0x1c4: {  	_ =	swait.ge [sflag:s23], $0x1000  }
0x1c5: {  	[sflag:s23] =	ssyncset.done $0x0  }
0x1c6: {  	s15 =	simm.s32 $0x10680;
	[sflag:s23] =	ssyncadd.s32 $0xFFFFF000  }
0x1c7: {  	[spmem:s2] =	stream.indirect.scatter.add.f32 [tilespmem:s31], [sflag:$0xE], $0x20, s15, s19, $0xb8;
	[tilespmem:$0x1D400] =	vst v63  }
0x1c8: {  	_ =	swait.ge [sflag:s25], $0x1000  }
0x1c9: {  	[sflag:s25] =	ssyncset.done $0x0  }
0x1ca: {  	s17 =	simm.s32 $0x10700;
	[sflag:s25] =	ssyncadd.s32 $0xFFFFF000  }
0x1cb: {  	[spmem:s2] =	stream.indirect.scatter.add.f32 [tilespmem:s4], [sflag:$0xF], $0x20, s17, s19, $0xb8;
	[tilespmem:$0x1D400] =	vst v63  }
0x1cc: {  	_ =	swait.ge [sflag:s28], $0x1000  }
0x1cd: {  	[sflag:s28] =	ssyncset.done $0x0  }
0x1ce: {  	s15 =	simm.s32 $0x10780;
	[sflag:s28] =	ssyncadd.s32 $0xFFFFF000  }
0x1cf: {  	[spmem:s2] =	stream.indirect.scatter.add.f32 [tilespmem:s9], [sflag:$0x10], $0x20, s15, s19, $0xb8;
	[tilespmem:$0x1D400] =	vst v63  }
0x1d0: {  	_ =	swait.ge [sflag:s30], $0x1000  }
0x1d1: {  	[sflag:s30] =	ssyncset.done $0x0  }
0x1d2: {  	s17 =	simm.s32 $0xF400;
	[sflag:s30] =	ssyncadd.s32 $0xFFFFF000  }
0x1d3: {  	[tilespmem:s20], [sflag:$0x1] =	stream.indirect.gather [spmem:s1], $0x20, s17, s19, $0xb8;
	[tilespmem:$0x1D400] =	vst v63  }
0x1d4: {  	_ =	swait.ge [sflag:s0], $0x1000  }
0x1d5: {  	[sflag:s0] =	ssyncset.done $0x0  }
0x1d6: {  	s15 =	simm.s32 $0xF480;
	[sflag:s0] =	ssyncadd.s32 $0xFFFFF000  }
0x1d7: {  	[tilespmem:s22], [sflag:$0x2] =	stream.indirect.gather [spmem:s1], $0x20, s15, s19, $0xb8;
	[tilespmem:$0x1D400] =	vst v63  }
0x1d8: {  	_ =	swait.ge [sflag:s8], $0x1000  }
0x1d9: {  	[sflag:s8] =	ssyncset.done $0x0  }
0x1da: {  	s17 =	simm.s32 $0xF500;
	[sflag:s8] =	ssyncadd.s32 $0xFFFFF000  }
0x1db: {  	[tilespmem:s24], [sflag:$0x3] =	stream.indirect.gather [spmem:s1], $0x20, s17, s19, $0xb8;
	[tilespmem:$0x1D400] =	vst v63  }
0x1dc: {  	_ =	swait.ge [sflag:s5], $0x1000  }
0x1dd: {  	[sflag:s5] =	ssyncset.done $0x0  }
0x1de: {  	s15 =	simm.s32 $0xF580;
	[sflag:s5] =	ssyncadd.s32 $0xFFFFF000  }
0x1df: {  	[tilespmem:s26], [sflag:$0x4] =	stream.indirect.gather [spmem:s1], $0x20, s15, s19, $0xb8;
	[tilespmem:$0x1D400] =	vst v63  }
0x1e0: {  	_ =	swait.ge [sflag:s7], $0x1000  }
0x1e1: {  	[sflag:s7] =	ssyncset.done $0x0  }
0x1e2: {  	s17 =	simm.s32 $0xF600;
	[sflag:s7] =	ssyncadd.s32 $0xFFFFF000  }
0x1e3: {  	[tilespmem:s29], [sflag:$0x5] =	stream.indirect.gather [spmem:s1], $0x20, s17, s19, $0xb8;
	[tilespmem:$0x1D400] =	vst v63  }
0x1e4: {  	_ =	swait.ge [sflag:s11], $0x1000  }
0x1e5: {  	[sflag:s11] =	ssyncset.done $0x0  }
0x1e6: {  	s15 =	simm.s32 $0xF680;
	[sflag:s11] =	ssyncadd.s32 $0xFFFFF000  }
0x1e7: {  	[tilespmem:s31], [sflag:$0x6] =	stream.indirect.gather [spmem:s1], $0x20, s15, s19, $0xb8;
	[tilespmem:$0x1D400] =	vst v63  }
0x1e8: {  	_ =	swait.ge [sflag:s14], $0x1000  }
0x1e9: {  	[sflag:s14] =	ssyncset.done $0x0  }
0x1ea: {  	s17 =	simm.s32 $0xF700;
	[sflag:s14] =	ssyncadd.s32 $0xFFFFF000  }
0x1eb: {  	[tilespmem:s4], [sflag:$0x7] =	stream.indirect.gather [spmem:s1], $0x20, s17, s19, $0xb8;
	[tilespmem:$0x1D400] =	vst v63  }
0x1ec: {  	_ =	swait.ge [sflag:s6], $0x1000  }
0x1ed: {  	[sflag:s6] =	ssyncset.done $0x0  }
0x1ee: {  	s16 =	simm.s32 $0xF780;
	s17 =	simm.s32 $0x1000;
	[sflag:s6] =	ssyncadd.s32 $0xFFFFF000  }
.LBB2_13:
0x1ef: {  	[tilespmem:s9], [sflag:$0x8] =	stream.indirect.gather [spmem:s1], $0x20, s16, s19, $0xb8;
	[tilespmem:$0x1D400] =	vst v63  }
0x1f0: {  	s16 =	smov.u32 s17  }
0x1f1: {  	p0 =	sne.s32 s17, $0x3000;
	s17 =	sadd.s32 $0x1000, s17;
	_ =	swait.ge [sflag:s10], $0x1000  }
0x1f2: {  	s16 =	sshra.s32 s16, $0x2;
	[sflag:s10] =	ssyncset.done $0x0  }
0x1f3: {  	s15 =	sadd.s32 $0x10400, s16;
	[sflag:s10] =	ssyncadd.s32 $0xFFFFF000  }
0x1f4: {  	[spmem:s2] =	stream.indirect.scatter.add.f32 [tilespmem:s20], [sflag:$0x9], $0x20, s15, s19, $0xb8;
	[tilespmem:$0x1D400] =	vst v63  }
0x1f5: {  	_ =	swait.ge [sflag:s12], $0x1000  }
0x1f6: {  	[sflag:s12] =	ssyncset.done $0x0  }
0x1f7: {  	s15 =	sadd.s32 $0x10480, s16;
	[sflag:s12] =	ssyncadd.s32 $0xFFFFF000  }
0x1f8: {  	[spmem:s2] =	stream.indirect.scatter.add.f32 [tilespmem:s22], [sflag:$0xA], $0x20, s15, s19, $0xb8;
	[tilespmem:$0x1D400] =	vst v63  }
0x1f9: {  	_ =	swait.ge [sflag:s13], $0x1000  }
0x1fa: {  	[sflag:s13] =	ssyncset.done $0x0  }
0x1fb: {  	s15 =	sadd.s32 $0x10500, s16;
	[sflag:s13] =	ssyncadd.s32 $0xFFFFF000  }
0x1fc: {  	[spmem:s2] =	stream.indirect.scatter.add.f32 [tilespmem:s24], [sflag:$0xB], $0x20, s15, s19, $0xb8;
	[tilespmem:$0x1D400] =	vst v63  }
0x1fd: {  	_ =	swait.ge [sflag:s18], $0x1000  }
0x1fe: {  	[sflag:s18] =	ssyncset.done $0x0  }
0x1ff: {  	s15 =	sadd.s32 $0x10580, s16;
	[sflag:s18] =	ssyncadd.s32 $0xFFFFF000  }
0x200: {  	[spmem:s2] =	stream.indirect.scatter.add.f32 [tilespmem:s26], [sflag:$0xC], $0x20, s15, s19, $0xb8;
	[tilespmem:$0x1D400] =	vst v63  }
0x201: {  	_ =	swait.ge [sflag:s21], $0x1000  }
0x202: {  	[sflag:s21] =	ssyncset.done $0x0  }
0x203: {  	s15 =	sadd.s32 $0x10600, s16;
	[sflag:s21] =	ssyncadd.s32 $0xFFFFF000  }
0x204: {  	[spmem:s2] =	stream.indirect.scatter.add.f32 [tilespmem:s29], [sflag:$0xD], $0x20, s15, s19, $0xb8;
	[tilespmem:$0x1D400] =	vst v63  }
0x205: {  	_ =	swait.ge [sflag:s23], $0x1000  }
0x206: {  	[sflag:s23] =	ssyncset.done $0x0  }
0x207: {  	s15 =	sadd.s32 $0x10680, s16;
	[sflag:s23] =	ssyncadd.s32 $0xFFFFF000  }
0x208: {  	[spmem:s2] =	stream.indirect.scatter.add.f32 [tilespmem:s31], [sflag:$0xE], $0x20, s15, s19, $0xb8;
	[tilespmem:$0x1D400] =	vst v63  }
0x209: {  	_ =	swait.ge [sflag:s25], $0x1000  }
0x20a: {  	[sflag:s25] =	ssyncset.done $0x0  }
0x20b: {  	s15 =	sadd.s32 $0x10700, s16;
	[sflag:s25] =	ssyncadd.s32 $0xFFFFF000  }
0x20c: {  	[spmem:s2] =	stream.indirect.scatter.add.f32 [tilespmem:s4], [sflag:$0xF], $0x20, s15, s19, $0xb8;
	[tilespmem:$0x1D400] =	vst v63  }
0x20d: {  	_ =	swait.ge [sflag:s28], $0x1000  }
0x20e: {  	[sflag:s28] =	ssyncset.done $0x0  }
0x20f: {  	s15 =	sadd.s32 $0x10780, s16;
	[sflag:s28] =	ssyncadd.s32 $0xFFFFF000  }
0x210: {  	[spmem:s2] =	stream.indirect.scatter.add.f32 [tilespmem:s9], [sflag:$0x10], $0x20, s15, s19, $0xb8;
	[tilespmem:$0x1D400] =	vst v63  }
0x211: {  	_ =	swait.ge [sflag:s30], $0x1000  }
0x212: {  	[sflag:s30] =	ssyncset.done $0x0  }
0x213: {  	s15 =	sadd.s32 $0xF400, s16;
	[sflag:s30] =	ssyncadd.s32 $0xFFFFF000  }
0x214: {  	[tilespmem:s20], [sflag:$0x1] =	stream.indirect.gather [spmem:s1], $0x20, s15, s19, $0xb8;
	[tilespmem:$0x1D400] =	vst v63  }
0x215: {  	_ =	swait.ge [sflag:s0], $0x1000  }
0x216: {  	[sflag:s0] =	ssyncset.done $0x0  }
0x217: {  	s15 =	sadd.s32 $0xF480, s16;
	[sflag:s0] =	ssyncadd.s32 $0xFFFFF000  }
0x218: {  	[tilespmem:s22], [sflag:$0x2] =	stream.indirect.gather [spmem:s1], $0x20, s15, s19, $0xb8;
	[tilespmem:$0x1D400] =	vst v63  }
0x219: {  	_ =	swait.ge [sflag:s8], $0x1000  }
0x21a: {  	[sflag:s8] =	ssyncset.done $0x0  }
0x21b: {  	s15 =	sadd.s32 $0xF500, s16;
	[sflag:s8] =	ssyncadd.s32 $0xFFFFF000  }
0x21c: {  	[tilespmem:s24], [sflag:$0x3] =	stream.indirect.gather [spmem:s1], $0x20, s15, s19, $0xb8;
	[tilespmem:$0x1D400] =	vst v63  }
0x21d: {  	_ =	swait.ge [sflag:s5], $0x1000  }
0x21e: {  	[sflag:s5] =	ssyncset.done $0x0  }
0x21f: {  	s15 =	sadd.s32 $0xF580, s16;
	[sflag:s5] =	ssyncadd.s32 $0xFFFFF000  }
0x220: {  	[tilespmem:s26], [sflag:$0x4] =	stream.indirect.gather [spmem:s1], $0x20, s15, s19, $0xb8;
	[tilespmem:$0x1D400] =	vst v63  }
0x221: {  	_ =	swait.ge [sflag:s7], $0x1000  }
0x222: {  	[sflag:s7] =	ssyncset.done $0x0  }
0x223: {  	s15 =	sadd.s32 $0xF600, s16;
	[sflag:s7] =	ssyncadd.s32 $0xFFFFF000  }
0x224: {  	[tilespmem:s29], [sflag:$0x5] =	stream.indirect.gather [spmem:s1], $0x20, s15, s19, $0xb8;
	[tilespmem:$0x1D400] =	vst v63  }
0x225: {  	_ =	swait.ge [sflag:s11], $0x1000  }
0x226: {  	[sflag:s11] =	ssyncset.done $0x0  }
0x227: {  	s15 =	sadd.s32 $0xF680, s16;
	[sflag:s11] =	ssyncadd.s32 $0xFFFFF000  }
0x228: {  	[tilespmem:s31], [sflag:$0x6] =	stream.indirect.gather [spmem:s1], $0x20, s15, s19, $0xb8;
	[tilespmem:$0x1D400] =	vst v63  }
0x229: {  	_ =	swait.ge [sflag:s14], $0x1000  }
0x22a: {  	[sflag:s14] =	ssyncset.done $0x0  }
.Ltmp5:
0x22b: {  	s15 =	sadd.s32 $0xF700, s16;
	[sflag:s14] =	ssyncadd.s32 $0xFFFFF000;
	(pc) =	sbr.rel @p0 .LBB2_13-.Ltmp5, $4  }
0x22c: {  	[tilespmem:s4], [sflag:$0x7] =	stream.indirect.gather [spmem:s1], $0x20, s15, s19, $0xb8;
	[tilespmem:$0x1D400] =	vst v63  }
0x22d: {  	_ =	swait.ge [sflag:s6], $0x1000  }
0x22e: {  	[sflag:s6] =	ssyncset.done $0x0  }
0x22f: {  	s16 =	sadd.s32 $0xF780, s16;
	[sflag:s6] =	ssyncadd.s32 $0xFFFFF000  }
0x230: {  	[tilespmem:s9], [sflag:$0x8] =	stream.indirect.gather [spmem:s1], $0x20, s16, s19, $0xb8;
	[tilespmem:$0x1D400] =	vst v63  }
0x231: {  	_ =	swait.ge [sflag:s10], $0x1000  }
0x232: {  	[sflag:s10] =	ssyncset.done $0x0  }
0x233: {  	s15 =	simm.s32 $0x11400;
	[sflag:s10] =	ssyncadd.s32 $0xFFFFF000  }
0x234: {  	[spmem:s2] =	stream.indirect.scatter.add.f32 [tilespmem:s20], [sflag:$0x9], $0x20, s15, s19, $0xb8;
	[tilespmem:$0x1D400] =	vst v63  }
0x235: {  	_ =	swait.ge [sflag:s12], $0x1000  }
0x236: {  	[sflag:s12] =	ssyncset.done $0x0  }
0x237: {  	s16 =	simm.s32 $0x11480;
	[sflag:s12] =	ssyncadd.s32 $0xFFFFF000  }
0x238: {  	[spmem:s2] =	stream.indirect.scatter.add.f32 [tilespmem:s22], [sflag:$0xA], $0x20, s16, s19, $0xb8;
	[tilespmem:$0x1D400] =	vst v63  }
0x239: {  	_ =	swait.ge [sflag:s13], $0x1000  }
0x23a: {  	[sflag:s13] =	ssyncset.done $0x0  }
0x23b: {  	s17 =	simm.s32 $0x11500;
	[sflag:s13] =	ssyncadd.s32 $0xFFFFF000  }
0x23c: {  	[spmem:s2] =	stream.indirect.scatter.add.f32 [tilespmem:s24], [sflag:$0xB], $0x20, s17, s19, $0xb8;
	[tilespmem:$0x1D400] =	vst v63  }
0x23d: {  	_ =	swait.ge [sflag:s18], $0x1000  }
0x23e: {  	[sflag:s18] =	ssyncset.done $0x0  }
0x23f: {  	s16 =	simm.s32 $0x11580;
	[sflag:s18] =	ssyncadd.s32 $0xFFFFF000  }
0x240: {  	[spmem:s2] =	stream.indirect.scatter.add.f32 [tilespmem:s26], [sflag:$0xC], $0x20, s16, s19, $0xb8;
	[tilespmem:$0x1D400] =	vst v63  }
0x241: {  	_ =	swait.ge [sflag:s21], $0x1000  }
0x242: {  	[sflag:s21] =	ssyncset.done $0x0  }
0x243: {  	s17 =	simm.s32 $0x11600;
	[sflag:s21] =	ssyncadd.s32 $0xFFFFF000  }
0x244: {  	[spmem:s2] =	stream.indirect.scatter.add.f32 [tilespmem:s29], [sflag:$0xD], $0x20, s17, s19, $0xb8;
	[tilespmem:$0x1D400] =	vst v63  }
0x245: {  	_ =	swait.ge [sflag:s23], $0x1000  }
0x246: {  	[sflag:s23] =	ssyncset.done $0x0  }
0x247: {  	s16 =	simm.s32 $0x11680;
	[sflag:s23] =	ssyncadd.s32 $0xFFFFF000  }
0x248: {  	[spmem:s2] =	stream.indirect.scatter.add.f32 [tilespmem:s31], [sflag:$0xE], $0x20, s16, s19, $0xb8;
	[tilespmem:$0x1D400] =	vst v63  }
0x249: {  	_ =	swait.ge [sflag:s25], $0x1000  }
0x24a: {  	[sflag:s25] =	ssyncset.done $0x0  }
0x24b: {  	s17 =	simm.s32 $0x11700;
	[sflag:s25] =	ssyncadd.s32 $0xFFFFF000  }
0x24c: {  	[spmem:s2] =	stream.indirect.scatter.add.f32 [tilespmem:s4], [sflag:$0xF], $0x20, s17, s19, $0xb8;
	[tilespmem:$0x1D400] =	vst v63  }
0x24d: {  	_ =	swait.ge [sflag:s28], $0x1000  }
0x24e: {  	[sflag:s28] =	ssyncset.done $0x0  }
0x24f: {  	s16 =	simm.s32 $0x11780;
	[sflag:s28] =	ssyncadd.s32 $0xFFFFF000  }
0x250: {  	[spmem:s2] =	stream.indirect.scatter.add.f32 [tilespmem:s9], [sflag:$0x10], $0x20, s16, s19, $0xb8;
	[tilespmem:$0x1D400] =	vst v63  }
0x251: {  	_ =	swait.ge [sflag:s30], $0x1000  }
0x252: {  	[sflag:s30] =	ssyncset.done $0x0  }
0x253: {  	[sflag:s30] =	ssyncadd.s32 $0xFFFFF000  }
0x254: {  	_ =	swait.ge [sflag:s0], $0x1000  }
0x255: {  	[sflag:s0] =	ssyncset.done $0x0  }
0x256: {  	[sflag:s0] =	ssyncadd.s32 $0xFFFFF000  }
0x257: {  	_ =	swait.ge [sflag:s8], $0x1000  }
0x258: {  	[sflag:s8] =	ssyncset.done $0x0  }
0x259: {  	[sflag:s8] =	ssyncadd.s32 $0xFFFFF000  }
0x25a: {  	_ =	swait.ge [sflag:s5], $0x1000  }
0x25b: {  	[sflag:s5] =	ssyncset.done $0x0  }
0x25c: {  	[sflag:s5] =	ssyncadd.s32 $0xFFFFF000  }
0x25d: {  	_ =	swait.ge [sflag:s7], $0x1000  }
0x25e: {  	[sflag:s7] =	ssyncset.done $0x0  }
0x25f: {  	[sflag:s7] =	ssyncadd.s32 $0xFFFFF000  }
0x260: {  	_ =	swait.ge [sflag:s11], $0x1000  }
0x261: {  	[sflag:s11] =	ssyncset.done $0x0  }
0x262: {  	[sflag:s11] =	ssyncadd.s32 $0xFFFFF000  }
0x263: {  	_ =	swait.ge [sflag:s14], $0x1000  }
0x264: {  	[sflag:s14] =	ssyncset.done $0x0  }
0x265: {  	[sflag:s14] =	ssyncadd.s32 $0xFFFFF000  }
0x266: {  	_ =	swait.ge [sflag:s6], $0x1000  }
0x267: {  	s17 =	sld [smem:$0x7F4];
	_ =	sdelay $0x2  }
0x268: {  	s15 =	sadd.s32 $0x1, s17  }
0x269: {  	p0 =	sne.s32 s15, $0x4  }
.Ltmp6:
0x26a: {  	_ = 	snop;
	(pc) =	sbr.rel @p0 .LBB2_12-.Ltmp6, $3  }
0x26b: {  	_ =	sdelay $0x1  }
0x26c: {  	[sflag:s6] =	ssyncset.done $0x0  }
0x26d: {  	[sflag:s6] =	ssyncadd.s32 $0xFFFFF000  }
0x26e: {  	[bflag:$0x0] =	sbarrier.arrive $0xFFFF;
	s15 =	simm.s32 $0x0  }
.LBB2_16:
0x26f: {  	s17 =	smul.u32 $0xA0, s15  }
0x270: {  	s16 =	rddreg [dreg:$0xa]  }
0x271: {  	[smem:$0x7F1] =	sst s15;
	s15 =	sadd.s32 s16, s17  }
0x272: {  	s16 =	sshll.u32 s15, $0x5  }
0x273: {  	[smem:$0x7F3] =	sst s15;
	s15 =	simm.s32 $0x19800;
	s17 =	sadd.s32 s16, s2  }
0x274: {  	[tilespmem:s15], [sflag:$0x11] =	stream.linear.gather [spmem:s17], $0x1400, $0x38;
	[tilespmem:$0x1D400] =	vst v63  }
0x275: {  	s17 =	simm.s32 $0x11  }
0x276: {  	_ =	swait.ge [sflag:s17], $0x1400  }
0x277: {  	s15 =	rddreg [dreg:$0xd]  }
0x278: {  	s16 =	sadd.s32 s15, s16;
	s15 =	simm.s32 $0x11  }
0x279: {  	s17 =	rddreg [dreg:$0x8];
	[sflag:s15] =	ssyncset.done $0x0;
	s16 =	sshrl.u32 s16, $0x3  }
0x27a: {  	[sflag:s15] =	ssyncadd.s32 $0xFFFFEC00;
	[smem:$0x7F2] =	sst s16  }
0x27b: {  	s16 =	sadd.s32 s17, s16;
	s15 =	simm.s32 $0x1AC00;
	s17 =	simm.s32 $0x0  }
0x27c: {  	[tilespmem:s15], [sflag:$0x11] =	stream.linear.gather [hbm4b:s16+s17], $0x1400, $0x38;
	[tilespmem:$0x1D400] =	vst v63  }
0x27d: {  	s16 =	simm.s32 $0x11  }
0x27e: {  	_ =	swait.ge [sflag:s16], $0x1400  }
0x27f: {  	s17 =	sld [smem:$0x7F3];
	_ =	sdelay $0x1  }
0x280: {  	[sflag:s16] =	ssyncset.done $0x0  }
0x281: {  	[sflag:s16] =	ssyncadd.s32 $0xFFFFEC00;
	s15 =	sshll.u32 s17, $0x2;
	s17 =	rddreg [dreg:$0xb]  }
0x282: {  	s16 =	simm.s32 $0x1C000;
	s15 =	sadd.s32 s17, s15;
	s17 =	simm.s32 $0x0  }
0x283: {  	[tilespmem:s16], [sflag:$0x11] =	stream.linear.gather [hbm4b:s15+s17], $0x1400, $0x38;
	[tilespmem:$0x1D400] =	vst v63  }
0x284: {  	s17 =	simm.s32 $0x11  }
0x285: {  	_ =	swait.ge [sflag:s17], $0x1400  }
0x286: {  	[sflag:s17] =	ssyncset.done $0x0  }
0x287: {  	s15 =	simm.s32 $0x0;
	[sflag:s17] =	ssyncadd.s32 $0xFFFFEC00  }
0x288: {  	v1 =	vld [tilespmem:s15+$0x1C000]  }
0x289: {  	v2 =	vld [tilespmem:s15+$0x19800]  }
0x28a: {  	v3 =	vld [tilespmem:s15+$0x1C010]  }
0x28b: {  	v4 =	vld [tilespmem:s15+$0x19810]  }
0x28c: {  	v5 =	vld [tilespmem:s15+$0x1AC00]  }
0x28d: {  	v6 =	vld [tilespmem:s15+$0x1AC10];
	_ =	sdelay $0x1  }
0x28e: {  	s17 =	simm.s32 $0x20;
	v7 =	vmul.f32 v2, v1  }
0x28f: {  	v1 =	vld [tilespmem:s17+$0x1C000];
	v8 =	vmul.f32 v4, v3  }
0x290: {  	v2 =	vld [tilespmem:s17+$0x19800];
	v4 =	vadd.f32 v7, v5  }
0x291: {  	s16 =	simm.s32 $0x100;
	v3 =	vld [tilespmem:s17+$0x1C010];
	v5 =	vadd.f32 v8, v6  }
.LBB2_17:
0x292: {  	p0 =	sne.s32 s16, $0x4F80;
	v6 =	vld [tilespmem:s17+$0x19810];
	[tilespmem:s15+$0x1AC00] =	vst v4  }
0x293: {  	v4 =	vld [tilespmem:s17+$0x1AC00];
	[tilespmem:s15+$0x1AC10] =	vst v5;
	s15 =	smov.u32 s17  }
0x294: {  	v5 =	vld [tilespmem:s15+$0x1AC10]  }
.Ltmp7:
0x295: {  	(pc) =	sbr.rel @p0 .LBB2_17-.Ltmp7, $4  }
0x296: {  	s17 =	sshra.s32 s16, $0x2;
	v7 =	vmul.f32 v2, v1  }
0x297: {  	v1 =	vld [tilespmem:s17+$0x1C000];
	v6 =	vmul.f32 v6, v3  }
0x298: {  	v2 =	vld [tilespmem:s17+$0x19800];
	v4 =	vadd.f32 v7, v4  }
0x299: {  	s16 =	sadd.s32 $0x80, s16;
	v3 =	vld [tilespmem:s17+$0x1C010];
	v5 =	vadd.f32 v6, v5  }
0x29a: {  	v6 =	vld [tilespmem:s17+$0x19810];
	[tilespmem:s15+$0x1AC00] =	vst v4  }
0x29b: {  	v4 =	vld [tilespmem:s17+$0x1AC00];
	[tilespmem:s15+$0x1AC10] =	vst v5  }
0x29c: {  	v5 =	vld [tilespmem:s17+$0x1AC10];
	_ =	sdelay $0x1  }
0x29d: {  	v1 =	vmul.f32 v2, v1  }
0x29e: {  	v2 =	vmul.f32 v6, v3  }
0x29f: {  	v1 =	vadd.f32 v1, v4  }
0x2a0: {  	s16 =	sld [smem:$0x7F2];
	v2 =	vadd.f32 v2, v5  }
0x2a1: {  	[tilespmem:s17+$0x1AC00] =	vst v1  }
0x2a2: {  	[tilespmem:s17+$0x1AC10] =	vst v2;
	s17 =	rddreg [dreg:$0xc]  }
0x2a3: {  	s15 =	sadd.s32 s17, s16;
	s16 =	simm.s32 $0x0;
	s17 =	simm.s32 $0x1AC00  }
0x2a4: {  	[hbm4b:s15+s16] =	stream.linear.scatter [tilespmem:s17], [sflag:$0x11], $0x1400, $0x38;
	[tilespmem:$0x1D400] =	vst v63  }
0x2a5: {  	s16 =	simm.s32 $0x11  }
0x2a6: {  	_ =	swait.ge [sflag:s16], $0x1400  }
0x2a7: {  	s17 =	sld [smem:$0x7F1];
	_ =	sdelay $0x2  }
0x2a8: {  	s15 =	sadd.s32 $0x1, s17  }
0x2a9: {  	p0 =	sne.s32 s15, $0x4  }
.Ltmp8:
0x2aa: {  	_ = 	snop;
	(pc) =	sbr.rel @p0 .LBB2_16-.Ltmp8, $3  }
0x2ab: {  	_ =	sdelay $0x1  }
0x2ac: {  	[sflag:s16] =	ssyncset.done $0x0  }
0x2ad: {  	[sflag:s16] =	ssyncadd.s32 $0xFFFFEC00  }
0x2ae: {  	s16 =	sld [smem:$0x7FD];
	_ =	sdelay $0x2  }
0x2af: {  	s15 =	rddreg [dreg:$0xe];
	s16 =	sadd.s32 $0x1, s16  }
0x2b0: {  	p0 =	sne.s32 s16, s15  }
.Ltmp9:
0x2b1: {  	_ = 	snop;
	(pc) =	sbr.rel @p0 .LBB2_1-.Ltmp9, $1  }
0x2b2: {  	_ =	sdelay $0x3  }
0x2b3: {  	_ =	sfence.sel $0x180000  }
0x2b4: {  	[bflag:$0x0] =	sbarrier.arrive $0xFFFF  }
0x2b5: {  	_ =	strace $0x9000004A  }
0x2b6: {  	s0 =	stileid.u32;
	[bflag:$0x2] =	sbarrier.arrive $0xFFFF  }
0x2b7: {  	p0 =	sne.s32 s0, $0x0;
	s0 =	rddreg [dreg:$0x4]  }
0x2b8: {  	s0 =	sadd.s32 @!p0 $0x100000, s0  }
0x2b9: {  	[sflag:s0] =	ssyncadd.tile.s32 @!p0 $0x1;
	_ =	shalt  }
.Lfunc_end2:
_tile_overlayer_lowered:
.L_overlay_start_2:
0x2ba: {  	(tag) =	ssettag $0x2  }
0x2bb: {  	s0 =	rddreg [dreg:$0x0];
	s2 =	stileid.u32  }
0x2bc: {  	s1 =	rddreg [dreg:$0x1];
	p0 =	sne.s32 s2, $0x0  }
0x2bd: {  	s3 =	rddreg [dreg:$0x2];
	[bflag:$0x3] =	sbarrier.arrive $0xFFFF;
	s2 =	simm.s32 @!p0 $0x1C11  }
0x2be: {  	[timem:s3], [sflag:s2] =	dma.local @!p0 [hbm:s0], s1  }
0x2bf: {  	s0 =	simm.s32 @!p0 $0x11  }
0x2c0: {  	_ =	swait.ge @!p0 [sflag:s0], s1  }
0x2c1: {  	s1 =	ssub.s32 @!p0 $0x0, s1;
	[sflag:s0] =	ssyncset.done @!p0 $0x0  }
0x2c2: {  	[sflag:s0] =	ssyncadd.s32 @!p0 s1  }
0x2c3: {  	[bflag:$0x3] =	sbarrier.arrive $0xFFFF  }
0x2c4: {  	_ =	shalt  }

// kernel: kernel.16.cloned.1.call-start
scs
__scs_entry_jumppad:
0x0: {  	(pc) =	sbr.rel $0x88, $3  }
0x1: {  	(tag) =	ssettag $0x0;
	lr =	simm.s32 $0x1  }
0x2: {  	[smem:$0x3F9B] =	sst lr;
	_ =	strace $0xD0000000  }
0x3: {  	_ = 	snop  }
0x4: {  	_ = 	snop  }
0x5: {  	_ = 	snop  }
0x6: {  	_ = 	snop  }
0x7: {  	_ = 	snop  }
__scs_overlays_trampoline_lowered:
0x8: {  	[smem:$0x3FAA] =	sst s0  }
0x9: {  	[smem:$0x3FAB] =	sst s1  }
0xa: {  	[smem:$0x3FAC] =	sst s2  }
0xb: {  	[smem:$0x3FAD] =	sst s3  }
0xc: {  	[smem:$0x3FAE] =	sst s4  }
0xd: {  	[smem:$0x3FAF] =	sst s5  }
0xe: {  	[smem:$0x3FB0] =	sst s6  }
0xf: {  	[smem:$0x3FB1] =	sst s7  }
0x10: {  	[smem:$0x3FB2] =	sst s8  }
0x11: {  	[smem:$0x3FB3] =	sst s9;
	s0 =	simm.s32 @!p0 $0x0  }
0x12: {  	s1 =	sld [smem:$0x3F99];
	s0 =	simm.s32 @p0 $0x1  }
0x13: {  	[smem:$0x3FB4] =	sst s0;
	s0 =	simm.s32 @!p1 $0x0  }
0x14: {  	s2 =	sld [smem:$0x3F98];
	s0 =	simm.s32 @p1 $0x1  }
0x15: {  	[smem:$0x3FB5] =	sst s0;
	s0 =	simm.s32 @!p2 $0x0  }
0x16: {  	s3 =	sld [smem:$0x3FDB];
	s0 =	simm.s32 @p2 $0x1  }
0x17: {  	s4 =	simm.s32 $0x1BF5;
	[smem:$0x3FB7] =	sst s0  }
0x18: {  	s0 =	sld [smem:$0x3F9A];
	_ =	swait.ge [sflag:s4], $0x0  }
0x19: {  	s7 =	sld [smem:$0x3F9B]  }
0x1a: {  	s8 =	sadd.s32 $0xFFFFE003, lr  }
0x1b: {  	s9 =	sadd.s32 $0xFFFFFEF7, lr;
	s5 =	simm.s32 $0xFFFFFFFF;
	p2 =	slt.u32 s8, $0xFFFFF086  }
0x1c: {  	p1 =	slt.u32 s9, $0xF7A;
	s5 =	simm.s32 @!p2 $0x0  }
0x1d: {  	s5 =	simm.s32 @p1 $0x1;
	p0 =	seq.s32 s7, s2  }
0x1e: {  	s7 =	smul.u32 @!p0 $0xF7A, s2;
	p2 =	seq.s32 @!p0 s5, $0x0  }
0x1f: {  	s9 =	smul.u32 $0xF7A, s1;
	s8 =	simm.s32 @!p0 $0x1BF5;
	p2 =	por !p2, p0  }
0x20: {  	[sflag:s8] =	ssyncset.s32 @!p0 $0xFFFFF086;
	s6 =	sadd.s32 @!p0 s3, s7;
	s7 =	simm.s32 @!p0 $0x108  }
0x21: {  	s3 =	sadd.s32 s3, s9;
	s6 =	sadd.s32 @!p0 $0x88, s6;
	s7 =	simm.s32 @p2 $0x1082  }
0x22: {  	[simem:s7], [sflag:s8] =	dma.local @!p0 [hbm:s6], $0xF7A  }
0x23: {  	s9 =	sor.u32 $0xD0000000, s2;
	s6 =	simm.s32 $0x108;
	_ =	swait.ge @!p0 [sflag:s8], $0x0  }
0x24: {  	s3 =	sadd.s32 $0x88, s3;
	s6 =	simm.s32 @!p1 $0x1082;
	[sflag:s4] =	ssyncset.s32 $0xFFFFF086  }
0x25: {  	[simem:s6], [sflag:s4] =	dma.local [hbm:s3], $0xF7A  }
0x26: {  	[smem:$0x3F9B] =	sst s1;
	(tag) =	ssettag s2;
	_ =	strace s9  }
0x27: {  	s1 =	sld [smem:$0x3FAB]  }
0x28: {  	s2 =	sld [smem:$0x3FAC]  }
0x29: {  	s4 =	sld [smem:$0x3FAE]  }
0x2a: {  	p0 =	seq.s32 s5, $0x0;
	s5 =	sld [smem:$0x3FAF]  }
0x2b: {  	s6 =	sld [smem:$0x3FB0]  }
0x2c: {  	s7 =	sld [smem:$0x3FB1]  }
0x2d: {  	s3 =	simm.s32 $0x108;
	s8 =	sld [smem:$0x3FB2]  }
0x2e: {  	s3 =	simm.s32 @!p0 $0x1082;
	s9 =	sld [smem:$0x3FB3]  }
0x2f: {  	lr =	sadd.s32 s0, s3;
	s0 =	sld [smem:$0x3FAA]  }
0x30: {  	s3 =	sld [smem:$0x3FAD]  }
0x31: {  	[smem:$0x3FB6] =	sst s10  }
0x32: {  	s10 =	sld [smem:$0x3FB4];
	_ =	sdelay $0x3  }
0x33: {  	p0 =	seq.s32 s10, $0x1;
	s10 =	sld [smem:$0x3FB6];
	_ =	sdelay $0x3  }
0x34: {  	[smem:$0x3FB6] =	sst s10  }
0x35: {  	s10 =	sld [smem:$0x3FB5];
	_ =	sdelay $0x3  }
0x36: {  	p1 =	seq.s32 s10, $0x1;
	s10 =	sld [smem:$0x3FB6];
	_ =	sdelay $0x3  }
0x37: {  	[smem:$0x3FB6] =	sst s10  }
0x38: {  	s10 =	sld [smem:$0x3FB7]  }
0x39: {  	_ = 	snop;
	(pc) =	sbr.ind lr, $3  }
0x3a: {  	_ = 	snop  }
0x3b: {  	_ = 	snop  }
0x3c: {  	p2 =	seq.s32 s10, $0x1;
	s10 =	sld [smem:$0x3FB6]  }
0x3d: {  	_ =	shalt  }
0x3e: {  	_ =	shalt  }
0x3f: {  	_ =	shalt  }
0x40: {  	_ =	shalt  }
0x41: {  	_ =	shalt  }
0x42: {  	_ =	shalt  }
0x43: {  	_ =	shalt  }
0x44: {  	_ =	shalt  }
0x45: {  	_ =	shalt  }
0x46: {  	_ =	shalt  }
0x47: {  	_ =	shalt  }
0x48: {  	_ =	shalt  }
0x49: {  	_ =	shalt  }
0x4a: {  	_ =	shalt  }
0x4b: {  	_ =	shalt  }
0x4c: {  	_ =	shalt  }
0x4d: {  	_ =	shalt  }
0x4e: {  	_ =	shalt  }
0x4f: {  	_ =	shalt  }
0x50: {  	_ =	shalt  }
0x51: {  	_ =	shalt  }
0x52: {  	_ =	shalt  }
0x53: {  	_ =	shalt  }
0x54: {  	_ =	shalt  }
0x55: {  	_ =	shalt  }
0x56: {  	_ =	shalt  }
0x57: {  	_ =	shalt  }
0x58: {  	_ =	shalt  }
0x59: {  	_ =	shalt  }
0x5a: {  	_ =	shalt  }
0x5b: {  	_ =	shalt  }
0x5c: {  	_ =	shalt  }
0x5d: {  	_ =	shalt  }
0x5e: {  	_ =	shalt  }
0x5f: {  	_ =	shalt  }
0x60: {  	_ =	shalt  }
0x61: {  	_ =	shalt  }
0x62: {  	_ =	shalt  }
0x63: {  	_ =	shalt  }
0x64: {  	_ =	shalt  }
0x65: {  	_ =	shalt  }
0x66: {  	_ =	shalt  }
0x67: {  	_ =	shalt  }
0x68: {  	_ =	shalt  }
0x69: {  	_ =	shalt  }
0x6a: {  	_ =	shalt  }
0x6b: {  	_ =	shalt  }
0x6c: {  	_ =	shalt  }
0x6d: {  	_ =	shalt  }
0x6e: {  	_ =	shalt  }
0x6f: {  	_ =	shalt  }
0x70: {  	_ =	shalt  }
0x71: {  	_ =	shalt  }
0x72: {  	_ =	shalt  }
0x73: {  	_ =	shalt  }
0x74: {  	_ =	shalt  }
0x75: {  	_ =	shalt  }
0x76: {  	_ =	shalt  }
0x77: {  	_ =	shalt  }
0x78: {  	_ =	shalt  }
0x79: {  	_ =	shalt  }
0x7a: {  	_ =	shalt  }
0x7b: {  	_ =	shalt  }
0x7c: {  	_ =	shalt  }
0x7d: {  	_ =	shalt  }
0x7e: {  	_ =	shalt  }
0x7f: {  	_ =	shalt  }
0x80: {  	_ =	shalt  }
0x81: {  	_ =	shalt  }
0x82: {  	_ =	shalt  }
0x83: {  	_ =	shalt  }
0x84: {  	_ =	shalt  }
0x85: {  	_ =	shalt  }
0x86: {  	_ =	shalt  }
0x87: {  	_ =	shalt  }
.Lfunc_end0:
.L_simem_size_0:
called_computation.2_lowered:
.L_overlay_start_0:
0x88: {  	s2 =	sld [smem:$0x3FD9]  }
0x89: {  	s3 =	sld [smem:$0x3FFE];
	_ =	sdelay $0x1  }
0x8a: {  	s1 =	srdreg.scid  }
0x8b: {  	s0 =	sand.u32 $0x1, s1  }
0x8c: {  	s16 =	sshll.u32 s0, $0xA;
	s2 =	sadd.s32 s3, s2  }
0x8d: {  	s2 =	sadd.s32 s2, s16  }
0x8e: {  	[smem:$0x3FC2] =	sst s2  }
0x8f: {  	_ = 	snop  }
0x90: {  	(tm) =	ssettm $0x1  }
0x91: {  	s17 =	sld [smem:$0x3FFB];
	_ =	sdelay $0x3  }
0x92: {  	_ =	strace s17  }
0x93: {  	s2 =	sld [smem:$0x3FFC];
	_ =	sdelay $0x3  }
0x94: {  	_ =	strace s2  }
0x95: {  	s2 =	sld [smem:$0x3FFD];
	_ =	sdelay $0x3  }
0x96: {  	_ =	strace s2  }
0x97: {  	_ =	strace $0x8FFFFFFF  }
0x98: {  	s18 =	sld [smem:$0x3FDB];
	_ =	sdelay $0x1  }
0x99: {  	s19 =	simm.s32 $_scs_section_size  }
0x9a: {  	s4 =	simm.s32 $_size__tile_overlayer_lowered;
	s5 =	simm.s32 $_tile_overlayer_lowered  }
0x9b: {  	s22 =	simm.s32 $0x1BFF;
	s21 =	sshll.u32 s5, $0x1;
	s2 =	sadd.s32 s19, s18  }
0x9c: {  	s6 =	simm.s32 $0x0;
	s20 =	sshll.u32 s4, $0x1;
	s4 =	sadd.s32 s21, s2  }
0x9d: {  	[timem:s6], [sflag:s22] =	dma.local [hbm:s4], s20  }
0x9e: {  	_ =	swait.ge [sflag:s22], s20  }
0x9f: {  	s3 =	ssub.s32 $0x0, s20;
	[sflag:s22] =	ssyncset.done $0x0  }
0xa0: {  	[sflag:s22] =	ssyncadd.s32 s3;
	_ =	sdelay $0x1  }
0xa1: {  	s23 =	simm.s32 $0x1B8B  }
0xa2: {  	_ =	swait.ge [sflag:s23], $0x1  }
0xa3: {  	[sflag:s23] =	ssyncset.done $0x0  }
0xa4: {  	s25 =	simm.s32 $0x1B8E;
	s24 =	sld [smem:$0x3FFE];
	[sflag:s23] =	ssyncadd.s32 $0xFFFFFFFF  }
0xa5: {  	s26 =	simm.s32 $execute0_lowered;
	[smem:$0x3FD2] =	sst s25  }
0xa6: {  	s4 =	sshll.u32 s26, $0x1;
	_ =	strace $0x8000004C;
	[dreg:$0x1] =	wrdreg $0xFFFFFFFF  }
0xa7: {  	s28 =	simm.s32 $_size_execute0_lowered;
	s2 =	sadd.s32 s2, s4;
	[dreg:$0x0] =	wrdreg $0x0  }
0xa8: {  	s4 =	sshll.u32 s28, $0x1;
	[dreg:$0x2] =	wrdreg s2  }
0xa9: {  	[dreg:$0x3] =	wrdreg s4  }
0xaa: {  	[dreg:$0x4] =	wrdreg $0xC0  }
0xab: {  	_ =	task [dreg:s6], $0x5FFFF  }
0xac: {  	[dreg:$0x1] =	wrdreg $0xFFFFFFFF  }
0xad: {  	[dreg:$0x0] =	wrdreg $0x60  }
0xae: {  	[dreg:$0x2] =	wrdreg s24  }
0xaf: {  	[dreg:$0x3] =	wrdreg $0x0  }
0xb0: {  	[dreg:$0x4] =	wrdreg $0x28000  }
0xb1: {  	[dreg:$0x5] =	wrdreg $0x9  }
0xb2: {  	_ =	task.clear_ibuf [dreg:s6], $0x6FFFF;
	_ =	strace $0x9000004C  }
0xb3: {  	s29 =	simm.s32 $0x9;
	_ =	strace $0x8000004E  }
0xb4: {  	_ =	swait.ge [sflag:s29], $0x1  }
0xb5: {  	[sflag:s29] =	ssyncadd.s32 $0xFFFFFFFF  }
0xb6: {  	_ =	strace $0x9000004E  }
0xb7: {  	_ =	sfence  }
0xb8: {  	s30 =	sld [smem:$0x0];
	_ =	sdelay $0x2  }
0xb9: {  	s31 =	sshll.u32 s1, $0xD;
	s1 =	sshrl.u32 s1, $0x2  }
0xba: {  	s3 =	sand.u32 $0x4000, s31;
	s1 =	sadd.s32 s1, s30  }
0xbb: {  	s0 =	sor.u32 s3, s0;
	s1 =	sshll.u32 s1, $0x11  }
0xbc: {  	s0 =	sor.u32 s1, s0  }
0xbd: {  	s0 =	sadd.s32 $0x8F2B, s0  }
0xbe: {  	[sflag:s0] =	ssyncadd.remote.s32 $0x1  }
0xbf: {  	_ =	sfence.sel $0xFFFF  }
0xc0: {  	[dreg:$0x0] =	wrdreg $0xFFFFFFFF;
	(pc) =	sbr.abs _section_cstart, $3  }
0xc1: {  	[dreg:$0x1] =	wrdreg $0xFFFFFFFF  }
0xc2: {  	_ =	task.clear_ibuf [dreg:s6], $0x2FFFF;
	_ =	strace $0x9FFFFFFF  }
0xc3: {  	(tm) =	ssettm $0x7FFFFFFF  }
tec
execute0_lowered:
.L_overlay_start_1:
0x0: {  	(tag) =	ssettag $0x1  }
0x1: {  	s0 =	srdreg.scid;
	s1 =	rddreg [dreg:$0x0]  }
0x2: {  	s9 =	stileid.u32;
	s2 =	rddreg [dreg:$0x1]  }
0x3: {  	s6 =	simm.s32 $0x0;
	s17 =	simm.s32 $0x80;
	s18 =	simm.s32 $0xA000  }
0x4: {  	s20 =	simm.s32 $0xA800;
	s29 =	simm.s32 $0xC800;
	s31 =	simm.s32 $0xD000  }
0x5: {  	s16 =	simm.s32 $0x2;
	s19 =	simm.s32 $0x3;
	s28 =	simm.s32 $0x7  }
0x6: {  	s30 =	simm.s32 $0x8;
	s15 =	simm.s32 $0xE;
	s10 =	simm.s32 $0xF  }
0x7: {  	s13 =	simm.s32 $0x10;
	s11 =	simm.s32 $0x0;
	s0 =	sand.u32 $0x1, s0  }
0x8: {  	s3 =	sshll.u32 s9, $0x1;
	s5 =	smul.u32 $0x2800, s9;
	[smem:$0x7FF] =	sst s6  }
0x9: {  	s25 =	sshll.u32 s9, $0x6;
	s9 =	simm.s32 $0xD;
	s4 =	sor.u32 s0, s3  }
0xa: {  	s3 =	rddreg [dreg:$0x2];
	s21 =	smul.u32 $0x28000, s0;
	_ =	strace $0x8000004D  }
0xb: {  	s0 =	ssub.s32 $0x2, s0;
	s4 =	smul.u32 $0x500, s4;
	s7 =	sshrl.u32 s5, $0x3  }
0xc: {  	s8 =	sshrl.u32 s0, $0x1;
	s22 =	sadd.s32 s5, s2;
	s6 =	sadd.s32 s5, s21  }
0xd: {  	s7 =	sadd.s32 s7, s1;
	s0 =	ssub.s32 s0, s8;
	[dreg:$0x4] =	wrdreg s22  }
0xe: {  	s5 =	sadd.s32 s5, s3;
	s22 =	simm.s32 $0xB000;
	s21 =	simm.s32 $0x4  }
0xf: {  	s8 =	simm.s32 $0xC;
	s4 =	sadd.s32 s4, s1;
	s6 =	sshrl.u32 s6, $0x3  }
0x10: {  	s23 =	sadd.s32 $0xD400, s7;
	s0 =	smax.u32 s0, $0x1;
	s26 =	sshrl.u32 s5, $0x3  }
0x11: {  	s7 =	simm.s32 $0xB;
	s1 =	sadd.s32 s6, s1;
	[dreg:$0x5] =	wrdreg s23  }
0x12: {  	s24 =	sadd.s32 $0x3400, s4;
	s4 =	sadd.s32 $0x17400, s4;
	[dreg:$0x9] =	wrdreg s0  }
0x13: {  	s0 =	sor.u32 $0x1C11, s25;
	[dreg:$0xb] =	wrdreg s26;
	s26 =	simm.s32 $0xC000  }
0x14: {  	s23 =	simm.s32 $0x5;
	s25 =	simm.s32 $0x6;
	[dreg:$0x6] =	wrdreg s24  }
0x15: {  	s6 =	simm.s32 $0xA;
	[dreg:$0x7] =	wrdreg s4;
	s1 =	sadd.s32 $0x49400, s1  }
0x16: {  	[dreg:$0xa] =	wrdreg s0;
	s24 =	simm.s32 $0xB800;
	s0 =	simm.s32 $0xD800  }
0x17: {  	v0 =	vimm.f32 $0.0e+00;
	s4 =	simm.s32 $0x1;
	[dreg:$0x8] =	wrdreg s1;
	s1 =	simm.s32 $0x9  }
.LBB2_1:
0x18: {  	[dreg:$0xc] =	wrdreg s11;
	s5 =	simm.s32 $0x40;
	s11 =	simm.s32 $0x0  }
.LBB2_2:
0x19: {  	p0 =	sne.s32 s5, $0x9FC0;
	[tilespmem:s11+$0xE000] =	vst v0;
	s11 =	smov.u32 s5;
	s5 =	sadd.s32 $0x40, s5  }
.Ltmp0:
0x1a: {  	(pc) =	sbr.rel @p0 .LBB2_2-.Ltmp0, $2  }
0x1b: {  	_ =	sdelay $0x2  }
0x1c: {  	s11 =	sshra.s32 s11, $0x2  }
0x1d: {  	[tilespmem:s11+$0xE000] =	vst v0;
	s14 =	rddreg [dreg:$0x4];
	s5 =	simm.s32 $0xE000;
	s12 =	simm.s32 $0x11  }
0x1e: {  	[spmem:s14] =	stream.linear.scatter [tilespmem:s5], [sflag:$0x11], $0x2800, $0x38;
	[tilespmem:$0x10800] =	vst v63  }
0x1f: {  	_ =	swait.ge [sflag:s12], $0x2800  }
0x20: {  	s5 =	rddreg [dreg:$0x5]  }
0x21: {  	[sflag:s12] =	ssyncset.done $0x0;
	s11 =	rddreg [dreg:$0xa]  }
0x22: {  	s14 =	rddreg [dreg:$0xb];
	[sflag:s12] =	ssyncadd.s32 $0xFFFFD800  }
0x23: {  	[spmem:s14], [sflag:s11] =	dma.local [hbm:s5], $0x500  }
0x24: {  	_ =	swait.ge [sflag:s12], $0x500  }
0x25: {  	[sflag:s12] =	ssyncset.done $0x0  }
0x26: {  	[sflag:s12] =	ssyncadd.s32 $0xFFFFFB00  }
0x27: {  	[bflag:$0x0] =	sbarrier.arrive $0xFFFF  }
0x28: {  	s5 =	simm.s32 $0x0;
	s14 =	simm.s32 $0x5000;
	s11 =	rddreg [dreg:$0x6]  }
0x29: {  	[tilespmem:s14], [sflag:$0x11] =	stream.linear.gather [hbm4b:s11+s5], $0x2800, $0x38;
	[tilespmem:$0x10800] =	vst v63  }
0x2a: {  	_ =	swait.ge [sflag:s12], $0x2800  }
0x2b: {  	[sflag:s12] =	ssyncset.done $0x0  }
0x2c: {  	s14 =	simm.s32 $0x7800;
	s11 =	rddreg [dreg:$0x7];
	[sflag:s12] =	ssyncadd.s32 $0xFFFFD800  }
0x2d: {  	[tilespmem:s14], [sflag:$0x11] =	stream.linear.gather [hbm4b:s11+s5], $0x2800, $0x38;
	[tilespmem:$0x10800] =	vst v63  }
0x2e: {  	_ =	swait.ge [sflag:s12], $0x2800  }
0x2f: {  	[sflag:s12] =	ssyncset.done $0x0  }
0x30: {  	[sflag:s12] =	ssyncadd.s32 $0xFFFFD800;
	s12 =	simm.s32 $0x5000  }
0x31: {  	[tilespmem:s18], [sflag:$0x1] =	stream.indirect.gather [spmem:s3], $0x10, s12, s17, $0xb8;
	[tilespmem:$0x10800] =	vst v63  }
0x32: {  	s14 =	simm.s32 $0x5080  }
0x33: {  	[tilespmem:s20], [sflag:$0x2] =	stream.indirect.gather [spmem:s3], $0x10, s14, s17, $0xb8;
	[tilespmem:$0x10800] =	vst v63  }
0x34: {  	s11 =	simm.s32 $0x5100  }
0x35: {  	[tilespmem:s22], [sflag:$0x3] =	stream.indirect.gather [spmem:s3], $0x10, s11, s17, $0xb8;
	[tilespmem:$0x10800] =	vst v63  }
0x36: {  	s12 =	simm.s32 $0x5180  }
0x37: {  	[tilespmem:s24], [sflag:$0x4] =	stream.indirect.gather [spmem:s3], $0x10, s12, s17, $0xb8;
	[tilespmem:$0x10800] =	vst v63  }
0x38: {  	s14 =	simm.s32 $0x5200  }
0x39: {  	[tilespmem:s26], [sflag:$0x5] =	stream.indirect.gather [spmem:s3], $0x10, s14, s17, $0xb8;
	[tilespmem:$0x10800] =	vst v63  }
0x3a: {  	s11 =	simm.s32 $0x5280  }
0x3b: {  	[tilespmem:s29], [sflag:$0x6] =	stream.indirect.gather [spmem:s3], $0x10, s11, s17, $0xb8;
	[tilespmem:$0x10800] =	vst v63  }
0x3c: {  	s12 =	simm.s32 $0x5300  }
0x3d: {  	[tilespmem:s31], [sflag:$0x7] =	stream.indirect.gather [spmem:s3], $0x10, s12, s17, $0xb8;
	[tilespmem:$0x10800] =	vst v63  }
0x3e: {  	s14 =	simm.s32 $0x5380  }
0x3f: {  	[tilespmem:s0], [sflag:$0x8] =	stream.indirect.gather [spmem:s3], $0x10, s14, s17, $0xb8;
	[tilespmem:$0x10800] =	vst v63  }
0x40: {  	_ =	swait.ge [sflag:s4], $0x800  }
0x41: {  	[sflag:s4] =	ssyncset.done $0x0  }
0x42: {  	s11 =	simm.s32 $0x7800;
	[sflag:s4] =	ssyncadd.s32 $0xFFFFF800  }
0x43: {  	[spmem:s2] =	stream.indirect.scatter.add.f32 [tilespmem:s18], [sflag:$0x9], $0x10, s11, s17, $0xb8;
	[tilespmem:$0x10800] =	vst v63  }
0x44: {  	_ =	swait.ge [sflag:s16], $0x800  }
0x45: {  	[sflag:s16] =	ssyncset.done $0x0  }
0x46: {  	s12 =	simm.s32 $0x7880;
	[sflag:s16] =	ssyncadd.s32 $0xFFFFF800  }
0x47: {  	[spmem:s2] =	stream.indirect.scatter.add.f32 [tilespmem:s20], [sflag:$0xA], $0x10, s12, s17, $0xb8;
	[tilespmem:$0x10800] =	vst v63  }
0x48: {  	_ =	swait.ge [sflag:s19], $0x800  }
0x49: {  	[sflag:s19] =	ssyncset.done $0x0  }
0x4a: {  	s14 =	simm.s32 $0x7900;
	[sflag:s19] =	ssyncadd.s32 $0xFFFFF800  }
0x4b: {  	[spmem:s2] =	stream.indirect.scatter.add.f32 [tilespmem:s22], [sflag:$0xB], $0x10, s14, s17, $0xb8;
	[tilespmem:$0x10800] =	vst v63  }
0x4c: {  	_ =	swait.ge [sflag:s21], $0x800  }
0x4d: {  	[sflag:s21] =	ssyncset.done $0x0  }
0x4e: {  	s11 =	simm.s32 $0x7980;
	[sflag:s21] =	ssyncadd.s32 $0xFFFFF800  }
0x4f: {  	[spmem:s2] =	stream.indirect.scatter.add.f32 [tilespmem:s24], [sflag:$0xC], $0x10, s11, s17, $0xb8;
	[tilespmem:$0x10800] =	vst v63  }
0x50: {  	_ =	swait.ge [sflag:s23], $0x800  }
0x51: {  	[sflag:s23] =	ssyncset.done $0x0  }
0x52: {  	s12 =	simm.s32 $0x7A00;
	[sflag:s23] =	ssyncadd.s32 $0xFFFFF800  }
0x53: {  	[spmem:s2] =	stream.indirect.scatter.add.f32 [tilespmem:s26], [sflag:$0xD], $0x10, s12, s17, $0xb8;
	[tilespmem:$0x10800] =	vst v63  }
0x54: {  	_ =	swait.ge [sflag:s25], $0x800  }
0x55: {  	[sflag:s25] =	ssyncset.done $0x0  }
0x56: {  	s14 =	simm.s32 $0x7A80;
	[sflag:s25] =	ssyncadd.s32 $0xFFFFF800  }
0x57: {  	[spmem:s2] =	stream.indirect.scatter.add.f32 [tilespmem:s29], [sflag:$0xE], $0x10, s14, s17, $0xb8;
	[tilespmem:$0x10800] =	vst v63  }
0x58: {  	_ =	swait.ge [sflag:s28], $0x800  }
0x59: {  	[sflag:s28] =	ssyncset.done $0x0  }
0x5a: {  	s11 =	simm.s32 $0x7B00;
	[sflag:s28] =	ssyncadd.s32 $0xFFFFF800  }
0x5b: {  	[spmem:s2] =	stream.indirect.scatter.add.f32 [tilespmem:s31], [sflag:$0xF], $0x10, s11, s17, $0xb8;
	[tilespmem:$0x10800] =	vst v63  }
0x5c: {  	_ =	swait.ge [sflag:s30], $0x800  }
0x5d: {  	[sflag:s30] =	ssyncset.done $0x0  }
0x5e: {  	s12 =	simm.s32 $0x7B80;
	[sflag:s30] =	ssyncadd.s32 $0xFFFFF800  }
0x5f: {  	[spmem:s2] =	stream.indirect.scatter.add.f32 [tilespmem:s0], [sflag:$0x10], $0x10, s12, s17, $0xb8;
	[tilespmem:$0x10800] =	vst v63  }
0x60: {  	_ =	swait.ge [sflag:s1], $0x800  }
0x61: {  	[sflag:s1] =	ssyncset.done $0x0  }
0x62: {  	s14 =	simm.s32 $0x5400;
	[sflag:s1] =	ssyncadd.s32 $0xFFFFF800  }
0x63: {  	[tilespmem:s18], [sflag:$0x1] =	stream.indirect.gather [spmem:s3], $0x10, s14, s17, $0xb8;
	[tilespmem:$0x10800] =	vst v63  }
0x64: {  	_ =	swait.ge [sflag:s6], $0x800  }
0x65: {  	[sflag:s6] =	ssyncset.done $0x0  }
0x66: {  	s11 =	simm.s32 $0x5480;
	[sflag:s6] =	ssyncadd.s32 $0xFFFFF800  }
0x67: {  	[tilespmem:s20], [sflag:$0x2] =	stream.indirect.gather [spmem:s3], $0x10, s11, s17, $0xb8;
	[tilespmem:$0x10800] =	vst v63  }
0x68: {  	_ =	swait.ge [sflag:s7], $0x800  }
0x69: {  	[sflag:s7] =	ssyncset.done $0x0  }
0x6a: {  	s12 =	simm.s32 $0x5500;
	[sflag:s7] =	ssyncadd.s32 $0xFFFFF800  }
0x6b: {  	[tilespmem:s22], [sflag:$0x3] =	stream.indirect.gather [spmem:s3], $0x10, s12, s17, $0xb8;
	[tilespmem:$0x10800] =	vst v63  }
0x6c: {  	_ =	swait.ge [sflag:s8], $0x800  }
0x6d: {  	[sflag:s8] =	ssyncset.done $0x0  }
0x6e: {  	s14 =	simm.s32 $0x5580;
	[sflag:s8] =	ssyncadd.s32 $0xFFFFF800  }
0x6f: {  	[tilespmem:s24], [sflag:$0x4] =	stream.indirect.gather [spmem:s3], $0x10, s14, s17, $0xb8;
	[tilespmem:$0x10800] =	vst v63  }
0x70: {  	_ =	swait.ge [sflag:s9], $0x800  }
0x71: {  	[sflag:s9] =	ssyncset.done $0x0  }
0x72: {  	s11 =	simm.s32 $0x5600;
	[sflag:s9] =	ssyncadd.s32 $0xFFFFF800  }
0x73: {  	[tilespmem:s26], [sflag:$0x5] =	stream.indirect.gather [spmem:s3], $0x10, s11, s17, $0xb8;
	[tilespmem:$0x10800] =	vst v63  }
0x74: {  	_ =	swait.ge [sflag:s15], $0x800  }
0x75: {  	[sflag:s15] =	ssyncset.done $0x0  }
0x76: {  	s12 =	simm.s32 $0x5680;
	[sflag:s15] =	ssyncadd.s32 $0xFFFFF800  }
0x77: {  	[tilespmem:s29], [sflag:$0x6] =	stream.indirect.gather [spmem:s3], $0x10, s12, s17, $0xb8;
	[tilespmem:$0x10800] =	vst v63  }
0x78: {  	_ =	swait.ge [sflag:s10], $0x800  }
0x79: {  	[sflag:s10] =	ssyncset.done $0x0  }
0x7a: {  	s14 =	simm.s32 $0x5700;
	[sflag:s10] =	ssyncadd.s32 $0xFFFFF800  }
0x7b: {  	[tilespmem:s31], [sflag:$0x7] =	stream.indirect.gather [spmem:s3], $0x10, s14, s17, $0xb8;
	[tilespmem:$0x10800] =	vst v63  }
0x7c: {  	_ =	swait.ge [sflag:s13], $0x800  }
0x7d: {  	[sflag:s13] =	ssyncset.done $0x0  }
0x7e: {  	s5 =	simm.s32 $0x5780;
	s11 =	simm.s32 $0x1000;
	[sflag:s13] =	ssyncadd.s32 $0xFFFFF800  }
.LBB2_4:
0x7f: {  	[tilespmem:s0], [sflag:$0x8] =	stream.indirect.gather [spmem:s3], $0x10, s5, s17, $0xb8;
	[tilespmem:$0x10800] =	vst v63  }
0x80: {  	s5 =	smov.u32 s11  }
0x81: {  	p0 =	sne.s32 s11, $0x8000;
	s11 =	sadd.s32 $0x1000, s11;
	_ =	swait.ge [sflag:s4], $0x800  }
0x82: {  	s5 =	sshra.s32 s5, $0x2;
	[sflag:s4] =	ssyncset.done $0x0  }
0x83: {  	s14 =	sadd.s32 $0x7800, s5;
	[sflag:s4] =	ssyncadd.s32 $0xFFFFF800  }
0x84: {  	[spmem:s2] =	stream.indirect.scatter.add.f32 [tilespmem:s18], [sflag:$0x9], $0x10, s14, s17, $0xb8;
	[tilespmem:$0x10800] =	vst v63  }
0x85: {  	_ =	swait.ge [sflag:s16], $0x800  }
0x86: {  	[sflag:s16] =	ssyncset.done $0x0  }
0x87: {  	s14 =	sadd.s32 $0x7880, s5;
	[sflag:s16] =	ssyncadd.s32 $0xFFFFF800  }
0x88: {  	[spmem:s2] =	stream.indirect.scatter.add.f32 [tilespmem:s20], [sflag:$0xA], $0x10, s14, s17, $0xb8;
	[tilespmem:$0x10800] =	vst v63  }
0x89: {  	_ =	swait.ge [sflag:s19], $0x800  }
0x8a: {  	[sflag:s19] =	ssyncset.done $0x0  }
0x8b: {  	s14 =	sadd.s32 $0x7900, s5;
	[sflag:s19] =	ssyncadd.s32 $0xFFFFF800  }
0x8c: {  	[spmem:s2] =	stream.indirect.scatter.add.f32 [tilespmem:s22], [sflag:$0xB], $0x10, s14, s17, $0xb8;
	[tilespmem:$0x10800] =	vst v63  }
0x8d: {  	_ =	swait.ge [sflag:s21], $0x800  }
0x8e: {  	[sflag:s21] =	ssyncset.done $0x0  }
0x8f: {  	s14 =	sadd.s32 $0x7980, s5;
	[sflag:s21] =	ssyncadd.s32 $0xFFFFF800  }
0x90: {  	[spmem:s2] =	stream.indirect.scatter.add.f32 [tilespmem:s24], [sflag:$0xC], $0x10, s14, s17, $0xb8;
	[tilespmem:$0x10800] =	vst v63  }
0x91: {  	_ =	swait.ge [sflag:s23], $0x800  }
0x92: {  	[sflag:s23] =	ssyncset.done $0x0  }
0x93: {  	s14 =	sadd.s32 $0x7A00, s5;
	[sflag:s23] =	ssyncadd.s32 $0xFFFFF800  }
0x94: {  	[spmem:s2] =	stream.indirect.scatter.add.f32 [tilespmem:s26], [sflag:$0xD], $0x10, s14, s17, $0xb8;
	[tilespmem:$0x10800] =	vst v63  }
0x95: {  	_ =	swait.ge [sflag:s25], $0x800  }
0x96: {  	[sflag:s25] =	ssyncset.done $0x0  }
0x97: {  	s14 =	sadd.s32 $0x7A80, s5;
	[sflag:s25] =	ssyncadd.s32 $0xFFFFF800  }
0x98: {  	[spmem:s2] =	stream.indirect.scatter.add.f32 [tilespmem:s29], [sflag:$0xE], $0x10, s14, s17, $0xb8;
	[tilespmem:$0x10800] =	vst v63  }
0x99: {  	_ =	swait.ge [sflag:s28], $0x800  }
0x9a: {  	[sflag:s28] =	ssyncset.done $0x0  }
0x9b: {  	s14 =	sadd.s32 $0x7B00, s5;
	[sflag:s28] =	ssyncadd.s32 $0xFFFFF800  }
0x9c: {  	[spmem:s2] =	stream.indirect.scatter.add.f32 [tilespmem:s31], [sflag:$0xF], $0x10, s14, s17, $0xb8;
	[tilespmem:$0x10800] =	vst v63  }
0x9d: {  	_ =	swait.ge [sflag:s30], $0x800  }
0x9e: {  	[sflag:s30] =	ssyncset.done $0x0  }
0x9f: {  	s14 =	sadd.s32 $0x7B80, s5;
	[sflag:s30] =	ssyncadd.s32 $0xFFFFF800  }
0xa0: {  	[spmem:s2] =	stream.indirect.scatter.add.f32 [tilespmem:s0], [sflag:$0x10], $0x10, s14, s17, $0xb8;
	[tilespmem:$0x10800] =	vst v63  }
0xa1: {  	_ =	swait.ge [sflag:s1], $0x800  }
0xa2: {  	[sflag:s1] =	ssyncset.done $0x0  }
0xa3: {  	s14 =	sadd.s32 $0x5400, s5;
	[sflag:s1] =	ssyncadd.s32 $0xFFFFF800  }
0xa4: {  	[tilespmem:s18], [sflag:$0x1] =	stream.indirect.gather [spmem:s3], $0x10, s14, s17, $0xb8;
	[tilespmem:$0x10800] =	vst v63  }
0xa5: {  	_ =	swait.ge [sflag:s6], $0x800  }
0xa6: {  	[sflag:s6] =	ssyncset.done $0x0  }
0xa7: {  	s14 =	sadd.s32 $0x5480, s5;
	[sflag:s6] =	ssyncadd.s32 $0xFFFFF800  }
0xa8: {  	[tilespmem:s20], [sflag:$0x2] =	stream.indirect.gather [spmem:s3], $0x10, s14, s17, $0xb8;
	[tilespmem:$0x10800] =	vst v63  }
0xa9: {  	_ =	swait.ge [sflag:s7], $0x800  }
0xaa: {  	[sflag:s7] =	ssyncset.done $0x0  }
0xab: {  	s14 =	sadd.s32 $0x5500, s5;
	[sflag:s7] =	ssyncadd.s32 $0xFFFFF800  }
0xac: {  	[tilespmem:s22], [sflag:$0x3] =	stream.indirect.gather [spmem:s3], $0x10, s14, s17, $0xb8;
	[tilespmem:$0x10800] =	vst v63  }
0xad: {  	_ =	swait.ge [sflag:s8], $0x800  }
0xae: {  	[sflag:s8] =	ssyncset.done $0x0  }
0xaf: {  	s14 =	sadd.s32 $0x5580, s5;
	[sflag:s8] =	ssyncadd.s32 $0xFFFFF800  }
0xb0: {  	[tilespmem:s24], [sflag:$0x4] =	stream.indirect.gather [spmem:s3], $0x10, s14, s17, $0xb8;
	[tilespmem:$0x10800] =	vst v63  }
0xb1: {  	_ =	swait.ge [sflag:s9], $0x800  }
0xb2: {  	[sflag:s9] =	ssyncset.done $0x0  }
0xb3: {  	s14 =	sadd.s32 $0x5600, s5;
	[sflag:s9] =	ssyncadd.s32 $0xFFFFF800  }
0xb4: {  	[tilespmem:s26], [sflag:$0x5] =	stream.indirect.gather [spmem:s3], $0x10, s14, s17, $0xb8;
	[tilespmem:$0x10800] =	vst v63  }
0xb5: {  	_ =	swait.ge [sflag:s15], $0x800  }
0xb6: {  	[sflag:s15] =	ssyncset.done $0x0  }
0xb7: {  	s14 =	sadd.s32 $0x5680, s5;
	[sflag:s15] =	ssyncadd.s32 $0xFFFFF800  }
0xb8: {  	[tilespmem:s29], [sflag:$0x6] =	stream.indirect.gather [spmem:s3], $0x10, s14, s17, $0xb8;
	[tilespmem:$0x10800] =	vst v63  }
0xb9: {  	_ =	swait.ge [sflag:s10], $0x800  }
0xba: {  	[sflag:s10] =	ssyncset.done $0x0  }
.Ltmp1:
0xbb: {  	s14 =	sadd.s32 $0x5700, s5;
	[sflag:s10] =	ssyncadd.s32 $0xFFFFF800;
	(pc) =	sbr.rel @p0 .LBB2_4-.Ltmp1, $4  }
0xbc: {  	[tilespmem:s31], [sflag:$0x7] =	stream.indirect.gather [spmem:s3], $0x10, s14, s17, $0xb8;
	[tilespmem:$0x10800] =	vst v63  }
0xbd: {  	_ =	swait.ge [sflag:s13], $0x800  }
0xbe: {  	[sflag:s13] =	ssyncset.done $0x0  }
0xbf: {  	s5 =	sadd.s32 $0x5780, s5;
	[sflag:s13] =	ssyncadd.s32 $0xFFFFF800  }
0xc0: {  	[tilespmem:s0], [sflag:$0x8] =	stream.indirect.gather [spmem:s3], $0x10, s5, s17, $0xb8;
	[tilespmem:$0x10800] =	vst v63  }
0xc1: {  	_ =	swait.ge [sflag:s4], $0x800  }
0xc2: {  	[sflag:s4] =	ssyncset.done $0x0  }
0xc3: {  	s11 =	simm.s32 $0x9C00;
	[sflag:s4] =	ssyncadd.s32 $0xFFFFF800  }
0xc4: {  	[spmem:s2] =	stream.indirect.scatter.add.f32 [tilespmem:s18], [sflag:$0x9], $0x10, s11, s17, $0xb8;
	[tilespmem:$0x10800] =	vst v63  }
0xc5: {  	_ =	swait.ge [sflag:s16], $0x800  }
0xc6: {  	[sflag:s16] =	ssyncset.done $0x0  }
0xc7: {  	s12 =	simm.s32 $0x9C80;
	[sflag:s16] =	ssyncadd.s32 $0xFFFFF800  }
0xc8: {  	[spmem:s2] =	stream.indirect.scatter.add.f32 [tilespmem:s20], [sflag:$0xA], $0x10, s12, s17, $0xb8;
	[tilespmem:$0x10800] =	vst v63  }
0xc9: {  	_ =	swait.ge [sflag:s19], $0x800  }
0xca: {  	[sflag:s19] =	ssyncset.done $0x0  }
0xcb: {  	s14 =	simm.s32 $0x9D00;
	[sflag:s19] =	ssyncadd.s32 $0xFFFFF800  }
0xcc: {  	[spmem:s2] =	stream.indirect.scatter.add.f32 [tilespmem:s22], [sflag:$0xB], $0x10, s14, s17, $0xb8;
	[tilespmem:$0x10800] =	vst v63  }
0xcd: {  	_ =	swait.ge [sflag:s21], $0x800  }
0xce: {  	[sflag:s21] =	ssyncset.done $0x0  }
0xcf: {  	s11 =	simm.s32 $0x9D80;
	[sflag:s21] =	ssyncadd.s32 $0xFFFFF800  }
0xd0: {  	[spmem:s2] =	stream.indirect.scatter.add.f32 [tilespmem:s24], [sflag:$0xC], $0x10, s11, s17, $0xb8;
	[tilespmem:$0x10800] =	vst v63  }
0xd1: {  	_ =	swait.ge [sflag:s23], $0x800  }
0xd2: {  	[sflag:s23] =	ssyncset.done $0x0  }
0xd3: {  	s12 =	simm.s32 $0x9E00;
	[sflag:s23] =	ssyncadd.s32 $0xFFFFF800  }
0xd4: {  	[spmem:s2] =	stream.indirect.scatter.add.f32 [tilespmem:s26], [sflag:$0xD], $0x10, s12, s17, $0xb8;
	[tilespmem:$0x10800] =	vst v63  }
0xd5: {  	_ =	swait.ge [sflag:s25], $0x800  }
0xd6: {  	[sflag:s25] =	ssyncset.done $0x0  }
0xd7: {  	s14 =	simm.s32 $0x9E80;
	[sflag:s25] =	ssyncadd.s32 $0xFFFFF800  }
0xd8: {  	[spmem:s2] =	stream.indirect.scatter.add.f32 [tilespmem:s29], [sflag:$0xE], $0x10, s14, s17, $0xb8;
	[tilespmem:$0x10800] =	vst v63  }
0xd9: {  	_ =	swait.ge [sflag:s28], $0x800  }
0xda: {  	[sflag:s28] =	ssyncset.done $0x0  }
0xdb: {  	s11 =	simm.s32 $0x9F00;
	[sflag:s28] =	ssyncadd.s32 $0xFFFFF800  }
0xdc: {  	[spmem:s2] =	stream.indirect.scatter.add.f32 [tilespmem:s31], [sflag:$0xF], $0x10, s11, s17, $0xb8;
	[tilespmem:$0x10800] =	vst v63  }
0xdd: {  	_ =	swait.ge [sflag:s30], $0x800  }
0xde: {  	[sflag:s30] =	ssyncset.done $0x0  }
0xdf: {  	s12 =	simm.s32 $0x9F80;
	[sflag:s30] =	ssyncadd.s32 $0xFFFFF800  }
0xe0: {  	[spmem:s2] =	stream.indirect.scatter.add.f32 [tilespmem:s0], [sflag:$0x10], $0x10, s12, s17, $0xb8;
	[tilespmem:$0x10800] =	vst v63  }
0xe1: {  	_ =	swait.ge [sflag:s1], $0x800  }
0xe2: {  	[sflag:s1] =	ssyncset.done $0x0  }
0xe3: {  	[sflag:s1] =	ssyncadd.s32 $0xFFFFF800  }
0xe4: {  	_ =	swait.ge [sflag:s6], $0x800  }
0xe5: {  	[sflag:s6] =	ssyncset.done $0x0  }
0xe6: {  	[sflag:s6] =	ssyncadd.s32 $0xFFFFF800  }
0xe7: {  	_ =	swait.ge [sflag:s7], $0x800  }
0xe8: {  	[sflag:s7] =	ssyncset.done $0x0  }
0xe9: {  	[sflag:s7] =	ssyncadd.s32 $0xFFFFF800  }
0xea: {  	_ =	swait.ge [sflag:s8], $0x800  }
0xeb: {  	[sflag:s8] =	ssyncset.done $0x0  }
0xec: {  	[sflag:s8] =	ssyncadd.s32 $0xFFFFF800  }
0xed: {  	_ =	swait.ge [sflag:s9], $0x800  }
0xee: {  	[sflag:s9] =	ssyncset.done $0x0  }
0xef: {  	[sflag:s9] =	ssyncadd.s32 $0xFFFFF800  }
0xf0: {  	_ =	swait.ge [sflag:s15], $0x800  }
0xf1: {  	[sflag:s15] =	ssyncset.done $0x0  }
0xf2: {  	[sflag:s15] =	ssyncadd.s32 $0xFFFFF800  }
0xf3: {  	_ =	swait.ge [sflag:s10], $0x800  }
0xf4: {  	[sflag:s10] =	ssyncset.done $0x0  }
0xf5: {  	[sflag:s10] =	ssyncadd.s32 $0xFFFFF800  }
0xf6: {  	_ =	swait.ge [sflag:s13], $0x800  }
0xf7: {  	[sflag:s13] =	ssyncset.done $0x0  }
0xf8: {  	[sflag:s13] =	ssyncadd.s32 $0xFFFFF800  }
0xf9: {  	[bflag:$0x0] =	sbarrier.arrive $0xFFFF  }
0xfa: {  	s14 =	simm.s32 $0xE000;
	s12 =	simm.s32 $0x11;
	s11 =	rddreg [dreg:$0x4]  }
0xfb: {  	[tilespmem:s14], [sflag:$0x11] =	stream.linear.gather [spmem:s11], $0x2800, $0x38;
	[tilespmem:$0x10800] =	vst v63  }
0xfc: {  	_ =	swait.ge [sflag:s12], $0x2800  }
0xfd: {  	s5 =	simm.s32 $0x0;
	[sflag:s12] =	ssyncset.done $0x0  }
0xfe: {  	s14 =	simm.s32 $0xE000;
	s11 =	rddreg [dreg:$0x8];
	[sflag:s12] =	ssyncadd.s32 $0xFFFFD800  }
0xff: {  	[hbm4b:s11+s5] =	stream.linear.scatter [tilespmem:s14], [sflag:$0x11], $0x2800, $0x38;
	[tilespmem:$0x10800] =	vst v63  }
0x100: {  	_ =	swait.ge [sflag:s12], $0x2800  }
0x101: {  	s5 =	rddreg [dreg:$0xc]  }
0x102: {  	s14 =	rddreg [dreg:$0x9];
	s11 =	sadd.s32 $0x1, s5  }
0x103: {  	p0 =	sne.s32 s11, s14  }
.Ltmp2:
0x104: {  	_ = 	snop;
	(pc) =	sbr.rel @p0 .LBB2_1-.Ltmp2, $3  }
0x105: {  	_ =	sdelay $0x1  }
0x106: {  	[sflag:s12] =	ssyncset.done $0x0  }
0x107: {  	[sflag:s12] =	ssyncadd.s32 $0xFFFFD800  }
0x108: {  	_ =	sfence.sel $0x180000  }
0x109: {  	[bflag:$0x0] =	sbarrier.arrive $0xFFFF  }
0x10a: {  	_ =	strace $0x9000004D  }
0x10b: {  	s0 =	stileid.u32;
	[bflag:$0x2] =	sbarrier.arrive $0xFFFF  }
0x10c: {  	p0 =	sne.s32 s0, $0x0;
	s0 =	rddreg [dreg:$0x3]  }
0x10d: {  	s0 =	sadd.s32 @!p0 $0x100000, s0  }
0x10e: {  	[sflag:s0] =	ssyncadd.tile.s32 @!p0 $0x1;
	_ =	shalt  }
.Lfunc_end2:
_tile_overlayer_lowered:
.L_overlay_start_2:
0x10f: {  	(tag) =	ssettag $0x2  }
0x110: {  	s0 =	rddreg [dreg:$0x0];
	s2 =	stileid.u32  }
0x111: {  	s1 =	rddreg [dreg:$0x1];
	p0 =	sne.s32 s2, $0x0  }
0x112: {  	s3 =	rddreg [dreg:$0x2];
	[bflag:$0x3] =	sbarrier.arrive $0xFFFF;
	s2 =	simm.s32 @!p0 $0x1C11  }
0x113: {  	[timem:s3], [sflag:s2] =	dma.local @!p0 [hbm:s0], s1  }
0x114: {  	s0 =	simm.s32 @!p0 $0x11  }
0x115: {  	_ =	swait.ge @!p0 [sflag:s0], s1  }
0x116: {  	s1 =	ssub.s32 @!p0 $0x0, s1;
	[sflag:s0] =	ssyncset.done @!p0 $0x0  }
0x117: {  	[sflag:s0] =	ssyncadd.s32 @!p0 s1  }
0x118: {  	[bflag:$0x3] =	sbarrier.arrive $0xFFFF  }
0x119: {  	_ =	shalt  }

// kernel: kernel.19.cloned.1.call-start
scs
__scs_entry_jumppad:
0x0: {  	(pc) =	sbr.rel $0x88, $3  }
0x1: {  	(tag) =	ssettag $0x0;
	lr =	simm.s32 $0x1  }
0x2: {  	[smem:$0x3F9B] =	sst lr;
	_ =	strace $0xD0000000  }
0x3: {  	_ = 	snop  }
0x4: {  	_ = 	snop  }
0x5: {  	_ = 	snop  }
0x6: {  	_ = 	snop  }
0x7: {  	_ = 	snop  }
__scs_overlays_trampoline_lowered:
0x8: {  	[smem:$0x3FAA] =	sst s0  }
0x9: {  	[smem:$0x3FAB] =	sst s1  }
0xa: {  	[smem:$0x3FAC] =	sst s2  }
0xb: {  	[smem:$0x3FAD] =	sst s3  }
0xc: {  	[smem:$0x3FAE] =	sst s4  }
0xd: {  	[smem:$0x3FAF] =	sst s5  }
0xe: {  	[smem:$0x3FB0] =	sst s6  }
0xf: {  	[smem:$0x3FB1] =	sst s7  }
0x10: {  	[smem:$0x3FB2] =	sst s8  }
0x11: {  	[smem:$0x3FB3] =	sst s9;
	s0 =	simm.s32 @!p0 $0x0  }
0x12: {  	s1 =	sld [smem:$0x3F99];
	s0 =	simm.s32 @p0 $0x1  }
0x13: {  	[smem:$0x3FB4] =	sst s0;
	s0 =	simm.s32 @!p1 $0x0  }
0x14: {  	s2 =	sld [smem:$0x3F98];
	s0 =	simm.s32 @p1 $0x1  }
0x15: {  	[smem:$0x3FB5] =	sst s0;
	s0 =	simm.s32 @!p2 $0x0  }
0x16: {  	s3 =	sld [smem:$0x3FDB];
	s0 =	simm.s32 @p2 $0x1  }
0x17: {  	s4 =	simm.s32 $0x1BF5;
	[smem:$0x3FB7] =	sst s0  }
0x18: {  	s0 =	sld [smem:$0x3F9A];
	_ =	swait.ge [sflag:s4], $0x0  }
0x19: {  	s7 =	sld [smem:$0x3F9B]  }
0x1a: {  	s8 =	sadd.s32 $0xFFFFE003, lr  }
0x1b: {  	s9 =	sadd.s32 $0xFFFFFEF7, lr;
	s5 =	simm.s32 $0xFFFFFFFF;
	p2 =	slt.u32 s8, $0xFFFFF086  }
0x1c: {  	p1 =	slt.u32 s9, $0xF7A;
	s5 =	simm.s32 @!p2 $0x0  }
0x1d: {  	s5 =	simm.s32 @p1 $0x1;
	p0 =	seq.s32 s7, s2  }
0x1e: {  	s7 =	smul.u32 @!p0 $0xF7A, s2;
	p2 =	seq.s32 @!p0 s5, $0x0  }
0x1f: {  	s9 =	smul.u32 $0xF7A, s1;
	s8 =	simm.s32 @!p0 $0x1BF5;
	p2 =	por !p2, p0  }
0x20: {  	[sflag:s8] =	ssyncset.s32 @!p0 $0xFFFFF086;
	s6 =	sadd.s32 @!p0 s3, s7;
	s7 =	simm.s32 @!p0 $0x108  }
0x21: {  	s3 =	sadd.s32 s3, s9;
	s6 =	sadd.s32 @!p0 $0x88, s6;
	s7 =	simm.s32 @p2 $0x1082  }
0x22: {  	[simem:s7], [sflag:s8] =	dma.local @!p0 [hbm:s6], $0xF7A  }
0x23: {  	s9 =	sor.u32 $0xD0000000, s2;
	s6 =	simm.s32 $0x108;
	_ =	swait.ge @!p0 [sflag:s8], $0x0  }
0x24: {  	s3 =	sadd.s32 $0x88, s3;
	s6 =	simm.s32 @!p1 $0x1082;
	[sflag:s4] =	ssyncset.s32 $0xFFFFF086  }
0x25: {  	[simem:s6], [sflag:s4] =	dma.local [hbm:s3], $0xF7A  }
0x26: {  	[smem:$0x3F9B] =	sst s1;
	(tag) =	ssettag s2;
	_ =	strace s9  }
0x27: {  	s1 =	sld [smem:$0x3FAB]  }
0x28: {  	s2 =	sld [smem:$0x3FAC]  }
0x29: {  	s4 =	sld [smem:$0x3FAE]  }
0x2a: {  	p0 =	seq.s32 s5, $0x0;
	s5 =	sld [smem:$0x3FAF]  }
0x2b: {  	s6 =	sld [smem:$0x3FB0]  }
0x2c: {  	s7 =	sld [smem:$0x3FB1]  }
0x2d: {  	s3 =	simm.s32 $0x108;
	s8 =	sld [smem:$0x3FB2]  }
0x2e: {  	s3 =	simm.s32 @!p0 $0x1082;
	s9 =	sld [smem:$0x3FB3]  }
0x2f: {  	lr =	sadd.s32 s0, s3;
	s0 =	sld [smem:$0x3FAA]  }
0x30: {  	s3 =	sld [smem:$0x3FAD]  }
0x31: {  	[smem:$0x3FB6] =	sst s10  }
0x32: {  	s10 =	sld [smem:$0x3FB4];
	_ =	sdelay $0x3  }
0x33: {  	p0 =	seq.s32 s10, $0x1;
	s10 =	sld [smem:$0x3FB6];
	_ =	sdelay $0x3  }
0x34: {  	[smem:$0x3FB6] =	sst s10  }
0x35: {  	s10 =	sld [smem:$0x3FB5];
	_ =	sdelay $0x3  }
0x36: {  	p1 =	seq.s32 s10, $0x1;
	s10 =	sld [smem:$0x3FB6];
	_ =	sdelay $0x3  }
0x37: {  	[smem:$0x3FB6] =	sst s10  }
0x38: {  	s10 =	sld [smem:$0x3FB7]  }
0x39: {  	_ = 	snop;
	(pc) =	sbr.ind lr, $3  }
0x3a: {  	_ = 	snop  }
0x3b: {  	_ = 	snop  }
0x3c: {  	p2 =	seq.s32 s10, $0x1;
	s10 =	sld [smem:$0x3FB6]  }
0x3d: {  	_ =	shalt  }
0x3e: {  	_ =	shalt  }
0x3f: {  	_ =	shalt  }
0x40: {  	_ =	shalt  }
0x41: {  	_ =	shalt  }
0x42: {  	_ =	shalt  }
0x43: {  	_ =	shalt  }
0x44: {  	_ =	shalt  }
0x45: {  	_ =	shalt  }
0x46: {  	_ =	shalt  }
0x47: {  	_ =	shalt  }
0x48: {  	_ =	shalt  }
0x49: {  	_ =	shalt  }
0x4a: {  	_ =	shalt  }
0x4b: {  	_ =	shalt  }
0x4c: {  	_ =	shalt  }
0x4d: {  	_ =	shalt  }
0x4e: {  	_ =	shalt  }
0x4f: {  	_ =	shalt  }
0x50: {  	_ =	shalt  }
0x51: {  	_ =	shalt  }
0x52: {  	_ =	shalt  }
0x53: {  	_ =	shalt  }
0x54: {  	_ =	shalt  }
0x55: {  	_ =	shalt  }
0x56: {  	_ =	shalt  }
0x57: {  	_ =	shalt  }
0x58: {  	_ =	shalt  }
0x59: {  	_ =	shalt  }
0x5a: {  	_ =	shalt  }
0x5b: {  	_ =	shalt  }
0x5c: {  	_ =	shalt  }
0x5d: {  	_ =	shalt  }
0x5e: {  	_ =	shalt  }
0x5f: {  	_ =	shalt  }
0x60: {  	_ =	shalt  }
0x61: {  	_ =	shalt  }
0x62: {  	_ =	shalt  }
0x63: {  	_ =	shalt  }
0x64: {  	_ =	shalt  }
0x65: {  	_ =	shalt  }
0x66: {  	_ =	shalt  }
0x67: {  	_ =	shalt  }
0x68: {  	_ =	shalt  }
0x69: {  	_ =	shalt  }
0x6a: {  	_ =	shalt  }
0x6b: {  	_ =	shalt  }
0x6c: {  	_ =	shalt  }
0x6d: {  	_ =	shalt  }
0x6e: {  	_ =	shalt  }
0x6f: {  	_ =	shalt  }
0x70: {  	_ =	shalt  }
0x71: {  	_ =	shalt  }
0x72: {  	_ =	shalt  }
0x73: {  	_ =	shalt  }
0x74: {  	_ =	shalt  }
0x75: {  	_ =	shalt  }
0x76: {  	_ =	shalt  }
0x77: {  	_ =	shalt  }
0x78: {  	_ =	shalt  }
0x79: {  	_ =	shalt  }
0x7a: {  	_ =	shalt  }
0x7b: {  	_ =	shalt  }
0x7c: {  	_ =	shalt  }
0x7d: {  	_ =	shalt  }
0x7e: {  	_ =	shalt  }
0x7f: {  	_ =	shalt  }
0x80: {  	_ =	shalt  }
0x81: {  	_ =	shalt  }
0x82: {  	_ =	shalt  }
0x83: {  	_ =	shalt  }
0x84: {  	_ =	shalt  }
0x85: {  	_ =	shalt  }
0x86: {  	_ =	shalt  }
0x87: {  	_ =	shalt  }
.Lfunc_end0:
.L_simem_size_0:
called_computation.3_lowered:
.L_overlay_start_0:
0x88: {  	s2 =	sld [smem:$0x3FD9]  }
0x89: {  	s3 =	sld [smem:$0x3FFE];
	_ =	sdelay $0x1  }
0x8a: {  	s1 =	srdreg.scid  }
0x8b: {  	s0 =	sand.u32 $0x1, s1  }
0x8c: {  	s16 =	sshll.u32 s0, $0xA;
	s2 =	sadd.s32 s3, s2  }
0x8d: {  	s2 =	sadd.s32 s2, s16  }
0x8e: {  	[smem:$0x3FC2] =	sst s2  }
0x8f: {  	_ = 	snop  }
0x90: {  	(tm) =	ssettm $0x1  }
0x91: {  	s17 =	sld [smem:$0x3FFB];
	_ =	sdelay $0x3  }
0x92: {  	_ =	strace s17  }
0x93: {  	s2 =	sld [smem:$0x3FFC];
	_ =	sdelay $0x3  }
0x94: {  	_ =	strace s2  }
0x95: {  	s2 =	sld [smem:$0x3FFD];
	_ =	sdelay $0x3  }
0x96: {  	_ =	strace s2  }
0x97: {  	_ =	strace $0x8FFFFFFF  }
0x98: {  	s18 =	sld [smem:$0x3FDB];
	_ =	sdelay $0x1  }
0x99: {  	s19 =	simm.s32 $_scs_section_size  }
0x9a: {  	s4 =	simm.s32 $_size__tile_overlayer_lowered;
	s5 =	simm.s32 $_tile_overlayer_lowered  }
0x9b: {  	s22 =	simm.s32 $0x1BFF;
	s21 =	sshll.u32 s5, $0x1;
	s2 =	sadd.s32 s19, s18  }
0x9c: {  	s6 =	simm.s32 $0x0;
	s20 =	sshll.u32 s4, $0x1;
	s4 =	sadd.s32 s21, s2  }
0x9d: {  	[timem:s6], [sflag:s22] =	dma.local [hbm:s4], s20  }
0x9e: {  	_ =	swait.ge [sflag:s22], s20  }
0x9f: {  	s3 =	ssub.s32 $0x0, s20;
	[sflag:s22] =	ssyncset.done $0x0  }
0xa0: {  	[sflag:s22] =	ssyncadd.s32 s3;
	_ =	sdelay $0x1  }
0xa1: {  	s23 =	simm.s32 $0x1B8B  }
0xa2: {  	_ =	swait.ge [sflag:s23], $0x1  }
0xa3: {  	[sflag:s23] =	ssyncset.done $0x0  }
0xa4: {  	s25 =	simm.s32 $0x1B8E;
	s24 =	sld [smem:$0x3FFE];
	[sflag:s23] =	ssyncadd.s32 $0xFFFFFFFF  }
0xa5: {  	s26 =	simm.s32 $execute0_lowered;
	[smem:$0x3FD2] =	sst s25  }
0xa6: {  	s4 =	sshll.u32 s26, $0x1;
	_ =	strace $0x8000004F;
	[dreg:$0x1] =	wrdreg $0xFFFFFFFF  }
0xa7: {  	s28 =	simm.s32 $_size_execute0_lowered;
	s2 =	sadd.s32 s2, s4;
	[dreg:$0x0] =	wrdreg $0x0  }
0xa8: {  	s4 =	sshll.u32 s28, $0x1;
	[dreg:$0x2] =	wrdreg s2  }
0xa9: {  	[dreg:$0x3] =	wrdreg s4  }
0xaa: {  	[dreg:$0x4] =	wrdreg $0xC0  }
0xab: {  	_ =	task [dreg:s6], $0x5FFFF  }
0xac: {  	[dreg:$0x1] =	wrdreg $0xFFFFFFFF  }
0xad: {  	[dreg:$0x0] =	wrdreg $0x60  }
0xae: {  	[dreg:$0x2] =	wrdreg s24  }
0xaf: {  	[dreg:$0x3] =	wrdreg $0x0  }
0xb0: {  	[dreg:$0x4] =	wrdreg $0x28000  }
0xb1: {  	[dreg:$0x5] =	wrdreg $0x9  }
0xb2: {  	_ =	task.clear_ibuf [dreg:s6], $0x6FFFF;
	_ =	strace $0x9000004F  }
0xb3: {  	s29 =	simm.s32 $0x9;
	_ =	strace $0x80000051  }
0xb4: {  	_ =	swait.ge [sflag:s29], $0x1  }
0xb5: {  	[sflag:s29] =	ssyncadd.s32 $0xFFFFFFFF  }
0xb6: {  	_ =	strace $0x90000051  }
0xb7: {  	_ =	sfence  }
0xb8: {  	s30 =	sld [smem:$0x0];
	_ =	sdelay $0x2  }
0xb9: {  	s31 =	sshll.u32 s1, $0xD;
	s1 =	sshrl.u32 s1, $0x2  }
0xba: {  	s3 =	sand.u32 $0x4000, s31;
	s1 =	sadd.s32 s1, s30  }
0xbb: {  	s0 =	sor.u32 s3, s0;
	s1 =	sshll.u32 s1, $0x11  }
0xbc: {  	s0 =	sor.u32 s1, s0  }
0xbd: {  	s0 =	sadd.s32 $0x8F2B, s0  }
0xbe: {  	[sflag:s0] =	ssyncadd.remote.s32 $0x1  }
0xbf: {  	_ =	sfence.sel $0xFFFF  }
0xc0: {  	[dreg:$0x0] =	wrdreg $0xFFFFFFFF;
	(pc) =	sbr.abs _section_cstart, $3  }
0xc1: {  	[dreg:$0x1] =	wrdreg $0xFFFFFFFF  }
0xc2: {  	_ =	task.clear_ibuf [dreg:s6], $0x2FFFF;
	_ =	strace $0x9FFFFFFF  }
0xc3: {  	(tm) =	ssettm $0x7FFFFFFF  }
tec
execute0_lowered:
.L_overlay_start_1:
0x0: {  	(tag) =	ssettag $0x1  }
0x1: {  	s0 =	srdreg.scid;
	s1 =	rddreg [dreg:$0x0]  }
0x2: {  	s9 =	stileid.u32;
	s2 =	rddreg [dreg:$0x1]  }
0x3: {  	s6 =	simm.s32 $0x0;
	s17 =	simm.s32 $0x80;
	s18 =	simm.s32 $0xA000  }
0x4: {  	s20 =	simm.s32 $0xA800;
	s29 =	simm.s32 $0xC800;
	s31 =	simm.s32 $0xD000  }
0x5: {  	s16 =	simm.s32 $0x2;
	s19 =	simm.s32 $0x3;
	s28 =	simm.s32 $0x7  }
0x6: {  	s30 =	simm.s32 $0x8;
	s15 =	simm.s32 $0xE;
	s10 =	simm.s32 $0xF  }
0x7: {  	s13 =	simm.s32 $0x10;
	s11 =	simm.s32 $0x0;
	s0 =	sand.u32 $0x1, s0  }
0x8: {  	s3 =	sshll.u32 s9, $0x1;
	s5 =	smul.u32 $0x2800, s9;
	[smem:$0x7FF] =	sst s6  }
0x9: {  	s25 =	sshll.u32 s9, $0x6;
	s9 =	simm.s32 $0xD;
	s4 =	sor.u32 s0, s3  }
0xa: {  	s3 =	rddreg [dreg:$0x2];
	s21 =	smul.u32 $0x28000, s0;
	_ =	strace $0x80000050  }
0xb: {  	s0 =	ssub.s32 $0x2, s0;
	s4 =	smul.u32 $0x500, s4;
	s7 =	sshrl.u32 s5, $0x3  }
0xc: {  	s8 =	sshrl.u32 s0, $0x1;
	s22 =	sadd.s32 s5, s2;
	s6 =	sadd.s32 s5, s21  }
0xd: {  	s7 =	sadd.s32 s7, s1;
	s0 =	ssub.s32 s0, s8;
	[dreg:$0x4] =	wrdreg s22  }
0xe: {  	s5 =	sadd.s32 s5, s3;
	s22 =	simm.s32 $0xB000;
	s21 =	simm.s32 $0x4  }
0xf: {  	s8 =	simm.s32 $0xC;
	s4 =	sadd.s32 s4, s1;
	s6 =	sshrl.u32 s6, $0x3  }
0x10: {  	s23 =	sadd.s32 $0xD400, s7;
	s0 =	smax.u32 s0, $0x1;
	s26 =	sshrl.u32 s5, $0x3  }
0x11: {  	s7 =	simm.s32 $0xB;
	s1 =	sadd.s32 s6, s1;
	[dreg:$0x5] =	wrdreg s23  }
0x12: {  	s24 =	sadd.s32 $0x3400, s4;
	s4 =	sadd.s32 $0x17400, s4;
	[dreg:$0x9] =	wrdreg s0  }
0x13: {  	s0 =	sor.u32 $0x1C11, s25;
	[dreg:$0xb] =	wrdreg s26;
	s26 =	simm.s32 $0xC000  }
0x14: {  	s23 =	simm.s32 $0x5;
	s25 =	simm.s32 $0x6;
	[dreg:$0x6] =	wrdreg s24  }
0x15: {  	s6 =	simm.s32 $0xA;
	[dreg:$0x7] =	wrdreg s4;
	s1 =	sadd.s32 $0x21400, s1  }
0x16: {  	[dreg:$0xa] =	wrdreg s0;
	s24 =	simm.s32 $0xB800;
	s0 =	simm.s32 $0xD800  }
0x17: {  	v0 =	vimm.f32 $0.0e+00;
	s4 =	simm.s32 $0x1;
	[dreg:$0x8] =	wrdreg s1;
	s1 =	simm.s32 $0x9  }
.LBB2_1:
0x18: {  	[dreg:$0xc] =	wrdreg s11;
	s5 =	simm.s32 $0x40;
	s11 =	simm.s32 $0x0  }
.LBB2_2:
0x19: {  	p0 =	sne.s32 s5, $0x9FC0;
	[tilespmem:s11+$0xE000] =	vst v0;
	s11 =	smov.u32 s5;
	s5 =	sadd.s32 $0x40, s5  }
.Ltmp0:
0x1a: {  	(pc) =	sbr.rel @p0 .LBB2_2-.Ltmp0, $2  }
0x1b: {  	_ =	sdelay $0x2  }
0x1c: {  	s11 =	sshra.s32 s11, $0x2  }
0x1d: {  	[tilespmem:s11+$0xE000] =	vst v0;
	s14 =	rddreg [dreg:$0x4];
	s5 =	simm.s32 $0xE000;
	s12 =	simm.s32 $0x11  }
0x1e: {  	[spmem:s14] =	stream.linear.scatter [tilespmem:s5], [sflag:$0x11], $0x2800, $0x38;
	[tilespmem:$0x10800] =	vst v63  }
0x1f: {  	_ =	swait.ge [sflag:s12], $0x2800  }
0x20: {  	s5 =	rddreg [dreg:$0x5]  }
0x21: {  	[sflag:s12] =	ssyncset.done $0x0;
	s11 =	rddreg [dreg:$0xa]  }
0x22: {  	s14 =	rddreg [dreg:$0xb];
	[sflag:s12] =	ssyncadd.s32 $0xFFFFD800  }
0x23: {  	[spmem:s14], [sflag:s11] =	dma.local [hbm:s5], $0x500  }
0x24: {  	_ =	swait.ge [sflag:s12], $0x500  }
0x25: {  	[sflag:s12] =	ssyncset.done $0x0  }
0x26: {  	[sflag:s12] =	ssyncadd.s32 $0xFFFFFB00  }
0x27: {  	[bflag:$0x0] =	sbarrier.arrive $0xFFFF  }
0x28: {  	s5 =	simm.s32 $0x0;
	s14 =	simm.s32 $0x5000;
	s11 =	rddreg [dreg:$0x6]  }
0x29: {  	[tilespmem:s14], [sflag:$0x11] =	stream.linear.gather [hbm4b:s11+s5], $0x2800, $0x38;
	[tilespmem:$0x10800] =	vst v63  }
0x2a: {  	_ =	swait.ge [sflag:s12], $0x2800  }
0x2b: {  	[sflag:s12] =	ssyncset.done $0x0  }
0x2c: {  	s14 =	simm.s32 $0x7800;
	s11 =	rddreg [dreg:$0x7];
	[sflag:s12] =	ssyncadd.s32 $0xFFFFD800  }
0x2d: {  	[tilespmem:s14], [sflag:$0x11] =	stream.linear.gather [hbm4b:s11+s5], $0x2800, $0x38;
	[tilespmem:$0x10800] =	vst v63  }
0x2e: {  	_ =	swait.ge [sflag:s12], $0x2800  }
0x2f: {  	[sflag:s12] =	ssyncset.done $0x0  }
0x30: {  	[sflag:s12] =	ssyncadd.s32 $0xFFFFD800;
	s12 =	simm.s32 $0x5000  }
0x31: {  	[tilespmem:s18], [sflag:$0x1] =	stream.indirect.gather [spmem:s3], $0x10, s12, s17, $0xb8;
	[tilespmem:$0x10800] =	vst v63  }
0x32: {  	s14 =	simm.s32 $0x5080  }
0x33: {  	[tilespmem:s20], [sflag:$0x2] =	stream.indirect.gather [spmem:s3], $0x10, s14, s17, $0xb8;
	[tilespmem:$0x10800] =	vst v63  }
0x34: {  	s11 =	simm.s32 $0x5100  }
0x35: {  	[tilespmem:s22], [sflag:$0x3] =	stream.indirect.gather [spmem:s3], $0x10, s11, s17, $0xb8;
	[tilespmem:$0x10800] =	vst v63  }
0x36: {  	s12 =	simm.s32 $0x5180  }
0x37: {  	[tilespmem:s24], [sflag:$0x4] =	stream.indirect.gather [spmem:s3], $0x10, s12, s17, $0xb8;
	[tilespmem:$0x10800] =	vst v63  }
0x38: {  	s14 =	simm.s32 $0x5200  }
0x39: {  	[tilespmem:s26], [sflag:$0x5] =	stream.indirect.gather [spmem:s3], $0x10, s14, s17, $0xb8;
	[tilespmem:$0x10800] =	vst v63  }
0x3a: {  	s11 =	simm.s32 $0x5280  }
0x3b: {  	[tilespmem:s29], [sflag:$0x6] =	stream.indirect.gather [spmem:s3], $0x10, s11, s17, $0xb8;
	[tilespmem:$0x10800] =	vst v63  }
0x3c: {  	s12 =	simm.s32 $0x5300  }
0x3d: {  	[tilespmem:s31], [sflag:$0x7] =	stream.indirect.gather [spmem:s3], $0x10, s12, s17, $0xb8;
	[tilespmem:$0x10800] =	vst v63  }
0x3e: {  	s14 =	simm.s32 $0x5380  }
0x3f: {  	[tilespmem:s0], [sflag:$0x8] =	stream.indirect.gather [spmem:s3], $0x10, s14, s17, $0xb8;
	[tilespmem:$0x10800] =	vst v63  }
0x40: {  	_ =	swait.ge [sflag:s4], $0x800  }
0x41: {  	[sflag:s4] =	ssyncset.done $0x0  }
0x42: {  	s11 =	simm.s32 $0x7800;
	[sflag:s4] =	ssyncadd.s32 $0xFFFFF800  }
0x43: {  	[spmem:s2] =	stream.indirect.scatter.add.f32 [tilespmem:s18], [sflag:$0x9], $0x10, s11, s17, $0xb8;
	[tilespmem:$0x10800] =	vst v63  }
0x44: {  	_ =	swait.ge [sflag:s16], $0x800  }
0x45: {  	[sflag:s16] =	ssyncset.done $0x0  }
0x46: {  	s12 =	simm.s32 $0x7880;
	[sflag:s16] =	ssyncadd.s32 $0xFFFFF800  }
0x47: {  	[spmem:s2] =	stream.indirect.scatter.add.f32 [tilespmem:s20], [sflag:$0xA], $0x10, s12, s17, $0xb8;
	[tilespmem:$0x10800] =	vst v63  }
0x48: {  	_ =	swait.ge [sflag:s19], $0x800  }
0x49: {  	[sflag:s19] =	ssyncset.done $0x0  }
0x4a: {  	s14 =	simm.s32 $0x7900;
	[sflag:s19] =	ssyncadd.s32 $0xFFFFF800  }
0x4b: {  	[spmem:s2] =	stream.indirect.scatter.add.f32 [tilespmem:s22], [sflag:$0xB], $0x10, s14, s17, $0xb8;
	[tilespmem:$0x10800] =	vst v63  }
0x4c: {  	_ =	swait.ge [sflag:s21], $0x800  }
0x4d: {  	[sflag:s21] =	ssyncset.done $0x0  }
0x4e: {  	s11 =	simm.s32 $0x7980;
	[sflag:s21] =	ssyncadd.s32 $0xFFFFF800  }
0x4f: {  	[spmem:s2] =	stream.indirect.scatter.add.f32 [tilespmem:s24], [sflag:$0xC], $0x10, s11, s17, $0xb8;
	[tilespmem:$0x10800] =	vst v63  }
0x50: {  	_ =	swait.ge [sflag:s23], $0x800  }
0x51: {  	[sflag:s23] =	ssyncset.done $0x0  }
0x52: {  	s12 =	simm.s32 $0x7A00;
	[sflag:s23] =	ssyncadd.s32 $0xFFFFF800  }
0x53: {  	[spmem:s2] =	stream.indirect.scatter.add.f32 [tilespmem:s26], [sflag:$0xD], $0x10, s12, s17, $0xb8;
	[tilespmem:$0x10800] =	vst v63  }
0x54: {  	_ =	swait.ge [sflag:s25], $0x800  }
0x55: {  	[sflag:s25] =	ssyncset.done $0x0  }
0x56: {  	s14 =	simm.s32 $0x7A80;
	[sflag:s25] =	ssyncadd.s32 $0xFFFFF800  }
0x57: {  	[spmem:s2] =	stream.indirect.scatter.add.f32 [tilespmem:s29], [sflag:$0xE], $0x10, s14, s17, $0xb8;
	[tilespmem:$0x10800] =	vst v63  }
0x58: {  	_ =	swait.ge [sflag:s28], $0x800  }
0x59: {  	[sflag:s28] =	ssyncset.done $0x0  }
0x5a: {  	s11 =	simm.s32 $0x7B00;
	[sflag:s28] =	ssyncadd.s32 $0xFFFFF800  }
0x5b: {  	[spmem:s2] =	stream.indirect.scatter.add.f32 [tilespmem:s31], [sflag:$0xF], $0x10, s11, s17, $0xb8;
	[tilespmem:$0x10800] =	vst v63  }
0x5c: {  	_ =	swait.ge [sflag:s30], $0x800  }
0x5d: {  	[sflag:s30] =	ssyncset.done $0x0  }
0x5e: {  	s12 =	simm.s32 $0x7B80;
	[sflag:s30] =	ssyncadd.s32 $0xFFFFF800  }
0x5f: {  	[spmem:s2] =	stream.indirect.scatter.add.f32 [tilespmem:s0], [sflag:$0x10], $0x10, s12, s17, $0xb8;
	[tilespmem:$0x10800] =	vst v63  }
0x60: {  	_ =	swait.ge [sflag:s1], $0x800  }
0x61: {  	[sflag:s1] =	ssyncset.done $0x0  }
0x62: {  	s14 =	simm.s32 $0x5400;
	[sflag:s1] =	ssyncadd.s32 $0xFFFFF800  }
0x63: {  	[tilespmem:s18], [sflag:$0x1] =	stream.indirect.gather [spmem:s3], $0x10, s14, s17, $0xb8;
	[tilespmem:$0x10800] =	vst v63  }
0x64: {  	_ =	swait.ge [sflag:s6], $0x800  }
0x65: {  	[sflag:s6] =	ssyncset.done $0x0  }
0x66: {  	s11 =	simm.s32 $0x5480;
	[sflag:s6] =	ssyncadd.s32 $0xFFFFF800  }
0x67: {  	[tilespmem:s20], [sflag:$0x2] =	stream.indirect.gather [spmem:s3], $0x10, s11, s17, $0xb8;
	[tilespmem:$0x10800] =	vst v63  }
0x68: {  	_ =	swait.ge [sflag:s7], $0x800  }
0x69: {  	[sflag:s7] =	ssyncset.done $0x0  }
0x6a: {  	s12 =	simm.s32 $0x5500;
	[sflag:s7] =	ssyncadd.s32 $0xFFFFF800  }
0x6b: {  	[tilespmem:s22], [sflag:$0x3] =	stream.indirect.gather [spmem:s3], $0x10, s12, s17, $0xb8;
	[tilespmem:$0x10800] =	vst v63  }
0x6c: {  	_ =	swait.ge [sflag:s8], $0x800  }
0x6d: {  	[sflag:s8] =	ssyncset.done $0x0  }
0x6e: {  	s14 =	simm.s32 $0x5580;
	[sflag:s8] =	ssyncadd.s32 $0xFFFFF800  }
0x6f: {  	[tilespmem:s24], [sflag:$0x4] =	stream.indirect.gather [spmem:s3], $0x10, s14, s17, $0xb8;
	[tilespmem:$0x10800] =	vst v63  }
0x70: {  	_ =	swait.ge [sflag:s9], $0x800  }
0x71: {  	[sflag:s9] =	ssyncset.done $0x0  }
0x72: {  	s11 =	simm.s32 $0x5600;
	[sflag:s9] =	ssyncadd.s32 $0xFFFFF800  }
0x73: {  	[tilespmem:s26], [sflag:$0x5] =	stream.indirect.gather [spmem:s3], $0x10, s11, s17, $0xb8;
	[tilespmem:$0x10800] =	vst v63  }
0x74: {  	_ =	swait.ge [sflag:s15], $0x800  }
0x75: {  	[sflag:s15] =	ssyncset.done $0x0  }
0x76: {  	s12 =	simm.s32 $0x5680;
	[sflag:s15] =	ssyncadd.s32 $0xFFFFF800  }
0x77: {  	[tilespmem:s29], [sflag:$0x6] =	stream.indirect.gather [spmem:s3], $0x10, s12, s17, $0xb8;
	[tilespmem:$0x10800] =	vst v63  }
0x78: {  	_ =	swait.ge [sflag:s10], $0x800  }
0x79: {  	[sflag:s10] =	ssyncset.done $0x0  }
0x7a: {  	s14 =	simm.s32 $0x5700;
	[sflag:s10] =	ssyncadd.s32 $0xFFFFF800  }
0x7b: {  	[tilespmem:s31], [sflag:$0x7] =	stream.indirect.gather [spmem:s3], $0x10, s14, s17, $0xb8;
	[tilespmem:$0x10800] =	vst v63  }
0x7c: {  	_ =	swait.ge [sflag:s13], $0x800  }
0x7d: {  	[sflag:s13] =	ssyncset.done $0x0  }
0x7e: {  	s5 =	simm.s32 $0x5780;
	s11 =	simm.s32 $0x1000;
	[sflag:s13] =	ssyncadd.s32 $0xFFFFF800  }
.LBB2_4:
0x7f: {  	[tilespmem:s0], [sflag:$0x8] =	stream.indirect.gather [spmem:s3], $0x10, s5, s17, $0xb8;
	[tilespmem:$0x10800] =	vst v63  }
0x80: {  	s5 =	smov.u32 s11  }
0x81: {  	p0 =	sne.s32 s11, $0x8000;
	s11 =	sadd.s32 $0x1000, s11;
	_ =	swait.ge [sflag:s4], $0x800  }
0x82: {  	s5 =	sshra.s32 s5, $0x2;
	[sflag:s4] =	ssyncset.done $0x0  }
0x83: {  	s14 =	sadd.s32 $0x7800, s5;
	[sflag:s4] =	ssyncadd.s32 $0xFFFFF800  }
0x84: {  	[spmem:s2] =	stream.indirect.scatter.add.f32 [tilespmem:s18], [sflag:$0x9], $0x10, s14, s17, $0xb8;
	[tilespmem:$0x10800] =	vst v63  }
0x85: {  	_ =	swait.ge [sflag:s16], $0x800  }
0x86: {  	[sflag:s16] =	ssyncset.done $0x0  }
0x87: {  	s14 =	sadd.s32 $0x7880, s5;
	[sflag:s16] =	ssyncadd.s32 $0xFFFFF800  }
0x88: {  	[spmem:s2] =	stream.indirect.scatter.add.f32 [tilespmem:s20], [sflag:$0xA], $0x10, s14, s17, $0xb8;
	[tilespmem:$0x10800] =	vst v63  }
0x89: {  	_ =	swait.ge [sflag:s19], $0x800  }
0x8a: {  	[sflag:s19] =	ssyncset.done $0x0  }
0x8b: {  	s14 =	sadd.s32 $0x7900, s5;
	[sflag:s19] =	ssyncadd.s32 $0xFFFFF800  }
0x8c: {  	[spmem:s2] =	stream.indirect.scatter.add.f32 [tilespmem:s22], [sflag:$0xB], $0x10, s14, s17, $0xb8;
	[tilespmem:$0x10800] =	vst v63  }
0x8d: {  	_ =	swait.ge [sflag:s21], $0x800  }
0x8e: {  	[sflag:s21] =	ssyncset.done $0x0  }
0x8f: {  	s14 =	sadd.s32 $0x7980, s5;
	[sflag:s21] =	ssyncadd.s32 $0xFFFFF800  }
0x90: {  	[spmem:s2] =	stream.indirect.scatter.add.f32 [tilespmem:s24], [sflag:$0xC], $0x10, s14, s17, $0xb8;
	[tilespmem:$0x10800] =	vst v63  }
0x91: {  	_ =	swait.ge [sflag:s23], $0x800  }
0x92: {  	[sflag:s23] =	ssyncset.done $0x0  }
0x93: {  	s14 =	sadd.s32 $0x7A00, s5;
	[sflag:s23] =	ssyncadd.s32 $0xFFFFF800  }
0x94: {  	[spmem:s2] =	stream.indirect.scatter.add.f32 [tilespmem:s26], [sflag:$0xD], $0x10, s14, s17, $0xb8;
	[tilespmem:$0x10800] =	vst v63  }
0x95: {  	_ =	swait.ge [sflag:s25], $0x800  }
0x96: {  	[sflag:s25] =	ssyncset.done $0x0  }
0x97: {  	s14 =	sadd.s32 $0x7A80, s5;
	[sflag:s25] =	ssyncadd.s32 $0xFFFFF800  }
0x98: {  	[spmem:s2] =	stream.indirect.scatter.add.f32 [tilespmem:s29], [sflag:$0xE], $0x10, s14, s17, $0xb8;
	[tilespmem:$0x10800] =	vst v63  }
0x99: {  	_ =	swait.ge [sflag:s28], $0x800  }
0x9a: {  	[sflag:s28] =	ssyncset.done $0x0  }
0x9b: {  	s14 =	sadd.s32 $0x7B00, s5;
	[sflag:s28] =	ssyncadd.s32 $0xFFFFF800  }
0x9c: {  	[spmem:s2] =	stream.indirect.scatter.add.f32 [tilespmem:s31], [sflag:$0xF], $0x10, s14, s17, $0xb8;
	[tilespmem:$0x10800] =	vst v63  }
0x9d: {  	_ =	swait.ge [sflag:s30], $0x800  }
0x9e: {  	[sflag:s30] =	ssyncset.done $0x0  }
0x9f: {  	s14 =	sadd.s32 $0x7B80, s5;
	[sflag:s30] =	ssyncadd.s32 $0xFFFFF800  }
0xa0: {  	[spmem:s2] =	stream.indirect.scatter.add.f32 [tilespmem:s0], [sflag:$0x10], $0x10, s14, s17, $0xb8;
	[tilespmem:$0x10800] =	vst v63  }
0xa1: {  	_ =	swait.ge [sflag:s1], $0x800  }
0xa2: {  	[sflag:s1] =	ssyncset.done $0x0  }
0xa3: {  	s14 =	sadd.s32 $0x5400, s5;
	[sflag:s1] =	ssyncadd.s32 $0xFFFFF800  }
0xa4: {  	[tilespmem:s18], [sflag:$0x1] =	stream.indirect.gather [spmem:s3], $0x10, s14, s17, $0xb8;
	[tilespmem:$0x10800] =	vst v63  }
0xa5: {  	_ =	swait.ge [sflag:s6], $0x800  }
0xa6: {  	[sflag:s6] =	ssyncset.done $0x0  }
0xa7: {  	s14 =	sadd.s32 $0x5480, s5;
	[sflag:s6] =	ssyncadd.s32 $0xFFFFF800  }
0xa8: {  	[tilespmem:s20], [sflag:$0x2] =	stream.indirect.gather [spmem:s3], $0x10, s14, s17, $0xb8;
	[tilespmem:$0x10800] =	vst v63  }
0xa9: {  	_ =	swait.ge [sflag:s7], $0x800  }
0xaa: {  	[sflag:s7] =	ssyncset.done $0x0  }
0xab: {  	s14 =	sadd.s32 $0x5500, s5;
	[sflag:s7] =	ssyncadd.s32 $0xFFFFF800  }
0xac: {  	[tilespmem:s22], [sflag:$0x3] =	stream.indirect.gather [spmem:s3], $0x10, s14, s17, $0xb8;
	[tilespmem:$0x10800] =	vst v63  }
0xad: {  	_ =	swait.ge [sflag:s8], $0x800  }
0xae: {  	[sflag:s8] =	ssyncset.done $0x0  }
0xaf: {  	s14 =	sadd.s32 $0x5580, s5;
	[sflag:s8] =	ssyncadd.s32 $0xFFFFF800  }
0xb0: {  	[tilespmem:s24], [sflag:$0x4] =	stream.indirect.gather [spmem:s3], $0x10, s14, s17, $0xb8;
	[tilespmem:$0x10800] =	vst v63  }
0xb1: {  	_ =	swait.ge [sflag:s9], $0x800  }
0xb2: {  	[sflag:s9] =	ssyncset.done $0x0  }
0xb3: {  	s14 =	sadd.s32 $0x5600, s5;
	[sflag:s9] =	ssyncadd.s32 $0xFFFFF800  }
0xb4: {  	[tilespmem:s26], [sflag:$0x5] =	stream.indirect.gather [spmem:s3], $0x10, s14, s17, $0xb8;
	[tilespmem:$0x10800] =	vst v63  }
0xb5: {  	_ =	swait.ge [sflag:s15], $0x800  }
0xb6: {  	[sflag:s15] =	ssyncset.done $0x0  }
0xb7: {  	s14 =	sadd.s32 $0x5680, s5;
	[sflag:s15] =	ssyncadd.s32 $0xFFFFF800  }
0xb8: {  	[tilespmem:s29], [sflag:$0x6] =	stream.indirect.gather [spmem:s3], $0x10, s14, s17, $0xb8;
	[tilespmem:$0x10800] =	vst v63  }
0xb9: {  	_ =	swait.ge [sflag:s10], $0x800  }
0xba: {  	[sflag:s10] =	ssyncset.done $0x0  }
.Ltmp1:
0xbb: {  	s14 =	sadd.s32 $0x5700, s5;
	[sflag:s10] =	ssyncadd.s32 $0xFFFFF800;
	(pc) =	sbr.rel @p0 .LBB2_4-.Ltmp1, $4  }
0xbc: {  	[tilespmem:s31], [sflag:$0x7] =	stream.indirect.gather [spmem:s3], $0x10, s14, s17, $0xb8;
	[tilespmem:$0x10800] =	vst v63  }
0xbd: {  	_ =	swait.ge [sflag:s13], $0x800  }
0xbe: {  	[sflag:s13] =	ssyncset.done $0x0  }
0xbf: {  	s5 =	sadd.s32 $0x5780, s5;
	[sflag:s13] =	ssyncadd.s32 $0xFFFFF800  }
0xc0: {  	[tilespmem:s0], [sflag:$0x8] =	stream.indirect.gather [spmem:s3], $0x10, s5, s17, $0xb8;
	[tilespmem:$0x10800] =	vst v63  }
0xc1: {  	_ =	swait.ge [sflag:s4], $0x800  }
0xc2: {  	[sflag:s4] =	ssyncset.done $0x0  }
0xc3: {  	s11 =	simm.s32 $0x9C00;
	[sflag:s4] =	ssyncadd.s32 $0xFFFFF800  }
0xc4: {  	[spmem:s2] =	stream.indirect.scatter.add.f32 [tilespmem:s18], [sflag:$0x9], $0x10, s11, s17, $0xb8;
	[tilespmem:$0x10800] =	vst v63  }
0xc5: {  	_ =	swait.ge [sflag:s16], $0x800  }
0xc6: {  	[sflag:s16] =	ssyncset.done $0x0  }
0xc7: {  	s12 =	simm.s32 $0x9C80;
	[sflag:s16] =	ssyncadd.s32 $0xFFFFF800  }
0xc8: {  	[spmem:s2] =	stream.indirect.scatter.add.f32 [tilespmem:s20], [sflag:$0xA], $0x10, s12, s17, $0xb8;
	[tilespmem:$0x10800] =	vst v63  }
0xc9: {  	_ =	swait.ge [sflag:s19], $0x800  }
0xca: {  	[sflag:s19] =	ssyncset.done $0x0  }
0xcb: {  	s14 =	simm.s32 $0x9D00;
	[sflag:s19] =	ssyncadd.s32 $0xFFFFF800  }
0xcc: {  	[spmem:s2] =	stream.indirect.scatter.add.f32 [tilespmem:s22], [sflag:$0xB], $0x10, s14, s17, $0xb8;
	[tilespmem:$0x10800] =	vst v63  }
0xcd: {  	_ =	swait.ge [sflag:s21], $0x800  }
0xce: {  	[sflag:s21] =	ssyncset.done $0x0  }
0xcf: {  	s11 =	simm.s32 $0x9D80;
	[sflag:s21] =	ssyncadd.s32 $0xFFFFF800  }
0xd0: {  	[spmem:s2] =	stream.indirect.scatter.add.f32 [tilespmem:s24], [sflag:$0xC], $0x10, s11, s17, $0xb8;
	[tilespmem:$0x10800] =	vst v63  }
0xd1: {  	_ =	swait.ge [sflag:s23], $0x800  }
0xd2: {  	[sflag:s23] =	ssyncset.done $0x0  }
0xd3: {  	s12 =	simm.s32 $0x9E00;
	[sflag:s23] =	ssyncadd.s32 $0xFFFFF800  }
0xd4: {  	[spmem:s2] =	stream.indirect.scatter.add.f32 [tilespmem:s26], [sflag:$0xD], $0x10, s12, s17, $0xb8;
	[tilespmem:$0x10800] =	vst v63  }
0xd5: {  	_ =	swait.ge [sflag:s25], $0x800  }
0xd6: {  	[sflag:s25] =	ssyncset.done $0x0  }
0xd7: {  	s14 =	simm.s32 $0x9E80;
	[sflag:s25] =	ssyncadd.s32 $0xFFFFF800  }
0xd8: {  	[spmem:s2] =	stream.indirect.scatter.add.f32 [tilespmem:s29], [sflag:$0xE], $0x10, s14, s17, $0xb8;
	[tilespmem:$0x10800] =	vst v63  }
0xd9: {  	_ =	swait.ge [sflag:s28], $0x800  }
0xda: {  	[sflag:s28] =	ssyncset.done $0x0  }
0xdb: {  	s11 =	simm.s32 $0x9F00;
	[sflag:s28] =	ssyncadd.s32 $0xFFFFF800  }
0xdc: {  	[spmem:s2] =	stream.indirect.scatter.add.f32 [tilespmem:s31], [sflag:$0xF], $0x10, s11, s17, $0xb8;
	[tilespmem:$0x10800] =	vst v63  }
0xdd: {  	_ =	swait.ge [sflag:s30], $0x800  }
0xde: {  	[sflag:s30] =	ssyncset.done $0x0  }
0xdf: {  	s12 =	simm.s32 $0x9F80;
	[sflag:s30] =	ssyncadd.s32 $0xFFFFF800  }
0xe0: {  	[spmem:s2] =	stream.indirect.scatter.add.f32 [tilespmem:s0], [sflag:$0x10], $0x10, s12, s17, $0xb8;
	[tilespmem:$0x10800] =	vst v63  }
0xe1: {  	_ =	swait.ge [sflag:s1], $0x800  }
0xe2: {  	[sflag:s1] =	ssyncset.done $0x0  }
0xe3: {  	[sflag:s1] =	ssyncadd.s32 $0xFFFFF800  }
0xe4: {  	_ =	swait.ge [sflag:s6], $0x800  }
0xe5: {  	[sflag:s6] =	ssyncset.done $0x0  }
0xe6: {  	[sflag:s6] =	ssyncadd.s32 $0xFFFFF800  }
0xe7: {  	_ =	swait.ge [sflag:s7], $0x800  }
0xe8: {  	[sflag:s7] =	ssyncset.done $0x0  }
0xe9: {  	[sflag:s7] =	ssyncadd.s32 $0xFFFFF800  }
0xea: {  	_ =	swait.ge [sflag:s8], $0x800  }
0xeb: {  	[sflag:s8] =	ssyncset.done $0x0  }
0xec: {  	[sflag:s8] =	ssyncadd.s32 $0xFFFFF800  }
0xed: {  	_ =	swait.ge [sflag:s9], $0x800  }
0xee: {  	[sflag:s9] =	ssyncset.done $0x0  }
0xef: {  	[sflag:s9] =	ssyncadd.s32 $0xFFFFF800  }
0xf0: {  	_ =	swait.ge [sflag:s15], $0x800  }
0xf1: {  	[sflag:s15] =	ssyncset.done $0x0  }
0xf2: {  	[sflag:s15] =	ssyncadd.s32 $0xFFFFF800  }
0xf3: {  	_ =	swait.ge [sflag:s10], $0x800  }
0xf4: {  	[sflag:s10] =	ssyncset.done $0x0  }
0xf5: {  	[sflag:s10] =	ssyncadd.s32 $0xFFFFF800  }
0xf6: {  	_ =	swait.ge [sflag:s13], $0x800  }
0xf7: {  	[sflag:s13] =	ssyncset.done $0x0  }
0xf8: {  	[sflag:s13] =	ssyncadd.s32 $0xFFFFF800  }
0xf9: {  	[bflag:$0x0] =	sbarrier.arrive $0xFFFF  }
0xfa: {  	s14 =	simm.s32 $0xE000;
	s12 =	simm.s32 $0x11;
	s11 =	rddreg [dreg:$0x4]  }
0xfb: {  	[tilespmem:s14], [sflag:$0x11] =	stream.linear.gather [spmem:s11], $0x2800, $0x38;
	[tilespmem:$0x10800] =	vst v63  }
0xfc: {  	_ =	swait.ge [sflag:s12], $0x2800  }
0xfd: {  	s5 =	simm.s32 $0x0;
	[sflag:s12] =	ssyncset.done $0x0  }
0xfe: {  	s14 =	simm.s32 $0xE000;
	s11 =	rddreg [dreg:$0x8];
	[sflag:s12] =	ssyncadd.s32 $0xFFFFD800  }
0xff: {  	[hbm4b:s11+s5] =	stream.linear.scatter [tilespmem:s14], [sflag:$0x11], $0x2800, $0x38;
	[tilespmem:$0x10800] =	vst v63  }
0x100: {  	_ =	swait.ge [sflag:s12], $0x2800  }
0x101: {  	s5 =	rddreg [dreg:$0xc]  }
0x102: {  	s14 =	rddreg [dreg:$0x9];
	s11 =	sadd.s32 $0x1, s5  }
0x103: {  	p0 =	sne.s32 s11, s14  }
.Ltmp2:
0x104: {  	_ = 	snop;
	(pc) =	sbr.rel @p0 .LBB2_1-.Ltmp2, $3  }
0x105: {  	_ =	sdelay $0x1  }
0x106: {  	[sflag:s12] =	ssyncset.done $0x0  }
0x107: {  	[sflag:s12] =	ssyncadd.s32 $0xFFFFD800  }
0x108: {  	_ =	sfence.sel $0x180000  }
0x109: {  	[bflag:$0x0] =	sbarrier.arrive $0xFFFF  }
0x10a: {  	_ =	strace $0x90000050  }
0x10b: {  	s0 =	stileid.u32;
	[bflag:$0x2] =	sbarrier.arrive $0xFFFF  }
0x10c: {  	p0 =	sne.s32 s0, $0x0;
	s0 =	rddreg [dreg:$0x3]  }
0x10d: {  	s0 =	sadd.s32 @!p0 $0x100000, s0  }
0x10e: {  	[sflag:s0] =	ssyncadd.tile.s32 @!p0 $0x1;
	_ =	shalt  }
.Lfunc_end2:
_tile_overlayer_lowered:
.L_overlay_start_2:
0x10f: {  	(tag) =	ssettag $0x2  }
0x110: {  	s0 =	rddreg [dreg:$0x0];
	s2 =	stileid.u32  }
0x111: {  	s1 =	rddreg [dreg:$0x1];
	p0 =	sne.s32 s2, $0x0  }
0x112: {  	s3 =	rddreg [dreg:$0x2];
	[bflag:$0x3] =	sbarrier.arrive $0xFFFF;
	s2 =	simm.s32 @!p0 $0x1C11  }
0x113: {  	[timem:s3], [sflag:s2] =	dma.local @!p0 [hbm:s0], s1  }
0x114: {  	s0 =	simm.s32 @!p0 $0x11  }
0x115: {  	_ =	swait.ge @!p0 [sflag:s0], s1  }
0x116: {  	s1 =	ssub.s32 @!p0 $0x0, s1;
	[sflag:s0] =	ssyncset.done @!p0 $0x0  }
0x117: {  	[sflag:s0] =	ssyncadd.s32 @!p0 s1  }
0x118: {  	[bflag:$0x3] =	sbarrier.arrive $0xFFFF  }
0x119: {  	_ =	shalt  }

</sc_bundles>
